<compile_context>
chip_gen: v7x
topology: tpu7x:2x2x1
jax: 0.10.2.dev20260603
libtpu: 0.0.44.dev20260713+nightly
codegen_flags: <defaults>
</compile_context>

<pallas_src>
import jax
import jax.numpy as jnp
from jax import lax
from jax.experimental import pallas as pl
from jax.experimental.pallas import tpu as pltpu
from jax.experimental.pallas import tpu_sc as plsc

N = 10000
D = 128
E = 320000
NPAD = 10240
NW = 32
CH = 128
CPT = 80
CPT0 = 80
CPT1 = 80
TCH = NW * CPT
EPT = CPT * CH
EPAD = NW * EPT
RPT = NPAD // 16
BR = 1024
BE = 4096
ZPOS = 50.0


def _pe_table():
    inv_freq = 1.0 / (55 * 10) ** (jnp.arange(0, D, 2, dtype=jnp.float32) / D)
    t = jnp.arange(0, 55, dtype=jnp.float32)[:, None]
    ang = t * inv_freq[None, :]
    pe = jnp.concatenate([jnp.sin(ang), jnp.cos(ang)], axis=1)
    return jnp.pad(pe, ((0, 64 - 55), (0, 0)))



def _deg_body(dstc_hbm, zer_hbm, one_hbm, out_hbm, di2, ones_v, rows, ssem,
              deg_sh):
    c = lax.axis_index("c")
    s = lax.axis_index("s")
    wid = c * 16 + s
    pltpu.sync_copy(zer_hbm, deg_sh.at[pl.ds(s * RPT, RPT)])
    pltpu.sync_copy(dstc_hbm.at[pl.ds(wid * CPT, CPT)], di2)
    pltpu.sync_copy(one_hbm, ones_v)
    plsc.subcore_barrier()

    def sca(j, b):
        return pltpu.make_async_copy(ones_v, deg_sh.at[di2.at[j]],
                                     ssem.at[b])

    def chunk(j, carry):
        b = lax.rem(j, 2)

        @pl.when(j >= 2)
        def _():
            sca(j - 2, b).wait()

        sca(j, b).start(add=True)
        return carry

    lax.fori_loop(0, CPT, chunk, 0)
    for j in (CPT - 2, CPT - 1):
        sca(j, j % 2).wait()
    plsc.subcore_barrier()

    bufs = [rows, ones_v]
    nrb = RPT // CH
    for k in range(nrb):
        b = bufs[k % 2]

        def wrd(kk, bb):
            return pltpu.make_async_copy(
                bb, out_hbm.at[pl.ds(c * NPAD + s * RPT + kk * CH, CH)],
                ssem.at[kk % 2])

        if k >= 2:
            wrd(k - 2, b).wait()
        pltpu.sync_copy(deg_sh.at[pl.ds(s * RPT + k * CH, CH)], b)
        wrd(k, b).start()
    for k in (nrb - 2, nrb - 1):
        pltpu.make_async_copy(
            bufs[k % 2],
            out_hbm.at[pl.ds(c * NPAD + s * RPT + k * CH, CH)],
            ssem.at[k % 2]).wait()


def _conv_body(y_hbm, srcc_hbm, dstc_hbm, zer_hbm, out_hbm, si, di, rows,
               sism, dism, gsem, ssem, acc_sh):
    c = lax.axis_index("c")
    s = lax.axis_index("s")
    cpt = jnp.where(c == 0, CPT0, CPT1)
    cb = jnp.where(c == 0, s * CPT0, 16 * CPT0 + s * CPT1)
    pltpu.sync_copy(zer_hbm, acc_sh.at[pl.ds(s * RPT, RPT)])
    plsc.subcore_barrier()

    def ils(j):
        bi = lax.rem(j, 3)
        return (pltpu.make_async_copy(srcc_hbm.at[cb + j], si.at[bi],
                                      sism.at[bi]),
                pltpu.make_async_copy(dstc_hbm.at[cb + j], di.at[bi],
                                      dism.at[bi]))

    def gat(j):
        b = lax.rem(j, 2)
        return pltpu.make_async_copy(y_hbm.at[si.at[lax.rem(j, 3)]],
                                     rows.at[b], gsem.at[b])

    def sca(j):
        b = lax.rem(j, 2)
        return pltpu.make_async_copy(rows.at[b],
                                     acc_sh.at[di.at[lax.rem(j, 3)]],
                                     ssem.at[b])

    for d in ils(0) + ils(1):
        d.start()
    for d in ils(0):
        d.wait()
    gat(0).start()

    def chunk(j, carry):
        @pl.when(j >= 1)
        def _():
            sca(j - 1).wait()

        @pl.when(j + 2 < cpt)
        def _():
            for d in ils(j + 2):
                d.start()

        @pl.when(j + 1 < cpt)
        def _():
            for d in ils(j + 1):
                d.wait()
            gat(j + 1).start()

        gat(j).wait()
        sca(j).start(add=True)
        return carry

    lax.fori_loop(0, cpt, chunk, 0)
    sca(cpt - 1).wait()
    plsc.subcore_barrier()

    def rb(k, carry):
        b = lax.rem(k, 2)
        r = s * RPT + k * CH

        @pl.when(k >= 2)
        def _():
            pltpu.make_async_copy(
                rows.at[b], out_hbm.at[pl.ds(c * NPAD + (k - 2) * CH
                                             + s * RPT, CH)],
                ssem.at[b]).wait()

        pltpu.sync_copy(acc_sh.at[pl.ds(r, CH)], rows.at[b])
        pltpu.make_async_copy(rows.at[b],
                              out_hbm.at[pl.ds(c * NPAD + r, CH)],
                              ssem.at[b]).start()
        return carry

    nrb = RPT // CH
    lax.fori_loop(0, nrb, rb, 0)
    for k in (nrb - 2, nrb - 1):
        pltpu.make_async_copy(
            rows.at[k % 2],
            out_hbm.at[pl.ds(c * NPAD + s * RPT + k * CH, CH)],
            ssem.at[k % 2]).wait()


def _edge_body(xs_hbm, xd_hbm, srcc_hbm, dstc_hbm, out_hbm, si, di, rows,
               sism, dism, gsem, asem, wsem):
    c = lax.axis_index("c")
    s = lax.axis_index("s")
    cpt = jnp.where(c == 0, CPT0, CPT1)
    cb = jnp.where(c == 0, s * CPT0, 16 * CPT0 + s * CPT1)

    def ils(j):
        bi = lax.rem(j, 5)
        return (pltpu.make_async_copy(srcc_hbm.at[cb + j], si.at[bi],
                                      sism.at[bi]),
                pltpu.make_async_copy(dstc_hbm.at[cb + j], di.at[bi],
                                      dism.at[bi]))

    def gat(j):
        b = lax.rem(j, 4)
        return pltpu.make_async_copy(xs_hbm.at[si.at[lax.rem(j, 5)]],
                                     rows.at[b], gsem.at[b])

    def gadd(j):
        b = lax.rem(j, 4)
        return pltpu.make_async_copy(xd_hbm.at[di.at[lax.rem(j, 5)]],
                                     rows.at[b], asem.at[b])

    def wr(j):
        b = lax.rem(j, 4)
        return pltpu.make_async_copy(
            rows.at[b], out_hbm.at[pl.ds((cb + j) * CH, CH)], wsem.at[b])

    for j0 in (0, 1, 2):
        for d in ils(j0):
            d.start()
    for j0 in (0, 1):
        for d in ils(j0):
            d.wait()
        gat(j0).start()

    def chunk(j, carry):
        @pl.when(j >= 2)
        def _():
            wr(j - 2).wait()

        @pl.when(j + 3 < cpt)
        def _():
            for d in ils(j + 3):
                d.start()

        @pl.when(j + 2 < cpt)
        def _():
            for d in ils(j + 2):
                d.wait()
            gat(j + 2).start()

        gat(j).wait()
        gadd(j).start(add=True)

        @pl.when(j >= 1)
        def _():
            gadd(j - 1).wait()
            wr(j - 1).start()

        return carry

    lax.fori_loop(0, cpt, chunk, 0)
    gadd(cpt - 1).wait()
    wr(cpt - 1).start()
    wr(cpt - 2).wait()
    wr(cpt - 1).wait()



def _a_body(inp_ref, degp_ref, pe_ref, a1w_ref, a1b_ref, a2w_ref, a2b_ref,
            c1w_ref, y1_ref, dis_ref):
    xb = inp_ref[...]
    t = jnp.maximum(jnp.dot(xb, a1w_ref[...],
                            preferred_element_type=jnp.float32) + a1b_ref[...],
                    0.0)
    f = jnp.dot(t, a2w_ref[...], preferred_element_type=jnp.float32) \
        + a2b_ref[...]
    pos = (xb[:, 0:1] * ZPOS).astype(jnp.int32)
    iot = lax.broadcasted_iota(jnp.int32, (1, 64), 1)
    oh = (pos == iot).astype(jnp.float32)
    x0 = f + jnp.dot(oh, pe_ref[...], preferred_element_type=jnp.float32)
    dp = degp_ref[...]
    deg = dp[0, :, 0:1] + dp[1, :, 0:1] + 1.0
    dis = lax.rsqrt(deg)
    dis_ref[...] = dis
    y1_ref[...] = dis * jnp.dot(x0, c1w_ref[...],
                                preferred_element_type=jnp.float32)


def _c_body(accp_ref, y_ref, dis_ref, b_ref, w_ref, yout_ref):
    ap = accp_ref[...]
    dis = dis_ref[...]
    x = jnp.maximum(dis * (ap[0] + ap[1] + y_ref[...]) + b_ref[...], 0.0)
    yout_ref[...] = dis * jnp.dot(x, w_ref[...],
                                  preferred_element_type=jnp.float32)


def _c4_body(accp_ref, y_ref, dis_ref, inp4_ref, c3b_ref, clsw1_ref,
             clsb1_ref, clsw2_ref, clsb2_ref, boxw1_ref, boxb1_ref, la_ref,
             lb_ref, ew1a_ref, ew1b_ref, eb1_ref, x3_ref, pred_ref, box_ref,
             xs_ref, xd_ref):
    ap = accp_ref[...]
    dis = dis_ref[...]
    x3 = dis * (ap[0] + ap[1] + y_ref[...]) + c3b_ref[...]
    x3_ref[...] = x3
    p = jnp.maximum(jnp.dot(x3, clsw1_ref[...],
                            preferred_element_type=jnp.float32)
                    + clsb1_ref[...], 0.0)
    pred_ref[...] = jnp.dot(p, clsw2_ref[...],
                            preferred_element_type=jnp.float32) + clsb2_ref[...]
    h = jnp.maximum(jnp.dot(x3, boxw1_ref[...],
                            preferred_element_type=jnp.float32)
                    + boxb1_ref[...], 0.0)
    ha = jnp.dot(h, la_ref[...], preferred_element_type=jnp.float32)
    hb = jnp.dot(ha, lb_ref[...], preferred_element_type=jnp.float32)
    box_ref[...] = jnp.tanh(hb[:, 0:4]) + inp4_ref[...]
    xs_ref[...] = jnp.dot(x3, ew1a_ref[...],
                          preferred_element_type=jnp.float32) + eb1_ref[...]
    xd_ref[...] = jnp.dot(x3, ew1b_ref[...],
                          preferred_element_type=jnp.float32)


def _f_body(h_ref, w2_ref, b2_ref, w3t_ref, b3_ref, o_ref):
    h = jnp.maximum(h_ref[...], 0.0)
    h = jnp.maximum(jnp.dot(h, w2_ref[...],
                            preferred_element_type=jnp.float32) + b2_ref[...],
                    0.0)
    rt = lax.dot_general(w3t_ref[...], h, (((1,), (1,)), ((), ())),
                         preferred_element_type=jnp.float32)
    o_ref[...] = jax.nn.sigmoid(rt[0:1, :] + b3_ref[...]).reshape(1, 1, -1)


def _full(shape):
    return pl.BlockSpec(shape, lambda i: tuple(0 for _ in shape))


def _deg_scratch():
    f32 = jnp.float32
    return [
        pltpu.VMEM((CPT, CH), jnp.int32),
        pltpu.VMEM((CH, D), f32),
        pltpu.VMEM((CH, D), f32),
        pltpu.SemaphoreType.DMA((2,)),
        pltpu.VMEM_SHARED((NPAD, D), f32),
    ]


def _conv_scratch():
    f32 = jnp.float32
    return [
        pltpu.VMEM((3, CH), jnp.int32),
        pltpu.VMEM((3, CH), jnp.int32),
        pltpu.VMEM((2, CH, D), f32),
        pltpu.SemaphoreType.DMA((3,)),
        pltpu.SemaphoreType.DMA((3,)),
        pltpu.SemaphoreType.DMA((2,)),
        pltpu.SemaphoreType.DMA((2,)),
        pltpu.VMEM_SHARED((NPAD, D), f32),
    ]


def _edge_scratch():
    f32 = jnp.float32
    return [
        pltpu.VMEM((5, CH), jnp.int32),
        pltpu.VMEM((5, CH), jnp.int32),
        pltpu.VMEM((4, CH, D), f32),
        pltpu.SemaphoreType.DMA((5,)),
        pltpu.SemaphoreType.DMA((5,)),
        pltpu.SemaphoreType.DMA((4,)),
        pltpu.SemaphoreType.DMA((4,)),
        pltpu.SemaphoreType.DMA((4,)),
    ]


def kernel(inputs, edge_index, a1_W, a1_b, a2_W, a2_b, c1_W, c1_b, c2_W, c2_b,
           c3_W, c3_b, cls_W1, cls_b1, cls_W2, cls_b2, box_W1, box_b1, lora_A,
           lora_B, e_W1, e_b1, e_W2, e_b2, e_W3, e_b3):
    f32 = jnp.float32
    pe = _pe_table()
    inp_p = jnp.pad(inputs, ((0, NPAD - N), (0, 0)))
    pads = (N + jnp.arange(EPAD - E, dtype=jnp.int32) % (NPAD - N))
    src_p = jnp.concatenate([edge_index[0], pads])
    dst_p = jnp.concatenate([edge_index[1], pads])
    srcc = src_p.reshape(NW * CPT, CH)
    dstc = dst_p.reshape(NW * CPT, CH)
    zer_d = jnp.zeros((RPT, D), f32)
    one_d = jnp.ones((CH, D), f32)

    mesh = plsc.VectorSubcoreMesh(core_axis_name="c", subcore_axis_name="s")

    deg_call = pl.kernel(
        _deg_body,
        out_type=jax.ShapeDtypeStruct((2 * NPAD, D), f32),
        mesh=mesh,
        scratch_types=_deg_scratch(),
    )
    degp = deg_call(dstc, zer_d, one_d).reshape(2, NPAD, D)

    grid = NPAD // BR
    y1, dis = pl.pallas_call(
        _a_body,
        grid=(grid,),
        in_specs=[
            pl.BlockSpec((BR, D), lambda i: (i, 0)),
            pl.BlockSpec((2, BR, D), lambda i: (0, i, 0)),
            _full((64, D)), _full((D, D)), _full((1, D)),
            _full((D, D)), _full((1, D)), _full((D, D)),
        ],
        out_specs=[pl.BlockSpec((BR, D), lambda i: (i, 0)),
                   pl.BlockSpec((BR, 1), lambda i: (i, 0))],
        out_shape=[jax.ShapeDtypeStruct((NPAD, D), f32),
                   jax.ShapeDtypeStruct((NPAD, 1), f32)],
    )(inp_p, degp, pe, a1_W, a1_b.reshape(1, D), a2_W, a2_b.reshape(1, D),
      c1_W)

    conv_call = pl.kernel(
        _conv_body,
        out_type=jax.ShapeDtypeStruct((2 * NPAD, D), f32),
        mesh=mesh,
        scratch_types=_conv_scratch(),
    )

    def conv_epilogue(accp, y, b, w):
        return pl.pallas_call(
            _c_body,
            grid=(grid,),
            in_specs=[
                pl.BlockSpec((2, BR, D), lambda i: (0, i, 0)),
                pl.BlockSpec((BR, D), lambda i: (i, 0)),
                pl.BlockSpec((BR, 1), lambda i: (i, 0)),
                _full((1, D)), _full((D, D)),
            ],
            out_specs=pl.BlockSpec((BR, D), lambda i: (i, 0)),
            out_shape=jax.ShapeDtypeStruct((NPAD, D), f32),
        )(accp, y, dis, b.reshape(1, D), w)

    accp1 = conv_call(y1, srcc, dstc, zer_d).reshape(2, NPAD, D)
    y2 = conv_epilogue(accp1, y1, c1_b, c2_W)
    accp2 = conv_call(y2, srcc, dstc, zer_d).reshape(2, NPAD, D)
    y3 = conv_epilogue(accp2, y2, c2_b, c3_W)
    accp3 = conv_call(y3, srcc, dstc, zer_d).reshape(2, NPAD, D)

    lap = jnp.pad(lora_A, ((0, 0), (0, 4)))
    lbp = jnp.pad(lora_B, ((0, 4), (0, 4)))
    x3, pred, box, xs1, xd1 = pl.pallas_call(
        _c4_body,
        grid=(grid,),
        in_specs=[
            pl.BlockSpec((2, BR, D), lambda i: (0, i, 0)),
            pl.BlockSpec((BR, D), lambda i: (i, 0)),
            pl.BlockSpec((BR, 1), lambda i: (i, 0)),
            pl.BlockSpec((BR, 4), lambda i: (i, 0)),
            _full((1, D)),
            _full((D, D // 2)), _full((1, D // 2)),
            _full((D // 2, 16)), _full((1, 16)),
            _full((D, D // 2)), _full((1, D // 2)),
            _full((D // 2, 8)), _full((8, 8)),
            _full((D, D)), _full((D, D)), _full((1, D)),
        ],
        out_specs=[pl.BlockSpec((BR, D), lambda i: (i, 0)),
                   pl.BlockSpec((BR, 16), lambda i: (i, 0)),
                   pl.BlockSpec((BR, 4), lambda i: (i, 0)),
                   pl.BlockSpec((BR, D), lambda i: (i, 0)),
                   pl.BlockSpec((BR, D), lambda i: (i, 0))],
        out_shape=[jax.ShapeDtypeStruct((NPAD, D), f32),
                   jax.ShapeDtypeStruct((NPAD, 16), f32),
                   jax.ShapeDtypeStruct((NPAD, 4), f32),
                   jax.ShapeDtypeStruct((NPAD, D), f32),
                   jax.ShapeDtypeStruct((NPAD, D), f32)],
    )(accp3, y3, dis, inp_p[:, 1:5], c3_b.reshape(1, D), cls_W1,
      cls_b1.reshape(1, D // 2), cls_W2, cls_b2.reshape(1, 16), box_W1,
      box_b1.reshape(1, D // 2), lap, lbp, e_W1[:D], e_W1[D:],
      e_b1.reshape(1, D))

    edge_call = pl.kernel(
        _edge_body,
        out_type=jax.ShapeDtypeStruct((EPAD, D), f32),
        mesh=mesh,
        scratch_types=_edge_scratch(),
    )
    h1 = edge_call(xs1, xd1, srcc, dstc)

    edge_full = pl.pallas_call(
        _f_body,
        grid=(EPAD // BE,),
        in_specs=[
            pl.BlockSpec((BE, D), lambda i: (i, 0)),
            _full((D, D // 2)), _full((1, D // 2)),
            _full((8, D // 2)), _full((1, 1)),
        ],
        out_specs=pl.BlockSpec((1, 1, BE), lambda i: (i, 0, 0)),
        out_shape=jax.ShapeDtypeStruct((EPAD // BE, 1, BE), f32),
        compiler_params=pltpu.CompilerParams(
            dimension_semantics=("arbitrary",)),
    )(h1, e_W2, e_b2.reshape(1, D // 2),
      jnp.pad(e_W3.T, ((0, 7), (0, 0))), e_b3.reshape(1, 1))

    edge = edge_full.reshape(EPAD)[:E].reshape(E, 1)
    return (pred[:N], box[:N], edge, x3[:N])

# --- scband reference (transcript-rebuilt; emitter-appended) ---
"""Pipeline reference for scband-gcn-64106681860346 (READ-ONLY COPY).

The authoritative reference and input builder live on the scoring server;
editing this copy changes nothing except your own understanding.
"""

import jax
import jax.numpy as jnp
import numpy as np

N = 10000
E = 320000
D = 128
ADD = 128
CLS = 16
ZPOS = 50


def _pe(channels):
    inv_freq = 1.0 / (55 * 10) ** (jnp.arange(0, channels, 2, dtype=jnp.float32) / channels)
    t = jnp.arange(0, 55, dtype=jnp.float32)[:, None]
    ang = t * inv_freq[None, :]
    return jnp.concatenate([jnp.sin(ang), jnp.cos(ang)], axis=1)


def _gcn_conv(x, src, dst, W, b, n):
    sl = jnp.arange(n, dtype=src.dtype)
    s = jnp.concatenate([src, sl])
    d = jnp.concatenate([dst, sl])
    xw = x @ W
    deg = jnp.zeros((n,), x.dtype).at[d].add(1.0)
    dis = jnp.where(deg > 0, deg ** -0.5, 0.0)
    norm = dis[s] * dis[d]
    out = jnp.zeros_like(xw).at[d].add(norm[:, None] * xw[s])
    return out + b


def setup_inputs(seed: int = 0):
    key = jax.random.key(seed)
    ks = jax.random.split(key, 30)

    def g(i, shape, scale=0.05):
        return jax.random.normal(ks[i], shape, dtype=jnp.float32) * scale

    inp = {}
    inp['inputs'] = jax.random.uniform(ks[0], (N, ADD), dtype=jnp.float32)
    inp['edge_index'] = jax.random.randint(ks[1], (2, E), 0, N, dtype=jnp.int32)
    inp['a1_W'] = g(2, (ADD, ADD)); inp['a1_b'] = g(3, (ADD,))
    inp['a2_W'] = g(4, (ADD, D)); inp['a2_b'] = g(5, (D,))
    inp['c1_W'] = g(6, (D, D)); inp['c1_b'] = g(7, (D,))
    inp['c2_W'] = g(8, (D, D)); inp['c2_b'] = g(9, (D,))
    inp['c3_W'] = g(10, (D, D)); inp['c3_b'] = g(11, (D,))
    inp['cls_W1'] = g(12, (D, D // 2)); inp['cls_b1'] = g(13, (D // 2,))
    inp['cls_W2'] = g(14, (D // 2, CLS)); inp['cls_b2'] = g(15, (CLS,))
    inp['box_W1'] = g(16, (D, D // 2)); inp['box_b1'] = g(17, (D // 2,))
    inp['lora_A'] = g(18, (D // 2, 4), 0.5); inp['lora_B'] = g(19, (4, 4), 0.5)
    inp['e_W1'] = g(20, (2 * D, D)); inp['e_b1'] = g(21, (D,))
    inp['e_W2'] = g(22, (D, D // 2)); inp['e_b2'] = g(23, (D // 2,))
    inp['e_W3'] = g(24, (D // 2, 1)); inp['e_b3'] = g(25, (1,))
    return inp


def reference(inputs, edge_index, a1_W, a1_b, a2_W, a2_b, c1_W, c1_b, c2_W, c2_b, c3_W, c3_b, cls_W1, cls_b1, cls_W2, cls_b2, box_W1, box_b1, lora_A, lora_B, e_W1, e_b1, e_W2, e_b2, e_W3, e_b3):
    pe = _pe(D)
    pos = (inputs[:, 0] * ZPOS).astype(jnp.int32)
    pos_embed = pe[pos]
    feature = jax.nn.relu(inputs @ a1_W + a1_b) @ a2_W + a2_b
    x = feature + pos_embed
    src = edge_index[0]
    dst = edge_index[1]
    x = jax.nn.relu(_gcn_conv(x, src, dst, c1_W, c1_b, N))
    x = jax.nn.relu(_gcn_conv(x, src, dst, c2_W, c2_b, N))
    x = _gcn_conv(x, src, dst, c3_W, c3_b, N)
    predict = jax.nn.relu(x @ cls_W1 + cls_b1) @ cls_W2 + cls_b2
    h = jax.nn.relu(x @ box_W1 + box_b1)
    box = jnp.tanh(h @ lora_A @ lora_B) + inputs[:, 1:5]
    ee = jnp.concatenate([x[src], x[dst]], axis=1)
    h2 = jax.nn.relu(ee @ e_W1 + e_b1)
    h2 = jax.nn.relu(h2 @ e_W2 + e_b2)
    edge = jax.nn.sigmoid(h2 @ e_W3 + e_b3)
    return (predict, box, edge, x)

if __name__ == "__main__":
    import jax
    _d = setup_inputs()
    print(jax.jit(kernel)(*tuple(_d.values())))

</pallas_src>

<mosaic_0001>
#map = affine_map<(d0, d1) -> (0, 0)>
module attributes {stable_mosaic.version = 14 : i64} {
  func.func @_conv_body(%arg0: i32, %arg1: i32, %arg2: memref<10240x128xf32, #tpu.memory_space<hbm>>, %arg3: memref<2560x128xi32, #tpu.memory_space<hbm>>, %arg4: memref<2560x128xi32, #tpu.memory_space<hbm>>, %arg5: memref<640x128xf32, #tpu.memory_space<hbm>>, %arg6: memref<20480x128xf32, #tpu.memory_space<hbm>>, %arg7: memref<3x128xi32, #tpu.memory_space<vmem>>, %arg8: memref<3x128xi32, #tpu.memory_space<vmem>>, %arg9: memref<2x128x128xf32, #tpu.memory_space<vmem>>, %arg10: memref<3x!tpu.dma_semaphore, #tpu.memory_space<semaphore_mem>>, %arg11: memref<3x!tpu.dma_semaphore, #tpu.memory_space<semaphore_mem>>, %arg12: memref<2x!tpu.dma_semaphore, #tpu.memory_space<semaphore_mem>>, %arg13: memref<2x!tpu.dma_semaphore, #tpu.memory_space<semaphore_mem>>, %arg14: memref<10240x128xf32, #tpu.memory_space<vmem_shared>>) attributes {dimension_semantics = [#tpu.dimension_semantics<core_parallel>, #tpu.dimension_semantics<subcore_parallel>], iteration_bounds = array<i64: 2, 16>, scalar_prefetch = 0 : i64, scratch_operands = 8 : i64, tpu.core_type = #tpu.core_type<sc_vector_subcore>, window_params = [{transform_indices = #map}, {transform_indices = #map}, {transform_indices = #map}, {transform_indices = #map}, {transform_indices = #map}]} {
    %eq3A = arith.constant 0 : i32
    %eq3A_0 = arith.cmpi eq, %arg0, %eq3A : i32
    %jit3A = arith.constant 80 : i32
    %jit3A_1 = arith.constant 80 : i32
    %select_n3A = arith.select %eq3A_0, %jit3A, %jit3A_1 : i32
    %eq3A_2 = arith.constant 0 : i32
    %eq3A_3 = arith.cmpi eq, %arg0, %eq3A_2 : i32
    %mul3A = arith.constant 80 : i32
    %mul3A_4 = arith.muli %arg1, %mul3A : i32
    %mul3A_5 = arith.constant 80 : i32
    %mul3A_6 = arith.muli %arg1, %mul3A_5 : i32
    %add3A = arith.constant 1280 : i32
    %add3A_7 = arith.addi %add3A, %mul3A_6 : i32
    %select_n3A_8 = arith.select %eq3A_3, %mul3A_4, %add3A_7 : i32
    %mul3A_9 = arith.constant 640 : i32
    %mul3A_10 = arith.muli %arg1, %mul3A_9 : i32
    "tpu.region"() ({
      %run_scoped3A = tpu.sem_alloc : memref<!tpu.dma_semaphore, #tpu.memory_space<semaphore_mem>>
      %dma_start3A_209 = arith.constant 0 : i32
      %dma_start3A_210 = tpu.memref_slice %arg14[%mul3A_10, %dma_start3A_209] : memref<10240x128xf32, #tpu.memory_space<vmem_shared>> -> memref<640x128xf32, #tpu.memory_space<vmem_shared>>
      tpu.enqueue_dma source(%arg5 : memref<640x128xf32, #tpu.memory_space<hbm>>) target(%dma_start3A_210 : memref<640x128xf32, #tpu.memory_space<vmem_shared>>) target_semaphore(%run_scoped3A : memref<!tpu.dma_semaphore, #tpu.memory_space<semaphore_mem>>)
      %dma_wait3A_211 = arith.constant 0 : i32
      %dma_wait3A_212 = tpu.memref_slice %arg14[%mul3A_10, %dma_wait3A_211] : memref<10240x128xf32, #tpu.memory_space<vmem_shared>> -> memref<640x128xf32, #tpu.memory_space<vmem_shared>>
      tpu.wait_dma2 semaphore(%run_scoped3A : memref<!tpu.dma_semaphore, #tpu.memory_space<semaphore_mem>>) src(%arg5 : memref<640x128xf32, #tpu.memory_space<hbm>>) dst(%dma_wait3A_212 : memref<640x128xf32, #tpu.memory_space<vmem_shared>>)
      tpu.yield
    }) : () -> ()
    %barrier3A = arith.constant 0 : index
    tpu.barrier barrier_id(%barrier3A)
    %rem3A = arith.constant 0 : i32
    %rem3A_11 = arith.constant 3 : i32
    %rem3A_12 = arith.remsi %rem3A, %rem3A_11 : i32
    %add3A_13 = arith.constant 0 : i32
    %add3A_14 = arith.addi %select_n3A_8, %add3A_13 : i32
    %add3A_15 = arith.constant 0 : i32
    %add3A_16 = arith.addi %select_n3A_8, %add3A_15 : i32
    %rem3A_17 = arith.constant 1 : i32
    %rem3A_18 = arith.constant 3 : i32
    %rem3A_19 = arith.remsi %rem3A_17, %rem3A_18 : i32
    %add3A_20 = arith.constant 1 : i32
    %add3A_21 = arith.addi %select_n3A_8, %add3A_20 : i32
    %add3A_22 = arith.constant 1 : i32
    %add3A_23 = arith.addi %select_n3A_8, %add3A_22 : i32
    %dma_start3A = arith.constant 0 : i32
    %dma_start3A_24 = tpu.memref_slice %arg7[%rem3A_12, %dma_start3A] : memref<3x128xi32, #tpu.memory_space<vmem>> -> memref<1x128xi32, #tpu.memory_space<vmem>>
    %dma_start3A_25 = tpu.memref_squeeze %dma_start3A_24 : memref<1x128xi32, #tpu.memory_space<vmem>> -> memref<128xi32, #tpu.memory_space<vmem>>
    %dma_start3A_26 = arith.constant 0 : i32
    %dma_start3A_27 = tpu.memref_slice %arg3[%add3A_14, %dma_start3A_26] : memref<2560x128xi32, #tpu.memory_space<hbm>> -> memref<1x128xi32, #tpu.memory_space<hbm>>
    %dma_start3A_28 = tpu.memref_squeeze %dma_start3A_27 : memref<1x128xi32, #tpu.memory_space<hbm>> -> memref<128xi32, #tpu.memory_space<hbm>>
    %dma_start3A_29 = tpu.memref_slice %arg10[%rem3A_12] : memref<3x!tpu.dma_semaphore, #tpu.memory_space<semaphore_mem>> -> memref<1x!tpu.dma_semaphore, #tpu.memory_space<semaphore_mem>>
    %dma_start3A_30 = tpu.memref_squeeze %dma_start3A_29 : memref<1x!tpu.dma_semaphore, #tpu.memory_space<semaphore_mem>> -> memref<!tpu.dma_semaphore, #tpu.memory_space<semaphore_mem>>
    %dma_start3A_31 = arith.constant 0 : i32
    %dma_start3A_32 = tpu.memref_slice %arg7[%rem3A_12, %dma_start3A_31] : memref<3x128xi32, #tpu.memory_space<vmem>> -> memref<1x128xi32, #tpu.memory_space<vmem>>
    %dma_start3A_33 = tpu.memref_squeeze %dma_start3A_32 : memref<1x128xi32, #tpu.memory_space<vmem>> -> memref<128xi32, #tpu.memory_space<vmem>>
    %dma_start3A_34 = arith.constant 0 : i32
    %dma_start3A_35 = tpu.memref_slice %arg3[%add3A_14, %dma_start3A_34] : memref<2560x128xi32, #tpu.memory_space<hbm>> -> memref<1x128xi32, #tpu.memory_space<hbm>>
    %dma_start3A_36 = tpu.memref_squeeze %dma_start3A_35 : memref<1x128xi32, #tpu.memory_space<hbm>> -> memref<128xi32, #tpu.memory_space<hbm>>
    tpu.enqueue_dma source(%dma_start3A_36 : memref<128xi32, #tpu.memory_space<hbm>>) target(%dma_start3A_33 : memref<128xi32, #tpu.memory_space<vmem>>) target_semaphore(%dma_start3A_30 : memref<!tpu.dma_semaphore, #tpu.memory_space<semaphore_mem>>)
    %dma_start3A_37 = arith.constant 0 : i32
    %dma_start3A_38 = tpu.memref_slice %arg8[%rem3A_12, %dma_start3A_37] : memref<3x128xi32, #tpu.memory_space<vmem>> -> memref<1x128xi32, #tpu.memory_space<vmem>>
    %dma_start3A_39 = tpu.memref_squeeze %dma_start3A_38 : memref<1x128xi32, #tpu.memory_space<vmem>> -> memref<128xi32, #tpu.memory_space<vmem>>
    %dma_start3A_40 = arith.constant 0 : i32
    %dma_start3A_41 = tpu.memref_slice %arg4[%add3A_16, %dma_start3A_40] : memref<2560x128xi32, #tpu.memory_space<hbm>> -> memref<1x128xi32, #tpu.memory_space<hbm>>
    %dma_start3A_42 = tpu.memref_squeeze %dma_start3A_41 : memref<1x128xi32, #tpu.memory_space<hbm>> -> memref<128xi32, #tpu.memory_space<hbm>>
    %dma_start3A_43 = tpu.memref_slice %arg11[%rem3A_12] : memref<3x!tpu.dma_semaphore, #tpu.memory_space<semaphore_mem>> -> memref<1x!tpu.dma_semaphore, #tpu.memory_space<semaphore_mem>>
    %dma_start3A_44 = tpu.memref_squeeze %dma_start3A_43 : memref<1x!tpu.dma_semaphore, #tpu.memory_space<semaphore_mem>> -> memref<!tpu.dma_semaphore, #tpu.memory_space<semaphore_mem>>
    %dma_start3A_45 = arith.constant 0 : i32
    %dma_start3A_46 = tpu.memref_slice %arg8[%rem3A_12, %dma_start3A_45] : memref<3x128xi32, #tpu.memory_space<vmem>> -> memref<1x128xi32, #tpu.memory_space<vmem>>
    %dma_start3A_47 = tpu.memref_squeeze %dma_start3A_46 : memref<1x128xi32, #tpu.memory_space<vmem>> -> memref<128xi32, #tpu.memory_space<vmem>>
    %dma_start3A_48 = arith.constant 0 : i32
    %dma_start3A_49 = tpu.memref_slice %arg4[%add3A_16, %dma_start3A_48] : memref<2560x128xi32, #tpu.memory_space<hbm>> -> memref<1x128xi32, #tpu.memory_space<hbm>>
    %dma_start3A_50 = tpu.memref_squeeze %dma_start3A_49 : memref<1x128xi32, #tpu.memory_space<hbm>> -> memref<128xi32, #tpu.memory_space<hbm>>
    tpu.enqueue_dma source(%dma_start3A_50 : memref<128xi32, #tpu.memory_space<hbm>>) target(%dma_start3A_47 : memref<128xi32, #tpu.memory_space<vmem>>) target_semaphore(%dma_start3A_44 : memref<!tpu.dma_semaphore, #tpu.memory_space<semaphore_mem>>)
    %dma_start3A_51 = arith.constant 0 : i32
    %dma_start3A_52 = tpu.memref_slice %arg7[%rem3A_19, %dma_start3A_51] : memref<3x128xi32, #tpu.memory_space<vmem>> -> memref<1x128xi32, #tpu.memory_space<vmem>>
    %dma_start3A_53 = tpu.memref_squeeze %dma_start3A_52 : memref<1x128xi32, #tpu.memory_space<vmem>> -> memref<128xi32, #tpu.memory_space<vmem>>
    %dma_start3A_54 = arith.constant 0 : i32
    %dma_start3A_55 = tpu.memref_slice %arg3[%add3A_21, %dma_start3A_54] : memref<2560x128xi32, #tpu.memory_space<hbm>> -> memref<1x128xi32, #tpu.memory_space<hbm>>
    %dma_start3A_56 = tpu.memref_squeeze %dma_start3A_55 : memref<1x128xi32, #tpu.memory_space<hbm>> -> memref<128xi32, #tpu.memory_space<hbm>>
    %dma_start3A_57 = tpu.memref_slice %arg10[%rem3A_19] : memref<3x!tpu.dma_semaphore, #tpu.memory_space<semaphore_mem>> -> memref<1x!tpu.dma_semaphore, #tpu.memory_space<semaphore_mem>>
    %dma_start3A_58 = tpu.memref_squeeze %dma_start3A_57 : memref<1x!tpu.dma_semaphore, #tpu.memory_space<semaphore_mem>> -> memref<!tpu.dma_semaphore, #tpu.memory_space<semaphore_mem>>
    %dma_start3A_59 = arith.constant 0 : i32
    %dma_start3A_60 = tpu.memref_slice %arg7[%rem3A_19, %dma_start3A_59] : memref<3x128xi32, #tpu.memory_space<vmem>> -> memref<1x128xi32, #tpu.memory_space<vmem>>
    %dma_start3A_61 = tpu.memref_squeeze %dma_start3A_60 : memref<1x128xi32, #tpu.memory_space<vmem>> -> memref<128xi32, #tpu.memory_space<vmem>>
    %dma_start3A_62 = arith.constant 0 : i32
    %dma_start3A_63 = tpu.memref_slice %arg3[%add3A_21, %dma_start3A_62] : memref<2560x128xi32, #tpu.memory_space<hbm>> -> memref<1x128xi32, #tpu.memory_space<hbm>>
    %dma_start3A_64 = tpu.memref_squeeze %dma_start3A_63 : memref<1x128xi32, #tpu.memory_space<hbm>> -> memref<128xi32, #tpu.memory_space<hbm>>
    tpu.enqueue_dma source(%dma_start3A_64 : memref<128xi32, #tpu.memory_space<hbm>>) target(%dma_start3A_61 : memref<128xi32, #tpu.memory_space<vmem>>) target_semaphore(%dma_start3A_58 : memref<!tpu.dma_semaphore, #tpu.memory_space<semaphore_mem>>)
    %dma_start3A_65 = arith.constant 0 : i32
    %dma_start3A_66 = tpu.memref_slice %arg8[%rem3A_19, %dma_start3A_65] : memref<3x128xi32, #tpu.memory_space<vmem>> -> memref<1x128xi32, #tpu.memory_space<vmem>>
    %dma_start3A_67 = tpu.memref_squeeze %dma_start3A_66 : memref<1x128xi32, #tpu.memory_space<vmem>> -> memref<128xi32, #tpu.memory_space<vmem>>
    %dma_start3A_68 = arith.constant 0 : i32
    %dma_start3A_69 = tpu.memref_slice %arg4[%add3A_23, %dma_start3A_68] : memref<2560x128xi32, #tpu.memory_space<hbm>> -> memref<1x128xi32, #tpu.memory_space<hbm>>
    %dma_start3A_70 = tpu.memref_squeeze %dma_start3A_69 : memref<1x128xi32, #tpu.memory_space<hbm>> -> memref<128xi32, #tpu.memory_space<hbm>>
    %dma_start3A_71 = tpu.memref_slice %arg11[%rem3A_19] : memref<3x!tpu.dma_semaphore, #tpu.memory_space<semaphore_mem>> -> memref<1x!tpu.dma_semaphore, #tpu.memory_space<semaphore_mem>>
    %dma_start3A_72 = tpu.memref_squeeze %dma_start3A_71 : memref<1x!tpu.dma_semaphore, #tpu.memory_space<semaphore_mem>> -> memref<!tpu.dma_semaphore, #tpu.memory_space<semaphore_mem>>
    %dma_start3A_73 = arith.constant 0 : i32
    %dma_start3A_74 = tpu.memref_slice %arg8[%rem3A_19, %dma_start3A_73] : memref<3x128xi32, #tpu.memory_space<vmem>> -> memref<1x128xi32, #tpu.memory_space<vmem>>
    %dma_start3A_75 = tpu.memref_squeeze %dma_start3A_74 : memref<1x128xi32, #tpu.memory_space<vmem>> -> memref<128xi32, #tpu.memory_space<vmem>>
    %dma_start3A_76 = arith.constant 0 : i32
    %dma_start3A_77 = tpu.memref_slice %arg4[%add3A_23, %dma_start3A_76] : memref<2560x128xi32, #tpu.memory_space<hbm>> -> memref<1x128xi32, #tpu.memory_space<hbm>>
    %dma_start3A_78 = tpu.memref_squeeze %dma_start3A_77 : memref<1x128xi32, #tpu.memory_space<hbm>> -> memref<128xi32, #tpu.memory_space<hbm>>
    tpu.enqueue_dma source(%dma_start3A_78 : memref<128xi32, #tpu.memory_space<hbm>>) target(%dma_start3A_75 : memref<128xi32, #tpu.memory_space<vmem>>) target_semaphore(%dma_start3A_72 : memref<!tpu.dma_semaphore, #tpu.memory_space<semaphore_mem>>)
    %rem3A_79 = arith.constant 0 : i32
    %rem3A_80 = arith.constant 3 : i32
    %rem3A_81 = arith.remsi %rem3A_79, %rem3A_80 : i32
    %add3A_82 = arith.constant 0 : i32
    %add3A_83 = arith.addi %select_n3A_8, %add3A_82 : i32
    %add3A_84 = arith.constant 0 : i32
    %add3A_85 = arith.addi %select_n3A_8, %add3A_84 : i32
    %dma_wait3A = arith.constant 0 : i32
    %dma_wait3A_86 = tpu.memref_slice %arg7[%rem3A_81, %dma_wait3A] : memref<3x128xi32, #tpu.memory_space<vmem>> -> memref<1x128xi32, #tpu.memory_space<vmem>>
    %dma_wait3A_87 = tpu.memref_squeeze %dma_wait3A_86 : memref<1x128xi32, #tpu.memory_space<vmem>> -> memref<128xi32, #tpu.memory_space<vmem>>
    %dma_wait3A_88 = arith.constant 0 : i32
    %dma_wait3A_89 = tpu.memref_slice %arg3[%add3A_83, %dma_wait3A_88] : memref<2560x128xi32, #tpu.memory_space<hbm>> -> memref<1x128xi32, #tpu.memory_space<hbm>>
    %dma_wait3A_90 = tpu.memref_squeeze %dma_wait3A_89 : memref<1x128xi32, #tpu.memory_space<hbm>> -> memref<128xi32, #tpu.memory_space<hbm>>
    %dma_wait3A_91 = tpu.memref_slice %arg10[%rem3A_81] : memref<3x!tpu.dma_semaphore, #tpu.memory_space<semaphore_mem>> -> memref<1x!tpu.dma_semaphore, #tpu.memory_space<semaphore_mem>>
    %dma_wait3A_92 = tpu.memref_squeeze %dma_wait3A_91 : memref<1x!tpu.dma_semaphore, #tpu.memory_space<semaphore_mem>> -> memref<!tpu.dma_semaphore, #tpu.memory_space<semaphore_mem>>
    %dma_wait3A_93 = arith.constant 0 : i32
    %dma_wait3A_94 = tpu.memref_slice %arg7[%rem3A_81, %dma_wait3A_93] : memref<3x128xi32, #tpu.memory_space<vmem>> -> memref<1x128xi32, #tpu.memory_space<vmem>>
    %dma_wait3A_95 = tpu.memref_squeeze %dma_wait3A_94 : memref<1x128xi32, #tpu.memory_space<vmem>> -> memref<128xi32, #tpu.memory_space<vmem>>
    %dma_wait3A_96 = arith.constant 0 : i32
    %dma_wait3A_97 = tpu.memref_slice %arg3[%add3A_83, %dma_wait3A_96] : memref<2560x128xi32, #tpu.memory_space<hbm>> -> memref<1x128xi32, #tpu.memory_space<hbm>>
    %dma_wait3A_98 = tpu.memref_squeeze %dma_wait3A_97 : memref<1x128xi32, #tpu.memory_space<hbm>> -> memref<128xi32, #tpu.memory_space<hbm>>
    tpu.wait_dma2 semaphore(%dma_wait3A_92 : memref<!tpu.dma_semaphore, #tpu.memory_space<semaphore_mem>>) src(%dma_wait3A_98 : memref<128xi32, #tpu.memory_space<hbm>>) dst(%dma_wait3A_95 : memref<128xi32, #tpu.memory_space<vmem>>)
    %dma_wait3A_99 = arith.constant 0 : i32
    %dma_wait3A_100 = tpu.memref_slice %arg8[%rem3A_81, %dma_wait3A_99] : memref<3x128xi32, #tpu.memory_space<vmem>> -> memref<1x128xi32, #tpu.memory_space<vmem>>
    %dma_wait3A_101 = tpu.memref_squeeze %dma_wait3A_100 : memref<1x128xi32, #tpu.memory_space<vmem>> -> memref<128xi32, #tpu.memory_space<vmem>>
    %dma_wait3A_102 = arith.constant 0 : i32
    %dma_wait3A_103 = tpu.memref_slice %arg4[%add3A_85, %dma_wait3A_102] : memref<2560x128xi32, #tpu.memory_space<hbm>> -> memref<1x128xi32, #tpu.memory_space<hbm>>
    %dma_wait3A_104 = tpu.memref_squeeze %dma_wait3A_103 : memref<1x128xi32, #tpu.memory_space<hbm>> -> memref<128xi32, #tpu.memory_space<hbm>>
    %dma_wait3A_105 = tpu.memref_slice %arg11[%rem3A_81] : memref<3x!tpu.dma_semaphore, #tpu.memory_space<semaphore_mem>> -> memref<1x!tpu.dma_semaphore, #tpu.memory_space<semaphore_mem>>
    %dma_wait3A_106 = tpu.memref_squeeze %dma_wait3A_105 : memref<1x!tpu.dma_semaphore, #tpu.memory_space<semaphore_mem>> -> memref<!tpu.dma_semaphore, #tpu.memory_space<semaphore_mem>>
    %dma_wait3A_107 = arith.constant 0 : i32
    %dma_wait3A_108 = tpu.memref_slice %arg8[%rem3A_81, %dma_wait3A_107] : memref<3x128xi32, #tpu.memory_space<vmem>> -> memref<1x128xi32, #tpu.memory_space<vmem>>
    %dma_wait3A_109 = tpu.memref_squeeze %dma_wait3A_108 : memref<1x128xi32, #tpu.memory_space<vmem>> -> memref<128xi32, #tpu.memory_space<vmem>>
    %dma_wait3A_110 = arith.constant 0 : i32
    %dma_wait3A_111 = tpu.memref_slice %arg4[%add3A_85, %dma_wait3A_110] : memref<2560x128xi32, #tpu.memory_space<hbm>> -> memref<1x128xi32, #tpu.memory_space<hbm>>
    %dma_wait3A_112 = tpu.memref_squeeze %dma_wait3A_111 : memref<1x128xi32, #tpu.memory_space<hbm>> -> memref<128xi32, #tpu.memory_space<hbm>>
    tpu.wait_dma2 semaphore(%dma_wait3A_106 : memref<!tpu.dma_semaphore, #tpu.memory_space<semaphore_mem>>) src(%dma_wait3A_112 : memref<128xi32, #tpu.memory_space<hbm>>) dst(%dma_wait3A_109 : memref<128xi32, #tpu.memory_space<vmem>>)
    %rem3A_113 = arith.constant 0 : i32
    %rem3A_114 = arith.constant 2 : i32
    %rem3A_115 = arith.remsi %rem3A_113, %rem3A_114 : i32
    %rem3A_116 = arith.constant 0 : i32
    %rem3A_117 = arith.constant 3 : i32
    %rem3A_118 = arith.remsi %rem3A_116, %rem3A_117 : i32
    %dma_start3A_119 = arith.constant 0 : i32
    %dma_start3A_120 = arith.constant 0 : i32
    %dma_start3A_121 = tpu.memref_slice %arg9[%rem3A_115, %dma_start3A_119, %dma_start3A_120] : memref<2x128x128xf32, #tpu.memory_space<vmem>> -> memref<1x128x128xf32, #tpu.memory_space<vmem>>
    %dma_start3A_122 = tpu.memref_squeeze %dma_start3A_121 : memref<1x128x128xf32, #tpu.memory_space<vmem>> -> memref<128x128xf32, #tpu.memory_space<vmem>>
    %dma_start3A_123 = arith.constant 0 : i32
    %dma_start3A_124 = tpu.memref_slice %arg7[%rem3A_118, %dma_start3A_123] : memref<3x128xi32, #tpu.memory_space<vmem>> -> memref<1x128xi32, #tpu.memory_space<vmem>>
    %dma_start3A_125 = tpu.memref_squeeze %dma_start3A_124 : memref<1x128xi32, #tpu.memory_space<vmem>> -> memref<128xi32, #tpu.memory_space<vmem>>
    %dma_start3A_126 = arith.constant 0 : i32
    %dma_start3A_127 = arith.constant 0 : i32
    %dma_start3A_128 = tpu.memref_slice %arg2[%dma_start3A_126, %dma_start3A_127] : memref<10240x128xf32, #tpu.memory_space<hbm>> -> memref<10240x128xf32, #tpu.memory_space<hbm>>
    %dma_start3A_129 = tpu.memref_slice %arg12[%rem3A_115] : memref<2x!tpu.dma_semaphore, #tpu.memory_space<semaphore_mem>> -> memref<1x!tpu.dma_semaphore, #tpu.memory_space<semaphore_mem>>
    %dma_start3A_130 = tpu.memref_squeeze %dma_start3A_129 : memref<1x!tpu.dma_semaphore, #tpu.memory_space<semaphore_mem>> -> memref<!tpu.dma_semaphore, #tpu.memory_space<semaphore_mem>>
    tpu.enqueue_indirect_dma source(%dma_start3A_128 : memref<10240x128xf32, #tpu.memory_space<hbm>>) target(%dma_start3A_122 : memref<128x128xf32, #tpu.memory_space<vmem>>) offsets(%dma_start3A_125 : memref<128xi32, #tpu.memory_space<vmem>>) semaphore(%dma_start3A_130 : memref<!tpu.dma_semaphore, #tpu.memory_space<semaphore_mem>>)
    %while3A = arith.constant 0 : i32
    %while3A_131 = arith.constant 0 : i32
    %while3A_132 = arith.subi %select_n3A, %while3A_131 : i32
    %while3A_133 = arith.addi %while3A_131, %while3A_132 : i32
    %while3A_134 = arith.constant 1 : i32
    %while3A_135 = arith.divsi %while3A_132, %while3A_134 : i32
    %while3A_136 = arith.muli %while3A_135, %while3A_134 : i32
    %while3A_137 = arith.addi %while3A_131, %while3A_136 : i32
    %while3A_138 = arith.constant 1 : i32
    scf.for %while3A_209 = %while3A_131 to %while3A_137 step %while3A_138  : i32 {
      %ge3A = arith.constant 1 : i32
      %ge3A_210 = arith.cmpi sge, %while3A_209, %ge3A : i32
      %convert_element_type3A = arith.extui %ge3A_210 : i1 to i32
      %cond3A = arith.constant 0 : i32
      %cond3A_211 = arith.cmpi ne, %convert_element_type3A, %cond3A : i32
      scf.if %cond3A_211 {
        %sub3A_255 = arith.constant 1 : i32
        %sub3A_256 = arith.subi %while3A_209, %sub3A_255 : i32
        %rem3A_257 = arith.constant 2 : i32
        %rem3A_258 = arith.remsi %sub3A_256, %rem3A_257 : i32
        %rem3A_259 = arith.constant 3 : i32
        %rem3A_260 = arith.remsi %sub3A_256, %rem3A_259 : i32
        %dma_wait3A_261 = arith.constant 0 : i32
        %dma_wait3A_262 = arith.constant 0 : i32
        %dma_wait3A_263 = tpu.memref_slice %arg9[%rem3A_258, %dma_wait3A_261, %dma_wait3A_262] : memref<2x128x128xf32, #tpu.memory_space<vmem>> -> memref<1x128x128xf32, #tpu.memory_space<vmem>>
        %dma_wait3A_264 = tpu.memref_squeeze %dma_wait3A_263 : memref<1x128x128xf32, #tpu.memory_space<vmem>> -> memref<128x128xf32, #tpu.memory_space<vmem>>
        %dma_wait3A_265 = arith.constant 0 : i32
        %dma_wait3A_266 = tpu.memref_slice %arg8[%rem3A_260, %dma_wait3A_265] : memref<3x128xi32, #tpu.memory_space<vmem>> -> memref<1x128xi32, #tpu.memory_space<vmem>>
        %dma_wait3A_267 = tpu.memref_squeeze %dma_wait3A_266 : memref<1x128xi32, #tpu.memory_space<vmem>> -> memref<128xi32, #tpu.memory_space<vmem>>
        %dma_wait3A_268 = arith.constant 0 : i32
        %dma_wait3A_269 = arith.constant 0 : i32
        %dma_wait3A_270 = tpu.memref_slice %arg14[%dma_wait3A_268, %dma_wait3A_269] : memref<10240x128xf32, #tpu.memory_space<vmem_shared>> -> memref<10240x128xf32, #tpu.memory_space<vmem_shared>>
        %dma_wait3A_271 = tpu.memref_slice %arg13[%rem3A_258] : memref<2x!tpu.dma_semaphore, #tpu.memory_space<semaphore_mem>> -> memref<1x!tpu.dma_semaphore, #tpu.memory_space<semaphore_mem>>
        %dma_wait3A_272 = tpu.memref_squeeze %dma_wait3A_271 : memref<1x!tpu.dma_semaphore, #tpu.memory_space<semaphore_mem>> -> memref<!tpu.dma_semaphore, #tpu.memory_space<semaphore_mem>>
        tpu.wait_indirect_dma semaphore(%dma_wait3A_272 : memref<!tpu.dma_semaphore, #tpu.memory_space<semaphore_mem>>) src(%dma_wait3A_264 : memref<128x128xf32, #tpu.memory_space<vmem>>) dst(%dma_wait3A_270 : memref<10240x128xf32, #tpu.memory_space<vmem_shared>>)
      } else {
      }
      %add3A_212 = arith.constant 2 : i32
      %add3A_213 = arith.addi %while3A_209, %add3A_212 : i32
      %lt3A = arith.cmpi slt, %add3A_213, %select_n3A : i32
      %convert_element_type3A_214 = arith.extui %lt3A : i1 to i32
      %cond3A_215 = arith.constant 0 : i32
      %cond3A_216 = arith.cmpi ne, %convert_element_type3A_214, %cond3A_215 : i32
      scf.if %cond3A_216 {
        %add3A_255 = arith.constant 2 : i32
        %add3A_256 = arith.addi %while3A_209, %add3A_255 : i32
        %rem3A_257 = arith.constant 3 : i32
        %rem3A_258 = arith.remsi %add3A_256, %rem3A_257 : i32
        %add3A_259 = arith.addi %select_n3A_8, %add3A_256 : i32
        %add3A_260 = arith.addi %select_n3A_8, %add3A_256 : i32
        %dma_start3A_261 = arith.constant 0 : i32
        %dma_start3A_262 = tpu.memref_slice %arg7[%rem3A_258, %dma_start3A_261] : memref<3x128xi32, #tpu.memory_space<vmem>> -> memref<1x128xi32, #tpu.memory_space<vmem>>
        %dma_start3A_263 = tpu.memref_squeeze %dma_start3A_262 : memref<1x128xi32, #tpu.memory_space<vmem>> -> memref<128xi32, #tpu.memory_space<vmem>>
        %dma_start3A_264 = arith.constant 0 : i32
        %dma_start3A_265 = tpu.memref_slice %arg3[%add3A_259, %dma_start3A_264] : memref<2560x128xi32, #tpu.memory_space<hbm>> -> memref<1x128xi32, #tpu.memory_space<hbm>>
        %dma_start3A_266 = tpu.memref_squeeze %dma_start3A_265 : memref<1x128xi32, #tpu.memory_space<hbm>> -> memref<128xi32, #tpu.memory_space<hbm>>
        %dma_start3A_267 = tpu.memref_slice %arg10[%rem3A_258] : memref<3x!tpu.dma_semaphore, #tpu.memory_space<semaphore_mem>> -> memref<1x!tpu.dma_semaphore, #tpu.memory_space<semaphore_mem>>
        %dma_start3A_268 = tpu.memref_squeeze %dma_start3A_267 : memref<1x!tpu.dma_semaphore, #tpu.memory_space<semaphore_mem>> -> memref<!tpu.dma_semaphore, #tpu.memory_space<semaphore_mem>>
        %dma_start3A_269 = arith.constant 0 : i32
        %dma_start3A_270 = tpu.memref_slice %arg7[%rem3A_258, %dma_start3A_269] : memref<3x128xi32, #tpu.memory_space<vmem>> -> memref<1x128xi32, #tpu.memory_space<vmem>>
        %dma_start3A_271 = tpu.memref_squeeze %dma_start3A_270 : memref<1x128xi32, #tpu.memory_space<vmem>> -> memref<128xi32, #tpu.memory_space<vmem>>
        %dma_start3A_272 = arith.constant 0 : i32
        %dma_start3A_273 = tpu.memref_slice %arg3[%add3A_259, %dma_start3A_272] : memref<2560x128xi32, #tpu.memory_space<hbm>> -> memref<1x128xi32, #tpu.memory_space<hbm>>
        %dma_start3A_274 = tpu.memref_squeeze %dma_start3A_273 : memref<1x128xi32, #tpu.memory_space<hbm>> -> memref<128xi32, #tpu.memory_space<hbm>>
        tpu.enqueue_dma source(%dma_start3A_274 : memref<128xi32, #tpu.memory_space<hbm>>) target(%dma_start3A_271 : memref<128xi32, #tpu.memory_space<vmem>>) target_semaphore(%dma_start3A_268 : memref<!tpu.dma_semaphore, #tpu.memory_space<semaphore_mem>>)
        %dma_start3A_275 = arith.constant 0 : i32
        %dma_start3A_276 = tpu.memref_slice %arg8[%rem3A_258, %dma_start3A_275] : memref<3x128xi32, #tpu.memory_space<vmem>> -> memref<1x128xi32, #tpu.memory_space<vmem>>
        %dma_start3A_277 = tpu.memref_squeeze %dma_start3A_276 : memref<1x128xi32, #tpu.memory_space<vmem>> -> memref<128xi32, #tpu.memory_space<vmem>>
        %dma_start3A_278 = arith.constant 0 : i32
        %dma_start3A_279 = tpu.memref_slice %arg4[%add3A_260, %dma_start3A_278] : memref<2560x128xi32, #tpu.memory_space<hbm>> -> memref<1x128xi32, #tpu.memory_space<hbm>>
        %dma_start3A_280 = tpu.memref_squeeze %dma_start3A_279 : memref<1x128xi32, #tpu.memory_space<hbm>> -> memref<128xi32, #tpu.memory_space<hbm>>
        %dma_start3A_281 = tpu.memref_slice %arg11[%rem3A_258] : memref<3x!tpu.dma_semaphore, #tpu.memory_space<semaphore_mem>> -> memref<1x!tpu.dma_semaphore, #tpu.memory_space<semaphore_mem>>
        %dma_start3A_282 = tpu.memref_squeeze %dma_start3A_281 : memref<1x!tpu.dma_semaphore, #tpu.memory_space<semaphore_mem>> -> memref<!tpu.dma_semaphore, #tpu.memory_space<semaphore_mem>>
        %dma_start3A_283 = arith.constant 0 : i32
        %dma_start3A_284 = tpu.memref_slice %arg8[%rem3A_258, %dma_start3A_283] : memref<3x128xi32, #tpu.memory_space<vmem>> -> memref<1x128xi32, #tpu.memory_space<vmem>>
        %dma_start3A_285 = tpu.memref_squeeze %dma_start3A_284 : memref<1x128xi32, #tpu.memory_space<vmem>> -> memref<128xi32, #tpu.memory_space<vmem>>
        %dma_start3A_286 = arith.constant 0 : i32
        %dma_start3A_287 = tpu.memref_slice %arg4[%add3A_260, %dma_start3A_286] : memref<2560x128xi32, #tpu.memory_space<hbm>> -> memref<1x128xi32, #tpu.memory_space<hbm>>
        %dma_start3A_288 = tpu.memref_squeeze %dma_start3A_287 : memref<1x128xi32, #tpu.memory_space<hbm>> -> memref<128xi32, #tpu.memory_space<hbm>>
        tpu.enqueue_dma source(%dma_start3A_288 : memref<128xi32, #tpu.memory_space<hbm>>) target(%dma_start3A_285 : memref<128xi32, #tpu.memory_space<vmem>>) target_semaphore(%dma_start3A_282 : memref<!tpu.dma_semaphore, #tpu.memory_space<semaphore_mem>>)
      } else {
      }
      %add3A_217 = arith.constant 1 : i32
      %add3A_218 = arith.addi %while3A_209, %add3A_217 : i32
      %lt3A_219 = arith.cmpi slt, %add3A_218, %select_n3A : i32
      %convert_element_type3A_220 = arith.extui %lt3A_219 : i1 to i32
      %cond3A_221 = arith.constant 0 : i32
      %cond3A_222 = arith.cmpi ne, %convert_element_type3A_220, %cond3A_221 : i32
      scf.if %cond3A_222 {
        %add3A_255 = arith.constant 1 : i32
        %add3A_256 = arith.addi %while3A_209, %add3A_255 : i32
        %rem3A_257 = arith.constant 3 : i32
        %rem3A_258 = arith.remsi %add3A_256, %rem3A_257 : i32
        %add3A_259 = arith.addi %select_n3A_8, %add3A_256 : i32
        %add3A_260 = arith.addi %select_n3A_8, %add3A_256 : i32
        %dma_wait3A_261 = arith.constant 0 : i32
        %dma_wait3A_262 = tpu.memref_slice %arg7[%rem3A_258, %dma_wait3A_261] : memref<3x128xi32, #tpu.memory_space<vmem>> -> memref<1x128xi32, #tpu.memory_space<vmem>>
        %dma_wait3A_263 = tpu.memref_squeeze %dma_wait3A_262 : memref<1x128xi32, #tpu.memory_space<vmem>> -> memref<128xi32, #tpu.memory_space<vmem>>
        %dma_wait3A_264 = arith.constant 0 : i32
        %dma_wait3A_265 = tpu.memref_slice %arg3[%add3A_259, %dma_wait3A_264] : memref<2560x128xi32, #tpu.memory_space<hbm>> -> memref<1x128xi32, #tpu.memory_space<hbm>>
        %dma_wait3A_266 = tpu.memref_squeeze %dma_wait3A_265 : memref<1x128xi32, #tpu.memory_space<hbm>> -> memref<128xi32, #tpu.memory_space<hbm>>
        %dma_wait3A_267 = tpu.memref_slice %arg10[%rem3A_258] : memref<3x!tpu.dma_semaphore, #tpu.memory_space<semaphore_mem>> -> memref<1x!tpu.dma_semaphore, #tpu.memory_space<semaphore_mem>>
        %dma_wait3A_268 = tpu.memref_squeeze %dma_wait3A_267 : memref<1x!tpu.dma_semaphore, #tpu.memory_space<semaphore_mem>> -> memref<!tpu.dma_semaphore, #tpu.memory_space<semaphore_mem>>
        %dma_wait3A_269 = arith.constant 0 : i32
        %dma_wait3A_270 = tpu.memref_slice %arg7[%rem3A_258, %dma_wait3A_269] : memref<3x128xi32, #tpu.memory_space<vmem>> -> memref<1x128xi32, #tpu.memory_space<vmem>>
        %dma_wait3A_271 = tpu.memref_squeeze %dma_wait3A_270 : memref<1x128xi32, #tpu.memory_space<vmem>> -> memref<128xi32, #tpu.memory_space<vmem>>
        %dma_wait3A_272 = arith.constant 0 : i32
        %dma_wait3A_273 = tpu.memref_slice %arg3[%add3A_259, %dma_wait3A_272] : memref<2560x128xi32, #tpu.memory_space<hbm>> -> memref<1x128xi32, #tpu.memory_space<hbm>>
        %dma_wait3A_274 = tpu.memref_squeeze %dma_wait3A_273 : memref<1x128xi32, #tpu.memory_space<hbm>> -> memref<128xi32, #tpu.memory_space<hbm>>
        tpu.wait_dma2 semaphore(%dma_wait3A_268 : memref<!tpu.dma_semaphore, #tpu.memory_space<semaphore_mem>>) src(%dma_wait3A_274 : memref<128xi32, #tpu.memory_space<hbm>>) dst(%dma_wait3A_271 : memref<128xi32, #tpu.memory_space<vmem>>)
        %dma_wait3A_275 = arith.constant 0 : i32
        %dma_wait3A_276 = tpu.memref_slice %arg8[%rem3A_258, %dma_wait3A_275] : memref<3x128xi32, #tpu.memory_space<vmem>> -> memref<1x128xi32, #tpu.memory_space<vmem>>
        %dma_wait3A_277 = tpu.memref_squeeze %dma_wait3A_276 : memref<1x128xi32, #tpu.memory_space<vmem>> -> memref<128xi32, #tpu.memory_space<vmem>>
        %dma_wait3A_278 = arith.constant 0 : i32
        %dma_wait3A_279 = tpu.memref_slice %arg4[%add3A_260, %dma_wait3A_278] : memref<2560x128xi32, #tpu.memory_space<hbm>> -> memref<1x128xi32, #tpu.memory_space<hbm>>
        %dma_wait3A_280 = tpu.memref_squeeze %dma_wait3A_279 : memref<1x128xi32, #tpu.memory_space<hbm>> -> memref<128xi32, #tpu.memory_space<hbm>>
        %dma_wait3A_281 = tpu.memref_slice %arg11[%rem3A_258] : memref<3x!tpu.dma_semaphore, #tpu.memory_space<semaphore_mem>> -> memref<1x!tpu.dma_semaphore, #tpu.memory_space<semaphore_mem>>
        %dma_wait3A_282 = tpu.memref_squeeze %dma_wait3A_281 : memref<1x!tpu.dma_semaphore, #tpu.memory_space<semaphore_mem>> -> memref<!tpu.dma_semaphore, #tpu.memory_space<semaphore_mem>>
        %dma_wait3A_283 = arith.constant 0 : i32
        %dma_wait3A_284 = tpu.memref_slice %arg8[%rem3A_258, %dma_wait3A_283] : memref<3x128xi32, #tpu.memory_space<vmem>> -> memref<1x128xi32, #tpu.memory_space<vmem>>
        %dma_wait3A_285 = tpu.memref_squeeze %dma_wait3A_284 : memref<1x128xi32, #tpu.memory_space<vmem>> -> memref<128xi32, #tpu.memory_space<vmem>>
        %dma_wait3A_286 = arith.constant 0 : i32
        %dma_wait3A_287 = tpu.memref_slice %arg4[%add3A_260, %dma_wait3A_286] : memref<2560x128xi32, #tpu.memory_space<hbm>> -> memref<1x128xi32, #tpu.memory_space<hbm>>
        %dma_wait3A_288 = tpu.memref_squeeze %dma_wait3A_287 : memref<1x128xi32, #tpu.memory_space<hbm>> -> memref<128xi32, #tpu.memory_space<hbm>>
        tpu.wait_dma2 semaphore(%dma_wait3A_282 : memref<!tpu.dma_semaphore, #tpu.memory_space<semaphore_mem>>) src(%dma_wait3A_288 : memref<128xi32, #tpu.memory_space<hbm>>) dst(%dma_wait3A_285 : memref<128xi32, #tpu.memory_space<vmem>>)
        %add3A_289 = arith.constant 1 : i32
        %add3A_290 = arith.addi %while3A_209, %add3A_289 : i32
        %rem3A_291 = arith.constant 2 : i32
        %rem3A_292 = arith.remsi %add3A_290, %rem3A_291 : i32
        %rem3A_293 = arith.constant 3 : i32
        %rem3A_294 = arith.remsi %add3A_290, %rem3A_293 : i32
        %dma_start3A_295 = arith.constant 0 : i32
        %dma_start3A_296 = arith.constant 0 : i32
        %dma_start3A_297 = tpu.memref_slice %arg9[%rem3A_292, %dma_start3A_295, %dma_start3A_296] : memref<2x128x128xf32, #tpu.memory_space<vmem>> -> memref<1x128x128xf32, #tpu.memory_space<vmem>>
        %dma_start3A_298 = tpu.memref_squeeze %dma_start3A_297 : memref<1x128x128xf32, #tpu.memory_space<vmem>> -> memref<128x128xf32, #tpu.memory_space<vmem>>
        %dma_start3A_299 = arith.constant 0 : i32
        %dma_start3A_300 = tpu.memref_slice %arg7[%rem3A_294, %dma_start3A_299] : memref<3x128xi32, #tpu.memory_space<vmem>> -> memref<1x128xi32, #tpu.memory_space<vmem>>
        %dma_start3A_301 = tpu.memref_squeeze %dma_start3A_300 : memref<1x128xi32, #tpu.memory_space<vmem>> -> memref<128xi32, #tpu.memory_space<vmem>>
        %dma_start3A_302 = arith.constant 0 : i32
        %dma_start3A_303 = arith.constant 0 : i32
        %dma_start3A_304 = tpu.memref_slice %arg2[%dma_start3A_302, %dma_start3A_303] : memref<10240x128xf32, #tpu.memory_space<hbm>> -> memref<10240x128xf32, #tpu.memory_space<hbm>>
        %dma_start3A_305 = tpu.memref_slice %arg12[%rem3A_292] : memref<2x!tpu.dma_semaphore, #tpu.memory_space<semaphore_mem>> -> memref<1x!tpu.dma_semaphore, #tpu.memory_space<semaphore_mem>>
        %dma_start3A_306 = tpu.memref_squeeze %dma_start3A_305 : memref<1x!tpu.dma_semaphore, #tpu.memory_space<semaphore_mem>> -> memref<!tpu.dma_semaphore, #tpu.memory_space<semaphore_mem>>
        tpu.enqueue_indirect_dma source(%dma_start3A_304 : memref<10240x128xf32, #tpu.memory_space<hbm>>) target(%dma_start3A_298 : memref<128x128xf32, #tpu.memory_space<vmem>>) offsets(%dma_start3A_301 : memref<128xi32, #tpu.memory_space<vmem>>) semaphore(%dma_start3A_306 : memref<!tpu.dma_semaphore, #tpu.memory_space<semaphore_mem>>)
      } else {
      }
      %rem3A_223 = arith.constant 2 : i32
      %rem3A_224 = arith.remsi %while3A_209, %rem3A_223 : i32
      %rem3A_225 = arith.constant 3 : i32
      %rem3A_226 = arith.remsi %while3A_209, %rem3A_225 : i32
      %dma_wait3A_227 = arith.constant 0 : i32
      %dma_wait3A_228 = arith.constant 0 : i32
      %dma_wait3A_229 = tpu.memref_slice %arg9[%rem3A_224, %dma_wait3A_227, %dma_wait3A_228] : memref<2x128x128xf32, #tpu.memory_space<vmem>> -> memref<1x128x128xf32, #tpu.memory_space<vmem>>
      %dma_wait3A_230 = tpu.memref_squeeze %dma_wait3A_229 : memref<1x128x128xf32, #tpu.memory_space<vmem>> -> memref<128x128xf32, #tpu.memory_space<vmem>>
      %dma_wait3A_231 = arith.constant 0 : i32
      %dma_wait3A_232 = tpu.memref_slice %arg7[%rem3A_226, %dma_wait3A_231] : memref<3x128xi32, #tpu.memory_space<vmem>> -> memref<1x128xi32, #tpu.memory_space<vmem>>
      %dma_wait3A_233 = tpu.memref_squeeze %dma_wait3A_232 : memref<1x128xi32, #tpu.memory_space<vmem>> -> memref<128xi32, #tpu.memory_space<vmem>>
      %dma_wait3A_234 = arith.constant 0 : i32
      %dma_wait3A_235 = arith.constant 0 : i32
      %dma_wait3A_236 = tpu.memref_slice %arg2[%dma_wait3A_234, %dma_wait3A_235] : memref<10240x128xf32, #tpu.memory_space<hbm>> -> memref<10240x128xf32, #tpu.memory_space<hbm>>
      %dma_wait3A_237 = tpu.memref_slice %arg12[%rem3A_224] : memref<2x!tpu.dma_semaphore, #tpu.memory_space<semaphore_mem>> -> memref<1x!tpu.dma_semaphore, #tpu.memory_space<semaphore_mem>>
      %dma_wait3A_238 = tpu.memref_squeeze %dma_wait3A_237 : memref<1x!tpu.dma_semaphore, #tpu.memory_space<semaphore_mem>> -> memref<!tpu.dma_semaphore, #tpu.memory_space<semaphore_mem>>
      tpu.wait_indirect_dma semaphore(%dma_wait3A_238 : memref<!tpu.dma_semaphore, #tpu.memory_space<semaphore_mem>>) src(%dma_wait3A_236 : memref<10240x128xf32, #tpu.memory_space<hbm>>) dst(%dma_wait3A_230 : memref<128x128xf32, #tpu.memory_space<vmem>>)
      %rem3A_239 = arith.constant 2 : i32
      %rem3A_240 = arith.remsi %while3A_209, %rem3A_239 : i32
      %rem3A_241 = arith.constant 3 : i32
      %rem3A_242 = arith.remsi %while3A_209, %rem3A_241 : i32
      %dma_start3A_243 = arith.constant 0 : i32
      %dma_start3A_244 = arith.constant 0 : i32
      %dma_start3A_245 = tpu.memref_slice %arg9[%rem3A_240, %dma_start3A_243, %dma_start3A_244] : memref<2x128x128xf32, #tpu.memory_space<vmem>> -> memref<1x128x128xf32, #tpu.memory_space<vmem>>
      %dma_start3A_246 = tpu.memref_squeeze %dma_start3A_245 : memref<1x128x128xf32, #tpu.memory_space<vmem>> -> memref<128x128xf32, #tpu.memory_space<vmem>>
      %dma_start3A_247 = arith.constant 0 : i32
      %dma_start3A_248 = tpu.memref_slice %arg8[%rem3A_242, %dma_start3A_247] : memref<3x128xi32, #tpu.memory_space<vmem>> -> memref<1x128xi32, #tpu.memory_space<vmem>>
      %dma_start3A_249 = tpu.memref_squeeze %dma_start3A_248 : memref<1x128xi32, #tpu.memory_space<vmem>> -> memref<128xi32, #tpu.memory_space<vmem>>
      %dma_start3A_250 = arith.constant 0 : i32
      %dma_start3A_251 = arith.constant 0 : i32
      %dma_start3A_252 = tpu.memref_slice %arg14[%dma_start3A_250, %dma_start3A_251] : memref<10240x128xf32, #tpu.memory_space<vmem_shared>> -> memref<10240x128xf32, #tpu.memory_space<vmem_shared>>
      %dma_start3A_253 = tpu.memref_slice %arg13[%rem3A_240] : memref<2x!tpu.dma_semaphore, #tpu.memory_space<semaphore_mem>> -> memref<1x!tpu.dma_semaphore, #tpu.memory_space<semaphore_mem>>
      %dma_start3A_254 = tpu.memref_squeeze %dma_start3A_253 : memref<1x!tpu.dma_semaphore, #tpu.memory_space<semaphore_mem>> -> memref<!tpu.dma_semaphore, #tpu.memory_space<semaphore_mem>>
      tpu.enqueue_indirect_dma source(%dma_start3A_246 : memref<128x128xf32, #tpu.memory_space<vmem>>) target(%dma_start3A_252 : memref<10240x128xf32, #tpu.memory_space<vmem_shared>>) offsets(%dma_start3A_249 : memref<128xi32, #tpu.memory_space<vmem>>) semaphore(%dma_start3A_254 : memref<!tpu.dma_semaphore, #tpu.memory_space<semaphore_mem>>) {add = true}
    }
    %while3A_139 = arith.constant 1 : i32
    scf.for %while3A_209 = %while3A_137 to %while3A_133 step %while3A_139  : i32 {
      %ge3A = arith.constant 1 : i32
      %ge3A_210 = arith.cmpi sge, %while3A_209, %ge3A : i32
      %convert_element_type3A = arith.extui %ge3A_210 : i1 to i32
      %cond3A = arith.constant 0 : i32
      %cond3A_211 = arith.cmpi ne, %convert_element_type3A, %cond3A : i32
      scf.if %cond3A_211 {
        %sub3A_255 = arith.constant 1 : i32
        %sub3A_256 = arith.subi %while3A_209, %sub3A_255 : i32
        %rem3A_257 = arith.constant 2 : i32
        %rem3A_258 = arith.remsi %sub3A_256, %rem3A_257 : i32
        %rem3A_259 = arith.constant 3 : i32
        %rem3A_260 = arith.remsi %sub3A_256, %rem3A_259 : i32
        %dma_wait3A_261 = arith.constant 0 : i32
        %dma_wait3A_262 = arith.constant 0 : i32
        %dma_wait3A_263 = tpu.memref_slice %arg9[%rem3A_258, %dma_wait3A_261, %dma_wait3A_262] : memref<2x128x128xf32, #tpu.memory_space<vmem>> -> memref<1x128x128xf32, #tpu.memory_space<vmem>>
        %dma_wait3A_264 = tpu.memref_squeeze %dma_wait3A_263 : memref<1x128x128xf32, #tpu.memory_space<vmem>> -> memref<128x128xf32, #tpu.memory_space<vmem>>
        %dma_wait3A_265 = arith.constant 0 : i32
        %dma_wait3A_266 = tpu.memref_slice %arg8[%rem3A_260, %dma_wait3A_265] : memref<3x128xi32, #tpu.memory_space<vmem>> -> memref<1x128xi32, #tpu.memory_space<vmem>>
        %dma_wait3A_267 = tpu.memref_squeeze %dma_wait3A_266 : memref<1x128xi32, #tpu.memory_space<vmem>> -> memref<128xi32, #tpu.memory_space<vmem>>
        %dma_wait3A_268 = arith.constant 0 : i32
        %dma_wait3A_269 = arith.constant 0 : i32
        %dma_wait3A_270 = tpu.memref_slice %arg14[%dma_wait3A_268, %dma_wait3A_269] : memref<10240x128xf32, #tpu.memory_space<vmem_shared>> -> memref<10240x128xf32, #tpu.memory_space<vmem_shared>>
        %dma_wait3A_271 = tpu.memref_slice %arg13[%rem3A_258] : memref<2x!tpu.dma_semaphore, #tpu.memory_space<semaphore_mem>> -> memref<1x!tpu.dma_semaphore, #tpu.memory_space<semaphore_mem>>
        %dma_wait3A_272 = tpu.memref_squeeze %dma_wait3A_271 : memref<1x!tpu.dma_semaphore, #tpu.memory_space<semaphore_mem>> -> memref<!tpu.dma_semaphore, #tpu.memory_space<semaphore_mem>>
        tpu.wait_indirect_dma semaphore(%dma_wait3A_272 : memref<!tpu.dma_semaphore, #tpu.memory_space<semaphore_mem>>) src(%dma_wait3A_264 : memref<128x128xf32, #tpu.memory_space<vmem>>) dst(%dma_wait3A_270 : memref<10240x128xf32, #tpu.memory_space<vmem_shared>>)
      } else {
      }
      %add3A_212 = arith.constant 2 : i32
      %add3A_213 = arith.addi %while3A_209, %add3A_212 : i32
      %lt3A = arith.cmpi slt, %add3A_213, %select_n3A : i32
      %convert_element_type3A_214 = arith.extui %lt3A : i1 to i32
      %cond3A_215 = arith.constant 0 : i32
      %cond3A_216 = arith.cmpi ne, %convert_element_type3A_214, %cond3A_215 : i32
      scf.if %cond3A_216 {
        %add3A_255 = arith.constant 2 : i32
        %add3A_256 = arith.addi %while3A_209, %add3A_255 : i32
        %rem3A_257 = arith.constant 3 : i32
        %rem3A_258 = arith.remsi %add3A_256, %rem3A_257 : i32
        %add3A_259 = arith.addi %select_n3A_8, %add3A_256 : i32
        %add3A_260 = arith.addi %select_n3A_8, %add3A_256 : i32
        %dma_start3A_261 = arith.constant 0 : i32
        %dma_start3A_262 = tpu.memref_slice %arg7[%rem3A_258, %dma_start3A_261] : memref<3x128xi32, #tpu.memory_space<vmem>> -> memref<1x128xi32, #tpu.memory_space<vmem>>
        %dma_start3A_263 = tpu.memref_squeeze %dma_start3A_262 : memref<1x128xi32, #tpu.memory_space<vmem>> -> memref<128xi32, #tpu.memory_space<vmem>>
        %dma_start3A_264 = arith.constant 0 : i32
        %dma_start3A_265 = tpu.memref_slice %arg3[%add3A_259, %dma_start3A_264] : memref<2560x128xi32, #tpu.memory_space<hbm>> -> memref<1x128xi32, #tpu.memory_space<hbm>>
        %dma_start3A_266 = tpu.memref_squeeze %dma_start3A_265 : memref<1x128xi32, #tpu.memory_space<hbm>> -> memref<128xi32, #tpu.memory_space<hbm>>
        %dma_start3A_267 = tpu.memref_slice %arg10[%rem3A_258] : memref<3x!tpu.dma_semaphore, #tpu.memory_space<semaphore_mem>> -> memref<1x!tpu.dma_semaphore, #tpu.memory_space<semaphore_mem>>
        %dma_start3A_268 = tpu.memref_squeeze %dma_start3A_267 : memref<1x!tpu.dma_semaphore, #tpu.memory_space<semaphore_mem>> -> memref<!tpu.dma_semaphore, #tpu.memory_space<semaphore_mem>>
        %dma_start3A_269 = arith.constant 0 : i32
        %dma_start3A_270 = tpu.memref_slice %arg7[%rem3A_258, %dma_start3A_269] : memref<3x128xi32, #tpu.memory_space<vmem>> -> memref<1x128xi32, #tpu.memory_space<vmem>>
        %dma_start3A_271 = tpu.memref_squeeze %dma_start3A_270 : memref<1x128xi32, #tpu.memory_space<vmem>> -> memref<128xi32, #tpu.memory_space<vmem>>
        %dma_start3A_272 = arith.constant 0 : i32
        %dma_start3A_273 = tpu.memref_slice %arg3[%add3A_259, %dma_start3A_272] : memref<2560x128xi32, #tpu.memory_space<hbm>> -> memref<1x128xi32, #tpu.memory_space<hbm>>
        %dma_start3A_274 = tpu.memref_squeeze %dma_start3A_273 : memref<1x128xi32, #tpu.memory_space<hbm>> -> memref<128xi32, #tpu.memory_space<hbm>>
        tpu.enqueue_dma source(%dma_start3A_274 : memref<128xi32, #tpu.memory_space<hbm>>) target(%dma_start3A_271 : memref<128xi32, #tpu.memory_space<vmem>>) target_semaphore(%dma_start3A_268 : memref<!tpu.dma_semaphore, #tpu.memory_space<semaphore_mem>>)
        %dma_start3A_275 = arith.constant 0 : i32
        %dma_start3A_276 = tpu.memref_slice %arg8[%rem3A_258, %dma_start3A_275] : memref<3x128xi32, #tpu.memory_space<vmem>> -> memref<1x128xi32, #tpu.memory_space<vmem>>
        %dma_start3A_277 = tpu.memref_squeeze %dma_start3A_276 : memref<1x128xi32, #tpu.memory_space<vmem>> -> memref<128xi32, #tpu.memory_space<vmem>>
        %dma_start3A_278 = arith.constant 0 : i32
        %dma_start3A_279 = tpu.memref_slice %arg4[%add3A_260, %dma_start3A_278] : memref<2560x128xi32, #tpu.memory_space<hbm>> -> memref<1x128xi32, #tpu.memory_space<hbm>>
        %dma_start3A_280 = tpu.memref_squeeze %dma_start3A_279 : memref<1x128xi32, #tpu.memory_space<hbm>> -> memref<128xi32, #tpu.memory_space<hbm>>
        %dma_start3A_281 = tpu.memref_slice %arg11[%rem3A_258] : memref<3x!tpu.dma_semaphore, #tpu.memory_space<semaphore_mem>> -> memref<1x!tpu.dma_semaphore, #tpu.memory_space<semaphore_mem>>
        %dma_start3A_282 = tpu.memref_squeeze %dma_start3A_281 : memref<1x!tpu.dma_semaphore, #tpu.memory_space<semaphore_mem>> -> memref<!tpu.dma_semaphore, #tpu.memory_space<semaphore_mem>>
        %dma_start3A_283 = arith.constant 0 : i32
        %dma_start3A_284 = tpu.memref_slice %arg8[%rem3A_258, %dma_start3A_283] : memref<3x128xi32, #tpu.memory_space<vmem>> -> memref<1x128xi32, #tpu.memory_space<vmem>>
        %dma_start3A_285 = tpu.memref_squeeze %dma_start3A_284 : memref<1x128xi32, #tpu.memory_space<vmem>> -> memref<128xi32, #tpu.memory_space<vmem>>
        %dma_start3A_286 = arith.constant 0 : i32
        %dma_start3A_287 = tpu.memref_slice %arg4[%add3A_260, %dma_start3A_286] : memref<2560x128xi32, #tpu.memory_space<hbm>> -> memref<1x128xi32, #tpu.memory_space<hbm>>
        %dma_start3A_288 = tpu.memref_squeeze %dma_start3A_287 : memref<1x128xi32, #tpu.memory_space<hbm>> -> memref<128xi32, #tpu.memory_space<hbm>>
        tpu.enqueue_dma source(%dma_start3A_288 : memref<128xi32, #tpu.memory_space<hbm>>) target(%dma_start3A_285 : memref<128xi32, #tpu.memory_space<vmem>>) target_semaphore(%dma_start3A_282 : memref<!tpu.dma_semaphore, #tpu.memory_space<semaphore_mem>>)
      } else {
      }
      %add3A_217 = arith.constant 1 : i32
      %add3A_218 = arith.addi %while3A_209, %add3A_217 : i32
      %lt3A_219 = arith.cmpi slt, %add3A_218, %select_n3A : i32
      %convert_element_type3A_220 = arith.extui %lt3A_219 : i1 to i32
      %cond3A_221 = arith.constant 0 : i32
      %cond3A_222 = arith.cmpi ne, %convert_element_type3A_220, %cond3A_221 : i32
      scf.if %cond3A_222 {
        %add3A_255 = arith.constant 1 : i32
        %add3A_256 = arith.addi %while3A_209, %add3A_255 : i32
        %rem3A_257 = arith.constant 3 : i32
        %rem3A_258 = arith.remsi %add3A_256, %rem3A_257 : i32
        %add3A_259 = arith.addi %select_n3A_8, %add3A_256 : i32
        %add3A_260 = arith.addi %select_n3A_8, %add3A_256 : i32
        %dma_wait3A_261 = arith.constant 0 : i32
        %dma_wait3A_262 = tpu.memref_slice %arg7[%rem3A_258, %dma_wait3A_261] : memref<3x128xi32, #tpu.memory_space<vmem>> -> memref<1x128xi32, #tpu.memory_space<vmem>>
        %dma_wait3A_263 = tpu.memref_squeeze %dma_wait3A_262 : memref<1x128xi32, #tpu.memory_space<vmem>> -> memref<128xi32, #tpu.memory_space<vmem>>
        %dma_wait3A_264 = arith.constant 0 : i32
        %dma_wait3A_265 = tpu.memref_slice %arg3[%add3A_259, %dma_wait3A_264] : memref<2560x128xi32, #tpu.memory_space<hbm>> -> memref<1x128xi32, #tpu.memory_space<hbm>>
        %dma_wait3A_266 = tpu.memref_squeeze %dma_wait3A_265 : memref<1x128xi32, #tpu.memory_space<hbm>> -> memref<128xi32, #tpu.memory_space<hbm>>
        %dma_wait3A_267 = tpu.memref_slice %arg10[%rem3A_258] : memref<3x!tpu.dma_semaphore, #tpu.memory_space<semaphore_mem>> -> memref<1x!tpu.dma_semaphore, #tpu.memory_space<semaphore_mem>>
        %dma_wait3A_268 = tpu.memref_squeeze %dma_wait3A_267 : memref<1x!tpu.dma_semaphore, #tpu.memory_space<semaphore_mem>> -> memref<!tpu.dma_semaphore, #tpu.memory_space<semaphore_mem>>
        %dma_wait3A_269 = arith.constant 0 : i32
        %dma_wait3A_270 = tpu.memref_slice %arg7[%rem3A_258, %dma_wait3A_269] : memref<3x128xi32, #tpu.memory_space<vmem>> -> memref<1x128xi32, #tpu.memory_space<vmem>>
        %dma_wait3A_271 = tpu.memref_squeeze %dma_wait3A_270 : memref<1x128xi32, #tpu.memory_space<vmem>> -> memref<128xi32, #tpu.memory_space<vmem>>
        %dma_wait3A_272 = arith.constant 0 : i32
        %dma_wait3A_273 = tpu.memref_slice %arg3[%add3A_259, %dma_wait3A_272] : memref<2560x128xi32, #tpu.memory_space<hbm>> -> memref<1x128xi32, #tpu.memory_space<hbm>>
        %dma_wait3A_274 = tpu.memref_squeeze %dma_wait3A_273 : memref<1x128xi32, #tpu.memory_space<hbm>> -> memref<128xi32, #tpu.memory_space<hbm>>
        tpu.wait_dma2 semaphore(%dma_wait3A_268 : memref<!tpu.dma_semaphore, #tpu.memory_space<semaphore_mem>>) src(%dma_wait3A_274 : memref<128xi32, #tpu.memory_space<hbm>>) dst(%dma_wait3A_271 : memref<128xi32, #tpu.memory_space<vmem>>)
        %dma_wait3A_275 = arith.constant 0 : i32
        %dma_wait3A_276 = tpu.memref_slice %arg8[%rem3A_258, %dma_wait3A_275] : memref<3x128xi32, #tpu.memory_space<vmem>> -> memref<1x128xi32, #tpu.memory_space<vmem>>
        %dma_wait3A_277 = tpu.memref_squeeze %dma_wait3A_276 : memref<1x128xi32, #tpu.memory_space<vmem>> -> memref<128xi32, #tpu.memory_space<vmem>>
        %dma_wait3A_278 = arith.constant 0 : i32
        %dma_wait3A_279 = tpu.memref_slice %arg4[%add3A_260, %dma_wait3A_278] : memref<2560x128xi32, #tpu.memory_space<hbm>> -> memref<1x128xi32, #tpu.memory_space<hbm>>
        %dma_wait3A_280 = tpu.memref_squeeze %dma_wait3A_279 : memref<1x128xi32, #tpu.memory_space<hbm>> -> memref<128xi32, #tpu.memory_space<hbm>>
        %dma_wait3A_281 = tpu.memref_slice %arg11[%rem3A_258] : memref<3x!tpu.dma_semaphore, #tpu.memory_space<semaphore_mem>> -> memref<1x!tpu.dma_semaphore, #tpu.memory_space<semaphore_mem>>
        %dma_wait3A_282 = tpu.memref_squeeze %dma_wait3A_281 : memref<1x!tpu.dma_semaphore, #tpu.memory_space<semaphore_mem>> -> memref<!tpu.dma_semaphore, #tpu.memory_space<semaphore_mem>>
        %dma_wait3A_283 = arith.constant 0 : i32
        %dma_wait3A_284 = tpu.memref_slice %arg8[%rem3A_258, %dma_wait3A_283] : memref<3x128xi32, #tpu.memory_space<vmem>> -> memref<1x128xi32, #tpu.memory_space<vmem>>
        %dma_wait3A_285 = tpu.memref_squeeze %dma_wait3A_284 : memref<1x128xi32, #tpu.memory_space<vmem>> -> memref<128xi32, #tpu.memory_space<vmem>>
        %dma_wait3A_286 = arith.constant 0 : i32
        %dma_wait3A_287 = tpu.memref_slice %arg4[%add3A_260, %dma_wait3A_286] : memref<2560x128xi32, #tpu.memory_space<hbm>> -> memref<1x128xi32, #tpu.memory_space<hbm>>
        %dma_wait3A_288 = tpu.memref_squeeze %dma_wait3A_287 : memref<1x128xi32, #tpu.memory_space<hbm>> -> memref<128xi32, #tpu.memory_space<hbm>>
        tpu.wait_dma2 semaphore(%dma_wait3A_282 : memref<!tpu.dma_semaphore, #tpu.memory_space<semaphore_mem>>) src(%dma_wait3A_288 : memref<128xi32, #tpu.memory_space<hbm>>) dst(%dma_wait3A_285 : memref<128xi32, #tpu.memory_space<vmem>>)
        %add3A_289 = arith.constant 1 : i32
        %add3A_290 = arith.addi %while3A_209, %add3A_289 : i32
        %rem3A_291 = arith.constant 2 : i32
        %rem3A_292 = arith.remsi %add3A_290, %rem3A_291 : i32
        %rem3A_293 = arith.constant 3 : i32
        %rem3A_294 = arith.remsi %add3A_290, %rem3A_293 : i32
        %dma_start3A_295 = arith.constant 0 : i32
        %dma_start3A_296 = arith.constant 0 : i32
        %dma_start3A_297 = tpu.memref_slice %arg9[%rem3A_292, %dma_start3A_295, %dma_start3A_296] : memref<2x128x128xf32, #tpu.memory_space<vmem>> -> memref<1x128x128xf32, #tpu.memory_space<vmem>>
        %dma_start3A_298 = tpu.memref_squeeze %dma_start3A_297 : memref<1x128x128xf32, #tpu.memory_space<vmem>> -> memref<128x128xf32, #tpu.memory_space<vmem>>
        %dma_start3A_299 = arith.constant 0 : i32
        %dma_start3A_300 = tpu.memref_slice %arg7[%rem3A_294, %dma_start3A_299] : memref<3x128xi32, #tpu.memory_space<vmem>> -> memref<1x128xi32, #tpu.memory_space<vmem>>
        %dma_start3A_301 = tpu.memref_squeeze %dma_start3A_300 : memref<1x128xi32, #tpu.memory_space<vmem>> -> memref<128xi32, #tpu.memory_space<vmem>>
        %dma_start3A_302 = arith.constant 0 : i32
        %dma_start3A_303 = arith.constant 0 : i32
        %dma_start3A_304 = tpu.memref_slice %arg2[%dma_start3A_302, %dma_start3A_303] : memref<10240x128xf32, #tpu.memory_space<hbm>> -> memref<10240x128xf32, #tpu.memory_space<hbm>>
        %dma_start3A_305 = tpu.memref_slice %arg12[%rem3A_292] : memref<2x!tpu.dma_semaphore, #tpu.memory_space<semaphore_mem>> -> memref<1x!tpu.dma_semaphore, #tpu.memory_space<semaphore_mem>>
        %dma_start3A_306 = tpu.memref_squeeze %dma_start3A_305 : memref<1x!tpu.dma_semaphore, #tpu.memory_space<semaphore_mem>> -> memref<!tpu.dma_semaphore, #tpu.memory_space<semaphore_mem>>
        tpu.enqueue_indirect_dma source(%dma_start3A_304 : memref<10240x128xf32, #tpu.memory_space<hbm>>) target(%dma_start3A_298 : memref<128x128xf32, #tpu.memory_space<vmem>>) offsets(%dma_start3A_301 : memref<128xi32, #tpu.memory_space<vmem>>) semaphore(%dma_start3A_306 : memref<!tpu.dma_semaphore, #tpu.memory_space<semaphore_mem>>)
      } else {
      }
      %rem3A_223 = arith.constant 2 : i32
      %rem3A_224 = arith.remsi %while3A_209, %rem3A_223 : i32
      %rem3A_225 = arith.constant 3 : i32
      %rem3A_226 = arith.remsi %while3A_209, %rem3A_225 : i32
      %dma_wait3A_227 = arith.constant 0 : i32
      %dma_wait3A_228 = arith.constant 0 : i32
      %dma_wait3A_229 = tpu.memref_slice %arg9[%rem3A_224, %dma_wait3A_227, %dma_wait3A_228] : memref<2x128x128xf32, #tpu.memory_space<vmem>> -> memref<1x128x128xf32, #tpu.memory_space<vmem>>
      %dma_wait3A_230 = tpu.memref_squeeze %dma_wait3A_229 : memref<1x128x128xf32, #tpu.memory_space<vmem>> -> memref<128x128xf32, #tpu.memory_space<vmem>>
      %dma_wait3A_231 = arith.constant 0 : i32
      %dma_wait3A_232 = tpu.memref_slice %arg7[%rem3A_226, %dma_wait3A_231] : memref<3x128xi32, #tpu.memory_space<vmem>> -> memref<1x128xi32, #tpu.memory_space<vmem>>
      %dma_wait3A_233 = tpu.memref_squeeze %dma_wait3A_232 : memref<1x128xi32, #tpu.memory_space<vmem>> -> memref<128xi32, #tpu.memory_space<vmem>>
      %dma_wait3A_234 = arith.constant 0 : i32
      %dma_wait3A_235 = arith.constant 0 : i32
      %dma_wait3A_236 = tpu.memref_slice %arg2[%dma_wait3A_234, %dma_wait3A_235] : memref<10240x128xf32, #tpu.memory_space<hbm>> -> memref<10240x128xf32, #tpu.memory_space<hbm>>
      %dma_wait3A_237 = tpu.memref_slice %arg12[%rem3A_224] : memref<2x!tpu.dma_semaphore, #tpu.memory_space<semaphore_mem>> -> memref<1x!tpu.dma_semaphore, #tpu.memory_space<semaphore_mem>>
      %dma_wait3A_238 = tpu.memref_squeeze %dma_wait3A_237 : memref<1x!tpu.dma_semaphore, #tpu.memory_space<semaphore_mem>> -> memref<!tpu.dma_semaphore, #tpu.memory_space<semaphore_mem>>
      tpu.wait_indirect_dma semaphore(%dma_wait3A_238 : memref<!tpu.dma_semaphore, #tpu.memory_space<semaphore_mem>>) src(%dma_wait3A_236 : memref<10240x128xf32, #tpu.memory_space<hbm>>) dst(%dma_wait3A_230 : memref<128x128xf32, #tpu.memory_space<vmem>>)
      %rem3A_239 = arith.constant 2 : i32
      %rem3A_240 = arith.remsi %while3A_209, %rem3A_239 : i32
      %rem3A_241 = arith.constant 3 : i32
      %rem3A_242 = arith.remsi %while3A_209, %rem3A_241 : i32
      %dma_start3A_243 = arith.constant 0 : i32
      %dma_start3A_244 = arith.constant 0 : i32
      %dma_start3A_245 = tpu.memref_slice %arg9[%rem3A_240, %dma_start3A_243, %dma_start3A_244] : memref<2x128x128xf32, #tpu.memory_space<vmem>> -> memref<1x128x128xf32, #tpu.memory_space<vmem>>
      %dma_start3A_246 = tpu.memref_squeeze %dma_start3A_245 : memref<1x128x128xf32, #tpu.memory_space<vmem>> -> memref<128x128xf32, #tpu.memory_space<vmem>>
      %dma_start3A_247 = arith.constant 0 : i32
      %dma_start3A_248 = tpu.memref_slice %arg8[%rem3A_242, %dma_start3A_247] : memref<3x128xi32, #tpu.memory_space<vmem>> -> memref<1x128xi32, #tpu.memory_space<vmem>>
      %dma_start3A_249 = tpu.memref_squeeze %dma_start3A_248 : memref<1x128xi32, #tpu.memory_space<vmem>> -> memref<128xi32, #tpu.memory_space<vmem>>
      %dma_start3A_250 = arith.constant 0 : i32
      %dma_start3A_251 = arith.constant 0 : i32
      %dma_start3A_252 = tpu.memref_slice %arg14[%dma_start3A_250, %dma_start3A_251] : memref<10240x128xf32, #tpu.memory_space<vmem_shared>> -> memref<10240x128xf32, #tpu.memory_space<vmem_shared>>
      %dma_start3A_253 = tpu.memref_slice %arg13[%rem3A_240] : memref<2x!tpu.dma_semaphore, #tpu.memory_space<semaphore_mem>> -> memref<1x!tpu.dma_semaphore, #tpu.memory_space<semaphore_mem>>
      %dma_start3A_254 = tpu.memref_squeeze %dma_start3A_253 : memref<1x!tpu.dma_semaphore, #tpu.memory_space<semaphore_mem>> -> memref<!tpu.dma_semaphore, #tpu.memory_space<semaphore_mem>>
      tpu.enqueue_indirect_dma source(%dma_start3A_246 : memref<128x128xf32, #tpu.memory_space<vmem>>) target(%dma_start3A_252 : memref<10240x128xf32, #tpu.memory_space<vmem_shared>>) offsets(%dma_start3A_249 : memref<128xi32, #tpu.memory_space<vmem>>) semaphore(%dma_start3A_254 : memref<!tpu.dma_semaphore, #tpu.memory_space<semaphore_mem>>) {add = true}
    }
    %sub3A = arith.constant 1 : i32
    %sub3A_140 = arith.subi %select_n3A, %sub3A : i32
    %rem3A_141 = arith.constant 2 : i32
    %rem3A_142 = arith.remsi %sub3A_140, %rem3A_141 : i32
    %rem3A_143 = arith.constant 3 : i32
    %rem3A_144 = arith.remsi %sub3A_140, %rem3A_143 : i32
    %dma_wait3A_145 = arith.constant 0 : i32
    %dma_wait3A_146 = arith.constant 0 : i32
    %dma_wait3A_147 = tpu.memref_slice %arg9[%rem3A_142, %dma_wait3A_145, %dma_wait3A_146] : memref<2x128x128xf32, #tpu.memory_space<vmem>> -> memref<1x128x128xf32, #tpu.memory_space<vmem>>
    %dma_wait3A_148 = tpu.memref_squeeze %dma_wait3A_147 : memref<1x128x128xf32, #tpu.memory_space<vmem>> -> memref<128x128xf32, #tpu.memory_space<vmem>>
    %dma_wait3A_149 = arith.constant 0 : i32
    %dma_wait3A_150 = tpu.memref_slice %arg8[%rem3A_144, %dma_wait3A_149] : memref<3x128xi32, #tpu.memory_space<vmem>> -> memref<1x128xi32, #tpu.memory_space<vmem>>
    %dma_wait3A_151 = tpu.memref_squeeze %dma_wait3A_150 : memref<1x128xi32, #tpu.memory_space<vmem>> -> memref<128xi32, #tpu.memory_space<vmem>>
    %dma_wait3A_152 = arith.constant 0 : i32
    %dma_wait3A_153 = arith.constant 0 : i32
    %dma_wait3A_154 = tpu.memref_slice %arg14[%dma_wait3A_152, %dma_wait3A_153] : memref<10240x128xf32, #tpu.memory_space<vmem_shared>> -> memref<10240x128xf32, #tpu.memory_space<vmem_shared>>
    %dma_wait3A_155 = tpu.memref_slice %arg13[%rem3A_142] : memref<2x!tpu.dma_semaphore, #tpu.memory_space<semaphore_mem>> -> memref<1x!tpu.dma_semaphore, #tpu.memory_space<semaphore_mem>>
    %dma_wait3A_156 = tpu.memref_squeeze %dma_wait3A_155 : memref<1x!tpu.dma_semaphore, #tpu.memory_space<semaphore_mem>> -> memref<!tpu.dma_semaphore, #tpu.memory_space<semaphore_mem>>
    tpu.wait_indirect_dma semaphore(%dma_wait3A_156 : memref<!tpu.dma_semaphore, #tpu.memory_space<semaphore_mem>>) src(%dma_wait3A_148 : memref<128x128xf32, #tpu.memory_space<vmem>>) dst(%dma_wait3A_154 : memref<10240x128xf32, #tpu.memory_space<vmem_shared>>)
    %barrier3A_157 = arith.constant 0 : index
    tpu.barrier barrier_id(%barrier3A_157)
    %scan3A = arith.constant 0 : i32
    %scan3A_158 = arith.constant 0 : i32
    %scan3A_159 = arith.constant 5 : i32
    %scan3A_160 = arith.addi %scan3A_158, %scan3A_159 : i32
    %scan3A_161 = arith.constant 1 : i32
    scf.for %scan3A_209 = %scan3A_158 to %scan3A_160 step %scan3A_161  : i32 {
      %rem3A_210 = arith.constant 2 : i32
      %rem3A_211 = arith.remsi %scan3A_209, %rem3A_210 : i32
      %mul3A_212 = arith.constant 640 : i32
      %mul3A_213 = arith.muli %arg1, %mul3A_212 : i32
      %mul3A_214 = arith.constant 128 : i32
      %mul3A_215 = arith.muli %scan3A_209, %mul3A_214 : i32
      %add3A_216 = arith.addi %mul3A_213, %mul3A_215 : i32
      %ge3A = arith.constant 2 : i32
      %ge3A_217 = arith.cmpi sge, %scan3A_209, %ge3A : i32
      %convert_element_type3A = arith.extui %ge3A_217 : i1 to i32
      %cond3A = arith.constant 0 : i32
      %cond3A_218 = arith.cmpi ne, %convert_element_type3A, %cond3A : i32
      scf.if %cond3A_218 {
        %mul3A_236 = arith.constant 10240 : i32
        %mul3A_237 = arith.muli %arg0, %mul3A_236 : i32
        %sub3A_238 = arith.constant 2 : i32
        %sub3A_239 = arith.subi %scan3A_209, %sub3A_238 : i32
        %mul3A_240 = arith.constant 128 : i32
        %mul3A_241 = arith.muli %sub3A_239, %mul3A_240 : i32
        %add3A_242 = arith.addi %mul3A_237, %mul3A_241 : i32
        %mul3A_243 = arith.constant 640 : i32
        %mul3A_244 = arith.muli %arg1, %mul3A_243 : i32
        %add3A_245 = arith.addi %add3A_242, %mul3A_244 : i32
        %dma_wait3A_246 = arith.constant 0 : i32
        %dma_wait3A_247 = arith.constant 0 : i32
        %dma_wait3A_248 = tpu.memref_slice %arg9[%rem3A_211, %dma_wait3A_246, %dma_wait3A_247] : memref<2x128x128xf32, #tpu.memory_space<vmem>> -> memref<1x128x128xf32, #tpu.memory_space<vmem>>
        %dma_wait3A_249 = tpu.memref_squeeze %dma_wait3A_248 : memref<1x128x128xf32, #tpu.memory_space<vmem>> -> memref<128x128xf32, #tpu.memory_space<vmem>>
        %dma_wait3A_250 = arith.constant 0 : i32
        %dma_wait3A_251 = tpu.memref_slice %arg6[%add3A_245, %dma_wait3A_250] : memref<20480x128xf32, #tpu.memory_space<hbm>> -> memref<128x128xf32, #tpu.memory_space<hbm>>
        %dma_wait3A_252 = tpu.memref_slice %arg13[%rem3A_211] : memref<2x!tpu.dma_semaphore, #tpu.memory_space<semaphore_mem>> -> memref<1x!tpu.dma_semaphore, #tpu.memory_space<semaphore_mem>>
        %dma_wait3A_253 = tpu.memref_squeeze %dma_wait3A_252 : memref<1x!tpu.dma_semaphore, #tpu.memory_space<semaphore_mem>> -> memref<!tpu.dma_semaphore, #tpu.memory_space<semaphore_mem>>
        %dma_wait3A_254 = arith.constant 0 : i32
        %dma_wait3A_255 = tpu.memref_slice %arg6[%add3A_245, %dma_wait3A_254] : memref<20480x128xf32, #tpu.memory_space<hbm>> -> memref<128x128xf32, #tpu.memory_space<hbm>>
        %dma_wait3A_256 = arith.constant 0 : i32
        %dma_wait3A_257 = arith.constant 0 : i32
        %dma_wait3A_258 = tpu.memref_slice %arg9[%rem3A_211, %dma_wait3A_256, %dma_wait3A_257] : memref<2x128x128xf32, #tpu.memory_space<vmem>> -> memref<1x128x128xf32, #tpu.memory_space<vmem>>
        %dma_wait3A_259 = tpu.memref_squeeze %dma_wait3A_258 : memref<1x128x128xf32, #tpu.memory_space<vmem>> -> memref<128x128xf32, #tpu.memory_space<vmem>>
        tpu.wait_dma2 semaphore(%dma_wait3A_253 : memref<!tpu.dma_semaphore, #tpu.memory_space<semaphore_mem>>) src(%dma_wait3A_259 : memref<128x128xf32, #tpu.memory_space<vmem>>) dst(%dma_wait3A_255 : memref<128x128xf32, #tpu.memory_space<hbm>>)
      } else {
      }
      "tpu.region"() ({
        %run_scoped3A = tpu.sem_alloc : memref<!tpu.dma_semaphore, #tpu.memory_space<semaphore_mem>>
        %dma_start3A_236 = arith.constant 0 : i32
        %dma_start3A_237 = arith.constant 0 : i32
        %dma_start3A_238 = tpu.memref_slice %arg9[%rem3A_211, %dma_start3A_236, %dma_start3A_237] : memref<2x128x128xf32, #tpu.memory_space<vmem>> -> memref<1x128x128xf32, #tpu.memory_space<vmem>>
        %dma_start3A_239 = tpu.memref_squeeze %dma_start3A_238 : memref<1x128x128xf32, #tpu.memory_space<vmem>> -> memref<128x128xf32, #tpu.memory_space<vmem>>
        %dma_start3A_240 = arith.constant 0 : i32
        %dma_start3A_241 = tpu.memref_slice %arg14[%add3A_216, %dma_start3A_240] : memref<10240x128xf32, #tpu.memory_space<vmem_shared>> -> memref<128x128xf32, #tpu.memory_space<vmem_shared>>
        %dma_start3A_242 = arith.constant 0 : i32
        %dma_start3A_243 = arith.constant 0 : i32
        %dma_start3A_244 = tpu.memref_slice %arg9[%rem3A_211, %dma_start3A_242, %dma_start3A_243] : memref<2x128x128xf32, #tpu.memory_space<vmem>> -> memref<1x128x128xf32, #tpu.memory_space<vmem>>
        %dma_start3A_245 = tpu.memref_squeeze %dma_start3A_244 : memref<1x128x128xf32, #tpu.memory_space<vmem>> -> memref<128x128xf32, #tpu.memory_space<vmem>>
        %dma_start3A_246 = arith.constant 0 : i32
        %dma_start3A_247 = tpu.memref_slice %arg14[%add3A_216, %dma_start3A_246] : memref<10240x128xf32, #tpu.memory_space<vmem_shared>> -> memref<128x128xf32, #tpu.memory_space<vmem_shared>>
        tpu.enqueue_dma source(%dma_start3A_247 : memref<128x128xf32, #tpu.memory_space<vmem_shared>>) target(%dma_start3A_245 : memref<128x128xf32, #tpu.memory_space<vmem>>) target_semaphore(%run_scoped3A : memref<!tpu.dma_semaphore, #tpu.memory_space<semaphore_mem>>)
        %dma_wait3A_248 = arith.constant 0 : i32
        %dma_wait3A_249 = arith.constant 0 : i32
        %dma_wait3A_250 = tpu.memref_slice %arg9[%rem3A_211, %dma_wait3A_248, %dma_wait3A_249] : memref<2x128x128xf32, #tpu.memory_space<vmem>> -> memref<1x128x128xf32, #tpu.memory_space<vmem>>
        %dma_wait3A_251 = tpu.memref_squeeze %dma_wait3A_250 : memref<1x128x128xf32, #tpu.memory_space<vmem>> -> memref<128x128xf32, #tpu.memory_space<vmem>>
        %dma_wait3A_252 = arith.constant 0 : i32
        %dma_wait3A_253 = tpu.memref_slice %arg14[%add3A_216, %dma_wait3A_252] : memref<10240x128xf32, #tpu.memory_space<vmem_shared>> -> memref<128x128xf32, #tpu.memory_space<vmem_shared>>
        %dma_wait3A_254 = arith.constant 0 : i32
        %dma_wait3A_255 = arith.constant 0 : i32
        %dma_wait3A_256 = tpu.memref_slice %arg9[%rem3A_211, %dma_wait3A_254, %dma_wait3A_255] : memref<2x128x128xf32, #tpu.memory_space<vmem>> -> memref<1x128x128xf32, #tpu.memory_space<vmem>>
        %dma_wait3A_257 = tpu.memref_squeeze %dma_wait3A_256 : memref<1x128x128xf32, #tpu.memory_space<vmem>> -> memref<128x128xf32, #tpu.memory_space<vmem>>
        %dma_wait3A_258 = arith.constant 0 : i32
        %dma_wait3A_259 = tpu.memref_slice %arg14[%add3A_216, %dma_wait3A_258] : memref<10240x128xf32, #tpu.memory_space<vmem_shared>> -> memref<128x128xf32, #tpu.memory_space<vmem_shared>>
        tpu.wait_dma2 semaphore(%run_scoped3A : memref<!tpu.dma_semaphore, #tpu.memory_space<semaphore_mem>>) src(%dma_wait3A_259 : memref<128x128xf32, #tpu.memory_space<vmem_shared>>) dst(%dma_wait3A_257 : memref<128x128xf32, #tpu.memory_space<vmem>>)
        tpu.yield
      }) : () -> ()
      %mul3A_219 = arith.constant 10240 : i32
      %mul3A_220 = arith.muli %arg0, %mul3A_219 : i32
      %add3A_221 = arith.addi %mul3A_220, %add3A_216 : i32
      %dma_start3A_222 = arith.constant 0 : i32
      %dma_start3A_223 = arith.constant 0 : i32
      %dma_start3A_224 = tpu.memref_slice %arg9[%rem3A_211, %dma_start3A_222, %dma_start3A_223] : memref<2x128x128xf32, #tpu.memory_space<vmem>> -> memref<1x128x128xf32, #tpu.memory_space<vmem>>
      %dma_start3A_225 = tpu.memref_squeeze %dma_start3A_224 : memref<1x128x128xf32, #tpu.memory_space<vmem>> -> memref<128x128xf32, #tpu.memory_space<vmem>>
      %dma_start3A_226 = arith.constant 0 : i32
      %dma_start3A_227 = tpu.memref_slice %arg6[%add3A_221, %dma_start3A_226] : memref<20480x128xf32, #tpu.memory_space<hbm>> -> memref<128x128xf32, #tpu.memory_space<hbm>>
      %dma_start3A_228 = tpu.memref_slice %arg13[%rem3A_211] : memref<2x!tpu.dma_semaphore, #tpu.memory_space<semaphore_mem>> -> memref<1x!tpu.dma_semaphore, #tpu.memory_space<semaphore_mem>>
      %dma_start3A_229 = tpu.memref_squeeze %dma_start3A_228 : memref<1x!tpu.dma_semaphore, #tpu.memory_space<semaphore_mem>> -> memref<!tpu.dma_semaphore, #tpu.memory_space<semaphore_mem>>
      %dma_start3A_230 = arith.constant 0 : i32
      %dma_start3A_231 = tpu.memref_slice %arg6[%add3A_221, %dma_start3A_230] : memref<20480x128xf32, #tpu.memory_space<hbm>> -> memref<128x128xf32, #tpu.memory_space<hbm>>
      %dma_start3A_232 = arith.constant 0 : i32
      %dma_start3A_233 = arith.constant 0 : i32
      %dma_start3A_234 = tpu.memref_slice %arg9[%rem3A_211, %dma_start3A_232, %dma_start3A_233] : memref<2x128x128xf32, #tpu.memory_space<vmem>> -> memref<1x128x128xf32, #tpu.memory_space<vmem>>
      %dma_start3A_235 = tpu.memref_squeeze %dma_start3A_234 : memref<1x128x128xf32, #tpu.memory_space<vmem>> -> memref<128x128xf32, #tpu.memory_space<vmem>>
      tpu.enqueue_dma source(%dma_start3A_235 : memref<128x128xf32, #tpu.memory_space<vmem>>) target(%dma_start3A_231 : memref<128x128xf32, #tpu.memory_space<hbm>>) target_semaphore(%dma_start3A_229 : memref<!tpu.dma_semaphore, #tpu.memory_space<semaphore_mem>>)
    }
    %scan3A_162 = arith.constant 5 : i32
    %mul3A_163 = arith.constant 10240 : i32
    %mul3A_164 = arith.muli %arg0, %mul3A_163 : i32
    %mul3A_165 = arith.constant 640 : i32
    %mul3A_166 = arith.muli %arg1, %mul3A_165 : i32
    %add3A_167 = arith.addi %mul3A_164, %mul3A_166 : i32
    %add3A_168 = arith.constant 384 : i32
    %add3A_169 = arith.addi %add3A_167, %add3A_168 : i32
    %dma_wait3A_170 = arith.constant 1 : i32
    %dma_wait3A_171 = arith.constant 1 : i32
    %dma_wait3A_172 = arith.constant 0 : i32
    %dma_wait3A_173 = arith.constant 0 : i32
    %dma_wait3A_174 = tpu.memref_slice %arg9[%dma_wait3A_170, %dma_wait3A_172, %dma_wait3A_173] : memref<2x128x128xf32, #tpu.memory_space<vmem>> -> memref<1x128x128xf32, #tpu.memory_space<vmem>>
    %dma_wait3A_175 = tpu.memref_squeeze %dma_wait3A_174 : memref<1x128x128xf32, #tpu.memory_space<vmem>> -> memref<128x128xf32, #tpu.memory_space<vmem>>
    %dma_wait3A_176 = arith.constant 0 : i32
    %dma_wait3A_177 = tpu.memref_slice %arg6[%add3A_169, %dma_wait3A_176] : memref<20480x128xf32, #tpu.memory_space<hbm>> -> memref<128x128xf32, #tpu.memory_space<hbm>>
    %dma_wait3A_178 = tpu.memref_slice %arg13[%dma_wait3A_171] : memref<2x!tpu.dma_semaphore, #tpu.memory_space<semaphore_mem>> -> memref<1x!tpu.dma_semaphore, #tpu.memory_space<semaphore_mem>>
    %dma_wait3A_179 = tpu.memref_squeeze %dma_wait3A_178 : memref<1x!tpu.dma_semaphore, #tpu.memory_space<semaphore_mem>> -> memref<!tpu.dma_semaphore, #tpu.memory_space<semaphore_mem>>
    %dma_wait3A_180 = arith.constant 0 : i32
    %dma_wait3A_181 = tpu.memref_slice %arg6[%add3A_169, %dma_wait3A_180] : memref<20480x128xf32, #tpu.memory_space<hbm>> -> memref<128x128xf32, #tpu.memory_space<hbm>>
    %dma_wait3A_182 = arith.constant 0 : i32
    %dma_wait3A_183 = arith.constant 0 : i32
    %dma_wait3A_184 = tpu.memref_slice %arg9[%dma_wait3A_170, %dma_wait3A_182, %dma_wait3A_183] : memref<2x128x128xf32, #tpu.memory_space<vmem>> -> memref<1x128x128xf32, #tpu.memory_space<vmem>>
    %dma_wait3A_185 = tpu.memref_squeeze %dma_wait3A_184 : memref<1x128x128xf32, #tpu.memory_space<vmem>> -> memref<128x128xf32, #tpu.memory_space<vmem>>
    tpu.wait_dma2 semaphore(%dma_wait3A_179 : memref<!tpu.dma_semaphore, #tpu.memory_space<semaphore_mem>>) src(%dma_wait3A_185 : memref<128x128xf32, #tpu.memory_space<vmem>>) dst(%dma_wait3A_181 : memref<128x128xf32, #tpu.memory_space<hbm>>)
    %mul3A_186 = arith.constant 10240 : i32
    %mul3A_187 = arith.muli %arg0, %mul3A_186 : i32
    %mul3A_188 = arith.constant 640 : i32
    %mul3A_189 = arith.muli %arg1, %mul3A_188 : i32
    %add3A_190 = arith.addi %mul3A_187, %mul3A_189 : i32
    %add3A_191 = arith.constant 512 : i32
    %add3A_192 = arith.addi %add3A_190, %add3A_191 : i32
    %dma_wait3A_193 = arith.constant 0 : i32
    %dma_wait3A_194 = arith.constant 0 : i32
    %dma_wait3A_195 = arith.constant 0 : i32
    %dma_wait3A_196 = arith.constant 0 : i32
    %dma_wait3A_197 = tpu.memref_slice %arg9[%dma_wait3A_193, %dma_wait3A_195, %dma_wait3A_196] : memref<2x128x128xf32, #tpu.memory_space<vmem>> -> memref<1x128x128xf32, #tpu.memory_space<vmem>>
    %dma_wait3A_198 = tpu.memref_squeeze %dma_wait3A_197 : memref<1x128x128xf32, #tpu.memory_space<vmem>> -> memref<128x128xf32, #tpu.memory_space<vmem>>
    %dma_wait3A_199 = arith.constant 0 : i32
    %dma_wait3A_200 = tpu.memref_slice %arg6[%add3A_192, %dma_wait3A_199] : memref<20480x128xf32, #tpu.memory_space<hbm>> -> memref<128x128xf32, #tpu.memory_space<hbm>>
    %dma_wait3A_201 = tpu.memref_slice %arg13[%dma_wait3A_194] : memref<2x!tpu.dma_semaphore, #tpu.memory_space<semaphore_mem>> -> memref<1x!tpu.dma_semaphore, #tpu.memory_space<semaphore_mem>>
    %dma_wait3A_202 = tpu.memref_squeeze %dma_wait3A_201 : memref<1x!tpu.dma_semaphore, #tpu.memory_space<semaphore_mem>> -> memref<!tpu.dma_semaphore, #tpu.memory_space<semaphore_mem>>
    %dma_wait3A_203 = arith.constant 0 : i32
    %dma_wait3A_204 = tpu.memref_slice %arg6[%add3A_192, %dma_wait3A_203] : memref<20480x128xf32, #tpu.memory_space<hbm>> -> memref<128x128xf32, #tpu.memory_space<hbm>>
    %dma_wait3A_205 = arith.constant 0 : i32
    %dma_wait3A_206 = arith.constant 0 : i32
    %dma_wait3A_207 = tpu.memref_slice %arg9[%dma_wait3A_193, %dma_wait3A_205, %dma_wait3A_206] : memref<2x128x128xf32, #tpu.memory_space<vmem>> -> memref<1x128x128xf32, #tpu.memory_space<vmem>>
    %dma_wait3A_208 = tpu.memref_squeeze %dma_wait3A_207 : memref<1x128x128xf32, #tpu.memory_space<vmem>> -> memref<128x128xf32, #tpu.memory_space<vmem>>
    tpu.wait_dma2 semaphore(%dma_wait3A_202 : memref<!tpu.dma_semaphore, #tpu.memory_space<semaphore_mem>>) src(%dma_wait3A_208 : memref<128x128xf32, #tpu.memory_space<vmem>>) dst(%dma_wait3A_204 : memref<128x128xf32, #tpu.memory_space<hbm>>)
    return
  }
}

#map = affine_map<(d0, d1) -> (0, 0)>
module attributes {stable_mosaic.version = 14 : i64} {
  func.func @_deg_body(%arg0: i32, %arg1: i32, %arg2: memref<2560x128xi32, #tpu.memory_space<hbm>>, %arg3: memref<640x128xf32, #tpu.memory_space<hbm>>, %arg4: memref<128x128xf32, #tpu.memory_space<hbm>>, %arg5: memref<20480x128xf32, #tpu.memory_space<hbm>>, %arg6: memref<80x128xi32, #tpu.memory_space<vmem>>, %arg7: memref<128x128xf32, #tpu.memory_space<vmem>>, %arg8: memref<128x128xf32, #tpu.memory_space<vmem>>, %arg9: memref<2x!tpu.dma_semaphore, #tpu.memory_space<semaphore_mem>>, %arg10: memref<10240x128xf32, #tpu.memory_space<vmem_shared>>) attributes {dimension_semantics = [#tpu.dimension_semantics<core_parallel>, #tpu.dimension_semantics<subcore_parallel>], iteration_bounds = array<i64: 2, 16>, scalar_prefetch = 0 : i64, scratch_operands = 5 : i64, tpu.core_type = #tpu.core_type<sc_vector_subcore>, window_params = [{transform_indices = #map}, {transform_indices = #map}, {transform_indices = #map}, {transform_indices = #map}]} {
    %mul3A = arith.constant 16 : i32
    %mul3A_0 = arith.muli %arg0, %mul3A : i32
    %add3A = arith.addi %mul3A_0, %arg1 : i32
    %mul3A_1 = arith.constant 640 : i32
    %mul3A_2 = arith.muli %arg1, %mul3A_1 : i32
    "tpu.region"() ({
      %run_scoped3A = tpu.sem_alloc : memref<!tpu.dma_semaphore, #tpu.memory_space<semaphore_mem>>
      %dma_start3A_189 = arith.constant 0 : i32
      %dma_start3A_190 = tpu.memref_slice %arg10[%mul3A_2, %dma_start3A_189] : memref<10240x128xf32, #tpu.memory_space<vmem_shared>> -> memref<640x128xf32, #tpu.memory_space<vmem_shared>>
      tpu.enqueue_dma source(%arg3 : memref<640x128xf32, #tpu.memory_space<hbm>>) target(%dma_start3A_190 : memref<640x128xf32, #tpu.memory_space<vmem_shared>>) target_semaphore(%run_scoped3A : memref<!tpu.dma_semaphore, #tpu.memory_space<semaphore_mem>>)
      %dma_wait3A_191 = arith.constant 0 : i32
      %dma_wait3A_192 = tpu.memref_slice %arg10[%mul3A_2, %dma_wait3A_191] : memref<10240x128xf32, #tpu.memory_space<vmem_shared>> -> memref<640x128xf32, #tpu.memory_space<vmem_shared>>
      tpu.wait_dma2 semaphore(%run_scoped3A : memref<!tpu.dma_semaphore, #tpu.memory_space<semaphore_mem>>) src(%arg3 : memref<640x128xf32, #tpu.memory_space<hbm>>) dst(%dma_wait3A_192 : memref<640x128xf32, #tpu.memory_space<vmem_shared>>)
      tpu.yield
    }) : () -> ()
    %mul3A_3 = arith.constant 80 : i32
    %mul3A_4 = arith.muli %add3A, %mul3A_3 : i32
    "tpu.region"() ({
      %run_scoped3A = tpu.sem_alloc : memref<!tpu.dma_semaphore, #tpu.memory_space<semaphore_mem>>
      %dma_start3A_189 = arith.constant 0 : i32
      %dma_start3A_190 = tpu.memref_slice %arg2[%mul3A_4, %dma_start3A_189] : memref<2560x128xi32, #tpu.memory_space<hbm>> -> memref<80x128xi32, #tpu.memory_space<hbm>>
      %dma_start3A_191 = arith.constant 0 : i32
      %dma_start3A_192 = tpu.memref_slice %arg2[%mul3A_4, %dma_start3A_191] : memref<2560x128xi32, #tpu.memory_space<hbm>> -> memref<80x128xi32, #tpu.memory_space<hbm>>
      tpu.enqueue_dma source(%dma_start3A_192 : memref<80x128xi32, #tpu.memory_space<hbm>>) target(%arg6 : memref<80x128xi32, #tpu.memory_space<vmem>>) target_semaphore(%run_scoped3A : memref<!tpu.dma_semaphore, #tpu.memory_space<semaphore_mem>>)
      %dma_wait3A_193 = arith.constant 0 : i32
      %dma_wait3A_194 = tpu.memref_slice %arg2[%mul3A_4, %dma_wait3A_193] : memref<2560x128xi32, #tpu.memory_space<hbm>> -> memref<80x128xi32, #tpu.memory_space<hbm>>
      %dma_wait3A_195 = arith.constant 0 : i32
      %dma_wait3A_196 = tpu.memref_slice %arg2[%mul3A_4, %dma_wait3A_195] : memref<2560x128xi32, #tpu.memory_space<hbm>> -> memref<80x128xi32, #tpu.memory_space<hbm>>
      tpu.wait_dma2 semaphore(%run_scoped3A : memref<!tpu.dma_semaphore, #tpu.memory_space<semaphore_mem>>) src(%dma_wait3A_196 : memref<80x128xi32, #tpu.memory_space<hbm>>) dst(%arg6 : memref<80x128xi32, #tpu.memory_space<vmem>>)
      tpu.yield
    }) : () -> ()
    "tpu.region"() ({
      %run_scoped3A = tpu.sem_alloc : memref<!tpu.dma_semaphore, #tpu.memory_space<semaphore_mem>>
      tpu.enqueue_dma source(%arg4 : memref<128x128xf32, #tpu.memory_space<hbm>>) target(%arg7 : memref<128x128xf32, #tpu.memory_space<vmem>>) target_semaphore(%run_scoped3A : memref<!tpu.dma_semaphore, #tpu.memory_space<semaphore_mem>>)
      tpu.wait_dma2 semaphore(%run_scoped3A : memref<!tpu.dma_semaphore, #tpu.memory_space<semaphore_mem>>) src(%arg4 : memref<128x128xf32, #tpu.memory_space<hbm>>) dst(%arg7 : memref<128x128xf32, #tpu.memory_space<vmem>>)
      tpu.yield
    }) : () -> ()
    %barrier3A = arith.constant 0 : index
    tpu.barrier barrier_id(%barrier3A)
    %scan3A = arith.constant 0 : i32
    %scan3A_5 = arith.constant 0 : i32
    %scan3A_6 = arith.constant 80 : i32
    %scan3A_7 = arith.addi %scan3A_5, %scan3A_6 : i32
    %scan3A_8 = arith.constant 1 : i32
    scf.for %scan3A_189 = %scan3A_5 to %scan3A_7 step %scan3A_8  : i32 {
      %rem3A = arith.constant 2 : i32
      %rem3A_190 = arith.remsi %scan3A_189, %rem3A : i32
      %ge3A = arith.constant 2 : i32
      %ge3A_191 = arith.cmpi sge, %scan3A_189, %ge3A : i32
      %convert_element_type3A = arith.extui %ge3A_191 : i1 to i32
      %cond3A = arith.constant 0 : i32
      %cond3A_192 = arith.cmpi ne, %convert_element_type3A, %cond3A : i32
      scf.if %cond3A_192 {
        %sub3A = arith.constant 2 : i32
        %sub3A_201 = arith.subi %scan3A_189, %sub3A : i32
        %dma_wait3A_202 = arith.constant 0 : i32
        %dma_wait3A_203 = tpu.memref_slice %arg6[%sub3A_201, %dma_wait3A_202] : memref<80x128xi32, #tpu.memory_space<vmem>> -> memref<1x128xi32, #tpu.memory_space<vmem>>
        %dma_wait3A_204 = tpu.memref_squeeze %dma_wait3A_203 : memref<1x128xi32, #tpu.memory_space<vmem>> -> memref<128xi32, #tpu.memory_space<vmem>>
        %dma_wait3A_205 = arith.constant 0 : i32
        %dma_wait3A_206 = arith.constant 0 : i32
        %dma_wait3A_207 = tpu.memref_slice %arg10[%dma_wait3A_205, %dma_wait3A_206] : memref<10240x128xf32, #tpu.memory_space<vmem_shared>> -> memref<10240x128xf32, #tpu.memory_space<vmem_shared>>
        %dma_wait3A_208 = tpu.memref_slice %arg9[%rem3A_190] : memref<2x!tpu.dma_semaphore, #tpu.memory_space<semaphore_mem>> -> memref<1x!tpu.dma_semaphore, #tpu.memory_space<semaphore_mem>>
        %dma_wait3A_209 = tpu.memref_squeeze %dma_wait3A_208 : memref<1x!tpu.dma_semaphore, #tpu.memory_space<semaphore_mem>> -> memref<!tpu.dma_semaphore, #tpu.memory_space<semaphore_mem>>
        tpu.wait_indirect_dma semaphore(%dma_wait3A_209 : memref<!tpu.dma_semaphore, #tpu.memory_space<semaphore_mem>>) src(%arg7 : memref<128x128xf32, #tpu.memory_space<vmem>>) dst(%dma_wait3A_207 : memref<10240x128xf32, #tpu.memory_space<vmem_shared>>)
      } else {
      }
      %dma_start3A_193 = arith.constant 0 : i32
      %dma_start3A_194 = tpu.memref_slice %arg6[%scan3A_189, %dma_start3A_193] : memref<80x128xi32, #tpu.memory_space<vmem>> -> memref<1x128xi32, #tpu.memory_space<vmem>>
      %dma_start3A_195 = tpu.memref_squeeze %dma_start3A_194 : memref<1x128xi32, #tpu.memory_space<vmem>> -> memref<128xi32, #tpu.memory_space<vmem>>
      %dma_start3A_196 = arith.constant 0 : i32
      %dma_start3A_197 = arith.constant 0 : i32
      %dma_start3A_198 = tpu.memref_slice %arg10[%dma_start3A_196, %dma_start3A_197] : memref<10240x128xf32, #tpu.memory_space<vmem_shared>> -> memref<10240x128xf32, #tpu.memory_space<vmem_shared>>
      %dma_start3A_199 = tpu.memref_slice %arg9[%rem3A_190] : memref<2x!tpu.dma_semaphore, #tpu.memory_space<semaphore_mem>> -> memref<1x!tpu.dma_semaphore, #tpu.memory_space<semaphore_mem>>
      %dma_start3A_200 = tpu.memref_squeeze %dma_start3A_199 : memref<1x!tpu.dma_semaphore, #tpu.memory_space<semaphore_mem>> -> memref<!tpu.dma_semaphore, #tpu.memory_space<semaphore_mem>>
      tpu.enqueue_indirect_dma source(%arg7 : memref<128x128xf32, #tpu.memory_space<vmem>>) target(%dma_start3A_198 : memref<10240x128xf32, #tpu.memory_space<vmem_shared>>) offsets(%dma_start3A_195 : memref<128xi32, #tpu.memory_space<vmem>>) semaphore(%dma_start3A_200 : memref<!tpu.dma_semaphore, #tpu.memory_space<semaphore_mem>>) {add = true}
    }
    %scan3A_9 = arith.constant 80 : i32
    %dma_wait3A = arith.constant 78 : i32
    %dma_wait3A_10 = arith.constant 0 : i32
    %dma_wait3A_11 = arith.constant 0 : i32
    %dma_wait3A_12 = tpu.memref_slice %arg6[%dma_wait3A, %dma_wait3A_11] : memref<80x128xi32, #tpu.memory_space<vmem>> -> memref<1x128xi32, #tpu.memory_space<vmem>>
    %dma_wait3A_13 = tpu.memref_squeeze %dma_wait3A_12 : memref<1x128xi32, #tpu.memory_space<vmem>> -> memref<128xi32, #tpu.memory_space<vmem>>
    %dma_wait3A_14 = arith.constant 0 : i32
    %dma_wait3A_15 = arith.constant 0 : i32
    %dma_wait3A_16 = tpu.memref_slice %arg10[%dma_wait3A_14, %dma_wait3A_15] : memref<10240x128xf32, #tpu.memory_space<vmem_shared>> -> memref<10240x128xf32, #tpu.memory_space<vmem_shared>>
    %dma_wait3A_17 = tpu.memref_slice %arg9[%dma_wait3A_10] : memref<2x!tpu.dma_semaphore, #tpu.memory_space<semaphore_mem>> -> memref<1x!tpu.dma_semaphore, #tpu.memory_space<semaphore_mem>>
    %dma_wait3A_18 = tpu.memref_squeeze %dma_wait3A_17 : memref<1x!tpu.dma_semaphore, #tpu.memory_space<semaphore_mem>> -> memref<!tpu.dma_semaphore, #tpu.memory_space<semaphore_mem>>
    tpu.wait_indirect_dma semaphore(%dma_wait3A_18 : memref<!tpu.dma_semaphore, #tpu.memory_space<semaphore_mem>>) src(%arg7 : memref<128x128xf32, #tpu.memory_space<vmem>>) dst(%dma_wait3A_16 : memref<10240x128xf32, #tpu.memory_space<vmem_shared>>)
    %dma_wait3A_19 = arith.constant 79 : i32
    %dma_wait3A_20 = arith.constant 1 : i32
    %dma_wait3A_21 = arith.constant 0 : i32
    %dma_wait3A_22 = tpu.memref_slice %arg6[%dma_wait3A_19, %dma_wait3A_21] : memref<80x128xi32, #tpu.memory_space<vmem>> -> memref<1x128xi32, #tpu.memory_space<vmem>>
    %dma_wait3A_23 = tpu.memref_squeeze %dma_wait3A_22 : memref<1x128xi32, #tpu.memory_space<vmem>> -> memref<128xi32, #tpu.memory_space<vmem>>
    %dma_wait3A_24 = arith.constant 0 : i32
    %dma_wait3A_25 = arith.constant 0 : i32
    %dma_wait3A_26 = tpu.memref_slice %arg10[%dma_wait3A_24, %dma_wait3A_25] : memref<10240x128xf32, #tpu.memory_space<vmem_shared>> -> memref<10240x128xf32, #tpu.memory_space<vmem_shared>>
    %dma_wait3A_27 = tpu.memref_slice %arg9[%dma_wait3A_20] : memref<2x!tpu.dma_semaphore, #tpu.memory_space<semaphore_mem>> -> memref<1x!tpu.dma_semaphore, #tpu.memory_space<semaphore_mem>>
    %dma_wait3A_28 = tpu.memref_squeeze %dma_wait3A_27 : memref<1x!tpu.dma_semaphore, #tpu.memory_space<semaphore_mem>> -> memref<!tpu.dma_semaphore, #tpu.memory_space<semaphore_mem>>
    tpu.wait_indirect_dma semaphore(%dma_wait3A_28 : memref<!tpu.dma_semaphore, #tpu.memory_space<semaphore_mem>>) src(%arg7 : memref<128x128xf32, #tpu.memory_space<vmem>>) dst(%dma_wait3A_26 : memref<10240x128xf32, #tpu.memory_space<vmem_shared>>)
    %barrier3A_29 = arith.constant 0 : index
    tpu.barrier barrier_id(%barrier3A_29)
    %mul3A_30 = arith.constant 640 : i32
    %mul3A_31 = arith.muli %arg1, %mul3A_30 : i32
    %add3A_32 = arith.constant 0 : i32
    %add3A_33 = arith.addi %mul3A_31, %add3A_32 : i32
    "tpu.region"() ({
      %run_scoped3A = tpu.sem_alloc : memref<!tpu.dma_semaphore, #tpu.memory_space<semaphore_mem>>
      %dma_start3A_189 = arith.constant 0 : i32
      %dma_start3A_190 = tpu.memref_slice %arg10[%add3A_33, %dma_start3A_189] : memref<10240x128xf32, #tpu.memory_space<vmem_shared>> -> memref<128x128xf32, #tpu.memory_space<vmem_shared>>
      %dma_start3A_191 = arith.constant 0 : i32
      %dma_start3A_192 = tpu.memref_slice %arg10[%add3A_33, %dma_start3A_191] : memref<10240x128xf32, #tpu.memory_space<vmem_shared>> -> memref<128x128xf32, #tpu.memory_space<vmem_shared>>
      tpu.enqueue_dma source(%dma_start3A_192 : memref<128x128xf32, #tpu.memory_space<vmem_shared>>) target(%arg8 : memref<128x128xf32, #tpu.memory_space<vmem>>) target_semaphore(%run_scoped3A : memref<!tpu.dma_semaphore, #tpu.memory_space<semaphore_mem>>)
      %dma_wait3A_193 = arith.constant 0 : i32
      %dma_wait3A_194 = tpu.memref_slice %arg10[%add3A_33, %dma_wait3A_193] : memref<10240x128xf32, #tpu.memory_space<vmem_shared>> -> memref<128x128xf32, #tpu.memory_space<vmem_shared>>
      %dma_wait3A_195 = arith.constant 0 : i32
      %dma_wait3A_196 = tpu.memref_slice %arg10[%add3A_33, %dma_wait3A_195] : memref<10240x128xf32, #tpu.memory_space<vmem_shared>> -> memref<128x128xf32, #tpu.memory_space<vmem_shared>>
      tpu.wait_dma2 semaphore(%run_scoped3A : memref<!tpu.dma_semaphore, #tpu.memory_space<semaphore_mem>>) src(%dma_wait3A_196 : memref<128x128xf32, #tpu.memory_space<vmem_shared>>) dst(%arg8 : memref<128x128xf32, #tpu.memory_space<vmem>>)
      tpu.yield
    }) : () -> ()
    %mul3A_34 = arith.constant 10240 : i32
    %mul3A_35 = arith.muli %arg0, %mul3A_34 : i32
    %mul3A_36 = arith.constant 640 : i32
    %mul3A_37 = arith.muli %arg1, %mul3A_36 : i32
    %add3A_38 = arith.addi %mul3A_35, %mul3A_37 : i32
    %add3A_39 = arith.constant 0 : i32
    %add3A_40 = arith.addi %add3A_38, %add3A_39 : i32
    %dma_start3A = arith.constant 0 : i32
    %dma_start3A_41 = arith.constant 0 : i32
    %dma_start3A_42 = tpu.memref_slice %arg5[%add3A_40, %dma_start3A_41] : memref<20480x128xf32, #tpu.memory_space<hbm>> -> memref<128x128xf32, #tpu.memory_space<hbm>>
    %dma_start3A_43 = tpu.memref_slice %arg9[%dma_start3A] : memref<2x!tpu.dma_semaphore, #tpu.memory_space<semaphore_mem>> -> memref<1x!tpu.dma_semaphore, #tpu.memory_space<semaphore_mem>>
    %dma_start3A_44 = tpu.memref_squeeze %dma_start3A_43 : memref<1x!tpu.dma_semaphore, #tpu.memory_space<semaphore_mem>> -> memref<!tpu.dma_semaphore, #tpu.memory_space<semaphore_mem>>
    %dma_start3A_45 = arith.constant 0 : i32
    %dma_start3A_46 = tpu.memref_slice %arg5[%add3A_40, %dma_start3A_45] : memref<20480x128xf32, #tpu.memory_space<hbm>> -> memref<128x128xf32, #tpu.memory_space<hbm>>
    tpu.enqueue_dma source(%arg8 : memref<128x128xf32, #tpu.memory_space<vmem>>) target(%dma_start3A_46 : memref<128x128xf32, #tpu.memory_space<hbm>>) target_semaphore(%dma_start3A_44 : memref<!tpu.dma_semaphore, #tpu.memory_space<semaphore_mem>>)
    %mul3A_47 = arith.constant 640 : i32
    %mul3A_48 = arith.muli %arg1, %mul3A_47 : i32
    %add3A_49 = arith.constant 128 : i32
    %add3A_50 = arith.addi %mul3A_48, %add3A_49 : i32
    "tpu.region"() ({
      %run_scoped3A = tpu.sem_alloc : memref<!tpu.dma_semaphore, #tpu.memory_space<semaphore_mem>>
      %dma_start3A_189 = arith.constant 0 : i32
      %dma_start3A_190 = tpu.memref_slice %arg10[%add3A_50, %dma_start3A_189] : memref<10240x128xf32, #tpu.memory_space<vmem_shared>> -> memref<128x128xf32, #tpu.memory_space<vmem_shared>>
      %dma_start3A_191 = arith.constant 0 : i32
      %dma_start3A_192 = tpu.memref_slice %arg10[%add3A_50, %dma_start3A_191] : memref<10240x128xf32, #tpu.memory_space<vmem_shared>> -> memref<128x128xf32, #tpu.memory_space<vmem_shared>>
      tpu.enqueue_dma source(%dma_start3A_192 : memref<128x128xf32, #tpu.memory_space<vmem_shared>>) target(%arg7 : memref<128x128xf32, #tpu.memory_space<vmem>>) target_semaphore(%run_scoped3A : memref<!tpu.dma_semaphore, #tpu.memory_space<semaphore_mem>>)
      %dma_wait3A_193 = arith.constant 0 : i32
      %dma_wait3A_194 = tpu.memref_slice %arg10[%add3A_50, %dma_wait3A_193] : memref<10240x128xf32, #tpu.memory_space<vmem_shared>> -> memref<128x128xf32, #tpu.memory_space<vmem_shared>>
      %dma_wait3A_195 = arith.constant 0 : i32
      %dma_wait3A_196 = tpu.memref_slice %arg10[%add3A_50, %dma_wait3A_195] : memref<10240x128xf32, #tpu.memory_space<vmem_shared>> -> memref<128x128xf32, #tpu.memory_space<vmem_shared>>
      tpu.wait_dma2 semaphore(%run_scoped3A : memref<!tpu.dma_semaphore, #tpu.memory_space<semaphore_mem>>) src(%dma_wait3A_196 : memref<128x128xf32, #tpu.memory_space<vmem_shared>>) dst(%arg7 : memref<128x128xf32, #tpu.memory_space<vmem>>)
      tpu.yield
    }) : () -> ()
    %mul3A_51 = arith.constant 10240 : i32
    %mul3A_52 = arith.muli %arg0, %mul3A_51 : i32
    %mul3A_53 = arith.constant 640 : i32
    %mul3A_54 = arith.muli %arg1, %mul3A_53 : i32
    %add3A_55 = arith.addi %mul3A_52, %mul3A_54 : i32
    %add3A_56 = arith.constant 128 : i32
    %add3A_57 = arith.addi %add3A_55, %add3A_56 : i32
    %dma_start3A_58 = arith.constant 1 : i32
    %dma_start3A_59 = arith.constant 0 : i32
    %dma_start3A_60 = tpu.memref_slice %arg5[%add3A_57, %dma_start3A_59] : memref<20480x128xf32, #tpu.memory_space<hbm>> -> memref<128x128xf32, #tpu.memory_space<hbm>>
    %dma_start3A_61 = tpu.memref_slice %arg9[%dma_start3A_58] : memref<2x!tpu.dma_semaphore, #tpu.memory_space<semaphore_mem>> -> memref<1x!tpu.dma_semaphore, #tpu.memory_space<semaphore_mem>>
    %dma_start3A_62 = tpu.memref_squeeze %dma_start3A_61 : memref<1x!tpu.dma_semaphore, #tpu.memory_space<semaphore_mem>> -> memref<!tpu.dma_semaphore, #tpu.memory_space<semaphore_mem>>
    %dma_start3A_63 = arith.constant 0 : i32
    %dma_start3A_64 = tpu.memref_slice %arg5[%add3A_57, %dma_start3A_63] : memref<20480x128xf32, #tpu.memory_space<hbm>> -> memref<128x128xf32, #tpu.memory_space<hbm>>
    tpu.enqueue_dma source(%arg7 : memref<128x128xf32, #tpu.memory_space<vmem>>) target(%dma_start3A_64 : memref<128x128xf32, #tpu.memory_space<hbm>>) target_semaphore(%dma_start3A_62 : memref<!tpu.dma_semaphore, #tpu.memory_space<semaphore_mem>>)
    %mul3A_65 = arith.constant 10240 : i32
    %mul3A_66 = arith.muli %arg0, %mul3A_65 : i32
    %mul3A_67 = arith.constant 640 : i32
    %mul3A_68 = arith.muli %arg1, %mul3A_67 : i32
    %add3A_69 = arith.addi %mul3A_66, %mul3A_68 : i32
    %add3A_70 = arith.constant 0 : i32
    %add3A_71 = arith.addi %add3A_69, %add3A_70 : i32
    %dma_wait3A_72 = arith.constant 0 : i32
    %dma_wait3A_73 = arith.constant 0 : i32
    %dma_wait3A_74 = tpu.memref_slice %arg5[%add3A_71, %dma_wait3A_73] : memref<20480x128xf32, #tpu.memory_space<hbm>> -> memref<128x128xf32, #tpu.memory_space<hbm>>
    %dma_wait3A_75 = tpu.memref_slice %arg9[%dma_wait3A_72] : memref<2x!tpu.dma_semaphore, #tpu.memory_space<semaphore_mem>> -> memref<1x!tpu.dma_semaphore, #tpu.memory_space<semaphore_mem>>
    %dma_wait3A_76 = tpu.memref_squeeze %dma_wait3A_75 : memref<1x!tpu.dma_semaphore, #tpu.memory_space<semaphore_mem>> -> memref<!tpu.dma_semaphore, #tpu.memory_space<semaphore_mem>>
    %dma_wait3A_77 = arith.constant 0 : i32
    %dma_wait3A_78 = tpu.memref_slice %arg5[%add3A_71, %dma_wait3A_77] : memref<20480x128xf32, #tpu.memory_space<hbm>> -> memref<128x128xf32, #tpu.memory_space<hbm>>
    tpu.wait_dma2 semaphore(%dma_wait3A_76 : memref<!tpu.dma_semaphore, #tpu.memory_space<semaphore_mem>>) src(%arg8 : memref<128x128xf32, #tpu.memory_space<vmem>>) dst(%dma_wait3A_78 : memref<128x128xf32, #tpu.memory_space<hbm>>)
    %mul3A_79 = arith.constant 640 : i32
    %mul3A_80 = arith.muli %arg1, %mul3A_79 : i32
    %add3A_81 = arith.constant 256 : i32
    %add3A_82 = arith.addi %mul3A_80, %add3A_81 : i32
    "tpu.region"() ({
      %run_scoped3A = tpu.sem_alloc : memref<!tpu.dma_semaphore, #tpu.memory_space<semaphore_mem>>
      %dma_start3A_189 = arith.constant 0 : i32
      %dma_start3A_190 = tpu.memref_slice %arg10[%add3A_82, %dma_start3A_189] : memref<10240x128xf32, #tpu.memory_space<vmem_shared>> -> memref<128x128xf32, #tpu.memory_space<vmem_shared>>
      %dma_start3A_191 = arith.constant 0 : i32
      %dma_start3A_192 = tpu.memref_slice %arg10[%add3A_82, %dma_start3A_191] : memref<10240x128xf32, #tpu.memory_space<vmem_shared>> -> memref<128x128xf32, #tpu.memory_space<vmem_shared>>
      tpu.enqueue_dma source(%dma_start3A_192 : memref<128x128xf32, #tpu.memory_space<vmem_shared>>) target(%arg8 : memref<128x128xf32, #tpu.memory_space<vmem>>) target_semaphore(%run_scoped3A : memref<!tpu.dma_semaphore, #tpu.memory_space<semaphore_mem>>)
      %dma_wait3A_193 = arith.constant 0 : i32
      %dma_wait3A_194 = tpu.memref_slice %arg10[%add3A_82, %dma_wait3A_193] : memref<10240x128xf32, #tpu.memory_space<vmem_shared>> -> memref<128x128xf32, #tpu.memory_space<vmem_shared>>
      %dma_wait3A_195 = arith.constant 0 : i32
      %dma_wait3A_196 = tpu.memref_slice %arg10[%add3A_82, %dma_wait3A_195] : memref<10240x128xf32, #tpu.memory_space<vmem_shared>> -> memref<128x128xf32, #tpu.memory_space<vmem_shared>>
      tpu.wait_dma2 semaphore(%run_scoped3A : memref<!tpu.dma_semaphore, #tpu.memory_space<semaphore_mem>>) src(%dma_wait3A_196 : memref<128x128xf32, #tpu.memory_space<vmem_shared>>) dst(%arg8 : memref<128x128xf32, #tpu.memory_space<vmem>>)
      tpu.yield
    }) : () -> ()
    %mul3A_83 = arith.constant 10240 : i32
    %mul3A_84 = arith.muli %arg0, %mul3A_83 : i32
    %mul3A_85 = arith.constant 640 : i32
    %mul3A_86 = arith.muli %arg1, %mul3A_85 : i32
    %add3A_87 = arith.addi %mul3A_84, %mul3A_86 : i32
    %add3A_88 = arith.constant 256 : i32
    %add3A_89 = arith.addi %add3A_87, %add3A_88 : i32
    %dma_start3A_90 = arith.constant 0 : i32
    %dma_start3A_91 = arith.constant 0 : i32
    %dma_start3A_92 = tpu.memref_slice %arg5[%add3A_89, %dma_start3A_91] : memref<20480x128xf32, #tpu.memory_space<hbm>> -> memref<128x128xf32, #tpu.memory_space<hbm>>
    %dma_start3A_93 = tpu.memref_slice %arg9[%dma_start3A_90] : memref<2x!tpu.dma_semaphore, #tpu.memory_space<semaphore_mem>> -> memref<1x!tpu.dma_semaphore, #tpu.memory_space<semaphore_mem>>
    %dma_start3A_94 = tpu.memref_squeeze %dma_start3A_93 : memref<1x!tpu.dma_semaphore, #tpu.memory_space<semaphore_mem>> -> memref<!tpu.dma_semaphore, #tpu.memory_space<semaphore_mem>>
    %dma_start3A_95 = arith.constant 0 : i32
    %dma_start3A_96 = tpu.memref_slice %arg5[%add3A_89, %dma_start3A_95] : memref<20480x128xf32, #tpu.memory_space<hbm>> -> memref<128x128xf32, #tpu.memory_space<hbm>>
    tpu.enqueue_dma source(%arg8 : memref<128x128xf32, #tpu.memory_space<vmem>>) target(%dma_start3A_96 : memref<128x128xf32, #tpu.memory_space<hbm>>) target_semaphore(%dma_start3A_94 : memref<!tpu.dma_semaphore, #tpu.memory_space<semaphore_mem>>)
    %mul3A_97 = arith.constant 10240 : i32
    %mul3A_98 = arith.muli %arg0, %mul3A_97 : i32
    %mul3A_99 = arith.constant 640 : i32
    %mul3A_100 = arith.muli %arg1, %mul3A_99 : i32
    %add3A_101 = arith.addi %mul3A_98, %mul3A_100 : i32
    %add3A_102 = arith.constant 128 : i32
    %add3A_103 = arith.addi %add3A_101, %add3A_102 : i32
    %dma_wait3A_104 = arith.constant 1 : i32
    %dma_wait3A_105 = arith.constant 0 : i32
    %dma_wait3A_106 = tpu.memref_slice %arg5[%add3A_103, %dma_wait3A_105] : memref<20480x128xf32, #tpu.memory_space<hbm>> -> memref<128x128xf32, #tpu.memory_space<hbm>>
    %dma_wait3A_107 = tpu.memref_slice %arg9[%dma_wait3A_104] : memref<2x!tpu.dma_semaphore, #tpu.memory_space<semaphore_mem>> -> memref<1x!tpu.dma_semaphore, #tpu.memory_space<semaphore_mem>>
    %dma_wait3A_108 = tpu.memref_squeeze %dma_wait3A_107 : memref<1x!tpu.dma_semaphore, #tpu.memory_space<semaphore_mem>> -> memref<!tpu.dma_semaphore, #tpu.memory_space<semaphore_mem>>
    %dma_wait3A_109 = arith.constant 0 : i32
    %dma_wait3A_110 = tpu.memref_slice %arg5[%add3A_103, %dma_wait3A_109] : memref<20480x128xf32, #tpu.memory_space<hbm>> -> memref<128x128xf32, #tpu.memory_space<hbm>>
    tpu.wait_dma2 semaphore(%dma_wait3A_108 : memref<!tpu.dma_semaphore, #tpu.memory_space<semaphore_mem>>) src(%arg7 : memref<128x128xf32, #tpu.memory_space<vmem>>) dst(%dma_wait3A_110 : memref<128x128xf32, #tpu.memory_space<hbm>>)
    %mul3A_111 = arith.constant 640 : i32
    %mul3A_112 = arith.muli %arg1, %mul3A_111 : i32
    %add3A_113 = arith.constant 384 : i32
    %add3A_114 = arith.addi %mul3A_112, %add3A_113 : i32
    "tpu.region"() ({
      %run_scoped3A = tpu.sem_alloc : memref<!tpu.dma_semaphore, #tpu.memory_space<semaphore_mem>>
      %dma_start3A_189 = arith.constant 0 : i32
      %dma_start3A_190 = tpu.memref_slice %arg10[%add3A_114, %dma_start3A_189] : memref<10240x128xf32, #tpu.memory_space<vmem_shared>> -> memref<128x128xf32, #tpu.memory_space<vmem_shared>>
      %dma_start3A_191 = arith.constant 0 : i32
      %dma_start3A_192 = tpu.memref_slice %arg10[%add3A_114, %dma_start3A_191] : memref<10240x128xf32, #tpu.memory_space<vmem_shared>> -> memref<128x128xf32, #tpu.memory_space<vmem_shared>>
      tpu.enqueue_dma source(%dma_start3A_192 : memref<128x128xf32, #tpu.memory_space<vmem_shared>>) target(%arg7 : memref<128x128xf32, #tpu.memory_space<vmem>>) target_semaphore(%run_scoped3A : memref<!tpu.dma_semaphore, #tpu.memory_space<semaphore_mem>>)
      %dma_wait3A_193 = arith.constant 0 : i32
      %dma_wait3A_194 = tpu.memref_slice %arg10[%add3A_114, %dma_wait3A_193] : memref<10240x128xf32, #tpu.memory_space<vmem_shared>> -> memref<128x128xf32, #tpu.memory_space<vmem_shared>>
      %dma_wait3A_195 = arith.constant 0 : i32
      %dma_wait3A_196 = tpu.memref_slice %arg10[%add3A_114, %dma_wait3A_195] : memref<10240x128xf32, #tpu.memory_space<vmem_shared>> -> memref<128x128xf32, #tpu.memory_space<vmem_shared>>
      tpu.wait_dma2 semaphore(%run_scoped3A : memref<!tpu.dma_semaphore, #tpu.memory_space<semaphore_mem>>) src(%dma_wait3A_196 : memref<128x128xf32, #tpu.memory_space<vmem_shared>>) dst(%arg7 : memref<128x128xf32, #tpu.memory_space<vmem>>)
      tpu.yield
    }) : () -> ()
    %mul3A_115 = arith.constant 10240 : i32
    %mul3A_116 = arith.muli %arg0, %mul3A_115 : i32
    %mul3A_117 = arith.constant 640 : i32
    %mul3A_118 = arith.muli %arg1, %mul3A_117 : i32
    %add3A_119 = arith.addi %mul3A_116, %mul3A_118 : i32
    %add3A_120 = arith.constant 384 : i32
    %add3A_121 = arith.addi %add3A_119, %add3A_120 : i32
    %dma_start3A_122 = arith.constant 1 : i32
    %dma_start3A_123 = arith.constant 0 : i32
    %dma_start3A_124 = tpu.memref_slice %arg5[%add3A_121, %dma_start3A_123] : memref<20480x128xf32, #tpu.memory_space<hbm>> -> memref<128x128xf32, #tpu.memory_space<hbm>>
    %dma_start3A_125 = tpu.memref_slice %arg9[%dma_start3A_122] : memref<2x!tpu.dma_semaphore, #tpu.memory_space<semaphore_mem>> -> memref<1x!tpu.dma_semaphore, #tpu.memory_space<semaphore_mem>>
    %dma_start3A_126 = tpu.memref_squeeze %dma_start3A_125 : memref<1x!tpu.dma_semaphore, #tpu.memory_space<semaphore_mem>> -> memref<!tpu.dma_semaphore, #tpu.memory_space<semaphore_mem>>
    %dma_start3A_127 = arith.constant 0 : i32
    %dma_start3A_128 = tpu.memref_slice %arg5[%add3A_121, %dma_start3A_127] : memref<20480x128xf32, #tpu.memory_space<hbm>> -> memref<128x128xf32, #tpu.memory_space<hbm>>
    tpu.enqueue_dma source(%arg7 : memref<128x128xf32, #tpu.memory_space<vmem>>) target(%dma_start3A_128 : memref<128x128xf32, #tpu.memory_space<hbm>>) target_semaphore(%dma_start3A_126 : memref<!tpu.dma_semaphore, #tpu.memory_space<semaphore_mem>>)
    %mul3A_129 = arith.constant 10240 : i32
    %mul3A_130 = arith.muli %arg0, %mul3A_129 : i32
    %mul3A_131 = arith.constant 640 : i32
    %mul3A_132 = arith.muli %arg1, %mul3A_131 : i32
    %add3A_133 = arith.addi %mul3A_130, %mul3A_132 : i32
    %add3A_134 = arith.constant 256 : i32
    %add3A_135 = arith.addi %add3A_133, %add3A_134 : i32
    %dma_wait3A_136 = arith.constant 0 : i32
    %dma_wait3A_137 = arith.constant 0 : i32
    %dma_wait3A_138 = tpu.memref_slice %arg5[%add3A_135, %dma_wait3A_137] : memref<20480x128xf32, #tpu.memory_space<hbm>> -> memref<128x128xf32, #tpu.memory_space<hbm>>
    %dma_wait3A_139 = tpu.memref_slice %arg9[%dma_wait3A_136] : memref<2x!tpu.dma_semaphore, #tpu.memory_space<semaphore_mem>> -> memref<1x!tpu.dma_semaphore, #tpu.memory_space<semaphore_mem>>
    %dma_wait3A_140 = tpu.memref_squeeze %dma_wait3A_139 : memref<1x!tpu.dma_semaphore, #tpu.memory_space<semaphore_mem>> -> memref<!tpu.dma_semaphore, #tpu.memory_space<semaphore_mem>>
    %dma_wait3A_141 = arith.constant 0 : i32
    %dma_wait3A_142 = tpu.memref_slice %arg5[%add3A_135, %dma_wait3A_141] : memref<20480x128xf32, #tpu.memory_space<hbm>> -> memref<128x128xf32, #tpu.memory_space<hbm>>
    tpu.wait_dma2 semaphore(%dma_wait3A_140 : memref<!tpu.dma_semaphore, #tpu.memory_space<semaphore_mem>>) src(%arg8 : memref<128x128xf32, #tpu.memory_space<vmem>>) dst(%dma_wait3A_142 : memref<128x128xf32, #tpu.memory_space<hbm>>)
    %mul3A_143 = arith.constant 640 : i32
    %mul3A_144 = arith.muli %arg1, %mul3A_143 : i32
    %add3A_145 = arith.constant 512 : i32
    %add3A_146 = arith.addi %mul3A_144, %add3A_145 : i32
    "tpu.region"() ({
      %run_scoped3A = tpu.sem_alloc : memref<!tpu.dma_semaphore, #tpu.memory_space<semaphore_mem>>
      %dma_start3A_189 = arith.constant 0 : i32
      %dma_start3A_190 = tpu.memref_slice %arg10[%add3A_146, %dma_start3A_189] : memref<10240x128xf32, #tpu.memory_space<vmem_shared>> -> memref<128x128xf32, #tpu.memory_space<vmem_shared>>
      %dma_start3A_191 = arith.constant 0 : i32
      %dma_start3A_192 = tpu.memref_slice %arg10[%add3A_146, %dma_start3A_191] : memref<10240x128xf32, #tpu.memory_space<vmem_shared>> -> memref<128x128xf32, #tpu.memory_space<vmem_shared>>
      tpu.enqueue_dma source(%dma_start3A_192 : memref<128x128xf32, #tpu.memory_space<vmem_shared>>) target(%arg8 : memref<128x128xf32, #tpu.memory_space<vmem>>) target_semaphore(%run_scoped3A : memref<!tpu.dma_semaphore, #tpu.memory_space<semaphore_mem>>)
      %dma_wait3A_193 = arith.constant 0 : i32
      %dma_wait3A_194 = tpu.memref_slice %arg10[%add3A_146, %dma_wait3A_193] : memref<10240x128xf32, #tpu.memory_space<vmem_shared>> -> memref<128x128xf32, #tpu.memory_space<vmem_shared>>
      %dma_wait3A_195 = arith.constant 0 : i32
      %dma_wait3A_196 = tpu.memref_slice %arg10[%add3A_146, %dma_wait3A_195] : memref<10240x128xf32, #tpu.memory_space<vmem_shared>> -> memref<128x128xf32, #tpu.memory_space<vmem_shared>>
      tpu.wait_dma2 semaphore(%run_scoped3A : memref<!tpu.dma_semaphore, #tpu.memory_space<semaphore_mem>>) src(%dma_wait3A_196 : memref<128x128xf32, #tpu.memory_space<vmem_shared>>) dst(%arg8 : memref<128x128xf32, #tpu.memory_space<vmem>>)
      tpu.yield
    }) : () -> ()
    %mul3A_147 = arith.constant 10240 : i32
    %mul3A_148 = arith.muli %arg0, %mul3A_147 : i32
    %mul3A_149 = arith.constant 640 : i32
    %mul3A_150 = arith.muli %arg1, %mul3A_149 : i32
    %add3A_151 = arith.addi %mul3A_148, %mul3A_150 : i32
    %add3A_152 = arith.constant 512 : i32
    %add3A_153 = arith.addi %add3A_151, %add3A_152 : i32
    %dma_start3A_154 = arith.constant 0 : i32
    %dma_start3A_155 = arith.constant 0 : i32
    %dma_start3A_156 = tpu.memref_slice %arg5[%add3A_153, %dma_start3A_155] : memref<20480x128xf32, #tpu.memory_space<hbm>> -> memref<128x128xf32, #tpu.memory_space<hbm>>
    %dma_start3A_157 = tpu.memref_slice %arg9[%dma_start3A_154] : memref<2x!tpu.dma_semaphore, #tpu.memory_space<semaphore_mem>> -> memref<1x!tpu.dma_semaphore, #tpu.memory_space<semaphore_mem>>
    %dma_start3A_158 = tpu.memref_squeeze %dma_start3A_157 : memref<1x!tpu.dma_semaphore, #tpu.memory_space<semaphore_mem>> -> memref<!tpu.dma_semaphore, #tpu.memory_space<semaphore_mem>>
    %dma_start3A_159 = arith.constant 0 : i32
    %dma_start3A_160 = tpu.memref_slice %arg5[%add3A_153, %dma_start3A_159] : memref<20480x128xf32, #tpu.memory_space<hbm>> -> memref<128x128xf32, #tpu.memory_space<hbm>>
    tpu.enqueue_dma source(%arg8 : memref<128x128xf32, #tpu.memory_space<vmem>>) target(%dma_start3A_160 : memref<128x128xf32, #tpu.memory_space<hbm>>) target_semaphore(%dma_start3A_158 : memref<!tpu.dma_semaphore, #tpu.memory_space<semaphore_mem>>)
    %mul3A_161 = arith.constant 10240 : i32
    %mul3A_162 = arith.muli %arg0, %mul3A_161 : i32
    %mul3A_163 = arith.constant 640 : i32
    %mul3A_164 = arith.muli %arg1, %mul3A_163 : i32
    %add3A_165 = arith.addi %mul3A_162, %mul3A_164 : i32
    %add3A_166 = arith.constant 384 : i32
    %add3A_167 = arith.addi %add3A_165, %add3A_166 : i32
    %dma_wait3A_168 = arith.constant 1 : i32
    %dma_wait3A_169 = arith.constant 0 : i32
    %dma_wait3A_170 = tpu.memref_slice %arg5[%add3A_167, %dma_wait3A_169] : memref<20480x128xf32, #tpu.memory_space<hbm>> -> memref<128x128xf32, #tpu.memory_space<hbm>>
    %dma_wait3A_171 = tpu.memref_slice %arg9[%dma_wait3A_168] : memref<2x!tpu.dma_semaphore, #tpu.memory_space<semaphore_mem>> -> memref<1x!tpu.dma_semaphore, #tpu.memory_space<semaphore_mem>>
    %dma_wait3A_172 = tpu.memref_squeeze %dma_wait3A_171 : memref<1x!tpu.dma_semaphore, #tpu.memory_space<semaphore_mem>> -> memref<!tpu.dma_semaphore, #tpu.memory_space<semaphore_mem>>
    %dma_wait3A_173 = arith.constant 0 : i32
    %dma_wait3A_174 = tpu.memref_slice %arg5[%add3A_167, %dma_wait3A_173] : memref<20480x128xf32, #tpu.memory_space<hbm>> -> memref<128x128xf32, #tpu.memory_space<hbm>>
    tpu.wait_dma2 semaphore(%dma_wait3A_172 : memref<!tpu.dma_semaphore, #tpu.memory_space<semaphore_mem>>) src(%arg7 : memref<128x128xf32, #tpu.memory_space<vmem>>) dst(%dma_wait3A_174 : memref<128x128xf32, #tpu.memory_space<hbm>>)
    %mul3A_175 = arith.constant 10240 : i32
    %mul3A_176 = arith.muli %arg0, %mul3A_175 : i32
    %mul3A_177 = arith.constant 640 : i32
    %mul3A_178 = arith.muli %arg1, %mul3A_177 : i32
    %add3A_179 = arith.addi %mul3A_176, %mul3A_178 : i32
    %add3A_180 = arith.constant 512 : i32
    %add3A_181 = arith.addi %add3A_179, %add3A_180 : i32
    %dma_wait3A_182 = arith.constant 0 : i32
    %dma_wait3A_183 = arith.constant 0 : i32
    %dma_wait3A_184 = tpu.memref_slice %arg5[%add3A_181, %dma_wait3A_183] : memref<20480x128xf32, #tpu.memory_space<hbm>> -> memref<128x128xf32, #tpu.memory_space<hbm>>
    %dma_wait3A_185 = tpu.memref_slice %arg9[%dma_wait3A_182] : memref<2x!tpu.dma_semaphore, #tpu.memory_space<semaphore_mem>> -> memref<1x!tpu.dma_semaphore, #tpu.memory_space<semaphore_mem>>
    %dma_wait3A_186 = tpu.memref_squeeze %dma_wait3A_185 : memref<1x!tpu.dma_semaphore, #tpu.memory_space<semaphore_mem>> -> memref<!tpu.dma_semaphore, #tpu.memory_space<semaphore_mem>>
    %dma_wait3A_187 = arith.constant 0 : i32
    %dma_wait3A_188 = tpu.memref_slice %arg5[%add3A_181, %dma_wait3A_187] : memref<20480x128xf32, #tpu.memory_space<hbm>> -> memref<128x128xf32, #tpu.memory_space<hbm>>
    tpu.wait_dma2 semaphore(%dma_wait3A_186 : memref<!tpu.dma_semaphore, #tpu.memory_space<semaphore_mem>>) src(%arg8 : memref<128x128xf32, #tpu.memory_space<vmem>>) dst(%dma_wait3A_188 : memref<128x128xf32, #tpu.memory_space<hbm>>)
    return
  }
}

#map = affine_map<(d0, d1) -> (0, 0)>
module attributes {stable_mosaic.version = 14 : i64} {
  func.func @_conv_body(%arg0: i32, %arg1: i32, %arg2: memref<10240x128xf32, #tpu.memory_space<hbm>>, %arg3: memref<2560x128xi32, #tpu.memory_space<hbm>>, %arg4: memref<2560x128xi32, #tpu.memory_space<hbm>>, %arg5: memref<640x128xf32, #tpu.memory_space<hbm>>, %arg6: memref<20480x128xf32, #tpu.memory_space<hbm>>, %arg7: memref<3x128xi32, #tpu.memory_space<vmem>>, %arg8: memref<3x128xi32, #tpu.memory_space<vmem>>, %arg9: memref<2x128x128xf32, #tpu.memory_space<vmem>>, %arg10: memref<3x!tpu.dma_semaphore, #tpu.memory_space<semaphore_mem>>, %arg11: memref<3x!tpu.dma_semaphore, #tpu.memory_space<semaphore_mem>>, %arg12: memref<2x!tpu.dma_semaphore, #tpu.memory_space<semaphore_mem>>, %arg13: memref<2x!tpu.dma_semaphore, #tpu.memory_space<semaphore_mem>>, %arg14: memref<10240x128xf32, #tpu.memory_space<vmem_shared>>) attributes {dimension_semantics = [#tpu.dimension_semantics<core_parallel>, #tpu.dimension_semantics<subcore_parallel>], iteration_bounds = array<i64: 2, 16>, scalar_prefetch = 0 : i64, scratch_operands = 8 : i64, tpu.core_type = #tpu.core_type<sc_vector_subcore>, window_params = [{transform_indices = #map}, {transform_indices = #map}, {transform_indices = #map}, {transform_indices = #map}, {transform_indices = #map}]} {
    %eq3A = arith.constant 0 : i32
    %eq3A_0 = arith.cmpi eq, %arg0, %eq3A : i32
    %jit3A = arith.constant 80 : i32
    %jit3A_1 = arith.constant 80 : i32
    %select_n3A = arith.select %eq3A_0, %jit3A, %jit3A_1 : i32
    %eq3A_2 = arith.constant 0 : i32
    %eq3A_3 = arith.cmpi eq, %arg0, %eq3A_2 : i32
    %mul3A = arith.constant 80 : i32
    %mul3A_4 = arith.muli %arg1, %mul3A : i32
    %mul3A_5 = arith.constant 80 : i32
    %mul3A_6 = arith.muli %arg1, %mul3A_5 : i32
    %add3A = arith.constant 1280 : i32
    %add3A_7 = arith.addi %add3A, %mul3A_6 : i32
    %select_n3A_8 = arith.select %eq3A_3, %mul3A_4, %add3A_7 : i32
    %mul3A_9 = arith.constant 640 : i32
    %mul3A_10 = arith.muli %arg1, %mul3A_9 : i32
    "tpu.region"() ({
      %run_scoped3A = tpu.sem_alloc : memref<!tpu.dma_semaphore, #tpu.memory_space<semaphore_mem>>
      %dma_start3A_209 = arith.constant 0 : i32
      %dma_start3A_210 = tpu.memref_slice %arg14[%mul3A_10, %dma_start3A_209] : memref<10240x128xf32, #tpu.memory_space<vmem_shared>> -> memref<640x128xf32, #tpu.memory_space<vmem_shared>>
      tpu.enqueue_dma source(%arg5 : memref<640x128xf32, #tpu.memory_space<hbm>>) target(%dma_start3A_210 : memref<640x128xf32, #tpu.memory_space<vmem_shared>>) target_semaphore(%run_scoped3A : memref<!tpu.dma_semaphore, #tpu.memory_space<semaphore_mem>>)
      %dma_wait3A_211 = arith.constant 0 : i32
      %dma_wait3A_212 = tpu.memref_slice %arg14[%mul3A_10, %dma_wait3A_211] : memref<10240x128xf32, #tpu.memory_space<vmem_shared>> -> memref<640x128xf32, #tpu.memory_space<vmem_shared>>
      tpu.wait_dma2 semaphore(%run_scoped3A : memref<!tpu.dma_semaphore, #tpu.memory_space<semaphore_mem>>) src(%arg5 : memref<640x128xf32, #tpu.memory_space<hbm>>) dst(%dma_wait3A_212 : memref<640x128xf32, #tpu.memory_space<vmem_shared>>)
      tpu.yield
    }) : () -> ()
    %barrier3A = arith.constant 0 : index
    tpu.barrier barrier_id(%barrier3A)
    %rem3A = arith.constant 0 : i32
    %rem3A_11 = arith.constant 3 : i32
    %rem3A_12 = arith.remsi %rem3A, %rem3A_11 : i32
    %add3A_13 = arith.constant 0 : i32
    %add3A_14 = arith.addi %select_n3A_8, %add3A_13 : i32
    %add3A_15 = arith.constant 0 : i32
    %add3A_16 = arith.addi %select_n3A_8, %add3A_15 : i32
    %rem3A_17 = arith.constant 1 : i32
    %rem3A_18 = arith.constant 3 : i32
    %rem3A_19 = arith.remsi %rem3A_17, %rem3A_18 : i32
    %add3A_20 = arith.constant 1 : i32
    %add3A_21 = arith.addi %select_n3A_8, %add3A_20 : i32
    %add3A_22 = arith.constant 1 : i32
    %add3A_23 = arith.addi %select_n3A_8, %add3A_22 : i32
    %dma_start3A = arith.constant 0 : i32
    %dma_start3A_24 = tpu.memref_slice %arg7[%rem3A_12, %dma_start3A] : memref<3x128xi32, #tpu.memory_space<vmem>> -> memref<1x128xi32, #tpu.memory_space<vmem>>
    %dma_start3A_25 = tpu.memref_squeeze %dma_start3A_24 : memref<1x128xi32, #tpu.memory_space<vmem>> -> memref<128xi32, #tpu.memory_space<vmem>>
    %dma_start3A_26 = arith.constant 0 : i32
    %dma_start3A_27 = tpu.memref_slice %arg3[%add3A_14, %dma_start3A_26] : memref<2560x128xi32, #tpu.memory_space<hbm>> -> memref<1x128xi32, #tpu.memory_space<hbm>>
    %dma_start3A_28 = tpu.memref_squeeze %dma_start3A_27 : memref<1x128xi32, #tpu.memory_space<hbm>> -> memref<128xi32, #tpu.memory_space<hbm>>
    %dma_start3A_29 = tpu.memref_slice %arg10[%rem3A_12] : memref<3x!tpu.dma_semaphore, #tpu.memory_space<semaphore_mem>> -> memref<1x!tpu.dma_semaphore, #tpu.memory_space<semaphore_mem>>
    %dma_start3A_30 = tpu.memref_squeeze %dma_start3A_29 : memref<1x!tpu.dma_semaphore, #tpu.memory_space<semaphore_mem>> -> memref<!tpu.dma_semaphore, #tpu.memory_space<semaphore_mem>>
    %dma_start3A_31 = arith.constant 0 : i32
    %dma_start3A_32 = tpu.memref_slice %arg7[%rem3A_12, %dma_start3A_31] : memref<3x128xi32, #tpu.memory_space<vmem>> -> memref<1x128xi32, #tpu.memory_space<vmem>>
    %dma_start3A_33 = tpu.memref_squeeze %dma_start3A_32 : memref<1x128xi32, #tpu.memory_space<vmem>> -> memref<128xi32, #tpu.memory_space<vmem>>
    %dma_start3A_34 = arith.constant 0 : i32
    %dma_start3A_35 = tpu.memref_slice %arg3[%add3A_14, %dma_start3A_34] : memref<2560x128xi32, #tpu.memory_space<hbm>> -> memref<1x128xi32, #tpu.memory_space<hbm>>
    %dma_start3A_36 = tpu.memref_squeeze %dma_start3A_35 : memref<1x128xi32, #tpu.memory_space<hbm>> -> memref<128xi32, #tpu.memory_space<hbm>>
    tpu.enqueue_dma source(%dma_start3A_36 : memref<128xi32, #tpu.memory_space<hbm>>) target(%dma_start3A_33 : memref<128xi32, #tpu.memory_space<vmem>>) target_semaphore(%dma_start3A_30 : memref<!tpu.dma_semaphore, #tpu.memory_space<semaphore_mem>>)
    %dma_start3A_37 = arith.constant 0 : i32
    %dma_start3A_38 = tpu.memref_slice %arg8[%rem3A_12, %dma_start3A_37] : memref<3x128xi32, #tpu.memory_space<vmem>> -> memref<1x128xi32, #tpu.memory_space<vmem>>
    %dma_start3A_39 = tpu.memref_squeeze %dma_start3A_38 : memref<1x128xi32, #tpu.memory_space<vmem>> -> memref<128xi32, #tpu.memory_space<vmem>>
    %dma_start3A_40 = arith.constant 0 : i32
    %dma_start3A_41 = tpu.memref_slice %arg4[%add3A_16, %dma_start3A_40] : memref<2560x128xi32, #tpu.memory_space<hbm>> -> memref<1x128xi32, #tpu.memory_space<hbm>>
    %dma_start3A_42 = tpu.memref_squeeze %dma_start3A_41 : memref<1x128xi32, #tpu.memory_space<hbm>> -> memref<128xi32, #tpu.memory_space<hbm>>
    %dma_start3A_43 = tpu.memref_slice %arg11[%rem3A_12] : memref<3x!tpu.dma_semaphore, #tpu.memory_space<semaphore_mem>> -> memref<1x!tpu.dma_semaphore, #tpu.memory_space<semaphore_mem>>
    %dma_start3A_44 = tpu.memref_squeeze %dma_start3A_43 : memref<1x!tpu.dma_semaphore, #tpu.memory_space<semaphore_mem>> -> memref<!tpu.dma_semaphore, #tpu.memory_space<semaphore_mem>>
    %dma_start3A_45 = arith.constant 0 : i32
    %dma_start3A_46 = tpu.memref_slice %arg8[%rem3A_12, %dma_start3A_45] : memref<3x128xi32, #tpu.memory_space<vmem>> -> memref<1x128xi32, #tpu.memory_space<vmem>>
    %dma_start3A_47 = tpu.memref_squeeze %dma_start3A_46 : memref<1x128xi32, #tpu.memory_space<vmem>> -> memref<128xi32, #tpu.memory_space<vmem>>
    %dma_start3A_48 = arith.constant 0 : i32
    %dma_start3A_49 = tpu.memref_slice %arg4[%add3A_16, %dma_start3A_48] : memref<2560x128xi32, #tpu.memory_space<hbm>> -> memref<1x128xi32, #tpu.memory_space<hbm>>
    %dma_start3A_50 = tpu.memref_squeeze %dma_start3A_49 : memref<1x128xi32, #tpu.memory_space<hbm>> -> memref<128xi32, #tpu.memory_space<hbm>>
    tpu.enqueue_dma source(%dma_start3A_50 : memref<128xi32, #tpu.memory_space<hbm>>) target(%dma_start3A_47 : memref<128xi32, #tpu.memory_space<vmem>>) target_semaphore(%dma_start3A_44 : memref<!tpu.dma_semaphore, #tpu.memory_space<semaphore_mem>>)
    %dma_start3A_51 = arith.constant 0 : i32
    %dma_start3A_52 = tpu.memref_slice %arg7[%rem3A_19, %dma_start3A_51] : memref<3x128xi32, #tpu.memory_space<vmem>> -> memref<1x128xi32, #tpu.memory_space<vmem>>
    %dma_start3A_53 = tpu.memref_squeeze %dma_start3A_52 : memref<1x128xi32, #tpu.memory_space<vmem>> -> memref<128xi32, #tpu.memory_space<vmem>>
    %dma_start3A_54 = arith.constant 0 : i32
    %dma_start3A_55 = tpu.memref_slice %arg3[%add3A_21, %dma_start3A_54] : memref<2560x128xi32, #tpu.memory_space<hbm>> -> memref<1x128xi32, #tpu.memory_space<hbm>>
    %dma_start3A_56 = tpu.memref_squeeze %dma_start3A_55 : memref<1x128xi32, #tpu.memory_space<hbm>> -> memref<128xi32, #tpu.memory_space<hbm>>
    %dma_start3A_57 = tpu.memref_slice %arg10[%rem3A_19] : memref<3x!tpu.dma_semaphore, #tpu.memory_space<semaphore_mem>> -> memref<1x!tpu.dma_semaphore, #tpu.memory_space<semaphore_mem>>
    %dma_start3A_58 = tpu.memref_squeeze %dma_start3A_57 : memref<1x!tpu.dma_semaphore, #tpu.memory_space<semaphore_mem>> -> memref<!tpu.dma_semaphore, #tpu.memory_space<semaphore_mem>>
    %dma_start3A_59 = arith.constant 0 : i32
    %dma_start3A_60 = tpu.memref_slice %arg7[%rem3A_19, %dma_start3A_59] : memref<3x128xi32, #tpu.memory_space<vmem>> -> memref<1x128xi32, #tpu.memory_space<vmem>>
    %dma_start3A_61 = tpu.memref_squeeze %dma_start3A_60 : memref<1x128xi32, #tpu.memory_space<vmem>> -> memref<128xi32, #tpu.memory_space<vmem>>
    %dma_start3A_62 = arith.constant 0 : i32
    %dma_start3A_63 = tpu.memref_slice %arg3[%add3A_21, %dma_start3A_62] : memref<2560x128xi32, #tpu.memory_space<hbm>> -> memref<1x128xi32, #tpu.memory_space<hbm>>
    %dma_start3A_64 = tpu.memref_squeeze %dma_start3A_63 : memref<1x128xi32, #tpu.memory_space<hbm>> -> memref<128xi32, #tpu.memory_space<hbm>>
    tpu.enqueue_dma source(%dma_start3A_64 : memref<128xi32, #tpu.memory_space<hbm>>) target(%dma_start3A_61 : memref<128xi32, #tpu.memory_space<vmem>>) target_semaphore(%dma_start3A_58 : memref<!tpu.dma_semaphore, #tpu.memory_space<semaphore_mem>>)
    %dma_start3A_65 = arith.constant 0 : i32
    %dma_start3A_66 = tpu.memref_slice %arg8[%rem3A_19, %dma_start3A_65] : memref<3x128xi32, #tpu.memory_space<vmem>> -> memref<1x128xi32, #tpu.memory_space<vmem>>
    %dma_start3A_67 = tpu.memref_squeeze %dma_start3A_66 : memref<1x128xi32, #tpu.memory_space<vmem>> -> memref<128xi32, #tpu.memory_space<vmem>>
    %dma_start3A_68 = arith.constant 0 : i32
    %dma_start3A_69 = tpu.memref_slice %arg4[%add3A_23, %dma_start3A_68] : memref<2560x128xi32, #tpu.memory_space<hbm>> -> memref<1x128xi32, #tpu.memory_space<hbm>>
    %dma_start3A_70 = tpu.memref_squeeze %dma_start3A_69 : memref<1x128xi32, #tpu.memory_space<hbm>> -> memref<128xi32, #tpu.memory_space<hbm>>
    %dma_start3A_71 = tpu.memref_slice %arg11[%rem3A_19] : memref<3x!tpu.dma_semaphore, #tpu.memory_space<semaphore_mem>> -> memref<1x!tpu.dma_semaphore, #tpu.memory_space<semaphore_mem>>
    %dma_start3A_72 = tpu.memref_squeeze %dma_start3A_71 : memref<1x!tpu.dma_semaphore, #tpu.memory_space<semaphore_mem>> -> memref<!tpu.dma_semaphore, #tpu.memory_space<semaphore_mem>>
    %dma_start3A_73 = arith.constant 0 : i32
    %dma_start3A_74 = tpu.memref_slice %arg8[%rem3A_19, %dma_start3A_73] : memref<3x128xi32, #tpu.memory_space<vmem>> -> memref<1x128xi32, #tpu.memory_space<vmem>>
    %dma_start3A_75 = tpu.memref_squeeze %dma_start3A_74 : memref<1x128xi32, #tpu.memory_space<vmem>> -> memref<128xi32, #tpu.memory_space<vmem>>
    %dma_start3A_76 = arith.constant 0 : i32
    %dma_start3A_77 = tpu.memref_slice %arg4[%add3A_23, %dma_start3A_76] : memref<2560x128xi32, #tpu.memory_space<hbm>> -> memref<1x128xi32, #tpu.memory_space<hbm>>
    %dma_start3A_78 = tpu.memref_squeeze %dma_start3A_77 : memref<1x128xi32, #tpu.memory_space<hbm>> -> memref<128xi32, #tpu.memory_space<hbm>>
    tpu.enqueue_dma source(%dma_start3A_78 : memref<128xi32, #tpu.memory_space<hbm>>) target(%dma_start3A_75 : memref<128xi32, #tpu.memory_space<vmem>>) target_semaphore(%dma_start3A_72 : memref<!tpu.dma_semaphore, #tpu.memory_space<semaphore_mem>>)
    %rem3A_79 = arith.constant 0 : i32
    %rem3A_80 = arith.constant 3 : i32
    %rem3A_81 = arith.remsi %rem3A_79, %rem3A_80 : i32
    %add3A_82 = arith.constant 0 : i32
    %add3A_83 = arith.addi %select_n3A_8, %add3A_82 : i32
    %add3A_84 = arith.constant 0 : i32
    %add3A_85 = arith.addi %select_n3A_8, %add3A_84 : i32
    %dma_wait3A = arith.constant 0 : i32
    %dma_wait3A_86 = tpu.memref_slice %arg7[%rem3A_81, %dma_wait3A] : memref<3x128xi32, #tpu.memory_space<vmem>> -> memref<1x128xi32, #tpu.memory_space<vmem>>
    %dma_wait3A_87 = tpu.memref_squeeze %dma_wait3A_86 : memref<1x128xi32, #tpu.memory_space<vmem>> -> memref<128xi32, #tpu.memory_space<vmem>>
    %dma_wait3A_88 = arith.constant 0 : i32
    %dma_wait3A_89 = tpu.memref_slice %arg3[%add3A_83, %dma_wait3A_88] : memref<2560x128xi32, #tpu.memory_space<hbm>> -> memref<1x128xi32, #tpu.memory_space<hbm>>
    %dma_wait3A_90 = tpu.memref_squeeze %dma_wait3A_89 : memref<1x128xi32, #tpu.memory_space<hbm>> -> memref<128xi32, #tpu.memory_space<hbm>>
    %dma_wait3A_91 = tpu.memref_slice %arg10[%rem3A_81] : memref<3x!tpu.dma_semaphore, #tpu.memory_space<semaphore_mem>> -> memref<1x!tpu.dma_semaphore, #tpu.memory_space<semaphore_mem>>
    %dma_wait3A_92 = tpu.memref_squeeze %dma_wait3A_91 : memref<1x!tpu.dma_semaphore, #tpu.memory_space<semaphore_mem>> -> memref<!tpu.dma_semaphore, #tpu.memory_space<semaphore_mem>>
    %dma_wait3A_93 = arith.constant 0 : i32
    %dma_wait3A_94 = tpu.memref_slice %arg7[%rem3A_81, %dma_wait3A_93] : memref<3x128xi32, #tpu.memory_space<vmem>> -> memref<1x128xi32, #tpu.memory_space<vmem>>
    %dma_wait3A_95 = tpu.memref_squeeze %dma_wait3A_94 : memref<1x128xi32, #tpu.memory_space<vmem>> -> memref<128xi32, #tpu.memory_space<vmem>>
    %dma_wait3A_96 = arith.constant 0 : i32
    %dma_wait3A_97 = tpu.memref_slice %arg3[%add3A_83, %dma_wait3A_96] : memref<2560x128xi32, #tpu.memory_space<hbm>> -> memref<1x128xi32, #tpu.memory_space<hbm>>
    %dma_wait3A_98 = tpu.memref_squeeze %dma_wait3A_97 : memref<1x128xi32, #tpu.memory_space<hbm>> -> memref<128xi32, #tpu.memory_space<hbm>>
    tpu.wait_dma2 semaphore(%dma_wait3A_92 : memref<!tpu.dma_semaphore, #tpu.memory_space<semaphore_mem>>) src(%dma_wait3A_98 : memref<128xi32, #tpu.memory_space<hbm>>) dst(%dma_wait3A_95 : memref<128xi32, #tpu.memory_space<vmem>>)
    %dma_wait3A_99 = arith.constant 0 : i32
    %dma_wait3A_100 = tpu.memref_slice %arg8[%rem3A_81, %dma_wait3A_99] : memref<3x128xi32, #tpu.memory_space<vmem>> -> memref<1x128xi32, #tpu.memory_space<vmem>>
    %dma_wait3A_101 = tpu.memref_squeeze %dma_wait3A_100 : memref<1x128xi32, #tpu.memory_space<vmem>> -> memref<128xi32, #tpu.memory_space<vmem>>
    %dma_wait3A_102 = arith.constant 0 : i32
    %dma_wait3A_103 = tpu.memref_slice %arg4[%add3A_85, %dma_wait3A_102] : memref<2560x128xi32, #tpu.memory_space<hbm>> -> memref<1x128xi32, #tpu.memory_space<hbm>>
    %dma_wait3A_104 = tpu.memref_squeeze %dma_wait3A_103 : memref<1x128xi32, #tpu.memory_space<hbm>> -> memref<128xi32, #tpu.memory_space<hbm>>
    %dma_wait3A_105 = tpu.memref_slice %arg11[%rem3A_81] : memref<3x!tpu.dma_semaphore, #tpu.memory_space<semaphore_mem>> -> memref<1x!tpu.dma_semaphore, #tpu.memory_space<semaphore_mem>>
    %dma_wait3A_106 = tpu.memref_squeeze %dma_wait3A_105 : memref<1x!tpu.dma_semaphore, #tpu.memory_space<semaphore_mem>> -> memref<!tpu.dma_semaphore, #tpu.memory_space<semaphore_mem>>
    %dma_wait3A_107 = arith.constant 0 : i32
    %dma_wait3A_108 = tpu.memref_slice %arg8[%rem3A_81, %dma_wait3A_107] : memref<3x128xi32, #tpu.memory_space<vmem>> -> memref<1x128xi32, #tpu.memory_space<vmem>>
    %dma_wait3A_109 = tpu.memref_squeeze %dma_wait3A_108 : memref<1x128xi32, #tpu.memory_space<vmem>> -> memref<128xi32, #tpu.memory_space<vmem>>
    %dma_wait3A_110 = arith.constant 0 : i32
    %dma_wait3A_111 = tpu.memref_slice %arg4[%add3A_85, %dma_wait3A_110] : memref<2560x128xi32, #tpu.memory_space<hbm>> -> memref<1x128xi32, #tpu.memory_space<hbm>>
    %dma_wait3A_112 = tpu.memref_squeeze %dma_wait3A_111 : memref<1x128xi32, #tpu.memory_space<hbm>> -> memref<128xi32, #tpu.memory_space<hbm>>
    tpu.wait_dma2 semaphore(%dma_wait3A_106 : memref<!tpu.dma_semaphore, #tpu.memory_space<semaphore_mem>>) src(%dma_wait3A_112 : memref<128xi32, #tpu.memory_space<hbm>>) dst(%dma_wait3A_109 : memref<128xi32, #tpu.memory_space<vmem>>)
    %rem3A_113 = arith.constant 0 : i32
    %rem3A_114 = arith.constant 2 : i32
    %rem3A_115 = arith.remsi %rem3A_113, %rem3A_114 : i32
    %rem3A_116 = arith.constant 0 : i32
    %rem3A_117 = arith.constant 3 : i32
    %rem3A_118 = arith.remsi %rem3A_116, %rem3A_117 : i32
    %dma_start3A_119 = arith.constant 0 : i32
    %dma_start3A_120 = arith.constant 0 : i32
    %dma_start3A_121 = tpu.memref_slice %arg9[%rem3A_115, %dma_start3A_119, %dma_start3A_120] : memref<2x128x128xf32, #tpu.memory_space<vmem>> -> memref<1x128x128xf32, #tpu.memory_space<vmem>>
    %dma_start3A_122 = tpu.memref_squeeze %dma_start3A_121 : memref<1x128x128xf32, #tpu.memory_space<vmem>> -> memref<128x128xf32, #tpu.memory_space<vmem>>
    %dma_start3A_123 = arith.constant 0 : i32
    %dma_start3A_124 = tpu.memref_slice %arg7[%rem3A_118, %dma_start3A_123] : memref<3x128xi32, #tpu.memory_space<vmem>> -> memref<1x128xi32, #tpu.memory_space<vmem>>
    %dma_start3A_125 = tpu.memref_squeeze %dma_start3A_124 : memref<1x128xi32, #tpu.memory_space<vmem>> -> memref<128xi32, #tpu.memory_space<vmem>>
    %dma_start3A_126 = arith.constant 0 : i32
    %dma_start3A_127 = arith.constant 0 : i32
    %dma_start3A_128 = tpu.memref_slice %arg2[%dma_start3A_126, %dma_start3A_127] : memref<10240x128xf32, #tpu.memory_space<hbm>> -> memref<10240x128xf32, #tpu.memory_space<hbm>>
    %dma_start3A_129 = tpu.memref_slice %arg12[%rem3A_115] : memref<2x!tpu.dma_semaphore, #tpu.memory_space<semaphore_mem>> -> memref<1x!tpu.dma_semaphore, #tpu.memory_space<semaphore_mem>>
    %dma_start3A_130 = tpu.memref_squeeze %dma_start3A_129 : memref<1x!tpu.dma_semaphore, #tpu.memory_space<semaphore_mem>> -> memref<!tpu.dma_semaphore, #tpu.memory_space<semaphore_mem>>
    tpu.enqueue_indirect_dma source(%dma_start3A_128 : memref<10240x128xf32, #tpu.memory_space<hbm>>) target(%dma_start3A_122 : memref<128x128xf32, #tpu.memory_space<vmem>>) offsets(%dma_start3A_125 : memref<128xi32, #tpu.memory_space<vmem>>) semaphore(%dma_start3A_130 : memref<!tpu.dma_semaphore, #tpu.memory_space<semaphore_mem>>)
    %while3A = arith.constant 0 : i32
    %while3A_131 = arith.constant 0 : i32
    %while3A_132 = arith.subi %select_n3A, %while3A_131 : i32
    %while3A_133 = arith.addi %while3A_131, %while3A_132 : i32
    %while3A_134 = arith.constant 1 : i32
    %while3A_135 = arith.divsi %while3A_132, %while3A_134 : i32
    %while3A_136 = arith.muli %while3A_135, %while3A_134 : i32
    %while3A_137 = arith.addi %while3A_131, %while3A_136 : i32
    %while3A_138 = arith.constant 1 : i32
    scf.for %while3A_209 = %while3A_131 to %while3A_137 step %while3A_138  : i32 {
      %ge3A = arith.constant 1 : i32
      %ge3A_210 = arith.cmpi sge, %while3A_209, %ge3A : i32
      %convert_element_type3A = arith.extui %ge3A_210 : i1 to i32
      %cond3A = arith.constant 0 : i32
      %cond3A_211 = arith.cmpi ne, %convert_element_type3A, %cond3A : i32
      scf.if %cond3A_211 {
        %sub3A_255 = arith.constant 1 : i32
        %sub3A_256 = arith.subi %while3A_209, %sub3A_255 : i32
        %rem3A_257 = arith.constant 2 : i32
        %rem3A_258 = arith.remsi %sub3A_256, %rem3A_257 : i32
        %rem3A_259 = arith.constant 3 : i32
        %rem3A_260 = arith.remsi %sub3A_256, %rem3A_259 : i32
        %dma_wait3A_261 = arith.constant 0 : i32
        %dma_wait3A_262 = arith.constant 0 : i32
        %dma_wait3A_263 = tpu.memref_slice %arg9[%rem3A_258, %dma_wait3A_261, %dma_wait3A_262] : memref<2x128x128xf32, #tpu.memory_space<vmem>> -> memref<1x128x128xf32, #tpu.memory_space<vmem>>
        %dma_wait3A_264 = tpu.memref_squeeze %dma_wait3A_263 : memref<1x128x128xf32, #tpu.memory_space<vmem>> -> memref<128x128xf32, #tpu.memory_space<vmem>>
        %dma_wait3A_265 = arith.constant 0 : i32
        %dma_wait3A_266 = tpu.memref_slice %arg8[%rem3A_260, %dma_wait3A_265] : memref<3x128xi32, #tpu.memory_space<vmem>> -> memref<1x128xi32, #tpu.memory_space<vmem>>
        %dma_wait3A_267 = tpu.memref_squeeze %dma_wait3A_266 : memref<1x128xi32, #tpu.memory_space<vmem>> -> memref<128xi32, #tpu.memory_space<vmem>>
        %dma_wait3A_268 = arith.constant 0 : i32
        %dma_wait3A_269 = arith.constant 0 : i32
        %dma_wait3A_270 = tpu.memref_slice %arg14[%dma_wait3A_268, %dma_wait3A_269] : memref<10240x128xf32, #tpu.memory_space<vmem_shared>> -> memref<10240x128xf32, #tpu.memory_space<vmem_shared>>
        %dma_wait3A_271 = tpu.memref_slice %arg13[%rem3A_258] : memref<2x!tpu.dma_semaphore, #tpu.memory_space<semaphore_mem>> -> memref<1x!tpu.dma_semaphore, #tpu.memory_space<semaphore_mem>>
        %dma_wait3A_272 = tpu.memref_squeeze %dma_wait3A_271 : memref<1x!tpu.dma_semaphore, #tpu.memory_space<semaphore_mem>> -> memref<!tpu.dma_semaphore, #tpu.memory_space<semaphore_mem>>
        tpu.wait_indirect_dma semaphore(%dma_wait3A_272 : memref<!tpu.dma_semaphore, #tpu.memory_space<semaphore_mem>>) src(%dma_wait3A_264 : memref<128x128xf32, #tpu.memory_space<vmem>>) dst(%dma_wait3A_270 : memref<10240x128xf32, #tpu.memory_space<vmem_shared>>)
      } else {
      }
      %add3A_212 = arith.constant 2 : i32
      %add3A_213 = arith.addi %while3A_209, %add3A_212 : i32
      %lt3A = arith.cmpi slt, %add3A_213, %select_n3A : i32
      %convert_element_type3A_214 = arith.extui %lt3A : i1 to i32
      %cond3A_215 = arith.constant 0 : i32
      %cond3A_216 = arith.cmpi ne, %convert_element_type3A_214, %cond3A_215 : i32
      scf.if %cond3A_216 {
        %add3A_255 = arith.constant 2 : i32
        %add3A_256 = arith.addi %while3A_209, %add3A_255 : i32
        %rem3A_257 = arith.constant 3 : i32
        %rem3A_258 = arith.remsi %add3A_256, %rem3A_257 : i32
        %add3A_259 = arith.addi %select_n3A_8, %add3A_256 : i32
        %add3A_260 = arith.addi %select_n3A_8, %add3A_256 : i32
        %dma_start3A_261 = arith.constant 0 : i32
        %dma_start3A_262 = tpu.memref_slice %arg7[%rem3A_258, %dma_start3A_261] : memref<3x128xi32, #tpu.memory_space<vmem>> -> memref<1x128xi32, #tpu.memory_space<vmem>>
        %dma_start3A_263 = tpu.memref_squeeze %dma_start3A_262 : memref<1x128xi32, #tpu.memory_space<vmem>> -> memref<128xi32, #tpu.memory_space<vmem>>
        %dma_start3A_264 = arith.constant 0 : i32
        %dma_start3A_265 = tpu.memref_slice %arg3[%add3A_259, %dma_start3A_264] : memref<2560x128xi32, #tpu.memory_space<hbm>> -> memref<1x128xi32, #tpu.memory_space<hbm>>
        %dma_start3A_266 = tpu.memref_squeeze %dma_start3A_265 : memref<1x128xi32, #tpu.memory_space<hbm>> -> memref<128xi32, #tpu.memory_space<hbm>>
        %dma_start3A_267 = tpu.memref_slice %arg10[%rem3A_258] : memref<3x!tpu.dma_semaphore, #tpu.memory_space<semaphore_mem>> -> memref<1x!tpu.dma_semaphore, #tpu.memory_space<semaphore_mem>>
        %dma_start3A_268 = tpu.memref_squeeze %dma_start3A_267 : memref<1x!tpu.dma_semaphore, #tpu.memory_space<semaphore_mem>> -> memref<!tpu.dma_semaphore, #tpu.memory_space<semaphore_mem>>
        %dma_start3A_269 = arith.constant 0 : i32
        %dma_start3A_270 = tpu.memref_slice %arg7[%rem3A_258, %dma_start3A_269] : memref<3x128xi32, #tpu.memory_space<vmem>> -> memref<1x128xi32, #tpu.memory_space<vmem>>
        %dma_start3A_271 = tpu.memref_squeeze %dma_start3A_270 : memref<1x128xi32, #tpu.memory_space<vmem>> -> memref<128xi32, #tpu.memory_space<vmem>>
        %dma_start3A_272 = arith.constant 0 : i32
        %dma_start3A_273 = tpu.memref_slice %arg3[%add3A_259, %dma_start3A_272] : memref<2560x128xi32, #tpu.memory_space<hbm>> -> memref<1x128xi32, #tpu.memory_space<hbm>>
        %dma_start3A_274 = tpu.memref_squeeze %dma_start3A_273 : memref<1x128xi32, #tpu.memory_space<hbm>> -> memref<128xi32, #tpu.memory_space<hbm>>
        tpu.enqueue_dma source(%dma_start3A_274 : memref<128xi32, #tpu.memory_space<hbm>>) target(%dma_start3A_271 : memref<128xi32, #tpu.memory_space<vmem>>) target_semaphore(%dma_start3A_268 : memref<!tpu.dma_semaphore, #tpu.memory_space<semaphore_mem>>)
        %dma_start3A_275 = arith.constant 0 : i32
        %dma_start3A_276 = tpu.memref_slice %arg8[%rem3A_258, %dma_start3A_275] : memref<3x128xi32, #tpu.memory_space<vmem>> -> memref<1x128xi32, #tpu.memory_space<vmem>>
        %dma_start3A_277 = tpu.memref_squeeze %dma_start3A_276 : memref<1x128xi32, #tpu.memory_space<vmem>> -> memref<128xi32, #tpu.memory_space<vmem>>
        %dma_start3A_278 = arith.constant 0 : i32
        %dma_start3A_279 = tpu.memref_slice %arg4[%add3A_260, %dma_start3A_278] : memref<2560x128xi32, #tpu.memory_space<hbm>> -> memref<1x128xi32, #tpu.memory_space<hbm>>
        %dma_start3A_280 = tpu.memref_squeeze %dma_start3A_279 : memref<1x128xi32, #tpu.memory_space<hbm>> -> memref<128xi32, #tpu.memory_space<hbm>>
        %dma_start3A_281 = tpu.memref_slice %arg11[%rem3A_258] : memref<3x!tpu.dma_semaphore, #tpu.memory_space<semaphore_mem>> -> memref<1x!tpu.dma_semaphore, #tpu.memory_space<semaphore_mem>>
        %dma_start3A_282 = tpu.memref_squeeze %dma_start3A_281 : memref<1x!tpu.dma_semaphore, #tpu.memory_space<semaphore_mem>> -> memref<!tpu.dma_semaphore, #tpu.memory_space<semaphore_mem>>
        %dma_start3A_283 = arith.constant 0 : i32
        %dma_start3A_284 = tpu.memref_slice %arg8[%rem3A_258, %dma_start3A_283] : memref<3x128xi32, #tpu.memory_space<vmem>> -> memref<1x128xi32, #tpu.memory_space<vmem>>
        %dma_start3A_285 = tpu.memref_squeeze %dma_start3A_284 : memref<1x128xi32, #tpu.memory_space<vmem>> -> memref<128xi32, #tpu.memory_space<vmem>>
        %dma_start3A_286 = arith.constant 0 : i32
        %dma_start3A_287 = tpu.memref_slice %arg4[%add3A_260, %dma_start3A_286] : memref<2560x128xi32, #tpu.memory_space<hbm>> -> memref<1x128xi32, #tpu.memory_space<hbm>>
        %dma_start3A_288 = tpu.memref_squeeze %dma_start3A_287 : memref<1x128xi32, #tpu.memory_space<hbm>> -> memref<128xi32, #tpu.memory_space<hbm>>
        tpu.enqueue_dma source(%dma_start3A_288 : memref<128xi32, #tpu.memory_space<hbm>>) target(%dma_start3A_285 : memref<128xi32, #tpu.memory_space<vmem>>) target_semaphore(%dma_start3A_282 : memref<!tpu.dma_semaphore, #tpu.memory_space<semaphore_mem>>)
      } else {
      }
      %add3A_217 = arith.constant 1 : i32
      %add3A_218 = arith.addi %while3A_209, %add3A_217 : i32
      %lt3A_219 = arith.cmpi slt, %add3A_218, %select_n3A : i32
      %convert_element_type3A_220 = arith.extui %lt3A_219 : i1 to i32
      %cond3A_221 = arith.constant 0 : i32
      %cond3A_222 = arith.cmpi ne, %convert_element_type3A_220, %cond3A_221 : i32
      scf.if %cond3A_222 {
        %add3A_255 = arith.constant 1 : i32
        %add3A_256 = arith.addi %while3A_209, %add3A_255 : i32
        %rem3A_257 = arith.constant 3 : i32
        %rem3A_258 = arith.remsi %add3A_256, %rem3A_257 : i32
        %add3A_259 = arith.addi %select_n3A_8, %add3A_256 : i32
        %add3A_260 = arith.addi %select_n3A_8, %add3A_256 : i32
        %dma_wait3A_261 = arith.constant 0 : i32
        %dma_wait3A_262 = tpu.memref_slice %arg7[%rem3A_258, %dma_wait3A_261] : memref<3x128xi32, #tpu.memory_space<vmem>> -> memref<1x128xi32, #tpu.memory_space<vmem>>
        %dma_wait3A_263 = tpu.memref_squeeze %dma_wait3A_262 : memref<1x128xi32, #tpu.memory_space<vmem>> -> memref<128xi32, #tpu.memory_space<vmem>>
        %dma_wait3A_264 = arith.constant 0 : i32
        %dma_wait3A_265 = tpu.memref_slice %arg3[%add3A_259, %dma_wait3A_264] : memref<2560x128xi32, #tpu.memory_space<hbm>> -> memref<1x128xi32, #tpu.memory_space<hbm>>
        %dma_wait3A_266 = tpu.memref_squeeze %dma_wait3A_265 : memref<1x128xi32, #tpu.memory_space<hbm>> -> memref<128xi32, #tpu.memory_space<hbm>>
        %dma_wait3A_267 = tpu.memref_slice %arg10[%rem3A_258] : memref<3x!tpu.dma_semaphore, #tpu.memory_space<semaphore_mem>> -> memref<1x!tpu.dma_semaphore, #tpu.memory_space<semaphore_mem>>
        %dma_wait3A_268 = tpu.memref_squeeze %dma_wait3A_267 : memref<1x!tpu.dma_semaphore, #tpu.memory_space<semaphore_mem>> -> memref<!tpu.dma_semaphore, #tpu.memory_space<semaphore_mem>>
        %dma_wait3A_269 = arith.constant 0 : i32
        %dma_wait3A_270 = tpu.memref_slice %arg7[%rem3A_258, %dma_wait3A_269] : memref<3x128xi32, #tpu.memory_space<vmem>> -> memref<1x128xi32, #tpu.memory_space<vmem>>
        %dma_wait3A_271 = tpu.memref_squeeze %dma_wait3A_270 : memref<1x128xi32, #tpu.memory_space<vmem>> -> memref<128xi32, #tpu.memory_space<vmem>>
        %dma_wait3A_272 = arith.constant 0 : i32
        %dma_wait3A_273 = tpu.memref_slice %arg3[%add3A_259, %dma_wait3A_272] : memref<2560x128xi32, #tpu.memory_space<hbm>> -> memref<1x128xi32, #tpu.memory_space<hbm>>
        %dma_wait3A_274 = tpu.memref_squeeze %dma_wait3A_273 : memref<1x128xi32, #tpu.memory_space<hbm>> -> memref<128xi32, #tpu.memory_space<hbm>>
        tpu.wait_dma2 semaphore(%dma_wait3A_268 : memref<!tpu.dma_semaphore, #tpu.memory_space<semaphore_mem>>) src(%dma_wait3A_274 : memref<128xi32, #tpu.memory_space<hbm>>) dst(%dma_wait3A_271 : memref<128xi32, #tpu.memory_space<vmem>>)
        %dma_wait3A_275 = arith.constant 0 : i32
        %dma_wait3A_276 = tpu.memref_slice %arg8[%rem3A_258, %dma_wait3A_275] : memref<3x128xi32, #tpu.memory_space<vmem>> -> memref<1x128xi32, #tpu.memory_space<vmem>>
        %dma_wait3A_277 = tpu.memref_squeeze %dma_wait3A_276 : memref<1x128xi32, #tpu.memory_space<vmem>> -> memref<128xi32, #tpu.memory_space<vmem>>
        %dma_wait3A_278 = arith.constant 0 : i32
        %dma_wait3A_279 = tpu.memref_slice %arg4[%add3A_260, %dma_wait3A_278] : memref<2560x128xi32, #tpu.memory_space<hbm>> -> memref<1x128xi32, #tpu.memory_space<hbm>>
        %dma_wait3A_280 = tpu.memref_squeeze %dma_wait3A_279 : memref<1x128xi32, #tpu.memory_space<hbm>> -> memref<128xi32, #tpu.memory_space<hbm>>
        %dma_wait3A_281 = tpu.memref_slice %arg11[%rem3A_258] : memref<3x!tpu.dma_semaphore, #tpu.memory_space<semaphore_mem>> -> memref<1x!tpu.dma_semaphore, #tpu.memory_space<semaphore_mem>>
        %dma_wait3A_282 = tpu.memref_squeeze %dma_wait3A_281 : memref<1x!tpu.dma_semaphore, #tpu.memory_space<semaphore_mem>> -> memref<!tpu.dma_semaphore, #tpu.memory_space<semaphore_mem>>
        %dma_wait3A_283 = arith.constant 0 : i32
        %dma_wait3A_284 = tpu.memref_slice %arg8[%rem3A_258, %dma_wait3A_283] : memref<3x128xi32, #tpu.memory_space<vmem>> -> memref<1x128xi32, #tpu.memory_space<vmem>>
        %dma_wait3A_285 = tpu.memref_squeeze %dma_wait3A_284 : memref<1x128xi32, #tpu.memory_space<vmem>> -> memref<128xi32, #tpu.memory_space<vmem>>
        %dma_wait3A_286 = arith.constant 0 : i32
        %dma_wait3A_287 = tpu.memref_slice %arg4[%add3A_260, %dma_wait3A_286] : memref<2560x128xi32, #tpu.memory_space<hbm>> -> memref<1x128xi32, #tpu.memory_space<hbm>>
        %dma_wait3A_288 = tpu.memref_squeeze %dma_wait3A_287 : memref<1x128xi32, #tpu.memory_space<hbm>> -> memref<128xi32, #tpu.memory_space<hbm>>
        tpu.wait_dma2 semaphore(%dma_wait3A_282 : memref<!tpu.dma_semaphore, #tpu.memory_space<semaphore_mem>>) src(%dma_wait3A_288 : memref<128xi32, #tpu.memory_space<hbm>>) dst(%dma_wait3A_285 : memref<128xi32, #tpu.memory_space<vmem>>)
        %add3A_289 = arith.constant 1 : i32
        %add3A_290 = arith.addi %while3A_209, %add3A_289 : i32
        %rem3A_291 = arith.constant 2 : i32
        %rem3A_292 = arith.remsi %add3A_290, %rem3A_291 : i32
        %rem3A_293 = arith.constant 3 : i32
        %rem3A_294 = arith.remsi %add3A_290, %rem3A_293 : i32
        %dma_start3A_295 = arith.constant 0 : i32
        %dma_start3A_296 = arith.constant 0 : i32
        %dma_start3A_297 = tpu.memref_slice %arg9[%rem3A_292, %dma_start3A_295, %dma_start3A_296] : memref<2x128x128xf32, #tpu.memory_space<vmem>> -> memref<1x128x128xf32, #tpu.memory_space<vmem>>
        %dma_start3A_298 = tpu.memref_squeeze %dma_start3A_297 : memref<1x128x128xf32, #tpu.memory_space<vmem>> -> memref<128x128xf32, #tpu.memory_space<vmem>>
        %dma_start3A_299 = arith.constant 0 : i32
        %dma_start3A_300 = tpu.memref_slice %arg7[%rem3A_294, %dma_start3A_299] : memref<3x128xi32, #tpu.memory_space<vmem>> -> memref<1x128xi32, #tpu.memory_space<vmem>>
        %dma_start3A_301 = tpu.memref_squeeze %dma_start3A_300 : memref<1x128xi32, #tpu.memory_space<vmem>> -> memref<128xi32, #tpu.memory_space<vmem>>
        %dma_start3A_302 = arith.constant 0 : i32
        %dma_start3A_303 = arith.constant 0 : i32
        %dma_start3A_304 = tpu.memref_slice %arg2[%dma_start3A_302, %dma_start3A_303] : memref<10240x128xf32, #tpu.memory_space<hbm>> -> memref<10240x128xf32, #tpu.memory_space<hbm>>
        %dma_start3A_305 = tpu.memref_slice %arg12[%rem3A_292] : memref<2x!tpu.dma_semaphore, #tpu.memory_space<semaphore_mem>> -> memref<1x!tpu.dma_semaphore, #tpu.memory_space<semaphore_mem>>
        %dma_start3A_306 = tpu.memref_squeeze %dma_start3A_305 : memref<1x!tpu.dma_semaphore, #tpu.memory_space<semaphore_mem>> -> memref<!tpu.dma_semaphore, #tpu.memory_space<semaphore_mem>>
        tpu.enqueue_indirect_dma source(%dma_start3A_304 : memref<10240x128xf32, #tpu.memory_space<hbm>>) target(%dma_start3A_298 : memref<128x128xf32, #tpu.memory_space<vmem>>) offsets(%dma_start3A_301 : memref<128xi32, #tpu.memory_space<vmem>>) semaphore(%dma_start3A_306 : memref<!tpu.dma_semaphore, #tpu.memory_space<semaphore_mem>>)
      } else {
      }
      %rem3A_223 = arith.constant 2 : i32
      %rem3A_224 = arith.remsi %while3A_209, %rem3A_223 : i32
      %rem3A_225 = arith.constant 3 : i32
      %rem3A_226 = arith.remsi %while3A_209, %rem3A_225 : i32
      %dma_wait3A_227 = arith.constant 0 : i32
      %dma_wait3A_228 = arith.constant 0 : i32
      %dma_wait3A_229 = tpu.memref_slice %arg9[%rem3A_224, %dma_wait3A_227, %dma_wait3A_228] : memref<2x128x128xf32, #tpu.memory_space<vmem>> -> memref<1x128x128xf32, #tpu.memory_space<vmem>>
      %dma_wait3A_230 = tpu.memref_squeeze %dma_wait3A_229 : memref<1x128x128xf32, #tpu.memory_space<vmem>> -> memref<128x128xf32, #tpu.memory_space<vmem>>
      %dma_wait3A_231 = arith.constant 0 : i32
      %dma_wait3A_232 = tpu.memref_slice %arg7[%rem3A_226, %dma_wait3A_231] : memref<3x128xi32, #tpu.memory_space<vmem>> -> memref<1x128xi32, #tpu.memory_space<vmem>>
      %dma_wait3A_233 = tpu.memref_squeeze %dma_wait3A_232 : memref<1x128xi32, #tpu.memory_space<vmem>> -> memref<128xi32, #tpu.memory_space<vmem>>
      %dma_wait3A_234 = arith.constant 0 : i32
      %dma_wait3A_235 = arith.constant 0 : i32
      %dma_wait3A_236 = tpu.memref_slice %arg2[%dma_wait3A_234, %dma_wait3A_235] : memref<10240x128xf32, #tpu.memory_space<hbm>> -> memref<10240x128xf32, #tpu.memory_space<hbm>>
      %dma_wait3A_237 = tpu.memref_slice %arg12[%rem3A_224] : memref<2x!tpu.dma_semaphore, #tpu.memory_space<semaphore_mem>> -> memref<1x!tpu.dma_semaphore, #tpu.memory_space<semaphore_mem>>
      %dma_wait3A_238 = tpu.memref_squeeze %dma_wait3A_237 : memref<1x!tpu.dma_semaphore, #tpu.memory_space<semaphore_mem>> -> memref<!tpu.dma_semaphore, #tpu.memory_space<semaphore_mem>>
      tpu.wait_indirect_dma semaphore(%dma_wait3A_238 : memref<!tpu.dma_semaphore, #tpu.memory_space<semaphore_mem>>) src(%dma_wait3A_236 : memref<10240x128xf32, #tpu.memory_space<hbm>>) dst(%dma_wait3A_230 : memref<128x128xf32, #tpu.memory_space<vmem>>)
      %rem3A_239 = arith.constant 2 : i32
      %rem3A_240 = arith.remsi %while3A_209, %rem3A_239 : i32
      %rem3A_241 = arith.constant 3 : i32
      %rem3A_242 = arith.remsi %while3A_209, %rem3A_241 : i32
      %dma_start3A_243 = arith.constant 0 : i32
      %dma_start3A_244 = arith.constant 0 : i32
      %dma_start3A_245 = tpu.memref_slice %arg9[%rem3A_240, %dma_start3A_243, %dma_start3A_244] : memref<2x128x128xf32, #tpu.memory_space<vmem>> -> memref<1x128x128xf32, #tpu.memory_space<vmem>>
      %dma_start3A_246 = tpu.memref_squeeze %dma_start3A_245 : memref<1x128x128xf32, #tpu.memory_space<vmem>> -> memref<128x128xf32, #tpu.memory_space<vmem>>
      %dma_start3A_247 = arith.constant 0 : i32
      %dma_start3A_248 = tpu.memref_slice %arg8[%rem3A_242, %dma_start3A_247] : memref<3x128xi32, #tpu.memory_space<vmem>> -> memref<1x128xi32, #tpu.memory_space<vmem>>
      %dma_start3A_249 = tpu.memref_squeeze %dma_start3A_248 : memref<1x128xi32, #tpu.memory_space<vmem>> -> memref<128xi32, #tpu.memory_space<vmem>>
      %dma_start3A_250 = arith.constant 0 : i32
      %dma_start3A_251 = arith.constant 0 : i32
      %dma_start3A_252 = tpu.memref_slice %arg14[%dma_start3A_250, %dma_start3A_251] : memref<10240x128xf32, #tpu.memory_space<vmem_shared>> -> memref<10240x128xf32, #tpu.memory_space<vmem_shared>>
      %dma_start3A_253 = tpu.memref_slice %arg13[%rem3A_240] : memref<2x!tpu.dma_semaphore, #tpu.memory_space<semaphore_mem>> -> memref<1x!tpu.dma_semaphore, #tpu.memory_space<semaphore_mem>>
      %dma_start3A_254 = tpu.memref_squeeze %dma_start3A_253 : memref<1x!tpu.dma_semaphore, #tpu.memory_space<semaphore_mem>> -> memref<!tpu.dma_semaphore, #tpu.memory_space<semaphore_mem>>
      tpu.enqueue_indirect_dma source(%dma_start3A_246 : memref<128x128xf32, #tpu.memory_space<vmem>>) target(%dma_start3A_252 : memref<10240x128xf32, #tpu.memory_space<vmem_shared>>) offsets(%dma_start3A_249 : memref<128xi32, #tpu.memory_space<vmem>>) semaphore(%dma_start3A_254 : memref<!tpu.dma_semaphore, #tpu.memory_space<semaphore_mem>>) {add = true}
    }
    %while3A_139 = arith.constant 1 : i32
    scf.for %while3A_209 = %while3A_137 to %while3A_133 step %while3A_139  : i32 {
      %ge3A = arith.constant 1 : i32
      %ge3A_210 = arith.cmpi sge, %while3A_209, %ge3A : i32
      %convert_element_type3A = arith.extui %ge3A_210 : i1 to i32
      %cond3A = arith.constant 0 : i32
      %cond3A_211 = arith.cmpi ne, %convert_element_type3A, %cond3A : i32
      scf.if %cond3A_211 {
        %sub3A_255 = arith.constant 1 : i32
        %sub3A_256 = arith.subi %while3A_209, %sub3A_255 : i32
        %rem3A_257 = arith.constant 2 : i32
        %rem3A_258 = arith.remsi %sub3A_256, %rem3A_257 : i32
        %rem3A_259 = arith.constant 3 : i32
        %rem3A_260 = arith.remsi %sub3A_256, %rem3A_259 : i32
        %dma_wait3A_261 = arith.constant 0 : i32
        %dma_wait3A_262 = arith.constant 0 : i32
        %dma_wait3A_263 = tpu.memref_slice %arg9[%rem3A_258, %dma_wait3A_261, %dma_wait3A_262] : memref<2x128x128xf32, #tpu.memory_space<vmem>> -> memref<1x128x128xf32, #tpu.memory_space<vmem>>
        %dma_wait3A_264 = tpu.memref_squeeze %dma_wait3A_263 : memref<1x128x128xf32, #tpu.memory_space<vmem>> -> memref<128x128xf32, #tpu.memory_space<vmem>>
        %dma_wait3A_265 = arith.constant 0 : i32
        %dma_wait3A_266 = tpu.memref_slice %arg8[%rem3A_260, %dma_wait3A_265] : memref<3x128xi32, #tpu.memory_space<vmem>> -> memref<1x128xi32, #tpu.memory_space<vmem>>
        %dma_wait3A_267 = tpu.memref_squeeze %dma_wait3A_266 : memref<1x128xi32, #tpu.memory_space<vmem>> -> memref<128xi32, #tpu.memory_space<vmem>>
        %dma_wait3A_268 = arith.constant 0 : i32
        %dma_wait3A_269 = arith.constant 0 : i32
        %dma_wait3A_270 = tpu.memref_slice %arg14[%dma_wait3A_268, %dma_wait3A_269] : memref<10240x128xf32, #tpu.memory_space<vmem_shared>> -> memref<10240x128xf32, #tpu.memory_space<vmem_shared>>
        %dma_wait3A_271 = tpu.memref_slice %arg13[%rem3A_258] : memref<2x!tpu.dma_semaphore, #tpu.memory_space<semaphore_mem>> -> memref<1x!tpu.dma_semaphore, #tpu.memory_space<semaphore_mem>>
        %dma_wait3A_272 = tpu.memref_squeeze %dma_wait3A_271 : memref<1x!tpu.dma_semaphore, #tpu.memory_space<semaphore_mem>> -> memref<!tpu.dma_semaphore, #tpu.memory_space<semaphore_mem>>
        tpu.wait_indirect_dma semaphore(%dma_wait3A_272 : memref<!tpu.dma_semaphore, #tpu.memory_space<semaphore_mem>>) src(%dma_wait3A_264 : memref<128x128xf32, #tpu.memory_space<vmem>>) dst(%dma_wait3A_270 : memref<10240x128xf32, #tpu.memory_space<vmem_shared>>)
      } else {
      }
      %add3A_212 = arith.constant 2 : i32
      %add3A_213 = arith.addi %while3A_209, %add3A_212 : i32
      %lt3A = arith.cmpi slt, %add3A_213, %select_n3A : i32
      %convert_element_type3A_214 = arith.extui %lt3A : i1 to i32
      %cond3A_215 = arith.constant 0 : i32
      %cond3A_216 = arith.cmpi ne, %convert_element_type3A_214, %cond3A_215 : i32
      scf.if %cond3A_216 {
        %add3A_255 = arith.constant 2 : i32
        %add3A_256 = arith.addi %while3A_209, %add3A_255 : i32
        %rem3A_257 = arith.constant 3 : i32
        %rem3A_258 = arith.remsi %add3A_256, %rem3A_257 : i32
        %add3A_259 = arith.addi %select_n3A_8, %add3A_256 : i32
        %add3A_260 = arith.addi %select_n3A_8, %add3A_256 : i32
        %dma_start3A_261 = arith.constant 0 : i32
        %dma_start3A_262 = tpu.memref_slice %arg7[%rem3A_258, %dma_start3A_261] : memref<3x128xi32, #tpu.memory_space<vmem>> -> memref<1x128xi32, #tpu.memory_space<vmem>>
        %dma_start3A_263 = tpu.memref_squeeze %dma_start3A_262 : memref<1x128xi32, #tpu.memory_space<vmem>> -> memref<128xi32, #tpu.memory_space<vmem>>
        %dma_start3A_264 = arith.constant 0 : i32
        %dma_start3A_265 = tpu.memref_slice %arg3[%add3A_259, %dma_start3A_264] : memref<2560x128xi32, #tpu.memory_space<hbm>> -> memref<1x128xi32, #tpu.memory_space<hbm>>
        %dma_start3A_266 = tpu.memref_squeeze %dma_start3A_265 : memref<1x128xi32, #tpu.memory_space<hbm>> -> memref<128xi32, #tpu.memory_space<hbm>>
        %dma_start3A_267 = tpu.memref_slice %arg10[%rem3A_258] : memref<3x!tpu.dma_semaphore, #tpu.memory_space<semaphore_mem>> -> memref<1x!tpu.dma_semaphore, #tpu.memory_space<semaphore_mem>>
        %dma_start3A_268 = tpu.memref_squeeze %dma_start3A_267 : memref<1x!tpu.dma_semaphore, #tpu.memory_space<semaphore_mem>> -> memref<!tpu.dma_semaphore, #tpu.memory_space<semaphore_mem>>
        %dma_start3A_269 = arith.constant 0 : i32
        %dma_start3A_270 = tpu.memref_slice %arg7[%rem3A_258, %dma_start3A_269] : memref<3x128xi32, #tpu.memory_space<vmem>> -> memref<1x128xi32, #tpu.memory_space<vmem>>
        %dma_start3A_271 = tpu.memref_squeeze %dma_start3A_270 : memref<1x128xi32, #tpu.memory_space<vmem>> -> memref<128xi32, #tpu.memory_space<vmem>>
        %dma_start3A_272 = arith.constant 0 : i32
        %dma_start3A_273 = tpu.memref_slice %arg3[%add3A_259, %dma_start3A_272] : memref<2560x128xi32, #tpu.memory_space<hbm>> -> memref<1x128xi32, #tpu.memory_space<hbm>>
        %dma_start3A_274 = tpu.memref_squeeze %dma_start3A_273 : memref<1x128xi32, #tpu.memory_space<hbm>> -> memref<128xi32, #tpu.memory_space<hbm>>
        tpu.enqueue_dma source(%dma_start3A_274 : memref<128xi32, #tpu.memory_space<hbm>>) target(%dma_start3A_271 : memref<128xi32, #tpu.memory_space<vmem>>) target_semaphore(%dma_start3A_268 : memref<!tpu.dma_semaphore, #tpu.memory_space<semaphore_mem>>)
        %dma_start3A_275 = arith.constant 0 : i32
        %dma_start3A_276 = tpu.memref_slice %arg8[%rem3A_258, %dma_start3A_275] : memref<3x128xi32, #tpu.memory_space<vmem>> -> memref<1x128xi32, #tpu.memory_space<vmem>>
        %dma_start3A_277 = tpu.memref_squeeze %dma_start3A_276 : memref<1x128xi32, #tpu.memory_space<vmem>> -> memref<128xi32, #tpu.memory_space<vmem>>
        %dma_start3A_278 = arith.constant 0 : i32
        %dma_start3A_279 = tpu.memref_slice %arg4[%add3A_260, %dma_start3A_278] : memref<2560x128xi32, #tpu.memory_space<hbm>> -> memref<1x128xi32, #tpu.memory_space<hbm>>
        %dma_start3A_280 = tpu.memref_squeeze %dma_start3A_279 : memref<1x128xi32, #tpu.memory_space<hbm>> -> memref<128xi32, #tpu.memory_space<hbm>>
        %dma_start3A_281 = tpu.memref_slice %arg11[%rem3A_258] : memref<3x!tpu.dma_semaphore, #tpu.memory_space<semaphore_mem>> -> memref<1x!tpu.dma_semaphore, #tpu.memory_space<semaphore_mem>>
        %dma_start3A_282 = tpu.memref_squeeze %dma_start3A_281 : memref<1x!tpu.dma_semaphore, #tpu.memory_space<semaphore_mem>> -> memref<!tpu.dma_semaphore, #tpu.memory_space<semaphore_mem>>
        %dma_start3A_283 = arith.constant 0 : i32
        %dma_start3A_284 = tpu.memref_slice %arg8[%rem3A_258, %dma_start3A_283] : memref<3x128xi32, #tpu.memory_space<vmem>> -> memref<1x128xi32, #tpu.memory_space<vmem>>
        %dma_start3A_285 = tpu.memref_squeeze %dma_start3A_284 : memref<1x128xi32, #tpu.memory_space<vmem>> -> memref<128xi32, #tpu.memory_space<vmem>>
        %dma_start3A_286 = arith.constant 0 : i32
        %dma_start3A_287 = tpu.memref_slice %arg4[%add3A_260, %dma_start3A_286] : memref<2560x128xi32, #tpu.memory_space<hbm>> -> memref<1x128xi32, #tpu.memory_space<hbm>>
        %dma_start3A_288 = tpu.memref_squeeze %dma_start3A_287 : memref<1x128xi32, #tpu.memory_space<hbm>> -> memref<128xi32, #tpu.memory_space<hbm>>
        tpu.enqueue_dma source(%dma_start3A_288 : memref<128xi32, #tpu.memory_space<hbm>>) target(%dma_start3A_285 : memref<128xi32, #tpu.memory_space<vmem>>) target_semaphore(%dma_start3A_282 : memref<!tpu.dma_semaphore, #tpu.memory_space<semaphore_mem>>)
      } else {
      }
      %add3A_217 = arith.constant 1 : i32
      %add3A_218 = arith.addi %while3A_209, %add3A_217 : i32
      %lt3A_219 = arith.cmpi slt, %add3A_218, %select_n3A : i32
      %convert_element_type3A_220 = arith.extui %lt3A_219 : i1 to i32
      %cond3A_221 = arith.constant 0 : i32
      %cond3A_222 = arith.cmpi ne, %convert_element_type3A_220, %cond3A_221 : i32
      scf.if %cond3A_222 {
        %add3A_255 = arith.constant 1 : i32
        %add3A_256 = arith.addi %while3A_209, %add3A_255 : i32
        %rem3A_257 = arith.constant 3 : i32
        %rem3A_258 = arith.remsi %add3A_256, %rem3A_257 : i32
        %add3A_259 = arith.addi %select_n3A_8, %add3A_256 : i32
        %add3A_260 = arith.addi %select_n3A_8, %add3A_256 : i32
        %dma_wait3A_261 = arith.constant 0 : i32
        %dma_wait3A_262 = tpu.memref_slice %arg7[%rem3A_258, %dma_wait3A_261] : memref<3x128xi32, #tpu.memory_space<vmem>> -> memref<1x128xi32, #tpu.memory_space<vmem>>
        %dma_wait3A_263 = tpu.memref_squeeze %dma_wait3A_262 : memref<1x128xi32, #tpu.memory_space<vmem>> -> memref<128xi32, #tpu.memory_space<vmem>>
        %dma_wait3A_264 = arith.constant 0 : i32
        %dma_wait3A_265 = tpu.memref_slice %arg3[%add3A_259, %dma_wait3A_264] : memref<2560x128xi32, #tpu.memory_space<hbm>> -> memref<1x128xi32, #tpu.memory_space<hbm>>
        %dma_wait3A_266 = tpu.memref_squeeze %dma_wait3A_265 : memref<1x128xi32, #tpu.memory_space<hbm>> -> memref<128xi32, #tpu.memory_space<hbm>>
        %dma_wait3A_267 = tpu.memref_slice %arg10[%rem3A_258] : memref<3x!tpu.dma_semaphore, #tpu.memory_space<semaphore_mem>> -> memref<1x!tpu.dma_semaphore, #tpu.memory_space<semaphore_mem>>
        %dma_wait3A_268 = tpu.memref_squeeze %dma_wait3A_267 : memref<1x!tpu.dma_semaphore, #tpu.memory_space<semaphore_mem>> -> memref<!tpu.dma_semaphore, #tpu.memory_space<semaphore_mem>>
        %dma_wait3A_269 = arith.constant 0 : i32
        %dma_wait3A_270 = tpu.memref_slice %arg7[%rem3A_258, %dma_wait3A_269] : memref<3x128xi32, #tpu.memory_space<vmem>> -> memref<1x128xi32, #tpu.memory_space<vmem>>
        %dma_wait3A_271 = tpu.memref_squeeze %dma_wait3A_270 : memref<1x128xi32, #tpu.memory_space<vmem>> -> memref<128xi32, #tpu.memory_space<vmem>>
        %dma_wait3A_272 = arith.constant 0 : i32
        %dma_wait3A_273 = tpu.memref_slice %arg3[%add3A_259, %dma_wait3A_272] : memref<2560x128xi32, #tpu.memory_space<hbm>> -> memref<1x128xi32, #tpu.memory_space<hbm>>
        %dma_wait3A_274 = tpu.memref_squeeze %dma_wait3A_273 : memref<1x128xi32, #tpu.memory_space<hbm>> -> memref<128xi32, #tpu.memory_space<hbm>>
        tpu.wait_dma2 semaphore(%dma_wait3A_268 : memref<!tpu.dma_semaphore, #tpu.memory_space<semaphore_mem>>) src(%dma_wait3A_274 : memref<128xi32, #tpu.memory_space<hbm>>) dst(%dma_wait3A_271 : memref<128xi32, #tpu.memory_space<vmem>>)
        %dma_wait3A_275 = arith.constant 0 : i32
        %dma_wait3A_276 = tpu.memref_slice %arg8[%rem3A_258, %dma_wait3A_275] : memref<3x128xi32, #tpu.memory_space<vmem>> -> memref<1x128xi32, #tpu.memory_space<vmem>>
        %dma_wait3A_277 = tpu.memref_squeeze %dma_wait3A_276 : memref<1x128xi32, #tpu.memory_space<vmem>> -> memref<128xi32, #tpu.memory_space<vmem>>
        %dma_wait3A_278 = arith.constant 0 : i32
        %dma_wait3A_279 = tpu.memref_slice %arg4[%add3A_260, %dma_wait3A_278] : memref<2560x128xi32, #tpu.memory_space<hbm>> -> memref<1x128xi32, #tpu.memory_space<hbm>>
        %dma_wait3A_280 = tpu.memref_squeeze %dma_wait3A_279 : memref<1x128xi32, #tpu.memory_space<hbm>> -> memref<128xi32, #tpu.memory_space<hbm>>
        %dma_wait3A_281 = tpu.memref_slice %arg11[%rem3A_258] : memref<3x!tpu.dma_semaphore, #tpu.memory_space<semaphore_mem>> -> memref<1x!tpu.dma_semaphore, #tpu.memory_space<semaphore_mem>>
        %dma_wait3A_282 = tpu.memref_squeeze %dma_wait3A_281 : memref<1x!tpu.dma_semaphore, #tpu.memory_space<semaphore_mem>> -> memref<!tpu.dma_semaphore, #tpu.memory_space<semaphore_mem>>
        %dma_wait3A_283 = arith.constant 0 : i32
        %dma_wait3A_284 = tpu.memref_slice %arg8[%rem3A_258, %dma_wait3A_283] : memref<3x128xi32, #tpu.memory_space<vmem>> -> memref<1x128xi32, #tpu.memory_space<vmem>>
        %dma_wait3A_285 = tpu.memref_squeeze %dma_wait3A_284 : memref<1x128xi32, #tpu.memory_space<vmem>> -> memref<128xi32, #tpu.memory_space<vmem>>
        %dma_wait3A_286 = arith.constant 0 : i32
        %dma_wait3A_287 = tpu.memref_slice %arg4[%add3A_260, %dma_wait3A_286] : memref<2560x128xi32, #tpu.memory_space<hbm>> -> memref<1x128xi32, #tpu.memory_space<hbm>>
        %dma_wait3A_288 = tpu.memref_squeeze %dma_wait3A_287 : memref<1x128xi32, #tpu.memory_space<hbm>> -> memref<128xi32, #tpu.memory_space<hbm>>
        tpu.wait_dma2 semaphore(%dma_wait3A_282 : memref<!tpu.dma_semaphore, #tpu.memory_space<semaphore_mem>>) src(%dma_wait3A_288 : memref<128xi32, #tpu.memory_space<hbm>>) dst(%dma_wait3A_285 : memref<128xi32, #tpu.memory_space<vmem>>)
        %add3A_289 = arith.constant 1 : i32
        %add3A_290 = arith.addi %while3A_209, %add3A_289 : i32
        %rem3A_291 = arith.constant 2 : i32
        %rem3A_292 = arith.remsi %add3A_290, %rem3A_291 : i32
        %rem3A_293 = arith.constant 3 : i32
        %rem3A_294 = arith.remsi %add3A_290, %rem3A_293 : i32
        %dma_start3A_295 = arith.constant 0 : i32
        %dma_start3A_296 = arith.constant 0 : i32
        %dma_start3A_297 = tpu.memref_slice %arg9[%rem3A_292, %dma_start3A_295, %dma_start3A_296] : memref<2x128x128xf32, #tpu.memory_space<vmem>> -> memref<1x128x128xf32, #tpu.memory_space<vmem>>
        %dma_start3A_298 = tpu.memref_squeeze %dma_start3A_297 : memref<1x128x128xf32, #tpu.memory_space<vmem>> -> memref<128x128xf32, #tpu.memory_space<vmem>>
        %dma_start3A_299 = arith.constant 0 : i32
        %dma_start3A_300 = tpu.memref_slice %arg7[%rem3A_294, %dma_start3A_299] : memref<3x128xi32, #tpu.memory_space<vmem>> -> memref<1x128xi32, #tpu.memory_space<vmem>>
        %dma_start3A_301 = tpu.memref_squeeze %dma_start3A_300 : memref<1x128xi32, #tpu.memory_space<vmem>> -> memref<128xi32, #tpu.memory_space<vmem>>
        %dma_start3A_302 = arith.constant 0 : i32
        %dma_start3A_303 = arith.constant 0 : i32
        %dma_start3A_304 = tpu.memref_slice %arg2[%dma_start3A_302, %dma_start3A_303] : memref<10240x128xf32, #tpu.memory_space<hbm>> -> memref<10240x128xf32, #tpu.memory_space<hbm>>
        %dma_start3A_305 = tpu.memref_slice %arg12[%rem3A_292] : memref<2x!tpu.dma_semaphore, #tpu.memory_space<semaphore_mem>> -> memref<1x!tpu.dma_semaphore, #tpu.memory_space<semaphore_mem>>
        %dma_start3A_306 = tpu.memref_squeeze %dma_start3A_305 : memref<1x!tpu.dma_semaphore, #tpu.memory_space<semaphore_mem>> -> memref<!tpu.dma_semaphore, #tpu.memory_space<semaphore_mem>>
        tpu.enqueue_indirect_dma source(%dma_start3A_304 : memref<10240x128xf32, #tpu.memory_space<hbm>>) target(%dma_start3A_298 : memref<128x128xf32, #tpu.memory_space<vmem>>) offsets(%dma_start3A_301 : memref<128xi32, #tpu.memory_space<vmem>>) semaphore(%dma_start3A_306 : memref<!tpu.dma_semaphore, #tpu.memory_space<semaphore_mem>>)
      } else {
      }
      %rem3A_223 = arith.constant 2 : i32
      %rem3A_224 = arith.remsi %while3A_209, %rem3A_223 : i32
      %rem3A_225 = arith.constant 3 : i32
      %rem3A_226 = arith.remsi %while3A_209, %rem3A_225 : i32
      %dma_wait3A_227 = arith.constant 0 : i32
      %dma_wait3A_228 = arith.constant 0 : i32
      %dma_wait3A_229 = tpu.memref_slice %arg9[%rem3A_224, %dma_wait3A_227, %dma_wait3A_228] : memref<2x128x128xf32, #tpu.memory_space<vmem>> -> memref<1x128x128xf32, #tpu.memory_space<vmem>>
      %dma_wait3A_230 = tpu.memref_squeeze %dma_wait3A_229 : memref<1x128x128xf32, #tpu.memory_space<vmem>> -> memref<128x128xf32, #tpu.memory_space<vmem>>
      %dma_wait3A_231 = arith.constant 0 : i32
      %dma_wait3A_232 = tpu.memref_slice %arg7[%rem3A_226, %dma_wait3A_231] : memref<3x128xi32, #tpu.memory_space<vmem>> -> memref<1x128xi32, #tpu.memory_space<vmem>>
      %dma_wait3A_233 = tpu.memref_squeeze %dma_wait3A_232 : memref<1x128xi32, #tpu.memory_space<vmem>> -> memref<128xi32, #tpu.memory_space<vmem>>
      %dma_wait3A_234 = arith.constant 0 : i32
      %dma_wait3A_235 = arith.constant 0 : i32
      %dma_wait3A_236 = tpu.memref_slice %arg2[%dma_wait3A_234, %dma_wait3A_235] : memref<10240x128xf32, #tpu.memory_space<hbm>> -> memref<10240x128xf32, #tpu.memory_space<hbm>>
      %dma_wait3A_237 = tpu.memref_slice %arg12[%rem3A_224] : memref<2x!tpu.dma_semaphore, #tpu.memory_space<semaphore_mem>> -> memref<1x!tpu.dma_semaphore, #tpu.memory_space<semaphore_mem>>
      %dma_wait3A_238 = tpu.memref_squeeze %dma_wait3A_237 : memref<1x!tpu.dma_semaphore, #tpu.memory_space<semaphore_mem>> -> memref<!tpu.dma_semaphore, #tpu.memory_space<semaphore_mem>>
      tpu.wait_indirect_dma semaphore(%dma_wait3A_238 : memref<!tpu.dma_semaphore, #tpu.memory_space<semaphore_mem>>) src(%dma_wait3A_236 : memref<10240x128xf32, #tpu.memory_space<hbm>>) dst(%dma_wait3A_230 : memref<128x128xf32, #tpu.memory_space<vmem>>)
      %rem3A_239 = arith.constant 2 : i32
      %rem3A_240 = arith.remsi %while3A_209, %rem3A_239 : i32
      %rem3A_241 = arith.constant 3 : i32
      %rem3A_242 = arith.remsi %while3A_209, %rem3A_241 : i32
      %dma_start3A_243 = arith.constant 0 : i32
      %dma_start3A_244 = arith.constant 0 : i32
      %dma_start3A_245 = tpu.memref_slice %arg9[%rem3A_240, %dma_start3A_243, %dma_start3A_244] : memref<2x128x128xf32, #tpu.memory_space<vmem>> -> memref<1x128x128xf32, #tpu.memory_space<vmem>>
      %dma_start3A_246 = tpu.memref_squeeze %dma_start3A_245 : memref<1x128x128xf32, #tpu.memory_space<vmem>> -> memref<128x128xf32, #tpu.memory_space<vmem>>
      %dma_start3A_247 = arith.constant 0 : i32
      %dma_start3A_248 = tpu.memref_slice %arg8[%rem3A_242, %dma_start3A_247] : memref<3x128xi32, #tpu.memory_space<vmem>> -> memref<1x128xi32, #tpu.memory_space<vmem>>
      %dma_start3A_249 = tpu.memref_squeeze %dma_start3A_248 : memref<1x128xi32, #tpu.memory_space<vmem>> -> memref<128xi32, #tpu.memory_space<vmem>>
      %dma_start3A_250 = arith.constant 0 : i32
      %dma_start3A_251 = arith.constant 0 : i32
      %dma_start3A_252 = tpu.memref_slice %arg14[%dma_start3A_250, %dma_start3A_251] : memref<10240x128xf32, #tpu.memory_space<vmem_shared>> -> memref<10240x128xf32, #tpu.memory_space<vmem_shared>>
      %dma_start3A_253 = tpu.memref_slice %arg13[%rem3A_240] : memref<2x!tpu.dma_semaphore, #tpu.memory_space<semaphore_mem>> -> memref<1x!tpu.dma_semaphore, #tpu.memory_space<semaphore_mem>>
      %dma_start3A_254 = tpu.memref_squeeze %dma_start3A_253 : memref<1x!tpu.dma_semaphore, #tpu.memory_space<semaphore_mem>> -> memref<!tpu.dma_semaphore, #tpu.memory_space<semaphore_mem>>
      tpu.enqueue_indirect_dma source(%dma_start3A_246 : memref<128x128xf32, #tpu.memory_space<vmem>>) target(%dma_start3A_252 : memref<10240x128xf32, #tpu.memory_space<vmem_shared>>) offsets(%dma_start3A_249 : memref<128xi32, #tpu.memory_space<vmem>>) semaphore(%dma_start3A_254 : memref<!tpu.dma_semaphore, #tpu.memory_space<semaphore_mem>>) {add = true}
    }
    %sub3A = arith.constant 1 : i32
    %sub3A_140 = arith.subi %select_n3A, %sub3A : i32
    %rem3A_141 = arith.constant 2 : i32
    %rem3A_142 = arith.remsi %sub3A_140, %rem3A_141 : i32
    %rem3A_143 = arith.constant 3 : i32
    %rem3A_144 = arith.remsi %sub3A_140, %rem3A_143 : i32
    %dma_wait3A_145 = arith.constant 0 : i32
    %dma_wait3A_146 = arith.constant 0 : i32
    %dma_wait3A_147 = tpu.memref_slice %arg9[%rem3A_142, %dma_wait3A_145, %dma_wait3A_146] : memref<2x128x128xf32, #tpu.memory_space<vmem>> -> memref<1x128x128xf32, #tpu.memory_space<vmem>>
    %dma_wait3A_148 = tpu.memref_squeeze %dma_wait3A_147 : memref<1x128x128xf32, #tpu.memory_space<vmem>> -> memref<128x128xf32, #tpu.memory_space<vmem>>
    %dma_wait3A_149 = arith.constant 0 : i32
    %dma_wait3A_150 = tpu.memref_slice %arg8[%rem3A_144, %dma_wait3A_149] : memref<3x128xi32, #tpu.memory_space<vmem>> -> memref<1x128xi32, #tpu.memory_space<vmem>>
    %dma_wait3A_151 = tpu.memref_squeeze %dma_wait3A_150 : memref<1x128xi32, #tpu.memory_space<vmem>> -> memref<128xi32, #tpu.memory_space<vmem>>
    %dma_wait3A_152 = arith.constant 0 : i32
    %dma_wait3A_153 = arith.constant 0 : i32
    %dma_wait3A_154 = tpu.memref_slice %arg14[%dma_wait3A_152, %dma_wait3A_153] : memref<10240x128xf32, #tpu.memory_space<vmem_shared>> -> memref<10240x128xf32, #tpu.memory_space<vmem_shared>>
    %dma_wait3A_155 = tpu.memref_slice %arg13[%rem3A_142] : memref<2x!tpu.dma_semaphore, #tpu.memory_space<semaphore_mem>> -> memref<1x!tpu.dma_semaphore, #tpu.memory_space<semaphore_mem>>
    %dma_wait3A_156 = tpu.memref_squeeze %dma_wait3A_155 : memref<1x!tpu.dma_semaphore, #tpu.memory_space<semaphore_mem>> -> memref<!tpu.dma_semaphore, #tpu.memory_space<semaphore_mem>>
    tpu.wait_indirect_dma semaphore(%dma_wait3A_156 : memref<!tpu.dma_semaphore, #tpu.memory_space<semaphore_mem>>) src(%dma_wait3A_148 : memref<128x128xf32, #tpu.memory_space<vmem>>) dst(%dma_wait3A_154 : memref<10240x128xf32, #tpu.memory_space<vmem_shared>>)
    %barrier3A_157 = arith.constant 0 : index
    tpu.barrier barrier_id(%barrier3A_157)
    %scan3A = arith.constant 0 : i32
    %scan3A_158 = arith.constant 0 : i32
    %scan3A_159 = arith.constant 5 : i32
    %scan3A_160 = arith.addi %scan3A_158, %scan3A_159 : i32
    %scan3A_161 = arith.constant 1 : i32
    scf.for %scan3A_209 = %scan3A_158 to %scan3A_160 step %scan3A_161  : i32 {
      %rem3A_210 = arith.constant 2 : i32
      %rem3A_211 = arith.remsi %scan3A_209, %rem3A_210 : i32
      %mul3A_212 = arith.constant 640 : i32
      %mul3A_213 = arith.muli %arg1, %mul3A_212 : i32
      %mul3A_214 = arith.constant 128 : i32
      %mul3A_215 = arith.muli %scan3A_209, %mul3A_214 : i32
      %add3A_216 = arith.addi %mul3A_213, %mul3A_215 : i32
      %ge3A = arith.constant 2 : i32
      %ge3A_217 = arith.cmpi sge, %scan3A_209, %ge3A : i32
      %convert_element_type3A = arith.extui %ge3A_217 : i1 to i32
      %cond3A = arith.constant 0 : i32
      %cond3A_218 = arith.cmpi ne, %convert_element_type3A, %cond3A : i32
      scf.if %cond3A_218 {
        %mul3A_236 = arith.constant 10240 : i32
        %mul3A_237 = arith.muli %arg0, %mul3A_236 : i32
        %sub3A_238 = arith.constant 2 : i32
        %sub3A_239 = arith.subi %scan3A_209, %sub3A_238 : i32
        %mul3A_240 = arith.constant 128 : i32
        %mul3A_241 = arith.muli %sub3A_239, %mul3A_240 : i32
        %add3A_242 = arith.addi %mul3A_237, %mul3A_241 : i32
        %mul3A_243 = arith.constant 640 : i32
        %mul3A_244 = arith.muli %arg1, %mul3A_243 : i32
        %add3A_245 = arith.addi %add3A_242, %mul3A_244 : i32
        %dma_wait3A_246 = arith.constant 0 : i32
        %dma_wait3A_247 = arith.constant 0 : i32
        %dma_wait3A_248 = tpu.memref_slice %arg9[%rem3A_211, %dma_wait3A_246, %dma_wait3A_247] : memref<2x128x128xf32, #tpu.memory_space<vmem>> -> memref<1x128x128xf32, #tpu.memory_space<vmem>>
        %dma_wait3A_249 = tpu.memref_squeeze %dma_wait3A_248 : memref<1x128x128xf32, #tpu.memory_space<vmem>> -> memref<128x128xf32, #tpu.memory_space<vmem>>
        %dma_wait3A_250 = arith.constant 0 : i32
        %dma_wait3A_251 = tpu.memref_slice %arg6[%add3A_245, %dma_wait3A_250] : memref<20480x128xf32, #tpu.memory_space<hbm>> -> memref<128x128xf32, #tpu.memory_space<hbm>>
        %dma_wait3A_252 = tpu.memref_slice %arg13[%rem3A_211] : memref<2x!tpu.dma_semaphore, #tpu.memory_space<semaphore_mem>> -> memref<1x!tpu.dma_semaphore, #tpu.memory_space<semaphore_mem>>
        %dma_wait3A_253 = tpu.memref_squeeze %dma_wait3A_252 : memref<1x!tpu.dma_semaphore, #tpu.memory_space<semaphore_mem>> -> memref<!tpu.dma_semaphore, #tpu.memory_space<semaphore_mem>>
        %dma_wait3A_254 = arith.constant 0 : i32
        %dma_wait3A_255 = tpu.memref_slice %arg6[%add3A_245, %dma_wait3A_254] : memref<20480x128xf32, #tpu.memory_space<hbm>> -> memref<128x128xf32, #tpu.memory_space<hbm>>
        %dma_wait3A_256 = arith.constant 0 : i32
        %dma_wait3A_257 = arith.constant 0 : i32
        %dma_wait3A_258 = tpu.memref_slice %arg9[%rem3A_211, %dma_wait3A_256, %dma_wait3A_257] : memref<2x128x128xf32, #tpu.memory_space<vmem>> -> memref<1x128x128xf32, #tpu.memory_space<vmem>>
        %dma_wait3A_259 = tpu.memref_squeeze %dma_wait3A_258 : memref<1x128x128xf32, #tpu.memory_space<vmem>> -> memref<128x128xf32, #tpu.memory_space<vmem>>
        tpu.wait_dma2 semaphore(%dma_wait3A_253 : memref<!tpu.dma_semaphore, #tpu.memory_space<semaphore_mem>>) src(%dma_wait3A_259 : memref<128x128xf32, #tpu.memory_space<vmem>>) dst(%dma_wait3A_255 : memref<128x128xf32, #tpu.memory_space<hbm>>)
      } else {
      }
      "tpu.region"() ({
        %run_scoped3A = tpu.sem_alloc : memref<!tpu.dma_semaphore, #tpu.memory_space<semaphore_mem>>
        %dma_start3A_236 = arith.constant 0 : i32
        %dma_start3A_237 = arith.constant 0 : i32
        %dma_start3A_238 = tpu.memref_slice %arg9[%rem3A_211, %dma_start3A_236, %dma_start3A_237] : memref<2x128x128xf32, #tpu.memory_space<vmem>> -> memref<1x128x128xf32, #tpu.memory_space<vmem>>
        %dma_start3A_239 = tpu.memref_squeeze %dma_start3A_238 : memref<1x128x128xf32, #tpu.memory_space<vmem>> -> memref<128x128xf32, #tpu.memory_space<vmem>>
        %dma_start3A_240 = arith.constant 0 : i32
        %dma_start3A_241 = tpu.memref_slice %arg14[%add3A_216, %dma_start3A_240] : memref<10240x128xf32, #tpu.memory_space<vmem_shared>> -> memref<128x128xf32, #tpu.memory_space<vmem_shared>>
        %dma_start3A_242 = arith.constant 0 : i32
        %dma_start3A_243 = arith.constant 0 : i32
        %dma_start3A_244 = tpu.memref_slice %arg9[%rem3A_211, %dma_start3A_242, %dma_start3A_243] : memref<2x128x128xf32, #tpu.memory_space<vmem>> -> memref<1x128x128xf32, #tpu.memory_space<vmem>>
        %dma_start3A_245 = tpu.memref_squeeze %dma_start3A_244 : memref<1x128x128xf32, #tpu.memory_space<vmem>> -> memref<128x128xf32, #tpu.memory_space<vmem>>
        %dma_start3A_246 = arith.constant 0 : i32
        %dma_start3A_247 = tpu.memref_slice %arg14[%add3A_216, %dma_start3A_246] : memref<10240x128xf32, #tpu.memory_space<vmem_shared>> -> memref<128x128xf32, #tpu.memory_space<vmem_shared>>
        tpu.enqueue_dma source(%dma_start3A_247 : memref<128x128xf32, #tpu.memory_space<vmem_shared>>) target(%dma_start3A_245 : memref<128x128xf32, #tpu.memory_space<vmem>>) target_semaphore(%run_scoped3A : memref<!tpu.dma_semaphore, #tpu.memory_space<semaphore_mem>>)
        %dma_wait3A_248 = arith.constant 0 : i32
        %dma_wait3A_249 = arith.constant 0 : i32
        %dma_wait3A_250 = tpu.memref_slice %arg9[%rem3A_211, %dma_wait3A_248, %dma_wait3A_249] : memref<2x128x128xf32, #tpu.memory_space<vmem>> -> memref<1x128x128xf32, #tpu.memory_space<vmem>>
        %dma_wait3A_251 = tpu.memref_squeeze %dma_wait3A_250 : memref<1x128x128xf32, #tpu.memory_space<vmem>> -> memref<128x128xf32, #tpu.memory_space<vmem>>
        %dma_wait3A_252 = arith.constant 0 : i32
        %dma_wait3A_253 = tpu.memref_slice %arg14[%add3A_216, %dma_wait3A_252] : memref<10240x128xf32, #tpu.memory_space<vmem_shared>> -> memref<128x128xf32, #tpu.memory_space<vmem_shared>>
        %dma_wait3A_254 = arith.constant 0 : i32
        %dma_wait3A_255 = arith.constant 0 : i32
        %dma_wait3A_256 = tpu.memref_slice %arg9[%rem3A_211, %dma_wait3A_254, %dma_wait3A_255] : memref<2x128x128xf32, #tpu.memory_space<vmem>> -> memref<1x128x128xf32, #tpu.memory_space<vmem>>
        %dma_wait3A_257 = tpu.memref_squeeze %dma_wait3A_256 : memref<1x128x128xf32, #tpu.memory_space<vmem>> -> memref<128x128xf32, #tpu.memory_space<vmem>>
        %dma_wait3A_258 = arith.constant 0 : i32
        %dma_wait3A_259 = tpu.memref_slice %arg14[%add3A_216, %dma_wait3A_258] : memref<10240x128xf32, #tpu.memory_space<vmem_shared>> -> memref<128x128xf32, #tpu.memory_space<vmem_shared>>
        tpu.wait_dma2 semaphore(%run_scoped3A : memref<!tpu.dma_semaphore, #tpu.memory_space<semaphore_mem>>) src(%dma_wait3A_259 : memref<128x128xf32, #tpu.memory_space<vmem_shared>>) dst(%dma_wait3A_257 : memref<128x128xf32, #tpu.memory_space<vmem>>)
        tpu.yield
      }) : () -> ()
      %mul3A_219 = arith.constant 10240 : i32
      %mul3A_220 = arith.muli %arg0, %mul3A_219 : i32
      %add3A_221 = arith.addi %mul3A_220, %add3A_216 : i32
      %dma_start3A_222 = arith.constant 0 : i32
      %dma_start3A_223 = arith.constant 0 : i32
      %dma_start3A_224 = tpu.memref_slice %arg9[%rem3A_211, %dma_start3A_222, %dma_start3A_223] : memref<2x128x128xf32, #tpu.memory_space<vmem>> -> memref<1x128x128xf32, #tpu.memory_space<vmem>>
      %dma_start3A_225 = tpu.memref_squeeze %dma_start3A_224 : memref<1x128x128xf32, #tpu.memory_space<vmem>> -> memref<128x128xf32, #tpu.memory_space<vmem>>
      %dma_start3A_226 = arith.constant 0 : i32
      %dma_start3A_227 = tpu.memref_slice %arg6[%add3A_221, %dma_start3A_226] : memref<20480x128xf32, #tpu.memory_space<hbm>> -> memref<128x128xf32, #tpu.memory_space<hbm>>
      %dma_start3A_228 = tpu.memref_slice %arg13[%rem3A_211] : memref<2x!tpu.dma_semaphore, #tpu.memory_space<semaphore_mem>> -> memref<1x!tpu.dma_semaphore, #tpu.memory_space<semaphore_mem>>
      %dma_start3A_229 = tpu.memref_squeeze %dma_start3A_228 : memref<1x!tpu.dma_semaphore, #tpu.memory_space<semaphore_mem>> -> memref<!tpu.dma_semaphore, #tpu.memory_space<semaphore_mem>>
      %dma_start3A_230 = arith.constant 0 : i32
      %dma_start3A_231 = tpu.memref_slice %arg6[%add3A_221, %dma_start3A_230] : memref<20480x128xf32, #tpu.memory_space<hbm>> -> memref<128x128xf32, #tpu.memory_space<hbm>>
      %dma_start3A_232 = arith.constant 0 : i32
      %dma_start3A_233 = arith.constant 0 : i32
      %dma_start3A_234 = tpu.memref_slice %arg9[%rem3A_211, %dma_start3A_232, %dma_start3A_233] : memref<2x128x128xf32, #tpu.memory_space<vmem>> -> memref<1x128x128xf32, #tpu.memory_space<vmem>>
      %dma_start3A_235 = tpu.memref_squeeze %dma_start3A_234 : memref<1x128x128xf32, #tpu.memory_space<vmem>> -> memref<128x128xf32, #tpu.memory_space<vmem>>
      tpu.enqueue_dma source(%dma_start3A_235 : memref<128x128xf32, #tpu.memory_space<vmem>>) target(%dma_start3A_231 : memref<128x128xf32, #tpu.memory_space<hbm>>) target_semaphore(%dma_start3A_229 : memref<!tpu.dma_semaphore, #tpu.memory_space<semaphore_mem>>)
    }
    %scan3A_162 = arith.constant 5 : i32
    %mul3A_163 = arith.constant 10240 : i32
    %mul3A_164 = arith.muli %arg0, %mul3A_163 : i32
    %mul3A_165 = arith.constant 640 : i32
    %mul3A_166 = arith.muli %arg1, %mul3A_165 : i32
    %add3A_167 = arith.addi %mul3A_164, %mul3A_166 : i32
    %add3A_168 = arith.constant 384 : i32
    %add3A_169 = arith.addi %add3A_167, %add3A_168 : i32
    %dma_wait3A_170 = arith.constant 1 : i32
    %dma_wait3A_171 = arith.constant 1 : i32
    %dma_wait3A_172 = arith.constant 0 : i32
    %dma_wait3A_173 = arith.constant 0 : i32
    %dma_wait3A_174 = tpu.memref_slice %arg9[%dma_wait3A_170, %dma_wait3A_172, %dma_wait3A_173] : memref<2x128x128xf32, #tpu.memory_space<vmem>> -> memref<1x128x128xf32, #tpu.memory_space<vmem>>
    %dma_wait3A_175 = tpu.memref_squeeze %dma_wait3A_174 : memref<1x128x128xf32, #tpu.memory_space<vmem>> -> memref<128x128xf32, #tpu.memory_space<vmem>>
    %dma_wait3A_176 = arith.constant 0 : i32
    %dma_wait3A_177 = tpu.memref_slice %arg6[%add3A_169, %dma_wait3A_176] : memref<20480x128xf32, #tpu.memory_space<hbm>> -> memref<128x128xf32, #tpu.memory_space<hbm>>
    %dma_wait3A_178 = tpu.memref_slice %arg13[%dma_wait3A_171] : memref<2x!tpu.dma_semaphore, #tpu.memory_space<semaphore_mem>> -> memref<1x!tpu.dma_semaphore, #tpu.memory_space<semaphore_mem>>
    %dma_wait3A_179 = tpu.memref_squeeze %dma_wait3A_178 : memref<1x!tpu.dma_semaphore, #tpu.memory_space<semaphore_mem>> -> memref<!tpu.dma_semaphore, #tpu.memory_space<semaphore_mem>>
    %dma_wait3A_180 = arith.constant 0 : i32
    %dma_wait3A_181 = tpu.memref_slice %arg6[%add3A_169, %dma_wait3A_180] : memref<20480x128xf32, #tpu.memory_space<hbm>> -> memref<128x128xf32, #tpu.memory_space<hbm>>
    %dma_wait3A_182 = arith.constant 0 : i32
    %dma_wait3A_183 = arith.constant 0 : i32
    %dma_wait3A_184 = tpu.memref_slice %arg9[%dma_wait3A_170, %dma_wait3A_182, %dma_wait3A_183] : memref<2x128x128xf32, #tpu.memory_space<vmem>> -> memref<1x128x128xf32, #tpu.memory_space<vmem>>
    %dma_wait3A_185 = tpu.memref_squeeze %dma_wait3A_184 : memref<1x128x128xf32, #tpu.memory_space<vmem>> -> memref<128x128xf32, #tpu.memory_space<vmem>>
    tpu.wait_dma2 semaphore(%dma_wait3A_179 : memref<!tpu.dma_semaphore, #tpu.memory_space<semaphore_mem>>) src(%dma_wait3A_185 : memref<128x128xf32, #tpu.memory_space<vmem>>) dst(%dma_wait3A_181 : memref<128x128xf32, #tpu.memory_space<hbm>>)
    %mul3A_186 = arith.constant 10240 : i32
    %mul3A_187 = arith.muli %arg0, %mul3A_186 : i32
    %mul3A_188 = arith.constant 640 : i32
    %mul3A_189 = arith.muli %arg1, %mul3A_188 : i32
    %add3A_190 = arith.addi %mul3A_187, %mul3A_189 : i32
    %add3A_191 = arith.constant 512 : i32
    %add3A_192 = arith.addi %add3A_190, %add3A_191 : i32
    %dma_wait3A_193 = arith.constant 0 : i32
    %dma_wait3A_194 = arith.constant 0 : i32
    %dma_wait3A_195 = arith.constant 0 : i32
    %dma_wait3A_196 = arith.constant 0 : i32
    %dma_wait3A_197 = tpu.memref_slice %arg9[%dma_wait3A_193, %dma_wait3A_195, %dma_wait3A_196] : memref<2x128x128xf32, #tpu.memory_space<vmem>> -> memref<1x128x128xf32, #tpu.memory_space<vmem>>
    %dma_wait3A_198 = tpu.memref_squeeze %dma_wait3A_197 : memref<1x128x128xf32, #tpu.memory_space<vmem>> -> memref<128x128xf32, #tpu.memory_space<vmem>>
    %dma_wait3A_199 = arith.constant 0 : i32
    %dma_wait3A_200 = tpu.memref_slice %arg6[%add3A_192, %dma_wait3A_199] : memref<20480x128xf32, #tpu.memory_space<hbm>> -> memref<128x128xf32, #tpu.memory_space<hbm>>
    %dma_wait3A_201 = tpu.memref_slice %arg13[%dma_wait3A_194] : memref<2x!tpu.dma_semaphore, #tpu.memory_space<semaphore_mem>> -> memref<1x!tpu.dma_semaphore, #tpu.memory_space<semaphore_mem>>
    %dma_wait3A_202 = tpu.memref_squeeze %dma_wait3A_201 : memref<1x!tpu.dma_semaphore, #tpu.memory_space<semaphore_mem>> -> memref<!tpu.dma_semaphore, #tpu.memory_space<semaphore_mem>>
    %dma_wait3A_203 = arith.constant 0 : i32
    %dma_wait3A_204 = tpu.memref_slice %arg6[%add3A_192, %dma_wait3A_203] : memref<20480x128xf32, #tpu.memory_space<hbm>> -> memref<128x128xf32, #tpu.memory_space<hbm>>
    %dma_wait3A_205 = arith.constant 0 : i32
    %dma_wait3A_206 = arith.constant 0 : i32
    %dma_wait3A_207 = tpu.memref_slice %arg9[%dma_wait3A_193, %dma_wait3A_205, %dma_wait3A_206] : memref<2x128x128xf32, #tpu.memory_space<vmem>> -> memref<1x128x128xf32, #tpu.memory_space<vmem>>
    %dma_wait3A_208 = tpu.memref_squeeze %dma_wait3A_207 : memref<1x128x128xf32, #tpu.memory_space<vmem>> -> memref<128x128xf32, #tpu.memory_space<vmem>>
    tpu.wait_dma2 semaphore(%dma_wait3A_202 : memref<!tpu.dma_semaphore, #tpu.memory_space<semaphore_mem>>) src(%dma_wait3A_208 : memref<128x128xf32, #tpu.memory_space<vmem>>) dst(%dma_wait3A_204 : memref<128x128xf32, #tpu.memory_space<hbm>>)
    return
  }
}

#map = affine_map<(d0, d1) -> (0, 0)>
module attributes {stable_mosaic.version = 14 : i64} {
  func.func @_conv_body(%arg0: i32, %arg1: i32, %arg2: memref<10240x128xf32, #tpu.memory_space<hbm>>, %arg3: memref<2560x128xi32, #tpu.memory_space<hbm>>, %arg4: memref<2560x128xi32, #tpu.memory_space<hbm>>, %arg5: memref<640x128xf32, #tpu.memory_space<hbm>>, %arg6: memref<20480x128xf32, #tpu.memory_space<hbm>>, %arg7: memref<3x128xi32, #tpu.memory_space<vmem>>, %arg8: memref<3x128xi32, #tpu.memory_space<vmem>>, %arg9: memref<2x128x128xf32, #tpu.memory_space<vmem>>, %arg10: memref<3x!tpu.dma_semaphore, #tpu.memory_space<semaphore_mem>>, %arg11: memref<3x!tpu.dma_semaphore, #tpu.memory_space<semaphore_mem>>, %arg12: memref<2x!tpu.dma_semaphore, #tpu.memory_space<semaphore_mem>>, %arg13: memref<2x!tpu.dma_semaphore, #tpu.memory_space<semaphore_mem>>, %arg14: memref<10240x128xf32, #tpu.memory_space<vmem_shared>>) attributes {dimension_semantics = [#tpu.dimension_semantics<core_parallel>, #tpu.dimension_semantics<subcore_parallel>], iteration_bounds = array<i64: 2, 16>, scalar_prefetch = 0 : i64, scratch_operands = 8 : i64, tpu.core_type = #tpu.core_type<sc_vector_subcore>, window_params = [{transform_indices = #map}, {transform_indices = #map}, {transform_indices = #map}, {transform_indices = #map}, {transform_indices = #map}]} {
    %eq3A = arith.constant 0 : i32
    %eq3A_0 = arith.cmpi eq, %arg0, %eq3A : i32
    %jit3A = arith.constant 80 : i32
    %jit3A_1 = arith.constant 80 : i32
    %select_n3A = arith.select %eq3A_0, %jit3A, %jit3A_1 : i32
    %eq3A_2 = arith.constant 0 : i32
    %eq3A_3 = arith.cmpi eq, %arg0, %eq3A_2 : i32
    %mul3A = arith.constant 80 : i32
    %mul3A_4 = arith.muli %arg1, %mul3A : i32
    %mul3A_5 = arith.constant 80 : i32
    %mul3A_6 = arith.muli %arg1, %mul3A_5 : i32
    %add3A = arith.constant 1280 : i32
    %add3A_7 = arith.addi %add3A, %mul3A_6 : i32
    %select_n3A_8 = arith.select %eq3A_3, %mul3A_4, %add3A_7 : i32
    %mul3A_9 = arith.constant 640 : i32
    %mul3A_10 = arith.muli %arg1, %mul3A_9 : i32
    "tpu.region"() ({
      %run_scoped3A = tpu.sem_alloc : memref<!tpu.dma_semaphore, #tpu.memory_space<semaphore_mem>>
      %dma_start3A_209 = arith.constant 0 : i32
      %dma_start3A_210 = tpu.memref_slice %arg14[%mul3A_10, %dma_start3A_209] : memref<10240x128xf32, #tpu.memory_space<vmem_shared>> -> memref<640x128xf32, #tpu.memory_space<vmem_shared>>
      tpu.enqueue_dma source(%arg5 : memref<640x128xf32, #tpu.memory_space<hbm>>) target(%dma_start3A_210 : memref<640x128xf32, #tpu.memory_space<vmem_shared>>) target_semaphore(%run_scoped3A : memref<!tpu.dma_semaphore, #tpu.memory_space<semaphore_mem>>)
      %dma_wait3A_211 = arith.constant 0 : i32
      %dma_wait3A_212 = tpu.memref_slice %arg14[%mul3A_10, %dma_wait3A_211] : memref<10240x128xf32, #tpu.memory_space<vmem_shared>> -> memref<640x128xf32, #tpu.memory_space<vmem_shared>>
      tpu.wait_dma2 semaphore(%run_scoped3A : memref<!tpu.dma_semaphore, #tpu.memory_space<semaphore_mem>>) src(%arg5 : memref<640x128xf32, #tpu.memory_space<hbm>>) dst(%dma_wait3A_212 : memref<640x128xf32, #tpu.memory_space<vmem_shared>>)
      tpu.yield
    }) : () -> ()
    %barrier3A = arith.constant 0 : index
    tpu.barrier barrier_id(%barrier3A)
    %rem3A = arith.constant 0 : i32
    %rem3A_11 = arith.constant 3 : i32
    %rem3A_12 = arith.remsi %rem3A, %rem3A_11 : i32
    %add3A_13 = arith.constant 0 : i32
    %add3A_14 = arith.addi %select_n3A_8, %add3A_13 : i32
    %add3A_15 = arith.constant 0 : i32
    %add3A_16 = arith.addi %select_n3A_8, %add3A_15 : i32
    %rem3A_17 = arith.constant 1 : i32
    %rem3A_18 = arith.constant 3 : i32
    %rem3A_19 = arith.remsi %rem3A_17, %rem3A_18 : i32
    %add3A_20 = arith.constant 1 : i32
    %add3A_21 = arith.addi %select_n3A_8, %add3A_20 : i32
    %add3A_22 = arith.constant 1 : i32
    %add3A_23 = arith.addi %select_n3A_8, %add3A_22 : i32
    %dma_start3A = arith.constant 0 : i32
    %dma_start3A_24 = tpu.memref_slice %arg7[%rem3A_12, %dma_start3A] : memref<3x128xi32, #tpu.memory_space<vmem>> -> memref<1x128xi32, #tpu.memory_space<vmem>>
    %dma_start3A_25 = tpu.memref_squeeze %dma_start3A_24 : memref<1x128xi32, #tpu.memory_space<vmem>> -> memref<128xi32, #tpu.memory_space<vmem>>
    %dma_start3A_26 = arith.constant 0 : i32
    %dma_start3A_27 = tpu.memref_slice %arg3[%add3A_14, %dma_start3A_26] : memref<2560x128xi32, #tpu.memory_space<hbm>> -> memref<1x128xi32, #tpu.memory_space<hbm>>
    %dma_start3A_28 = tpu.memref_squeeze %dma_start3A_27 : memref<1x128xi32, #tpu.memory_space<hbm>> -> memref<128xi32, #tpu.memory_space<hbm>>
    %dma_start3A_29 = tpu.memref_slice %arg10[%rem3A_12] : memref<3x!tpu.dma_semaphore, #tpu.memory_space<semaphore_mem>> -> memref<1x!tpu.dma_semaphore, #tpu.memory_space<semaphore_mem>>
    %dma_start3A_30 = tpu.memref_squeeze %dma_start3A_29 : memref<1x!tpu.dma_semaphore, #tpu.memory_space<semaphore_mem>> -> memref<!tpu.dma_semaphore, #tpu.memory_space<semaphore_mem>>
    %dma_start3A_31 = arith.constant 0 : i32
    %dma_start3A_32 = tpu.memref_slice %arg7[%rem3A_12, %dma_start3A_31] : memref<3x128xi32, #tpu.memory_space<vmem>> -> memref<1x128xi32, #tpu.memory_space<vmem>>
    %dma_start3A_33 = tpu.memref_squeeze %dma_start3A_32 : memref<1x128xi32, #tpu.memory_space<vmem>> -> memref<128xi32, #tpu.memory_space<vmem>>
    %dma_start3A_34 = arith.constant 0 : i32
    %dma_start3A_35 = tpu.memref_slice %arg3[%add3A_14, %dma_start3A_34] : memref<2560x128xi32, #tpu.memory_space<hbm>> -> memref<1x128xi32, #tpu.memory_space<hbm>>
    %dma_start3A_36 = tpu.memref_squeeze %dma_start3A_35 : memref<1x128xi32, #tpu.memory_space<hbm>> -> memref<128xi32, #tpu.memory_space<hbm>>
    tpu.enqueue_dma source(%dma_start3A_36 : memref<128xi32, #tpu.memory_space<hbm>>) target(%dma_start3A_33 : memref<128xi32, #tpu.memory_space<vmem>>) target_semaphore(%dma_start3A_30 : memref<!tpu.dma_semaphore, #tpu.memory_space<semaphore_mem>>)
    %dma_start3A_37 = arith.constant 0 : i32
    %dma_start3A_38 = tpu.memref_slice %arg8[%rem3A_12, %dma_start3A_37] : memref<3x128xi32, #tpu.memory_space<vmem>> -> memref<1x128xi32, #tpu.memory_space<vmem>>
    %dma_start3A_39 = tpu.memref_squeeze %dma_start3A_38 : memref<1x128xi32, #tpu.memory_space<vmem>> -> memref<128xi32, #tpu.memory_space<vmem>>
    %dma_start3A_40 = arith.constant 0 : i32
    %dma_start3A_41 = tpu.memref_slice %arg4[%add3A_16, %dma_start3A_40] : memref<2560x128xi32, #tpu.memory_space<hbm>> -> memref<1x128xi32, #tpu.memory_space<hbm>>
    %dma_start3A_42 = tpu.memref_squeeze %dma_start3A_41 : memref<1x128xi32, #tpu.memory_space<hbm>> -> memref<128xi32, #tpu.memory_space<hbm>>
    %dma_start3A_43 = tpu.memref_slice %arg11[%rem3A_12] : memref<3x!tpu.dma_semaphore, #tpu.memory_space<semaphore_mem>> -> memref<1x!tpu.dma_semaphore, #tpu.memory_space<semaphore_mem>>
    %dma_start3A_44 = tpu.memref_squeeze %dma_start3A_43 : memref<1x!tpu.dma_semaphore, #tpu.memory_space<semaphore_mem>> -> memref<!tpu.dma_semaphore, #tpu.memory_space<semaphore_mem>>
    %dma_start3A_45 = arith.constant 0 : i32
    %dma_start3A_46 = tpu.memref_slice %arg8[%rem3A_12, %dma_start3A_45] : memref<3x128xi32, #tpu.memory_space<vmem>> -> memref<1x128xi32, #tpu.memory_space<vmem>>
    %dma_start3A_47 = tpu.memref_squeeze %dma_start3A_46 : memref<1x128xi32, #tpu.memory_space<vmem>> -> memref<128xi32, #tpu.memory_space<vmem>>
    %dma_start3A_48 = arith.constant 0 : i32
    %dma_start3A_49 = tpu.memref_slice %arg4[%add3A_16, %dma_start3A_48] : memref<2560x128xi32, #tpu.memory_space<hbm>> -> memref<1x128xi32, #tpu.memory_space<hbm>>
    %dma_start3A_50 = tpu.memref_squeeze %dma_start3A_49 : memref<1x128xi32, #tpu.memory_space<hbm>> -> memref<128xi32, #tpu.memory_space<hbm>>
    tpu.enqueue_dma source(%dma_start3A_50 : memref<128xi32, #tpu.memory_space<hbm>>) target(%dma_start3A_47 : memref<128xi32, #tpu.memory_space<vmem>>) target_semaphore(%dma_start3A_44 : memref<!tpu.dma_semaphore, #tpu.memory_space<semaphore_mem>>)
    %dma_start3A_51 = arith.constant 0 : i32
    %dma_start3A_52 = tpu.memref_slice %arg7[%rem3A_19, %dma_start3A_51] : memref<3x128xi32, #tpu.memory_space<vmem>> -> memref<1x128xi32, #tpu.memory_space<vmem>>
    %dma_start3A_53 = tpu.memref_squeeze %dma_start3A_52 : memref<1x128xi32, #tpu.memory_space<vmem>> -> memref<128xi32, #tpu.memory_space<vmem>>
    %dma_start3A_54 = arith.constant 0 : i32
    %dma_start3A_55 = tpu.memref_slice %arg3[%add3A_21, %dma_start3A_54] : memref<2560x128xi32, #tpu.memory_space<hbm>> -> memref<1x128xi32, #tpu.memory_space<hbm>>
    %dma_start3A_56 = tpu.memref_squeeze %dma_start3A_55 : memref<1x128xi32, #tpu.memory_space<hbm>> -> memref<128xi32, #tpu.memory_space<hbm>>
    %dma_start3A_57 = tpu.memref_slice %arg10[%rem3A_19] : memref<3x!tpu.dma_semaphore, #tpu.memory_space<semaphore_mem>> -> memref<1x!tpu.dma_semaphore, #tpu.memory_space<semaphore_mem>>
    %dma_start3A_58 = tpu.memref_squeeze %dma_start3A_57 : memref<1x!tpu.dma_semaphore, #tpu.memory_space<semaphore_mem>> -> memref<!tpu.dma_semaphore, #tpu.memory_space<semaphore_mem>>
    %dma_start3A_59 = arith.constant 0 : i32
    %dma_start3A_60 = tpu.memref_slice %arg7[%rem3A_19, %dma_start3A_59] : memref<3x128xi32, #tpu.memory_space<vmem>> -> memref<1x128xi32, #tpu.memory_space<vmem>>
    %dma_start3A_61 = tpu.memref_squeeze %dma_start3A_60 : memref<1x128xi32, #tpu.memory_space<vmem>> -> memref<128xi32, #tpu.memory_space<vmem>>
    %dma_start3A_62 = arith.constant 0 : i32
    %dma_start3A_63 = tpu.memref_slice %arg3[%add3A_21, %dma_start3A_62] : memref<2560x128xi32, #tpu.memory_space<hbm>> -> memref<1x128xi32, #tpu.memory_space<hbm>>
    %dma_start3A_64 = tpu.memref_squeeze %dma_start3A_63 : memref<1x128xi32, #tpu.memory_space<hbm>> -> memref<128xi32, #tpu.memory_space<hbm>>
    tpu.enqueue_dma source(%dma_start3A_64 : memref<128xi32, #tpu.memory_space<hbm>>) target(%dma_start3A_61 : memref<128xi32, #tpu.memory_space<vmem>>) target_semaphore(%dma_start3A_58 : memref<!tpu.dma_semaphore, #tpu.memory_space<semaphore_mem>>)
    %dma_start3A_65 = arith.constant 0 : i32
    %dma_start3A_66 = tpu.memref_slice %arg8[%rem3A_19, %dma_start3A_65] : memref<3x128xi32, #tpu.memory_space<vmem>> -> memref<1x128xi32, #tpu.memory_space<vmem>>
    %dma_start3A_67 = tpu.memref_squeeze %dma_start3A_66 : memref<1x128xi32, #tpu.memory_space<vmem>> -> memref<128xi32, #tpu.memory_space<vmem>>
    %dma_start3A_68 = arith.constant 0 : i32
    %dma_start3A_69 = tpu.memref_slice %arg4[%add3A_23, %dma_start3A_68] : memref<2560x128xi32, #tpu.memory_space<hbm>> -> memref<1x128xi32, #tpu.memory_space<hbm>>
    %dma_start3A_70 = tpu.memref_squeeze %dma_start3A_69 : memref<1x128xi32, #tpu.memory_space<hbm>> -> memref<128xi32, #tpu.memory_space<hbm>>
    %dma_start3A_71 = tpu.memref_slice %arg11[%rem3A_19] : memref<3x!tpu.dma_semaphore, #tpu.memory_space<semaphore_mem>> -> memref<1x!tpu.dma_semaphore, #tpu.memory_space<semaphore_mem>>
    %dma_start3A_72 = tpu.memref_squeeze %dma_start3A_71 : memref<1x!tpu.dma_semaphore, #tpu.memory_space<semaphore_mem>> -> memref<!tpu.dma_semaphore, #tpu.memory_space<semaphore_mem>>
    %dma_start3A_73 = arith.constant 0 : i32
    %dma_start3A_74 = tpu.memref_slice %arg8[%rem3A_19, %dma_start3A_73] : memref<3x128xi32, #tpu.memory_space<vmem>> -> memref<1x128xi32, #tpu.memory_space<vmem>>
    %dma_start3A_75 = tpu.memref_squeeze %dma_start3A_74 : memref<1x128xi32, #tpu.memory_space<vmem>> -> memref<128xi32, #tpu.memory_space<vmem>>
    %dma_start3A_76 = arith.constant 0 : i32
    %dma_start3A_77 = tpu.memref_slice %arg4[%add3A_23, %dma_start3A_76] : memref<2560x128xi32, #tpu.memory_space<hbm>> -> memref<1x128xi32, #tpu.memory_space<hbm>>
    %dma_start3A_78 = tpu.memref_squeeze %dma_start3A_77 : memref<1x128xi32, #tpu.memory_space<hbm>> -> memref<128xi32, #tpu.memory_space<hbm>>
    tpu.enqueue_dma source(%dma_start3A_78 : memref<128xi32, #tpu.memory_space<hbm>>) target(%dma_start3A_75 : memref<128xi32, #tpu.memory_space<vmem>>) target_semaphore(%dma_start3A_72 : memref<!tpu.dma_semaphore, #tpu.memory_space<semaphore_mem>>)
    %rem3A_79 = arith.constant 0 : i32
    %rem3A_80 = arith.constant 3 : i32
    %rem3A_81 = arith.remsi %rem3A_79, %rem3A_80 : i32
    %add3A_82 = arith.constant 0 : i32
    %add3A_83 = arith.addi %select_n3A_8, %add3A_82 : i32
    %add3A_84 = arith.constant 0 : i32
    %add3A_85 = arith.addi %select_n3A_8, %add3A_84 : i32
    %dma_wait3A = arith.constant 0 : i32
    %dma_wait3A_86 = tpu.memref_slice %arg7[%rem3A_81, %dma_wait3A] : memref<3x128xi32, #tpu.memory_space<vmem>> -> memref<1x128xi32, #tpu.memory_space<vmem>>
    %dma_wait3A_87 = tpu.memref_squeeze %dma_wait3A_86 : memref<1x128xi32, #tpu.memory_space<vmem>> -> memref<128xi32, #tpu.memory_space<vmem>>
    %dma_wait3A_88 = arith.constant 0 : i32
    %dma_wait3A_89 = tpu.memref_slice %arg3[%add3A_83, %dma_wait3A_88] : memref<2560x128xi32, #tpu.memory_space<hbm>> -> memref<1x128xi32, #tpu.memory_space<hbm>>
    %dma_wait3A_90 = tpu.memref_squeeze %dma_wait3A_89 : memref<1x128xi32, #tpu.memory_space<hbm>> -> memref<128xi32, #tpu.memory_space<hbm>>
    %dma_wait3A_91 = tpu.memref_slice %arg10[%rem3A_81] : memref<3x!tpu.dma_semaphore, #tpu.memory_space<semaphore_mem>> -> memref<1x!tpu.dma_semaphore, #tpu.memory_space<semaphore_mem>>
    %dma_wait3A_92 = tpu.memref_squeeze %dma_wait3A_91 : memref<1x!tpu.dma_semaphore, #tpu.memory_space<semaphore_mem>> -> memref<!tpu.dma_semaphore, #tpu.memory_space<semaphore_mem>>
    %dma_wait3A_93 = arith.constant 0 : i32
    %dma_wait3A_94 = tpu.memref_slice %arg7[%rem3A_81, %dma_wait3A_93] : memref<3x128xi32, #tpu.memory_space<vmem>> -> memref<1x128xi32, #tpu.memory_space<vmem>>
    %dma_wait3A_95 = tpu.memref_squeeze %dma_wait3A_94 : memref<1x128xi32, #tpu.memory_space<vmem>> -> memref<128xi32, #tpu.memory_space<vmem>>
    %dma_wait3A_96 = arith.constant 0 : i32
    %dma_wait3A_97 = tpu.memref_slice %arg3[%add3A_83, %dma_wait3A_96] : memref<2560x128xi32, #tpu.memory_space<hbm>> -> memref<1x128xi32, #tpu.memory_space<hbm>>
    %dma_wait3A_98 = tpu.memref_squeeze %dma_wait3A_97 : memref<1x128xi32, #tpu.memory_space<hbm>> -> memref<128xi32, #tpu.memory_space<hbm>>
    tpu.wait_dma2 semaphore(%dma_wait3A_92 : memref<!tpu.dma_semaphore, #tpu.memory_space<semaphore_mem>>) src(%dma_wait3A_98 : memref<128xi32, #tpu.memory_space<hbm>>) dst(%dma_wait3A_95 : memref<128xi32, #tpu.memory_space<vmem>>)
    %dma_wait3A_99 = arith.constant 0 : i32
    %dma_wait3A_100 = tpu.memref_slice %arg8[%rem3A_81, %dma_wait3A_99] : memref<3x128xi32, #tpu.memory_space<vmem>> -> memref<1x128xi32, #tpu.memory_space<vmem>>
    %dma_wait3A_101 = tpu.memref_squeeze %dma_wait3A_100 : memref<1x128xi32, #tpu.memory_space<vmem>> -> memref<128xi32, #tpu.memory_space<vmem>>
    %dma_wait3A_102 = arith.constant 0 : i32
    %dma_wait3A_103 = tpu.memref_slice %arg4[%add3A_85, %dma_wait3A_102] : memref<2560x128xi32, #tpu.memory_space<hbm>> -> memref<1x128xi32, #tpu.memory_space<hbm>>
    %dma_wait3A_104 = tpu.memref_squeeze %dma_wait3A_103 : memref<1x128xi32, #tpu.memory_space<hbm>> -> memref<128xi32, #tpu.memory_space<hbm>>
    %dma_wait3A_105 = tpu.memref_slice %arg11[%rem3A_81] : memref<3x!tpu.dma_semaphore, #tpu.memory_space<semaphore_mem>> -> memref<1x!tpu.dma_semaphore, #tpu.memory_space<semaphore_mem>>
    %dma_wait3A_106 = tpu.memref_squeeze %dma_wait3A_105 : memref<1x!tpu.dma_semaphore, #tpu.memory_space<semaphore_mem>> -> memref<!tpu.dma_semaphore, #tpu.memory_space<semaphore_mem>>
    %dma_wait3A_107 = arith.constant 0 : i32
    %dma_wait3A_108 = tpu.memref_slice %arg8[%rem3A_81, %dma_wait3A_107] : memref<3x128xi32, #tpu.memory_space<vmem>> -> memref<1x128xi32, #tpu.memory_space<vmem>>
    %dma_wait3A_109 = tpu.memref_squeeze %dma_wait3A_108 : memref<1x128xi32, #tpu.memory_space<vmem>> -> memref<128xi32, #tpu.memory_space<vmem>>
    %dma_wait3A_110 = arith.constant 0 : i32
    %dma_wait3A_111 = tpu.memref_slice %arg4[%add3A_85, %dma_wait3A_110] : memref<2560x128xi32, #tpu.memory_space<hbm>> -> memref<1x128xi32, #tpu.memory_space<hbm>>
    %dma_wait3A_112 = tpu.memref_squeeze %dma_wait3A_111 : memref<1x128xi32, #tpu.memory_space<hbm>> -> memref<128xi32, #tpu.memory_space<hbm>>
    tpu.wait_dma2 semaphore(%dma_wait3A_106 : memref<!tpu.dma_semaphore, #tpu.memory_space<semaphore_mem>>) src(%dma_wait3A_112 : memref<128xi32, #tpu.memory_space<hbm>>) dst(%dma_wait3A_109 : memref<128xi32, #tpu.memory_space<vmem>>)
    %rem3A_113 = arith.constant 0 : i32
    %rem3A_114 = arith.constant 2 : i32
    %rem3A_115 = arith.remsi %rem3A_113, %rem3A_114 : i32
    %rem3A_116 = arith.constant 0 : i32
    %rem3A_117 = arith.constant 3 : i32
    %rem3A_118 = arith.remsi %rem3A_116, %rem3A_117 : i32
    %dma_start3A_119 = arith.constant 0 : i32
    %dma_start3A_120 = arith.constant 0 : i32
    %dma_start3A_121 = tpu.memref_slice %arg9[%rem3A_115, %dma_start3A_119, %dma_start3A_120] : memref<2x128x128xf32, #tpu.memory_space<vmem>> -> memref<1x128x128xf32, #tpu.memory_space<vmem>>
    %dma_start3A_122 = tpu.memref_squeeze %dma_start3A_121 : memref<1x128x128xf32, #tpu.memory_space<vmem>> -> memref<128x128xf32, #tpu.memory_space<vmem>>
    %dma_start3A_123 = arith.constant 0 : i32
    %dma_start3A_124 = tpu.memref_slice %arg7[%rem3A_118, %dma_start3A_123] : memref<3x128xi32, #tpu.memory_space<vmem>> -> memref<1x128xi32, #tpu.memory_space<vmem>>
    %dma_start3A_125 = tpu.memref_squeeze %dma_start3A_124 : memref<1x128xi32, #tpu.memory_space<vmem>> -> memref<128xi32, #tpu.memory_space<vmem>>
    %dma_start3A_126 = arith.constant 0 : i32
    %dma_start3A_127 = arith.constant 0 : i32
    %dma_start3A_128 = tpu.memref_slice %arg2[%dma_start3A_126, %dma_start3A_127] : memref<10240x128xf32, #tpu.memory_space<hbm>> -> memref<10240x128xf32, #tpu.memory_space<hbm>>
    %dma_start3A_129 = tpu.memref_slice %arg12[%rem3A_115] : memref<2x!tpu.dma_semaphore, #tpu.memory_space<semaphore_mem>> -> memref<1x!tpu.dma_semaphore, #tpu.memory_space<semaphore_mem>>
    %dma_start3A_130 = tpu.memref_squeeze %dma_start3A_129 : memref<1x!tpu.dma_semaphore, #tpu.memory_space<semaphore_mem>> -> memref<!tpu.dma_semaphore, #tpu.memory_space<semaphore_mem>>
    tpu.enqueue_indirect_dma source(%dma_start3A_128 : memref<10240x128xf32, #tpu.memory_space<hbm>>) target(%dma_start3A_122 : memref<128x128xf32, #tpu.memory_space<vmem>>) offsets(%dma_start3A_125 : memref<128xi32, #tpu.memory_space<vmem>>) semaphore(%dma_start3A_130 : memref<!tpu.dma_semaphore, #tpu.memory_space<semaphore_mem>>)
    %while3A = arith.constant 0 : i32
    %while3A_131 = arith.constant 0 : i32
    %while3A_132 = arith.subi %select_n3A, %while3A_131 : i32
    %while3A_133 = arith.addi %while3A_131, %while3A_132 : i32
    %while3A_134 = arith.constant 1 : i32
    %while3A_135 = arith.divsi %while3A_132, %while3A_134 : i32
    %while3A_136 = arith.muli %while3A_135, %while3A_134 : i32
    %while3A_137 = arith.addi %while3A_131, %while3A_136 : i32
    %while3A_138 = arith.constant 1 : i32
    scf.for %while3A_209 = %while3A_131 to %while3A_137 step %while3A_138  : i32 {
      %ge3A = arith.constant 1 : i32
      %ge3A_210 = arith.cmpi sge, %while3A_209, %ge3A : i32
      %convert_element_type3A = arith.extui %ge3A_210 : i1 to i32
      %cond3A = arith.constant 0 : i32
      %cond3A_211 = arith.cmpi ne, %convert_element_type3A, %cond3A : i32
      scf.if %cond3A_211 {
        %sub3A_255 = arith.constant 1 : i32
        %sub3A_256 = arith.subi %while3A_209, %sub3A_255 : i32
        %rem3A_257 = arith.constant 2 : i32
        %rem3A_258 = arith.remsi %sub3A_256, %rem3A_257 : i32
        %rem3A_259 = arith.constant 3 : i32
        %rem3A_260 = arith.remsi %sub3A_256, %rem3A_259 : i32
        %dma_wait3A_261 = arith.constant 0 : i32
        %dma_wait3A_262 = arith.constant 0 : i32
        %dma_wait3A_263 = tpu.memref_slice %arg9[%rem3A_258, %dma_wait3A_261, %dma_wait3A_262] : memref<2x128x128xf32, #tpu.memory_space<vmem>> -> memref<1x128x128xf32, #tpu.memory_space<vmem>>
        %dma_wait3A_264 = tpu.memref_squeeze %dma_wait3A_263 : memref<1x128x128xf32, #tpu.memory_space<vmem>> -> memref<128x128xf32, #tpu.memory_space<vmem>>
        %dma_wait3A_265 = arith.constant 0 : i32
        %dma_wait3A_266 = tpu.memref_slice %arg8[%rem3A_260, %dma_wait3A_265] : memref<3x128xi32, #tpu.memory_space<vmem>> -> memref<1x128xi32, #tpu.memory_space<vmem>>
        %dma_wait3A_267 = tpu.memref_squeeze %dma_wait3A_266 : memref<1x128xi32, #tpu.memory_space<vmem>> -> memref<128xi32, #tpu.memory_space<vmem>>
        %dma_wait3A_268 = arith.constant 0 : i32
        %dma_wait3A_269 = arith.constant 0 : i32
        %dma_wait3A_270 = tpu.memref_slice %arg14[%dma_wait3A_268, %dma_wait3A_269] : memref<10240x128xf32, #tpu.memory_space<vmem_shared>> -> memref<10240x128xf32, #tpu.memory_space<vmem_shared>>
        %dma_wait3A_271 = tpu.memref_slice %arg13[%rem3A_258] : memref<2x!tpu.dma_semaphore, #tpu.memory_space<semaphore_mem>> -> memref<1x!tpu.dma_semaphore, #tpu.memory_space<semaphore_mem>>
        %dma_wait3A_272 = tpu.memref_squeeze %dma_wait3A_271 : memref<1x!tpu.dma_semaphore, #tpu.memory_space<semaphore_mem>> -> memref<!tpu.dma_semaphore, #tpu.memory_space<semaphore_mem>>
        tpu.wait_indirect_dma semaphore(%dma_wait3A_272 : memref<!tpu.dma_semaphore, #tpu.memory_space<semaphore_mem>>) src(%dma_wait3A_264 : memref<128x128xf32, #tpu.memory_space<vmem>>) dst(%dma_wait3A_270 : memref<10240x128xf32, #tpu.memory_space<vmem_shared>>)
      } else {
      }
      %add3A_212 = arith.constant 2 : i32
      %add3A_213 = arith.addi %while3A_209, %add3A_212 : i32
      %lt3A = arith.cmpi slt, %add3A_213, %select_n3A : i32
      %convert_element_type3A_214 = arith.extui %lt3A : i1 to i32
      %cond3A_215 = arith.constant 0 : i32
      %cond3A_216 = arith.cmpi ne, %convert_element_type3A_214, %cond3A_215 : i32
      scf.if %cond3A_216 {
        %add3A_255 = arith.constant 2 : i32
        %add3A_256 = arith.addi %while3A_209, %add3A_255 : i32
        %rem3A_257 = arith.constant 3 : i32
        %rem3A_258 = arith.remsi %add3A_256, %rem3A_257 : i32
        %add3A_259 = arith.addi %select_n3A_8, %add3A_256 : i32
        %add3A_260 = arith.addi %select_n3A_8, %add3A_256 : i32
        %dma_start3A_261 = arith.constant 0 : i32
        %dma_start3A_262 = tpu.memref_slice %arg7[%rem3A_258, %dma_start3A_261] : memref<3x128xi32, #tpu.memory_space<vmem>> -> memref<1x128xi32, #tpu.memory_space<vmem>>
        %dma_start3A_263 = tpu.memref_squeeze %dma_start3A_262 : memref<1x128xi32, #tpu.memory_space<vmem>> -> memref<128xi32, #tpu.memory_space<vmem>>
        %dma_start3A_264 = arith.constant 0 : i32
        %dma_start3A_265 = tpu.memref_slice %arg3[%add3A_259, %dma_start3A_264] : memref<2560x128xi32, #tpu.memory_space<hbm>> -> memref<1x128xi32, #tpu.memory_space<hbm>>
        %dma_start3A_266 = tpu.memref_squeeze %dma_start3A_265 : memref<1x128xi32, #tpu.memory_space<hbm>> -> memref<128xi32, #tpu.memory_space<hbm>>
        %dma_start3A_267 = tpu.memref_slice %arg10[%rem3A_258] : memref<3x!tpu.dma_semaphore, #tpu.memory_space<semaphore_mem>> -> memref<1x!tpu.dma_semaphore, #tpu.memory_space<semaphore_mem>>
        %dma_start3A_268 = tpu.memref_squeeze %dma_start3A_267 : memref<1x!tpu.dma_semaphore, #tpu.memory_space<semaphore_mem>> -> memref<!tpu.dma_semaphore, #tpu.memory_space<semaphore_mem>>
        %dma_start3A_269 = arith.constant 0 : i32
        %dma_start3A_270 = tpu.memref_slice %arg7[%rem3A_258, %dma_start3A_269] : memref<3x128xi32, #tpu.memory_space<vmem>> -> memref<1x128xi32, #tpu.memory_space<vmem>>
        %dma_start3A_271 = tpu.memref_squeeze %dma_start3A_270 : memref<1x128xi32, #tpu.memory_space<vmem>> -> memref<128xi32, #tpu.memory_space<vmem>>
        %dma_start3A_272 = arith.constant 0 : i32
        %dma_start3A_273 = tpu.memref_slice %arg3[%add3A_259, %dma_start3A_272] : memref<2560x128xi32, #tpu.memory_space<hbm>> -> memref<1x128xi32, #tpu.memory_space<hbm>>
        %dma_start3A_274 = tpu.memref_squeeze %dma_start3A_273 : memref<1x128xi32, #tpu.memory_space<hbm>> -> memref<128xi32, #tpu.memory_space<hbm>>
        tpu.enqueue_dma source(%dma_start3A_274 : memref<128xi32, #tpu.memory_space<hbm>>) target(%dma_start3A_271 : memref<128xi32, #tpu.memory_space<vmem>>) target_semaphore(%dma_start3A_268 : memref<!tpu.dma_semaphore, #tpu.memory_space<semaphore_mem>>)
        %dma_start3A_275 = arith.constant 0 : i32
        %dma_start3A_276 = tpu.memref_slice %arg8[%rem3A_258, %dma_start3A_275] : memref<3x128xi32, #tpu.memory_space<vmem>> -> memref<1x128xi32, #tpu.memory_space<vmem>>
        %dma_start3A_277 = tpu.memref_squeeze %dma_start3A_276 : memref<1x128xi32, #tpu.memory_space<vmem>> -> memref<128xi32, #tpu.memory_space<vmem>>
        %dma_start3A_278 = arith.constant 0 : i32
        %dma_start3A_279 = tpu.memref_slice %arg4[%add3A_260, %dma_start3A_278] : memref<2560x128xi32, #tpu.memory_space<hbm>> -> memref<1x128xi32, #tpu.memory_space<hbm>>
        %dma_start3A_280 = tpu.memref_squeeze %dma_start3A_279 : memref<1x128xi32, #tpu.memory_space<hbm>> -> memref<128xi32, #tpu.memory_space<hbm>>
        %dma_start3A_281 = tpu.memref_slice %arg11[%rem3A_258] : memref<3x!tpu.dma_semaphore, #tpu.memory_space<semaphore_mem>> -> memref<1x!tpu.dma_semaphore, #tpu.memory_space<semaphore_mem>>
        %dma_start3A_282 = tpu.memref_squeeze %dma_start3A_281 : memref<1x!tpu.dma_semaphore, #tpu.memory_space<semaphore_mem>> -> memref<!tpu.dma_semaphore, #tpu.memory_space<semaphore_mem>>
        %dma_start3A_283 = arith.constant 0 : i32
        %dma_start3A_284 = tpu.memref_slice %arg8[%rem3A_258, %dma_start3A_283] : memref<3x128xi32, #tpu.memory_space<vmem>> -> memref<1x128xi32, #tpu.memory_space<vmem>>
        %dma_start3A_285 = tpu.memref_squeeze %dma_start3A_284 : memref<1x128xi32, #tpu.memory_space<vmem>> -> memref<128xi32, #tpu.memory_space<vmem>>
        %dma_start3A_286 = arith.constant 0 : i32
        %dma_start3A_287 = tpu.memref_slice %arg4[%add3A_260, %dma_start3A_286] : memref<2560x128xi32, #tpu.memory_space<hbm>> -> memref<1x128xi32, #tpu.memory_space<hbm>>
        %dma_start3A_288 = tpu.memref_squeeze %dma_start3A_287 : memref<1x128xi32, #tpu.memory_space<hbm>> -> memref<128xi32, #tpu.memory_space<hbm>>
        tpu.enqueue_dma source(%dma_start3A_288 : memref<128xi32, #tpu.memory_space<hbm>>) target(%dma_start3A_285 : memref<128xi32, #tpu.memory_space<vmem>>) target_semaphore(%dma_start3A_282 : memref<!tpu.dma_semaphore, #tpu.memory_space<semaphore_mem>>)
      } else {
      }
      %add3A_217 = arith.constant 1 : i32
      %add3A_218 = arith.addi %while3A_209, %add3A_217 : i32
      %lt3A_219 = arith.cmpi slt, %add3A_218, %select_n3A : i32
      %convert_element_type3A_220 = arith.extui %lt3A_219 : i1 to i32
      %cond3A_221 = arith.constant 0 : i32
      %cond3A_222 = arith.cmpi ne, %convert_element_type3A_220, %cond3A_221 : i32
      scf.if %cond3A_222 {
        %add3A_255 = arith.constant 1 : i32
        %add3A_256 = arith.addi %while3A_209, %add3A_255 : i32
        %rem3A_257 = arith.constant 3 : i32
        %rem3A_258 = arith.remsi %add3A_256, %rem3A_257 : i32
        %add3A_259 = arith.addi %select_n3A_8, %add3A_256 : i32
        %add3A_260 = arith.addi %select_n3A_8, %add3A_256 : i32
        %dma_wait3A_261 = arith.constant 0 : i32
        %dma_wait3A_262 = tpu.memref_slice %arg7[%rem3A_258, %dma_wait3A_261] : memref<3x128xi32, #tpu.memory_space<vmem>> -> memref<1x128xi32, #tpu.memory_space<vmem>>
        %dma_wait3A_263 = tpu.memref_squeeze %dma_wait3A_262 : memref<1x128xi32, #tpu.memory_space<vmem>> -> memref<128xi32, #tpu.memory_space<vmem>>
        %dma_wait3A_264 = arith.constant 0 : i32
        %dma_wait3A_265 = tpu.memref_slice %arg3[%add3A_259, %dma_wait3A_264] : memref<2560x128xi32, #tpu.memory_space<hbm>> -> memref<1x128xi32, #tpu.memory_space<hbm>>
        %dma_wait3A_266 = tpu.memref_squeeze %dma_wait3A_265 : memref<1x128xi32, #tpu.memory_space<hbm>> -> memref<128xi32, #tpu.memory_space<hbm>>
        %dma_wait3A_267 = tpu.memref_slice %arg10[%rem3A_258] : memref<3x!tpu.dma_semaphore, #tpu.memory_space<semaphore_mem>> -> memref<1x!tpu.dma_semaphore, #tpu.memory_space<semaphore_mem>>
        %dma_wait3A_268 = tpu.memref_squeeze %dma_wait3A_267 : memref<1x!tpu.dma_semaphore, #tpu.memory_space<semaphore_mem>> -> memref<!tpu.dma_semaphore, #tpu.memory_space<semaphore_mem>>
        %dma_wait3A_269 = arith.constant 0 : i32
        %dma_wait3A_270 = tpu.memref_slice %arg7[%rem3A_258, %dma_wait3A_269] : memref<3x128xi32, #tpu.memory_space<vmem>> -> memref<1x128xi32, #tpu.memory_space<vmem>>
        %dma_wait3A_271 = tpu.memref_squeeze %dma_wait3A_270 : memref<1x128xi32, #tpu.memory_space<vmem>> -> memref<128xi32, #tpu.memory_space<vmem>>
        %dma_wait3A_272 = arith.constant 0 : i32
        %dma_wait3A_273 = tpu.memref_slice %arg3[%add3A_259, %dma_wait3A_272] : memref<2560x128xi32, #tpu.memory_space<hbm>> -> memref<1x128xi32, #tpu.memory_space<hbm>>
        %dma_wait3A_274 = tpu.memref_squeeze %dma_wait3A_273 : memref<1x128xi32, #tpu.memory_space<hbm>> -> memref<128xi32, #tpu.memory_space<hbm>>
        tpu.wait_dma2 semaphore(%dma_wait3A_268 : memref<!tpu.dma_semaphore, #tpu.memory_space<semaphore_mem>>) src(%dma_wait3A_274 : memref<128xi32, #tpu.memory_space<hbm>>) dst(%dma_wait3A_271 : memref<128xi32, #tpu.memory_space<vmem>>)
        %dma_wait3A_275 = arith.constant 0 : i32
        %dma_wait3A_276 = tpu.memref_slice %arg8[%rem3A_258, %dma_wait3A_275] : memref<3x128xi32, #tpu.memory_space<vmem>> -> memref<1x128xi32, #tpu.memory_space<vmem>>
        %dma_wait3A_277 = tpu.memref_squeeze %dma_wait3A_276 : memref<1x128xi32, #tpu.memory_space<vmem>> -> memref<128xi32, #tpu.memory_space<vmem>>
        %dma_wait3A_278 = arith.constant 0 : i32
        %dma_wait3A_279 = tpu.memref_slice %arg4[%add3A_260, %dma_wait3A_278] : memref<2560x128xi32, #tpu.memory_space<hbm>> -> memref<1x128xi32, #tpu.memory_space<hbm>>
        %dma_wait3A_280 = tpu.memref_squeeze %dma_wait3A_279 : memref<1x128xi32, #tpu.memory_space<hbm>> -> memref<128xi32, #tpu.memory_space<hbm>>
        %dma_wait3A_281 = tpu.memref_slice %arg11[%rem3A_258] : memref<3x!tpu.dma_semaphore, #tpu.memory_space<semaphore_mem>> -> memref<1x!tpu.dma_semaphore, #tpu.memory_space<semaphore_mem>>
        %dma_wait3A_282 = tpu.memref_squeeze %dma_wait3A_281 : memref<1x!tpu.dma_semaphore, #tpu.memory_space<semaphore_mem>> -> memref<!tpu.dma_semaphore, #tpu.memory_space<semaphore_mem>>
        %dma_wait3A_283 = arith.constant 0 : i32
        %dma_wait3A_284 = tpu.memref_slice %arg8[%rem3A_258, %dma_wait3A_283] : memref<3x128xi32, #tpu.memory_space<vmem>> -> memref<1x128xi32, #tpu.memory_space<vmem>>
        %dma_wait3A_285 = tpu.memref_squeeze %dma_wait3A_284 : memref<1x128xi32, #tpu.memory_space<vmem>> -> memref<128xi32, #tpu.memory_space<vmem>>
        %dma_wait3A_286 = arith.constant 0 : i32
        %dma_wait3A_287 = tpu.memref_slice %arg4[%add3A_260, %dma_wait3A_286] : memref<2560x128xi32, #tpu.memory_space<hbm>> -> memref<1x128xi32, #tpu.memory_space<hbm>>
        %dma_wait3A_288 = tpu.memref_squeeze %dma_wait3A_287 : memref<1x128xi32, #tpu.memory_space<hbm>> -> memref<128xi32, #tpu.memory_space<hbm>>
        tpu.wait_dma2 semaphore(%dma_wait3A_282 : memref<!tpu.dma_semaphore, #tpu.memory_space<semaphore_mem>>) src(%dma_wait3A_288 : memref<128xi32, #tpu.memory_space<hbm>>) dst(%dma_wait3A_285 : memref<128xi32, #tpu.memory_space<vmem>>)
        %add3A_289 = arith.constant 1 : i32
        %add3A_290 = arith.addi %while3A_209, %add3A_289 : i32
        %rem3A_291 = arith.constant 2 : i32
        %rem3A_292 = arith.remsi %add3A_290, %rem3A_291 : i32
        %rem3A_293 = arith.constant 3 : i32
        %rem3A_294 = arith.remsi %add3A_290, %rem3A_293 : i32
        %dma_start3A_295 = arith.constant 0 : i32
        %dma_start3A_296 = arith.constant 0 : i32
        %dma_start3A_297 = tpu.memref_slice %arg9[%rem3A_292, %dma_start3A_295, %dma_start3A_296] : memref<2x128x128xf32, #tpu.memory_space<vmem>> -> memref<1x128x128xf32, #tpu.memory_space<vmem>>
        %dma_start3A_298 = tpu.memref_squeeze %dma_start3A_297 : memref<1x128x128xf32, #tpu.memory_space<vmem>> -> memref<128x128xf32, #tpu.memory_space<vmem>>
        %dma_start3A_299 = arith.constant 0 : i32
        %dma_start3A_300 = tpu.memref_slice %arg7[%rem3A_294, %dma_start3A_299] : memref<3x128xi32, #tpu.memory_space<vmem>> -> memref<1x128xi32, #tpu.memory_space<vmem>>
        %dma_start3A_301 = tpu.memref_squeeze %dma_start3A_300 : memref<1x128xi32, #tpu.memory_space<vmem>> -> memref<128xi32, #tpu.memory_space<vmem>>
        %dma_start3A_302 = arith.constant 0 : i32
        %dma_start3A_303 = arith.constant 0 : i32
        %dma_start3A_304 = tpu.memref_slice %arg2[%dma_start3A_302, %dma_start3A_303] : memref<10240x128xf32, #tpu.memory_space<hbm>> -> memref<10240x128xf32, #tpu.memory_space<hbm>>
        %dma_start3A_305 = tpu.memref_slice %arg12[%rem3A_292] : memref<2x!tpu.dma_semaphore, #tpu.memory_space<semaphore_mem>> -> memref<1x!tpu.dma_semaphore, #tpu.memory_space<semaphore_mem>>
        %dma_start3A_306 = tpu.memref_squeeze %dma_start3A_305 : memref<1x!tpu.dma_semaphore, #tpu.memory_space<semaphore_mem>> -> memref<!tpu.dma_semaphore, #tpu.memory_space<semaphore_mem>>
        tpu.enqueue_indirect_dma source(%dma_start3A_304 : memref<10240x128xf32, #tpu.memory_space<hbm>>) target(%dma_start3A_298 : memref<128x128xf32, #tpu.memory_space<vmem>>) offsets(%dma_start3A_301 : memref<128xi32, #tpu.memory_space<vmem>>) semaphore(%dma_start3A_306 : memref<!tpu.dma_semaphore, #tpu.memory_space<semaphore_mem>>)
      } else {
      }
      %rem3A_223 = arith.constant 2 : i32
      %rem3A_224 = arith.remsi %while3A_209, %rem3A_223 : i32
      %rem3A_225 = arith.constant 3 : i32
      %rem3A_226 = arith.remsi %while3A_209, %rem3A_225 : i32
      %dma_wait3A_227 = arith.constant 0 : i32
      %dma_wait3A_228 = arith.constant 0 : i32
      %dma_wait3A_229 = tpu.memref_slice %arg9[%rem3A_224, %dma_wait3A_227, %dma_wait3A_228] : memref<2x128x128xf32, #tpu.memory_space<vmem>> -> memref<1x128x128xf32, #tpu.memory_space<vmem>>
      %dma_wait3A_230 = tpu.memref_squeeze %dma_wait3A_229 : memref<1x128x128xf32, #tpu.memory_space<vmem>> -> memref<128x128xf32, #tpu.memory_space<vmem>>
      %dma_wait3A_231 = arith.constant 0 : i32
      %dma_wait3A_232 = tpu.memref_slice %arg7[%rem3A_226, %dma_wait3A_231] : memref<3x128xi32, #tpu.memory_space<vmem>> -> memref<1x128xi32, #tpu.memory_space<vmem>>
      %dma_wait3A_233 = tpu.memref_squeeze %dma_wait3A_232 : memref<1x128xi32, #tpu.memory_space<vmem>> -> memref<128xi32, #tpu.memory_space<vmem>>
      %dma_wait3A_234 = arith.constant 0 : i32
      %dma_wait3A_235 = arith.constant 0 : i32
      %dma_wait3A_236 = tpu.memref_slice %arg2[%dma_wait3A_234, %dma_wait3A_235] : memref<10240x128xf32, #tpu.memory_space<hbm>> -> memref<10240x128xf32, #tpu.memory_space<hbm>>
      %dma_wait3A_237 = tpu.memref_slice %arg12[%rem3A_224] : memref<2x!tpu.dma_semaphore, #tpu.memory_space<semaphore_mem>> -> memref<1x!tpu.dma_semaphore, #tpu.memory_space<semaphore_mem>>
      %dma_wait3A_238 = tpu.memref_squeeze %dma_wait3A_237 : memref<1x!tpu.dma_semaphore, #tpu.memory_space<semaphore_mem>> -> memref<!tpu.dma_semaphore, #tpu.memory_space<semaphore_mem>>
      tpu.wait_indirect_dma semaphore(%dma_wait3A_238 : memref<!tpu.dma_semaphore, #tpu.memory_space<semaphore_mem>>) src(%dma_wait3A_236 : memref<10240x128xf32, #tpu.memory_space<hbm>>) dst(%dma_wait3A_230 : memref<128x128xf32, #tpu.memory_space<vmem>>)
      %rem3A_239 = arith.constant 2 : i32
      %rem3A_240 = arith.remsi %while3A_209, %rem3A_239 : i32
      %rem3A_241 = arith.constant 3 : i32
      %rem3A_242 = arith.remsi %while3A_209, %rem3A_241 : i32
      %dma_start3A_243 = arith.constant 0 : i32
      %dma_start3A_244 = arith.constant 0 : i32
      %dma_start3A_245 = tpu.memref_slice %arg9[%rem3A_240, %dma_start3A_243, %dma_start3A_244] : memref<2x128x128xf32, #tpu.memory_space<vmem>> -> memref<1x128x128xf32, #tpu.memory_space<vmem>>
      %dma_start3A_246 = tpu.memref_squeeze %dma_start3A_245 : memref<1x128x128xf32, #tpu.memory_space<vmem>> -> memref<128x128xf32, #tpu.memory_space<vmem>>
      %dma_start3A_247 = arith.constant 0 : i32
      %dma_start3A_248 = tpu.memref_slice %arg8[%rem3A_242, %dma_start3A_247] : memref<3x128xi32, #tpu.memory_space<vmem>> -> memref<1x128xi32, #tpu.memory_space<vmem>>
      %dma_start3A_249 = tpu.memref_squeeze %dma_start3A_248 : memref<1x128xi32, #tpu.memory_space<vmem>> -> memref<128xi32, #tpu.memory_space<vmem>>
      %dma_start3A_250 = arith.constant 0 : i32
      %dma_start3A_251 = arith.constant 0 : i32
      %dma_start3A_252 = tpu.memref_slice %arg14[%dma_start3A_250, %dma_start3A_251] : memref<10240x128xf32, #tpu.memory_space<vmem_shared>> -> memref<10240x128xf32, #tpu.memory_space<vmem_shared>>
      %dma_start3A_253 = tpu.memref_slice %arg13[%rem3A_240] : memref<2x!tpu.dma_semaphore, #tpu.memory_space<semaphore_mem>> -> memref<1x!tpu.dma_semaphore, #tpu.memory_space<semaphore_mem>>
      %dma_start3A_254 = tpu.memref_squeeze %dma_start3A_253 : memref<1x!tpu.dma_semaphore, #tpu.memory_space<semaphore_mem>> -> memref<!tpu.dma_semaphore, #tpu.memory_space<semaphore_mem>>
      tpu.enqueue_indirect_dma source(%dma_start3A_246 : memref<128x128xf32, #tpu.memory_space<vmem>>) target(%dma_start3A_252 : memref<10240x128xf32, #tpu.memory_space<vmem_shared>>) offsets(%dma_start3A_249 : memref<128xi32, #tpu.memory_space<vmem>>) semaphore(%dma_start3A_254 : memref<!tpu.dma_semaphore, #tpu.memory_space<semaphore_mem>>) {add = true}
    }
    %while3A_139 = arith.constant 1 : i32
    scf.for %while3A_209 = %while3A_137 to %while3A_133 step %while3A_139  : i32 {
      %ge3A = arith.constant 1 : i32
      %ge3A_210 = arith.cmpi sge, %while3A_209, %ge3A : i32
      %convert_element_type3A = arith.extui %ge3A_210 : i1 to i32
      %cond3A = arith.constant 0 : i32
      %cond3A_211 = arith.cmpi ne, %convert_element_type3A, %cond3A : i32
      scf.if %cond3A_211 {
        %sub3A_255 = arith.constant 1 : i32
        %sub3A_256 = arith.subi %while3A_209, %sub3A_255 : i32
        %rem3A_257 = arith.constant 2 : i32
        %rem3A_258 = arith.remsi %sub3A_256, %rem3A_257 : i32
        %rem3A_259 = arith.constant 3 : i32
        %rem3A_260 = arith.remsi %sub3A_256, %rem3A_259 : i32
        %dma_wait3A_261 = arith.constant 0 : i32
        %dma_wait3A_262 = arith.constant 0 : i32
        %dma_wait3A_263 = tpu.memref_slice %arg9[%rem3A_258, %dma_wait3A_261, %dma_wait3A_262] : memref<2x128x128xf32, #tpu.memory_space<vmem>> -> memref<1x128x128xf32, #tpu.memory_space<vmem>>
        %dma_wait3A_264 = tpu.memref_squeeze %dma_wait3A_263 : memref<1x128x128xf32, #tpu.memory_space<vmem>> -> memref<128x128xf32, #tpu.memory_space<vmem>>
        %dma_wait3A_265 = arith.constant 0 : i32
        %dma_wait3A_266 = tpu.memref_slice %arg8[%rem3A_260, %dma_wait3A_265] : memref<3x128xi32, #tpu.memory_space<vmem>> -> memref<1x128xi32, #tpu.memory_space<vmem>>
        %dma_wait3A_267 = tpu.memref_squeeze %dma_wait3A_266 : memref<1x128xi32, #tpu.memory_space<vmem>> -> memref<128xi32, #tpu.memory_space<vmem>>
        %dma_wait3A_268 = arith.constant 0 : i32
        %dma_wait3A_269 = arith.constant 0 : i32
        %dma_wait3A_270 = tpu.memref_slice %arg14[%dma_wait3A_268, %dma_wait3A_269] : memref<10240x128xf32, #tpu.memory_space<vmem_shared>> -> memref<10240x128xf32, #tpu.memory_space<vmem_shared>>
        %dma_wait3A_271 = tpu.memref_slice %arg13[%rem3A_258] : memref<2x!tpu.dma_semaphore, #tpu.memory_space<semaphore_mem>> -> memref<1x!tpu.dma_semaphore, #tpu.memory_space<semaphore_mem>>
        %dma_wait3A_272 = tpu.memref_squeeze %dma_wait3A_271 : memref<1x!tpu.dma_semaphore, #tpu.memory_space<semaphore_mem>> -> memref<!tpu.dma_semaphore, #tpu.memory_space<semaphore_mem>>
        tpu.wait_indirect_dma semaphore(%dma_wait3A_272 : memref<!tpu.dma_semaphore, #tpu.memory_space<semaphore_mem>>) src(%dma_wait3A_264 : memref<128x128xf32, #tpu.memory_space<vmem>>) dst(%dma_wait3A_270 : memref<10240x128xf32, #tpu.memory_space<vmem_shared>>)
      } else {
      }
      %add3A_212 = arith.constant 2 : i32
      %add3A_213 = arith.addi %while3A_209, %add3A_212 : i32
      %lt3A = arith.cmpi slt, %add3A_213, %select_n3A : i32
      %convert_element_type3A_214 = arith.extui %lt3A : i1 to i32
      %cond3A_215 = arith.constant 0 : i32
      %cond3A_216 = arith.cmpi ne, %convert_element_type3A_214, %cond3A_215 : i32
      scf.if %cond3A_216 {
        %add3A_255 = arith.constant 2 : i32
        %add3A_256 = arith.addi %while3A_209, %add3A_255 : i32
        %rem3A_257 = arith.constant 3 : i32
        %rem3A_258 = arith.remsi %add3A_256, %rem3A_257 : i32
        %add3A_259 = arith.addi %select_n3A_8, %add3A_256 : i32
        %add3A_260 = arith.addi %select_n3A_8, %add3A_256 : i32
        %dma_start3A_261 = arith.constant 0 : i32
        %dma_start3A_262 = tpu.memref_slice %arg7[%rem3A_258, %dma_start3A_261] : memref<3x128xi32, #tpu.memory_space<vmem>> -> memref<1x128xi32, #tpu.memory_space<vmem>>
        %dma_start3A_263 = tpu.memref_squeeze %dma_start3A_262 : memref<1x128xi32, #tpu.memory_space<vmem>> -> memref<128xi32, #tpu.memory_space<vmem>>
        %dma_start3A_264 = arith.constant 0 : i32
        %dma_start3A_265 = tpu.memref_slice %arg3[%add3A_259, %dma_start3A_264] : memref<2560x128xi32, #tpu.memory_space<hbm>> -> memref<1x128xi32, #tpu.memory_space<hbm>>
        %dma_start3A_266 = tpu.memref_squeeze %dma_start3A_265 : memref<1x128xi32, #tpu.memory_space<hbm>> -> memref<128xi32, #tpu.memory_space<hbm>>
        %dma_start3A_267 = tpu.memref_slice %arg10[%rem3A_258] : memref<3x!tpu.dma_semaphore, #tpu.memory_space<semaphore_mem>> -> memref<1x!tpu.dma_semaphore, #tpu.memory_space<semaphore_mem>>
        %dma_start3A_268 = tpu.memref_squeeze %dma_start3A_267 : memref<1x!tpu.dma_semaphore, #tpu.memory_space<semaphore_mem>> -> memref<!tpu.dma_semaphore, #tpu.memory_space<semaphore_mem>>
        %dma_start3A_269 = arith.constant 0 : i32
        %dma_start3A_270 = tpu.memref_slice %arg7[%rem3A_258, %dma_start3A_269] : memref<3x128xi32, #tpu.memory_space<vmem>> -> memref<1x128xi32, #tpu.memory_space<vmem>>
        %dma_start3A_271 = tpu.memref_squeeze %dma_start3A_270 : memref<1x128xi32, #tpu.memory_space<vmem>> -> memref<128xi32, #tpu.memory_space<vmem>>
        %dma_start3A_272 = arith.constant 0 : i32
        %dma_start3A_273 = tpu.memref_slice %arg3[%add3A_259, %dma_start3A_272] : memref<2560x128xi32, #tpu.memory_space<hbm>> -> memref<1x128xi32, #tpu.memory_space<hbm>>
        %dma_start3A_274 = tpu.memref_squeeze %dma_start3A_273 : memref<1x128xi32, #tpu.memory_space<hbm>> -> memref<128xi32, #tpu.memory_space<hbm>>
        tpu.enqueue_dma source(%dma_start3A_274 : memref<128xi32, #tpu.memory_space<hbm>>) target(%dma_start3A_271 : memref<128xi32, #tpu.memory_space<vmem>>) target_semaphore(%dma_start3A_268 : memref<!tpu.dma_semaphore, #tpu.memory_space<semaphore_mem>>)
        %dma_start3A_275 = arith.constant 0 : i32
        %dma_start3A_276 = tpu.memref_slice %arg8[%rem3A_258, %dma_start3A_275] : memref<3x128xi32, #tpu.memory_space<vmem>> -> memref<1x128xi32, #tpu.memory_space<vmem>>
        %dma_start3A_277 = tpu.memref_squeeze %dma_start3A_276 : memref<1x128xi32, #tpu.memory_space<vmem>> -> memref<128xi32, #tpu.memory_space<vmem>>
        %dma_start3A_278 = arith.constant 0 : i32
        %dma_start3A_279 = tpu.memref_slice %arg4[%add3A_260, %dma_start3A_278] : memref<2560x128xi32, #tpu.memory_space<hbm>> -> memref<1x128xi32, #tpu.memory_space<hbm>>
        %dma_start3A_280 = tpu.memref_squeeze %dma_start3A_279 : memref<1x128xi32, #tpu.memory_space<hbm>> -> memref<128xi32, #tpu.memory_space<hbm>>
        %dma_start3A_281 = tpu.memref_slice %arg11[%rem3A_258] : memref<3x!tpu.dma_semaphore, #tpu.memory_space<semaphore_mem>> -> memref<1x!tpu.dma_semaphore, #tpu.memory_space<semaphore_mem>>
        %dma_start3A_282 = tpu.memref_squeeze %dma_start3A_281 : memref<1x!tpu.dma_semaphore, #tpu.memory_space<semaphore_mem>> -> memref<!tpu.dma_semaphore, #tpu.memory_space<semaphore_mem>>
        %dma_start3A_283 = arith.constant 0 : i32
        %dma_start3A_284 = tpu.memref_slice %arg8[%rem3A_258, %dma_start3A_283] : memref<3x128xi32, #tpu.memory_space<vmem>> -> memref<1x128xi32, #tpu.memory_space<vmem>>
        %dma_start3A_285 = tpu.memref_squeeze %dma_start3A_284 : memref<1x128xi32, #tpu.memory_space<vmem>> -> memref<128xi32, #tpu.memory_space<vmem>>
        %dma_start3A_286 = arith.constant 0 : i32
        %dma_start3A_287 = tpu.memref_slice %arg4[%add3A_260, %dma_start3A_286] : memref<2560x128xi32, #tpu.memory_space<hbm>> -> memref<1x128xi32, #tpu.memory_space<hbm>>
        %dma_start3A_288 = tpu.memref_squeeze %dma_start3A_287 : memref<1x128xi32, #tpu.memory_space<hbm>> -> memref<128xi32, #tpu.memory_space<hbm>>
        tpu.enqueue_dma source(%dma_start3A_288 : memref<128xi32, #tpu.memory_space<hbm>>) target(%dma_start3A_285 : memref<128xi32, #tpu.memory_space<vmem>>) target_semaphore(%dma_start3A_282 : memref<!tpu.dma_semaphore, #tpu.memory_space<semaphore_mem>>)
      } else {
      }
      %add3A_217 = arith.constant 1 : i32
      %add3A_218 = arith.addi %while3A_209, %add3A_217 : i32
      %lt3A_219 = arith.cmpi slt, %add3A_218, %select_n3A : i32
      %convert_element_type3A_220 = arith.extui %lt3A_219 : i1 to i32
      %cond3A_221 = arith.constant 0 : i32
      %cond3A_222 = arith.cmpi ne, %convert_element_type3A_220, %cond3A_221 : i32
      scf.if %cond3A_222 {
        %add3A_255 = arith.constant 1 : i32
        %add3A_256 = arith.addi %while3A_209, %add3A_255 : i32
        %rem3A_257 = arith.constant 3 : i32
        %rem3A_258 = arith.remsi %add3A_256, %rem3A_257 : i32
        %add3A_259 = arith.addi %select_n3A_8, %add3A_256 : i32
        %add3A_260 = arith.addi %select_n3A_8, %add3A_256 : i32
        %dma_wait3A_261 = arith.constant 0 : i32
        %dma_wait3A_262 = tpu.memref_slice %arg7[%rem3A_258, %dma_wait3A_261] : memref<3x128xi32, #tpu.memory_space<vmem>> -> memref<1x128xi32, #tpu.memory_space<vmem>>
        %dma_wait3A_263 = tpu.memref_squeeze %dma_wait3A_262 : memref<1x128xi32, #tpu.memory_space<vmem>> -> memref<128xi32, #tpu.memory_space<vmem>>
        %dma_wait3A_264 = arith.constant 0 : i32
        %dma_wait3A_265 = tpu.memref_slice %arg3[%add3A_259, %dma_wait3A_264] : memref<2560x128xi32, #tpu.memory_space<hbm>> -> memref<1x128xi32, #tpu.memory_space<hbm>>
        %dma_wait3A_266 = tpu.memref_squeeze %dma_wait3A_265 : memref<1x128xi32, #tpu.memory_space<hbm>> -> memref<128xi32, #tpu.memory_space<hbm>>
        %dma_wait3A_267 = tpu.memref_slice %arg10[%rem3A_258] : memref<3x!tpu.dma_semaphore, #tpu.memory_space<semaphore_mem>> -> memref<1x!tpu.dma_semaphore, #tpu.memory_space<semaphore_mem>>
        %dma_wait3A_268 = tpu.memref_squeeze %dma_wait3A_267 : memref<1x!tpu.dma_semaphore, #tpu.memory_space<semaphore_mem>> -> memref<!tpu.dma_semaphore, #tpu.memory_space<semaphore_mem>>
        %dma_wait3A_269 = arith.constant 0 : i32
        %dma_wait3A_270 = tpu.memref_slice %arg7[%rem3A_258, %dma_wait3A_269] : memref<3x128xi32, #tpu.memory_space<vmem>> -> memref<1x128xi32, #tpu.memory_space<vmem>>
        %dma_wait3A_271 = tpu.memref_squeeze %dma_wait3A_270 : memref<1x128xi32, #tpu.memory_space<vmem>> -> memref<128xi32, #tpu.memory_space<vmem>>
        %dma_wait3A_272 = arith.constant 0 : i32
        %dma_wait3A_273 = tpu.memref_slice %arg3[%add3A_259, %dma_wait3A_272] : memref<2560x128xi32, #tpu.memory_space<hbm>> -> memref<1x128xi32, #tpu.memory_space<hbm>>
        %dma_wait3A_274 = tpu.memref_squeeze %dma_wait3A_273 : memref<1x128xi32, #tpu.memory_space<hbm>> -> memref<128xi32, #tpu.memory_space<hbm>>
        tpu.wait_dma2 semaphore(%dma_wait3A_268 : memref<!tpu.dma_semaphore, #tpu.memory_space<semaphore_mem>>) src(%dma_wait3A_274 : memref<128xi32, #tpu.memory_space<hbm>>) dst(%dma_wait3A_271 : memref<128xi32, #tpu.memory_space<vmem>>)
        %dma_wait3A_275 = arith.constant 0 : i32
        %dma_wait3A_276 = tpu.memref_slice %arg8[%rem3A_258, %dma_wait3A_275] : memref<3x128xi32, #tpu.memory_space<vmem>> -> memref<1x128xi32, #tpu.memory_space<vmem>>
        %dma_wait3A_277 = tpu.memref_squeeze %dma_wait3A_276 : memref<1x128xi32, #tpu.memory_space<vmem>> -> memref<128xi32, #tpu.memory_space<vmem>>
        %dma_wait3A_278 = arith.constant 0 : i32
        %dma_wait3A_279 = tpu.memref_slice %arg4[%add3A_260, %dma_wait3A_278] : memref<2560x128xi32, #tpu.memory_space<hbm>> -> memref<1x128xi32, #tpu.memory_space<hbm>>
        %dma_wait3A_280 = tpu.memref_squeeze %dma_wait3A_279 : memref<1x128xi32, #tpu.memory_space<hbm>> -> memref<128xi32, #tpu.memory_space<hbm>>
        %dma_wait3A_281 = tpu.memref_slice %arg11[%rem3A_258] : memref<3x!tpu.dma_semaphore, #tpu.memory_space<semaphore_mem>> -> memref<1x!tpu.dma_semaphore, #tpu.memory_space<semaphore_mem>>
        %dma_wait3A_282 = tpu.memref_squeeze %dma_wait3A_281 : memref<1x!tpu.dma_semaphore, #tpu.memory_space<semaphore_mem>> -> memref<!tpu.dma_semaphore, #tpu.memory_space<semaphore_mem>>
        %dma_wait3A_283 = arith.constant 0 : i32
        %dma_wait3A_284 = tpu.memref_slice %arg8[%rem3A_258, %dma_wait3A_283] : memref<3x128xi32, #tpu.memory_space<vmem>> -> memref<1x128xi32, #tpu.memory_space<vmem>>
        %dma_wait3A_285 = tpu.memref_squeeze %dma_wait3A_284 : memref<1x128xi32, #tpu.memory_space<vmem>> -> memref<128xi32, #tpu.memory_space<vmem>>
        %dma_wait3A_286 = arith.constant 0 : i32
        %dma_wait3A_287 = tpu.memref_slice %arg4[%add3A_260, %dma_wait3A_286] : memref<2560x128xi32, #tpu.memory_space<hbm>> -> memref<1x128xi32, #tpu.memory_space<hbm>>
        %dma_wait3A_288 = tpu.memref_squeeze %dma_wait3A_287 : memref<1x128xi32, #tpu.memory_space<hbm>> -> memref<128xi32, #tpu.memory_space<hbm>>
        tpu.wait_dma2 semaphore(%dma_wait3A_282 : memref<!tpu.dma_semaphore, #tpu.memory_space<semaphore_mem>>) src(%dma_wait3A_288 : memref<128xi32, #tpu.memory_space<hbm>>) dst(%dma_wait3A_285 : memref<128xi32, #tpu.memory_space<vmem>>)
        %add3A_289 = arith.constant 1 : i32
        %add3A_290 = arith.addi %while3A_209, %add3A_289 : i32
        %rem3A_291 = arith.constant 2 : i32
        %rem3A_292 = arith.remsi %add3A_290, %rem3A_291 : i32
        %rem3A_293 = arith.constant 3 : i32
        %rem3A_294 = arith.remsi %add3A_290, %rem3A_293 : i32
        %dma_start3A_295 = arith.constant 0 : i32
        %dma_start3A_296 = arith.constant 0 : i32
        %dma_start3A_297 = tpu.memref_slice %arg9[%rem3A_292, %dma_start3A_295, %dma_start3A_296] : memref<2x128x128xf32, #tpu.memory_space<vmem>> -> memref<1x128x128xf32, #tpu.memory_space<vmem>>
        %dma_start3A_298 = tpu.memref_squeeze %dma_start3A_297 : memref<1x128x128xf32, #tpu.memory_space<vmem>> -> memref<128x128xf32, #tpu.memory_space<vmem>>
        %dma_start3A_299 = arith.constant 0 : i32
        %dma_start3A_300 = tpu.memref_slice %arg7[%rem3A_294, %dma_start3A_299] : memref<3x128xi32, #tpu.memory_space<vmem>> -> memref<1x128xi32, #tpu.memory_space<vmem>>
        %dma_start3A_301 = tpu.memref_squeeze %dma_start3A_300 : memref<1x128xi32, #tpu.memory_space<vmem>> -> memref<128xi32, #tpu.memory_space<vmem>>
        %dma_start3A_302 = arith.constant 0 : i32
        %dma_start3A_303 = arith.constant 0 : i32
        %dma_start3A_304 = tpu.memref_slice %arg2[%dma_start3A_302, %dma_start3A_303] : memref<10240x128xf32, #tpu.memory_space<hbm>> -> memref<10240x128xf32, #tpu.memory_space<hbm>>
        %dma_start3A_305 = tpu.memref_slice %arg12[%rem3A_292] : memref<2x!tpu.dma_semaphore, #tpu.memory_space<semaphore_mem>> -> memref<1x!tpu.dma_semaphore, #tpu.memory_space<semaphore_mem>>
        %dma_start3A_306 = tpu.memref_squeeze %dma_start3A_305 : memref<1x!tpu.dma_semaphore, #tpu.memory_space<semaphore_mem>> -> memref<!tpu.dma_semaphore, #tpu.memory_space<semaphore_mem>>
        tpu.enqueue_indirect_dma source(%dma_start3A_304 : memref<10240x128xf32, #tpu.memory_space<hbm>>) target(%dma_start3A_298 : memref<128x128xf32, #tpu.memory_space<vmem>>) offsets(%dma_start3A_301 : memref<128xi32, #tpu.memory_space<vmem>>) semaphore(%dma_start3A_306 : memref<!tpu.dma_semaphore, #tpu.memory_space<semaphore_mem>>)
      } else {
      }
      %rem3A_223 = arith.constant 2 : i32
      %rem3A_224 = arith.remsi %while3A_209, %rem3A_223 : i32
      %rem3A_225 = arith.constant 3 : i32
      %rem3A_226 = arith.remsi %while3A_209, %rem3A_225 : i32
      %dma_wait3A_227 = arith.constant 0 : i32
      %dma_wait3A_228 = arith.constant 0 : i32
      %dma_wait3A_229 = tpu.memref_slice %arg9[%rem3A_224, %dma_wait3A_227, %dma_wait3A_228] : memref<2x128x128xf32, #tpu.memory_space<vmem>> -> memref<1x128x128xf32, #tpu.memory_space<vmem>>
      %dma_wait3A_230 = tpu.memref_squeeze %dma_wait3A_229 : memref<1x128x128xf32, #tpu.memory_space<vmem>> -> memref<128x128xf32, #tpu.memory_space<vmem>>
      %dma_wait3A_231 = arith.constant 0 : i32
      %dma_wait3A_232 = tpu.memref_slice %arg7[%rem3A_226, %dma_wait3A_231] : memref<3x128xi32, #tpu.memory_space<vmem>> -> memref<1x128xi32, #tpu.memory_space<vmem>>
      %dma_wait3A_233 = tpu.memref_squeeze %dma_wait3A_232 : memref<1x128xi32, #tpu.memory_space<vmem>> -> memref<128xi32, #tpu.memory_space<vmem>>
      %dma_wait3A_234 = arith.constant 0 : i32
      %dma_wait3A_235 = arith.constant 0 : i32
      %dma_wait3A_236 = tpu.memref_slice %arg2[%dma_wait3A_234, %dma_wait3A_235] : memref<10240x128xf32, #tpu.memory_space<hbm>> -> memref<10240x128xf32, #tpu.memory_space<hbm>>
      %dma_wait3A_237 = tpu.memref_slice %arg12[%rem3A_224] : memref<2x!tpu.dma_semaphore, #tpu.memory_space<semaphore_mem>> -> memref<1x!tpu.dma_semaphore, #tpu.memory_space<semaphore_mem>>
      %dma_wait3A_238 = tpu.memref_squeeze %dma_wait3A_237 : memref<1x!tpu.dma_semaphore, #tpu.memory_space<semaphore_mem>> -> memref<!tpu.dma_semaphore, #tpu.memory_space<semaphore_mem>>
      tpu.wait_indirect_dma semaphore(%dma_wait3A_238 : memref<!tpu.dma_semaphore, #tpu.memory_space<semaphore_mem>>) src(%dma_wait3A_236 : memref<10240x128xf32, #tpu.memory_space<hbm>>) dst(%dma_wait3A_230 : memref<128x128xf32, #tpu.memory_space<vmem>>)
      %rem3A_239 = arith.constant 2 : i32
      %rem3A_240 = arith.remsi %while3A_209, %rem3A_239 : i32
      %rem3A_241 = arith.constant 3 : i32
      %rem3A_242 = arith.remsi %while3A_209, %rem3A_241 : i32
      %dma_start3A_243 = arith.constant 0 : i32
      %dma_start3A_244 = arith.constant 0 : i32
      %dma_start3A_245 = tpu.memref_slice %arg9[%rem3A_240, %dma_start3A_243, %dma_start3A_244] : memref<2x128x128xf32, #tpu.memory_space<vmem>> -> memref<1x128x128xf32, #tpu.memory_space<vmem>>
      %dma_start3A_246 = tpu.memref_squeeze %dma_start3A_245 : memref<1x128x128xf32, #tpu.memory_space<vmem>> -> memref<128x128xf32, #tpu.memory_space<vmem>>
      %dma_start3A_247 = arith.constant 0 : i32
      %dma_start3A_248 = tpu.memref_slice %arg8[%rem3A_242, %dma_start3A_247] : memref<3x128xi32, #tpu.memory_space<vmem>> -> memref<1x128xi32, #tpu.memory_space<vmem>>
      %dma_start3A_249 = tpu.memref_squeeze %dma_start3A_248 : memref<1x128xi32, #tpu.memory_space<vmem>> -> memref<128xi32, #tpu.memory_space<vmem>>
      %dma_start3A_250 = arith.constant 0 : i32
      %dma_start3A_251 = arith.constant 0 : i32
      %dma_start3A_252 = tpu.memref_slice %arg14[%dma_start3A_250, %dma_start3A_251] : memref<10240x128xf32, #tpu.memory_space<vmem_shared>> -> memref<10240x128xf32, #tpu.memory_space<vmem_shared>>
      %dma_start3A_253 = tpu.memref_slice %arg13[%rem3A_240] : memref<2x!tpu.dma_semaphore, #tpu.memory_space<semaphore_mem>> -> memref<1x!tpu.dma_semaphore, #tpu.memory_space<semaphore_mem>>
      %dma_start3A_254 = tpu.memref_squeeze %dma_start3A_253 : memref<1x!tpu.dma_semaphore, #tpu.memory_space<semaphore_mem>> -> memref<!tpu.dma_semaphore, #tpu.memory_space<semaphore_mem>>
      tpu.enqueue_indirect_dma source(%dma_start3A_246 : memref<128x128xf32, #tpu.memory_space<vmem>>) target(%dma_start3A_252 : memref<10240x128xf32, #tpu.memory_space<vmem_shared>>) offsets(%dma_start3A_249 : memref<128xi32, #tpu.memory_space<vmem>>) semaphore(%dma_start3A_254 : memref<!tpu.dma_semaphore, #tpu.memory_space<semaphore_mem>>) {add = true}
    }
    %sub3A = arith.constant 1 : i32
    %sub3A_140 = arith.subi %select_n3A, %sub3A : i32
    %rem3A_141 = arith.constant 2 : i32
    %rem3A_142 = arith.remsi %sub3A_140, %rem3A_141 : i32
    %rem3A_143 = arith.constant 3 : i32
    %rem3A_144 = arith.remsi %sub3A_140, %rem3A_143 : i32
    %dma_wait3A_145 = arith.constant 0 : i32
    %dma_wait3A_146 = arith.constant 0 : i32
    %dma_wait3A_147 = tpu.memref_slice %arg9[%rem3A_142, %dma_wait3A_145, %dma_wait3A_146] : memref<2x128x128xf32, #tpu.memory_space<vmem>> -> memref<1x128x128xf32, #tpu.memory_space<vmem>>
    %dma_wait3A_148 = tpu.memref_squeeze %dma_wait3A_147 : memref<1x128x128xf32, #tpu.memory_space<vmem>> -> memref<128x128xf32, #tpu.memory_space<vmem>>
    %dma_wait3A_149 = arith.constant 0 : i32
    %dma_wait3A_150 = tpu.memref_slice %arg8[%rem3A_144, %dma_wait3A_149] : memref<3x128xi32, #tpu.memory_space<vmem>> -> memref<1x128xi32, #tpu.memory_space<vmem>>
    %dma_wait3A_151 = tpu.memref_squeeze %dma_wait3A_150 : memref<1x128xi32, #tpu.memory_space<vmem>> -> memref<128xi32, #tpu.memory_space<vmem>>
    %dma_wait3A_152 = arith.constant 0 : i32
    %dma_wait3A_153 = arith.constant 0 : i32
    %dma_wait3A_154 = tpu.memref_slice %arg14[%dma_wait3A_152, %dma_wait3A_153] : memref<10240x128xf32, #tpu.memory_space<vmem_shared>> -> memref<10240x128xf32, #tpu.memory_space<vmem_shared>>
    %dma_wait3A_155 = tpu.memref_slice %arg13[%rem3A_142] : memref<2x!tpu.dma_semaphore, #tpu.memory_space<semaphore_mem>> -> memref<1x!tpu.dma_semaphore, #tpu.memory_space<semaphore_mem>>
    %dma_wait3A_156 = tpu.memref_squeeze %dma_wait3A_155 : memref<1x!tpu.dma_semaphore, #tpu.memory_space<semaphore_mem>> -> memref<!tpu.dma_semaphore, #tpu.memory_space<semaphore_mem>>
    tpu.wait_indirect_dma semaphore(%dma_wait3A_156 : memref<!tpu.dma_semaphore, #tpu.memory_space<semaphore_mem>>) src(%dma_wait3A_148 : memref<128x128xf32, #tpu.memory_space<vmem>>) dst(%dma_wait3A_154 : memref<10240x128xf32, #tpu.memory_space<vmem_shared>>)
    %barrier3A_157 = arith.constant 0 : index
    tpu.barrier barrier_id(%barrier3A_157)
    %scan3A = arith.constant 0 : i32
    %scan3A_158 = arith.constant 0 : i32
    %scan3A_159 = arith.constant 5 : i32
    %scan3A_160 = arith.addi %scan3A_158, %scan3A_159 : i32
    %scan3A_161 = arith.constant 1 : i32
    scf.for %scan3A_209 = %scan3A_158 to %scan3A_160 step %scan3A_161  : i32 {
      %rem3A_210 = arith.constant 2 : i32
      %rem3A_211 = arith.remsi %scan3A_209, %rem3A_210 : i32
      %mul3A_212 = arith.constant 640 : i32
      %mul3A_213 = arith.muli %arg1, %mul3A_212 : i32
      %mul3A_214 = arith.constant 128 : i32
      %mul3A_215 = arith.muli %scan3A_209, %mul3A_214 : i32
      %add3A_216 = arith.addi %mul3A_213, %mul3A_215 : i32
      %ge3A = arith.constant 2 : i32
      %ge3A_217 = arith.cmpi sge, %scan3A_209, %ge3A : i32
      %convert_element_type3A = arith.extui %ge3A_217 : i1 to i32
      %cond3A = arith.constant 0 : i32
      %cond3A_218 = arith.cmpi ne, %convert_element_type3A, %cond3A : i32
      scf.if %cond3A_218 {
        %mul3A_236 = arith.constant 10240 : i32
        %mul3A_237 = arith.muli %arg0, %mul3A_236 : i32
        %sub3A_238 = arith.constant 2 : i32
        %sub3A_239 = arith.subi %scan3A_209, %sub3A_238 : i32
        %mul3A_240 = arith.constant 128 : i32
        %mul3A_241 = arith.muli %sub3A_239, %mul3A_240 : i32
        %add3A_242 = arith.addi %mul3A_237, %mul3A_241 : i32
        %mul3A_243 = arith.constant 640 : i32
        %mul3A_244 = arith.muli %arg1, %mul3A_243 : i32
        %add3A_245 = arith.addi %add3A_242, %mul3A_244 : i32
        %dma_wait3A_246 = arith.constant 0 : i32
        %dma_wait3A_247 = arith.constant 0 : i32
        %dma_wait3A_248 = tpu.memref_slice %arg9[%rem3A_211, %dma_wait3A_246, %dma_wait3A_247] : memref<2x128x128xf32, #tpu.memory_space<vmem>> -> memref<1x128x128xf32, #tpu.memory_space<vmem>>
        %dma_wait3A_249 = tpu.memref_squeeze %dma_wait3A_248 : memref<1x128x128xf32, #tpu.memory_space<vmem>> -> memref<128x128xf32, #tpu.memory_space<vmem>>
        %dma_wait3A_250 = arith.constant 0 : i32
        %dma_wait3A_251 = tpu.memref_slice %arg6[%add3A_245, %dma_wait3A_250] : memref<20480x128xf32, #tpu.memory_space<hbm>> -> memref<128x128xf32, #tpu.memory_space<hbm>>
        %dma_wait3A_252 = tpu.memref_slice %arg13[%rem3A_211] : memref<2x!tpu.dma_semaphore, #tpu.memory_space<semaphore_mem>> -> memref<1x!tpu.dma_semaphore, #tpu.memory_space<semaphore_mem>>
        %dma_wait3A_253 = tpu.memref_squeeze %dma_wait3A_252 : memref<1x!tpu.dma_semaphore, #tpu.memory_space<semaphore_mem>> -> memref<!tpu.dma_semaphore, #tpu.memory_space<semaphore_mem>>
        %dma_wait3A_254 = arith.constant 0 : i32
        %dma_wait3A_255 = tpu.memref_slice %arg6[%add3A_245, %dma_wait3A_254] : memref<20480x128xf32, #tpu.memory_space<hbm>> -> memref<128x128xf32, #tpu.memory_space<hbm>>
        %dma_wait3A_256 = arith.constant 0 : i32
        %dma_wait3A_257 = arith.constant 0 : i32
        %dma_wait3A_258 = tpu.memref_slice %arg9[%rem3A_211, %dma_wait3A_256, %dma_wait3A_257] : memref<2x128x128xf32, #tpu.memory_space<vmem>> -> memref<1x128x128xf32, #tpu.memory_space<vmem>>
        %dma_wait3A_259 = tpu.memref_squeeze %dma_wait3A_258 : memref<1x128x128xf32, #tpu.memory_space<vmem>> -> memref<128x128xf32, #tpu.memory_space<vmem>>
        tpu.wait_dma2 semaphore(%dma_wait3A_253 : memref<!tpu.dma_semaphore, #tpu.memory_space<semaphore_mem>>) src(%dma_wait3A_259 : memref<128x128xf32, #tpu.memory_space<vmem>>) dst(%dma_wait3A_255 : memref<128x128xf32, #tpu.memory_space<hbm>>)
      } else {
      }
      "tpu.region"() ({
        %run_scoped3A = tpu.sem_alloc : memref<!tpu.dma_semaphore, #tpu.memory_space<semaphore_mem>>
        %dma_start3A_236 = arith.constant 0 : i32
        %dma_start3A_237 = arith.constant 0 : i32
        %dma_start3A_238 = tpu.memref_slice %arg9[%rem3A_211, %dma_start3A_236, %dma_start3A_237] : memref<2x128x128xf32, #tpu.memory_space<vmem>> -> memref<1x128x128xf32, #tpu.memory_space<vmem>>
        %dma_start3A_239 = tpu.memref_squeeze %dma_start3A_238 : memref<1x128x128xf32, #tpu.memory_space<vmem>> -> memref<128x128xf32, #tpu.memory_space<vmem>>
        %dma_start3A_240 = arith.constant 0 : i32
        %dma_start3A_241 = tpu.memref_slice %arg14[%add3A_216, %dma_start3A_240] : memref<10240x128xf32, #tpu.memory_space<vmem_shared>> -> memref<128x128xf32, #tpu.memory_space<vmem_shared>>
        %dma_start3A_242 = arith.constant 0 : i32
        %dma_start3A_243 = arith.constant 0 : i32
        %dma_start3A_244 = tpu.memref_slice %arg9[%rem3A_211, %dma_start3A_242, %dma_start3A_243] : memref<2x128x128xf32, #tpu.memory_space<vmem>> -> memref<1x128x128xf32, #tpu.memory_space<vmem>>
        %dma_start3A_245 = tpu.memref_squeeze %dma_start3A_244 : memref<1x128x128xf32, #tpu.memory_space<vmem>> -> memref<128x128xf32, #tpu.memory_space<vmem>>
        %dma_start3A_246 = arith.constant 0 : i32
        %dma_start3A_247 = tpu.memref_slice %arg14[%add3A_216, %dma_start3A_246] : memref<10240x128xf32, #tpu.memory_space<vmem_shared>> -> memref<128x128xf32, #tpu.memory_space<vmem_shared>>
        tpu.enqueue_dma source(%dma_start3A_247 : memref<128x128xf32, #tpu.memory_space<vmem_shared>>) target(%dma_start3A_245 : memref<128x128xf32, #tpu.memory_space<vmem>>) target_semaphore(%run_scoped3A : memref<!tpu.dma_semaphore, #tpu.memory_space<semaphore_mem>>)
        %dma_wait3A_248 = arith.constant 0 : i32
        %dma_wait3A_249 = arith.constant 0 : i32
        %dma_wait3A_250 = tpu.memref_slice %arg9[%rem3A_211, %dma_wait3A_248, %dma_wait3A_249] : memref<2x128x128xf32, #tpu.memory_space<vmem>> -> memref<1x128x128xf32, #tpu.memory_space<vmem>>
        %dma_wait3A_251 = tpu.memref_squeeze %dma_wait3A_250 : memref<1x128x128xf32, #tpu.memory_space<vmem>> -> memref<128x128xf32, #tpu.memory_space<vmem>>
        %dma_wait3A_252 = arith.constant 0 : i32
        %dma_wait3A_253 = tpu.memref_slice %arg14[%add3A_216, %dma_wait3A_252] : memref<10240x128xf32, #tpu.memory_space<vmem_shared>> -> memref<128x128xf32, #tpu.memory_space<vmem_shared>>
        %dma_wait3A_254 = arith.constant 0 : i32
        %dma_wait3A_255 = arith.constant 0 : i32
        %dma_wait3A_256 = tpu.memref_slice %arg9[%rem3A_211, %dma_wait3A_254, %dma_wait3A_255] : memref<2x128x128xf32, #tpu.memory_space<vmem>> -> memref<1x128x128xf32, #tpu.memory_space<vmem>>
        %dma_wait3A_257 = tpu.memref_squeeze %dma_wait3A_256 : memref<1x128x128xf32, #tpu.memory_space<vmem>> -> memref<128x128xf32, #tpu.memory_space<vmem>>
        %dma_wait3A_258 = arith.constant 0 : i32
        %dma_wait3A_259 = tpu.memref_slice %arg14[%add3A_216, %dma_wait3A_258] : memref<10240x128xf32, #tpu.memory_space<vmem_shared>> -> memref<128x128xf32, #tpu.memory_space<vmem_shared>>
        tpu.wait_dma2 semaphore(%run_scoped3A : memref<!tpu.dma_semaphore, #tpu.memory_space<semaphore_mem>>) src(%dma_wait3A_259 : memref<128x128xf32, #tpu.memory_space<vmem_shared>>) dst(%dma_wait3A_257 : memref<128x128xf32, #tpu.memory_space<vmem>>)
        tpu.yield
      }) : () -> ()
      %mul3A_219 = arith.constant 10240 : i32
      %mul3A_220 = arith.muli %arg0, %mul3A_219 : i32
      %add3A_221 = arith.addi %mul3A_220, %add3A_216 : i32
      %dma_start3A_222 = arith.constant 0 : i32
      %dma_start3A_223 = arith.constant 0 : i32
      %dma_start3A_224 = tpu.memref_slice %arg9[%rem3A_211, %dma_start3A_222, %dma_start3A_223] : memref<2x128x128xf32, #tpu.memory_space<vmem>> -> memref<1x128x128xf32, #tpu.memory_space<vmem>>
      %dma_start3A_225 = tpu.memref_squeeze %dma_start3A_224 : memref<1x128x128xf32, #tpu.memory_space<vmem>> -> memref<128x128xf32, #tpu.memory_space<vmem>>
      %dma_start3A_226 = arith.constant 0 : i32
      %dma_start3A_227 = tpu.memref_slice %arg6[%add3A_221, %dma_start3A_226] : memref<20480x128xf32, #tpu.memory_space<hbm>> -> memref<128x128xf32, #tpu.memory_space<hbm>>
      %dma_start3A_228 = tpu.memref_slice %arg13[%rem3A_211] : memref<2x!tpu.dma_semaphore, #tpu.memory_space<semaphore_mem>> -> memref<1x!tpu.dma_semaphore, #tpu.memory_space<semaphore_mem>>
      %dma_start3A_229 = tpu.memref_squeeze %dma_start3A_228 : memref<1x!tpu.dma_semaphore, #tpu.memory_space<semaphore_mem>> -> memref<!tpu.dma_semaphore, #tpu.memory_space<semaphore_mem>>
      %dma_start3A_230 = arith.constant 0 : i32
      %dma_start3A_231 = tpu.memref_slice %arg6[%add3A_221, %dma_start3A_230] : memref<20480x128xf32, #tpu.memory_space<hbm>> -> memref<128x128xf32, #tpu.memory_space<hbm>>
      %dma_start3A_232 = arith.constant 0 : i32
      %dma_start3A_233 = arith.constant 0 : i32
      %dma_start3A_234 = tpu.memref_slice %arg9[%rem3A_211, %dma_start3A_232, %dma_start3A_233] : memref<2x128x128xf32, #tpu.memory_space<vmem>> -> memref<1x128x128xf32, #tpu.memory_space<vmem>>
      %dma_start3A_235 = tpu.memref_squeeze %dma_start3A_234 : memref<1x128x128xf32, #tpu.memory_space<vmem>> -> memref<128x128xf32, #tpu.memory_space<vmem>>
      tpu.enqueue_dma source(%dma_start3A_235 : memref<128x128xf32, #tpu.memory_space<vmem>>) target(%dma_start3A_231 : memref<128x128xf32, #tpu.memory_space<hbm>>) target_semaphore(%dma_start3A_229 : memref<!tpu.dma_semaphore, #tpu.memory_space<semaphore_mem>>)
    }
    %scan3A_162 = arith.constant 5 : i32
    %mul3A_163 = arith.constant 10240 : i32
    %mul3A_164 = arith.muli %arg0, %mul3A_163 : i32
    %mul3A_165 = arith.constant 640 : i32
    %mul3A_166 = arith.muli %arg1, %mul3A_165 : i32
    %add3A_167 = arith.addi %mul3A_164, %mul3A_166 : i32
    %add3A_168 = arith.constant 384 : i32
    %add3A_169 = arith.addi %add3A_167, %add3A_168 : i32
    %dma_wait3A_170 = arith.constant 1 : i32
    %dma_wait3A_171 = arith.constant 1 : i32
    %dma_wait3A_172 = arith.constant 0 : i32
    %dma_wait3A_173 = arith.constant 0 : i32
    %dma_wait3A_174 = tpu.memref_slice %arg9[%dma_wait3A_170, %dma_wait3A_172, %dma_wait3A_173] : memref<2x128x128xf32, #tpu.memory_space<vmem>> -> memref<1x128x128xf32, #tpu.memory_space<vmem>>
    %dma_wait3A_175 = tpu.memref_squeeze %dma_wait3A_174 : memref<1x128x128xf32, #tpu.memory_space<vmem>> -> memref<128x128xf32, #tpu.memory_space<vmem>>
    %dma_wait3A_176 = arith.constant 0 : i32
    %dma_wait3A_177 = tpu.memref_slice %arg6[%add3A_169, %dma_wait3A_176] : memref<20480x128xf32, #tpu.memory_space<hbm>> -> memref<128x128xf32, #tpu.memory_space<hbm>>
    %dma_wait3A_178 = tpu.memref_slice %arg13[%dma_wait3A_171] : memref<2x!tpu.dma_semaphore, #tpu.memory_space<semaphore_mem>> -> memref<1x!tpu.dma_semaphore, #tpu.memory_space<semaphore_mem>>
    %dma_wait3A_179 = tpu.memref_squeeze %dma_wait3A_178 : memref<1x!tpu.dma_semaphore, #tpu.memory_space<semaphore_mem>> -> memref<!tpu.dma_semaphore, #tpu.memory_space<semaphore_mem>>
    %dma_wait3A_180 = arith.constant 0 : i32
    %dma_wait3A_181 = tpu.memref_slice %arg6[%add3A_169, %dma_wait3A_180] : memref<20480x128xf32, #tpu.memory_space<hbm>> -> memref<128x128xf32, #tpu.memory_space<hbm>>
    %dma_wait3A_182 = arith.constant 0 : i32
    %dma_wait3A_183 = arith.constant 0 : i32
    %dma_wait3A_184 = tpu.memref_slice %arg9[%dma_wait3A_170, %dma_wait3A_182, %dma_wait3A_183] : memref<2x128x128xf32, #tpu.memory_space<vmem>> -> memref<1x128x128xf32, #tpu.memory_space<vmem>>
    %dma_wait3A_185 = tpu.memref_squeeze %dma_wait3A_184 : memref<1x128x128xf32, #tpu.memory_space<vmem>> -> memref<128x128xf32, #tpu.memory_space<vmem>>
    tpu.wait_dma2 semaphore(%dma_wait3A_179 : memref<!tpu.dma_semaphore, #tpu.memory_space<semaphore_mem>>) src(%dma_wait3A_185 : memref<128x128xf32, #tpu.memory_space<vmem>>) dst(%dma_wait3A_181 : memref<128x128xf32, #tpu.memory_space<hbm>>)
    %mul3A_186 = arith.constant 10240 : i32
    %mul3A_187 = arith.muli %arg0, %mul3A_186 : i32
    %mul3A_188 = arith.constant 640 : i32
    %mul3A_189 = arith.muli %arg1, %mul3A_188 : i32
    %add3A_190 = arith.addi %mul3A_187, %mul3A_189 : i32
    %add3A_191 = arith.constant 512 : i32
    %add3A_192 = arith.addi %add3A_190, %add3A_191 : i32
    %dma_wait3A_193 = arith.constant 0 : i32
    %dma_wait3A_194 = arith.constant 0 : i32
    %dma_wait3A_195 = arith.constant 0 : i32
    %dma_wait3A_196 = arith.constant 0 : i32
    %dma_wait3A_197 = tpu.memref_slice %arg9[%dma_wait3A_193, %dma_wait3A_195, %dma_wait3A_196] : memref<2x128x128xf32, #tpu.memory_space<vmem>> -> memref<1x128x128xf32, #tpu.memory_space<vmem>>
    %dma_wait3A_198 = tpu.memref_squeeze %dma_wait3A_197 : memref<1x128x128xf32, #tpu.memory_space<vmem>> -> memref<128x128xf32, #tpu.memory_space<vmem>>
    %dma_wait3A_199 = arith.constant 0 : i32
    %dma_wait3A_200 = tpu.memref_slice %arg6[%add3A_192, %dma_wait3A_199] : memref<20480x128xf32, #tpu.memory_space<hbm>> -> memref<128x128xf32, #tpu.memory_space<hbm>>
    %dma_wait3A_201 = tpu.memref_slice %arg13[%dma_wait3A_194] : memref<2x!tpu.dma_semaphore, #tpu.memory_space<semaphore_mem>> -> memref<1x!tpu.dma_semaphore, #tpu.memory_space<semaphore_mem>>
    %dma_wait3A_202 = tpu.memref_squeeze %dma_wait3A_201 : memref<1x!tpu.dma_semaphore, #tpu.memory_space<semaphore_mem>> -> memref<!tpu.dma_semaphore, #tpu.memory_space<semaphore_mem>>
    %dma_wait3A_203 = arith.constant 0 : i32
    %dma_wait3A_204 = tpu.memref_slice %arg6[%add3A_192, %dma_wait3A_203] : memref<20480x128xf32, #tpu.memory_space<hbm>> -> memref<128x128xf32, #tpu.memory_space<hbm>>
    %dma_wait3A_205 = arith.constant 0 : i32
    %dma_wait3A_206 = arith.constant 0 : i32
    %dma_wait3A_207 = tpu.memref_slice %arg9[%dma_wait3A_193, %dma_wait3A_205, %dma_wait3A_206] : memref<2x128x128xf32, #tpu.memory_space<vmem>> -> memref<1x128x128xf32, #tpu.memory_space<vmem>>
    %dma_wait3A_208 = tpu.memref_squeeze %dma_wait3A_207 : memref<1x128x128xf32, #tpu.memory_space<vmem>> -> memref<128x128xf32, #tpu.memory_space<vmem>>
    tpu.wait_dma2 semaphore(%dma_wait3A_202 : memref<!tpu.dma_semaphore, #tpu.memory_space<semaphore_mem>>) src(%dma_wait3A_208 : memref<128x128xf32, #tpu.memory_space<vmem>>) dst(%dma_wait3A_204 : memref<128x128xf32, #tpu.memory_space<hbm>>)
    return
  }
}

#map = affine_map<(d0, d1) -> (0, 0)>
module attributes {stable_mosaic.version = 14 : i64} {
  func.func @_edge_body(%arg0: i32, %arg1: i32, %arg2: memref<10240x128xf32, #tpu.memory_space<hbm>>, %arg3: memref<10240x128xf32, #tpu.memory_space<hbm>>, %arg4: memref<2560x128xi32, #tpu.memory_space<hbm>>, %arg5: memref<2560x128xi32, #tpu.memory_space<hbm>>, %arg6: memref<327680x128xf32, #tpu.memory_space<hbm>>, %arg7: memref<5x128xi32, #tpu.memory_space<vmem>>, %arg8: memref<5x128xi32, #tpu.memory_space<vmem>>, %arg9: memref<4x128x128xf32, #tpu.memory_space<vmem>>, %arg10: memref<5x!tpu.dma_semaphore, #tpu.memory_space<semaphore_mem>>, %arg11: memref<5x!tpu.dma_semaphore, #tpu.memory_space<semaphore_mem>>, %arg12: memref<4x!tpu.dma_semaphore, #tpu.memory_space<semaphore_mem>>, %arg13: memref<4x!tpu.dma_semaphore, #tpu.memory_space<semaphore_mem>>, %arg14: memref<4x!tpu.dma_semaphore, #tpu.memory_space<semaphore_mem>>) attributes {dimension_semantics = [#tpu.dimension_semantics<core_parallel>, #tpu.dimension_semantics<subcore_parallel>], iteration_bounds = array<i64: 2, 16>, scalar_prefetch = 0 : i64, scratch_operands = 8 : i64, tpu.core_type = #tpu.core_type<sc_vector_subcore>, window_params = [{transform_indices = #map}, {transform_indices = #map}, {transform_indices = #map}, {transform_indices = #map}, {transform_indices = #map}]} {
    %eq3A = arith.constant 0 : i32
    %eq3A_0 = arith.cmpi eq, %arg0, %eq3A : i32
    %jit3A = arith.constant 80 : i32
    %jit3A_1 = arith.constant 80 : i32
    %select_n3A = arith.select %eq3A_0, %jit3A, %jit3A_1 : i32
    %eq3A_2 = arith.constant 0 : i32
    %eq3A_3 = arith.cmpi eq, %arg0, %eq3A_2 : i32
    %mul3A = arith.constant 80 : i32
    %mul3A_4 = arith.muli %arg1, %mul3A : i32
    %mul3A_5 = arith.constant 80 : i32
    %mul3A_6 = arith.muli %arg1, %mul3A_5 : i32
    %add3A = arith.constant 1280 : i32
    %add3A_7 = arith.addi %add3A, %mul3A_6 : i32
    %select_n3A_8 = arith.select %eq3A_3, %mul3A_4, %add3A_7 : i32
    %rem3A = arith.constant 0 : i32
    %rem3A_9 = arith.constant 5 : i32
    %rem3A_10 = arith.remsi %rem3A, %rem3A_9 : i32
    %add3A_11 = arith.constant 0 : i32
    %add3A_12 = arith.addi %select_n3A_8, %add3A_11 : i32
    %add3A_13 = arith.constant 0 : i32
    %add3A_14 = arith.addi %select_n3A_8, %add3A_13 : i32
    %dma_start3A = arith.constant 0 : i32
    %dma_start3A_15 = tpu.memref_slice %arg7[%rem3A_10, %dma_start3A] : memref<5x128xi32, #tpu.memory_space<vmem>> -> memref<1x128xi32, #tpu.memory_space<vmem>>
    %dma_start3A_16 = tpu.memref_squeeze %dma_start3A_15 : memref<1x128xi32, #tpu.memory_space<vmem>> -> memref<128xi32, #tpu.memory_space<vmem>>
    %dma_start3A_17 = arith.constant 0 : i32
    %dma_start3A_18 = tpu.memref_slice %arg4[%add3A_12, %dma_start3A_17] : memref<2560x128xi32, #tpu.memory_space<hbm>> -> memref<1x128xi32, #tpu.memory_space<hbm>>
    %dma_start3A_19 = tpu.memref_squeeze %dma_start3A_18 : memref<1x128xi32, #tpu.memory_space<hbm>> -> memref<128xi32, #tpu.memory_space<hbm>>
    %dma_start3A_20 = tpu.memref_slice %arg10[%rem3A_10] : memref<5x!tpu.dma_semaphore, #tpu.memory_space<semaphore_mem>> -> memref<1x!tpu.dma_semaphore, #tpu.memory_space<semaphore_mem>>
    %dma_start3A_21 = tpu.memref_squeeze %dma_start3A_20 : memref<1x!tpu.dma_semaphore, #tpu.memory_space<semaphore_mem>> -> memref<!tpu.dma_semaphore, #tpu.memory_space<semaphore_mem>>
    %dma_start3A_22 = arith.constant 0 : i32
    %dma_start3A_23 = tpu.memref_slice %arg7[%rem3A_10, %dma_start3A_22] : memref<5x128xi32, #tpu.memory_space<vmem>> -> memref<1x128xi32, #tpu.memory_space<vmem>>
    %dma_start3A_24 = tpu.memref_squeeze %dma_start3A_23 : memref<1x128xi32, #tpu.memory_space<vmem>> -> memref<128xi32, #tpu.memory_space<vmem>>
    %dma_start3A_25 = arith.constant 0 : i32
    %dma_start3A_26 = tpu.memref_slice %arg4[%add3A_12, %dma_start3A_25] : memref<2560x128xi32, #tpu.memory_space<hbm>> -> memref<1x128xi32, #tpu.memory_space<hbm>>
    %dma_start3A_27 = tpu.memref_squeeze %dma_start3A_26 : memref<1x128xi32, #tpu.memory_space<hbm>> -> memref<128xi32, #tpu.memory_space<hbm>>
    tpu.enqueue_dma source(%dma_start3A_27 : memref<128xi32, #tpu.memory_space<hbm>>) target(%dma_start3A_24 : memref<128xi32, #tpu.memory_space<vmem>>) target_semaphore(%dma_start3A_21 : memref<!tpu.dma_semaphore, #tpu.memory_space<semaphore_mem>>)
    %dma_start3A_28 = arith.constant 0 : i32
    %dma_start3A_29 = tpu.memref_slice %arg8[%rem3A_10, %dma_start3A_28] : memref<5x128xi32, #tpu.memory_space<vmem>> -> memref<1x128xi32, #tpu.memory_space<vmem>>
    %dma_start3A_30 = tpu.memref_squeeze %dma_start3A_29 : memref<1x128xi32, #tpu.memory_space<vmem>> -> memref<128xi32, #tpu.memory_space<vmem>>
    %dma_start3A_31 = arith.constant 0 : i32
    %dma_start3A_32 = tpu.memref_slice %arg5[%add3A_14, %dma_start3A_31] : memref<2560x128xi32, #tpu.memory_space<hbm>> -> memref<1x128xi32, #tpu.memory_space<hbm>>
    %dma_start3A_33 = tpu.memref_squeeze %dma_start3A_32 : memref<1x128xi32, #tpu.memory_space<hbm>> -> memref<128xi32, #tpu.memory_space<hbm>>
    %dma_start3A_34 = tpu.memref_slice %arg11[%rem3A_10] : memref<5x!tpu.dma_semaphore, #tpu.memory_space<semaphore_mem>> -> memref<1x!tpu.dma_semaphore, #tpu.memory_space<semaphore_mem>>
    %dma_start3A_35 = tpu.memref_squeeze %dma_start3A_34 : memref<1x!tpu.dma_semaphore, #tpu.memory_space<semaphore_mem>> -> memref<!tpu.dma_semaphore, #tpu.memory_space<semaphore_mem>>
    %dma_start3A_36 = arith.constant 0 : i32
    %dma_start3A_37 = tpu.memref_slice %arg8[%rem3A_10, %dma_start3A_36] : memref<5x128xi32, #tpu.memory_space<vmem>> -> memref<1x128xi32, #tpu.memory_space<vmem>>
    %dma_start3A_38 = tpu.memref_squeeze %dma_start3A_37 : memref<1x128xi32, #tpu.memory_space<vmem>> -> memref<128xi32, #tpu.memory_space<vmem>>
    %dma_start3A_39 = arith.constant 0 : i32
    %dma_start3A_40 = tpu.memref_slice %arg5[%add3A_14, %dma_start3A_39] : memref<2560x128xi32, #tpu.memory_space<hbm>> -> memref<1x128xi32, #tpu.memory_space<hbm>>
    %dma_start3A_41 = tpu.memref_squeeze %dma_start3A_40 : memref<1x128xi32, #tpu.memory_space<hbm>> -> memref<128xi32, #tpu.memory_space<hbm>>
    tpu.enqueue_dma source(%dma_start3A_41 : memref<128xi32, #tpu.memory_space<hbm>>) target(%dma_start3A_38 : memref<128xi32, #tpu.memory_space<vmem>>) target_semaphore(%dma_start3A_35 : memref<!tpu.dma_semaphore, #tpu.memory_space<semaphore_mem>>)
    %rem3A_42 = arith.constant 1 : i32
    %rem3A_43 = arith.constant 5 : i32
    %rem3A_44 = arith.remsi %rem3A_42, %rem3A_43 : i32
    %add3A_45 = arith.constant 1 : i32
    %add3A_46 = arith.addi %select_n3A_8, %add3A_45 : i32
    %add3A_47 = arith.constant 1 : i32
    %add3A_48 = arith.addi %select_n3A_8, %add3A_47 : i32
    %dma_start3A_49 = arith.constant 0 : i32
    %dma_start3A_50 = tpu.memref_slice %arg7[%rem3A_44, %dma_start3A_49] : memref<5x128xi32, #tpu.memory_space<vmem>> -> memref<1x128xi32, #tpu.memory_space<vmem>>
    %dma_start3A_51 = tpu.memref_squeeze %dma_start3A_50 : memref<1x128xi32, #tpu.memory_space<vmem>> -> memref<128xi32, #tpu.memory_space<vmem>>
    %dma_start3A_52 = arith.constant 0 : i32
    %dma_start3A_53 = tpu.memref_slice %arg4[%add3A_46, %dma_start3A_52] : memref<2560x128xi32, #tpu.memory_space<hbm>> -> memref<1x128xi32, #tpu.memory_space<hbm>>
    %dma_start3A_54 = tpu.memref_squeeze %dma_start3A_53 : memref<1x128xi32, #tpu.memory_space<hbm>> -> memref<128xi32, #tpu.memory_space<hbm>>
    %dma_start3A_55 = tpu.memref_slice %arg10[%rem3A_44] : memref<5x!tpu.dma_semaphore, #tpu.memory_space<semaphore_mem>> -> memref<1x!tpu.dma_semaphore, #tpu.memory_space<semaphore_mem>>
    %dma_start3A_56 = tpu.memref_squeeze %dma_start3A_55 : memref<1x!tpu.dma_semaphore, #tpu.memory_space<semaphore_mem>> -> memref<!tpu.dma_semaphore, #tpu.memory_space<semaphore_mem>>
    %dma_start3A_57 = arith.constant 0 : i32
    %dma_start3A_58 = tpu.memref_slice %arg7[%rem3A_44, %dma_start3A_57] : memref<5x128xi32, #tpu.memory_space<vmem>> -> memref<1x128xi32, #tpu.memory_space<vmem>>
    %dma_start3A_59 = tpu.memref_squeeze %dma_start3A_58 : memref<1x128xi32, #tpu.memory_space<vmem>> -> memref<128xi32, #tpu.memory_space<vmem>>
    %dma_start3A_60 = arith.constant 0 : i32
    %dma_start3A_61 = tpu.memref_slice %arg4[%add3A_46, %dma_start3A_60] : memref<2560x128xi32, #tpu.memory_space<hbm>> -> memref<1x128xi32, #tpu.memory_space<hbm>>
    %dma_start3A_62 = tpu.memref_squeeze %dma_start3A_61 : memref<1x128xi32, #tpu.memory_space<hbm>> -> memref<128xi32, #tpu.memory_space<hbm>>
    tpu.enqueue_dma source(%dma_start3A_62 : memref<128xi32, #tpu.memory_space<hbm>>) target(%dma_start3A_59 : memref<128xi32, #tpu.memory_space<vmem>>) target_semaphore(%dma_start3A_56 : memref<!tpu.dma_semaphore, #tpu.memory_space<semaphore_mem>>)
    %dma_start3A_63 = arith.constant 0 : i32
    %dma_start3A_64 = tpu.memref_slice %arg8[%rem3A_44, %dma_start3A_63] : memref<5x128xi32, #tpu.memory_space<vmem>> -> memref<1x128xi32, #tpu.memory_space<vmem>>
    %dma_start3A_65 = tpu.memref_squeeze %dma_start3A_64 : memref<1x128xi32, #tpu.memory_space<vmem>> -> memref<128xi32, #tpu.memory_space<vmem>>
    %dma_start3A_66 = arith.constant 0 : i32
    %dma_start3A_67 = tpu.memref_slice %arg5[%add3A_48, %dma_start3A_66] : memref<2560x128xi32, #tpu.memory_space<hbm>> -> memref<1x128xi32, #tpu.memory_space<hbm>>
    %dma_start3A_68 = tpu.memref_squeeze %dma_start3A_67 : memref<1x128xi32, #tpu.memory_space<hbm>> -> memref<128xi32, #tpu.memory_space<hbm>>
    %dma_start3A_69 = tpu.memref_slice %arg11[%rem3A_44] : memref<5x!tpu.dma_semaphore, #tpu.memory_space<semaphore_mem>> -> memref<1x!tpu.dma_semaphore, #tpu.memory_space<semaphore_mem>>
    %dma_start3A_70 = tpu.memref_squeeze %dma_start3A_69 : memref<1x!tpu.dma_semaphore, #tpu.memory_space<semaphore_mem>> -> memref<!tpu.dma_semaphore, #tpu.memory_space<semaphore_mem>>
    %dma_start3A_71 = arith.constant 0 : i32
    %dma_start3A_72 = tpu.memref_slice %arg8[%rem3A_44, %dma_start3A_71] : memref<5x128xi32, #tpu.memory_space<vmem>> -> memref<1x128xi32, #tpu.memory_space<vmem>>
    %dma_start3A_73 = tpu.memref_squeeze %dma_start3A_72 : memref<1x128xi32, #tpu.memory_space<vmem>> -> memref<128xi32, #tpu.memory_space<vmem>>
    %dma_start3A_74 = arith.constant 0 : i32
    %dma_start3A_75 = tpu.memref_slice %arg5[%add3A_48, %dma_start3A_74] : memref<2560x128xi32, #tpu.memory_space<hbm>> -> memref<1x128xi32, #tpu.memory_space<hbm>>
    %dma_start3A_76 = tpu.memref_squeeze %dma_start3A_75 : memref<1x128xi32, #tpu.memory_space<hbm>> -> memref<128xi32, #tpu.memory_space<hbm>>
    tpu.enqueue_dma source(%dma_start3A_76 : memref<128xi32, #tpu.memory_space<hbm>>) target(%dma_start3A_73 : memref<128xi32, #tpu.memory_space<vmem>>) target_semaphore(%dma_start3A_70 : memref<!tpu.dma_semaphore, #tpu.memory_space<semaphore_mem>>)
    %rem3A_77 = arith.constant 2 : i32
    %rem3A_78 = arith.constant 5 : i32
    %rem3A_79 = arith.remsi %rem3A_77, %rem3A_78 : i32
    %add3A_80 = arith.constant 2 : i32
    %add3A_81 = arith.addi %select_n3A_8, %add3A_80 : i32
    %add3A_82 = arith.constant 2 : i32
    %add3A_83 = arith.addi %select_n3A_8, %add3A_82 : i32
    %dma_start3A_84 = arith.constant 0 : i32
    %dma_start3A_85 = tpu.memref_slice %arg7[%rem3A_79, %dma_start3A_84] : memref<5x128xi32, #tpu.memory_space<vmem>> -> memref<1x128xi32, #tpu.memory_space<vmem>>
    %dma_start3A_86 = tpu.memref_squeeze %dma_start3A_85 : memref<1x128xi32, #tpu.memory_space<vmem>> -> memref<128xi32, #tpu.memory_space<vmem>>
    %dma_start3A_87 = arith.constant 0 : i32
    %dma_start3A_88 = tpu.memref_slice %arg4[%add3A_81, %dma_start3A_87] : memref<2560x128xi32, #tpu.memory_space<hbm>> -> memref<1x128xi32, #tpu.memory_space<hbm>>
    %dma_start3A_89 = tpu.memref_squeeze %dma_start3A_88 : memref<1x128xi32, #tpu.memory_space<hbm>> -> memref<128xi32, #tpu.memory_space<hbm>>
    %dma_start3A_90 = tpu.memref_slice %arg10[%rem3A_79] : memref<5x!tpu.dma_semaphore, #tpu.memory_space<semaphore_mem>> -> memref<1x!tpu.dma_semaphore, #tpu.memory_space<semaphore_mem>>
    %dma_start3A_91 = tpu.memref_squeeze %dma_start3A_90 : memref<1x!tpu.dma_semaphore, #tpu.memory_space<semaphore_mem>> -> memref<!tpu.dma_semaphore, #tpu.memory_space<semaphore_mem>>
    %dma_start3A_92 = arith.constant 0 : i32
    %dma_start3A_93 = tpu.memref_slice %arg7[%rem3A_79, %dma_start3A_92] : memref<5x128xi32, #tpu.memory_space<vmem>> -> memref<1x128xi32, #tpu.memory_space<vmem>>
    %dma_start3A_94 = tpu.memref_squeeze %dma_start3A_93 : memref<1x128xi32, #tpu.memory_space<vmem>> -> memref<128xi32, #tpu.memory_space<vmem>>
    %dma_start3A_95 = arith.constant 0 : i32
    %dma_start3A_96 = tpu.memref_slice %arg4[%add3A_81, %dma_start3A_95] : memref<2560x128xi32, #tpu.memory_space<hbm>> -> memref<1x128xi32, #tpu.memory_space<hbm>>
    %dma_start3A_97 = tpu.memref_squeeze %dma_start3A_96 : memref<1x128xi32, #tpu.memory_space<hbm>> -> memref<128xi32, #tpu.memory_space<hbm>>
    tpu.enqueue_dma source(%dma_start3A_97 : memref<128xi32, #tpu.memory_space<hbm>>) target(%dma_start3A_94 : memref<128xi32, #tpu.memory_space<vmem>>) target_semaphore(%dma_start3A_91 : memref<!tpu.dma_semaphore, #tpu.memory_space<semaphore_mem>>)
    %dma_start3A_98 = arith.constant 0 : i32
    %dma_start3A_99 = tpu.memref_slice %arg8[%rem3A_79, %dma_start3A_98] : memref<5x128xi32, #tpu.memory_space<vmem>> -> memref<1x128xi32, #tpu.memory_space<vmem>>
    %dma_start3A_100 = tpu.memref_squeeze %dma_start3A_99 : memref<1x128xi32, #tpu.memory_space<vmem>> -> memref<128xi32, #tpu.memory_space<vmem>>
    %dma_start3A_101 = arith.constant 0 : i32
    %dma_start3A_102 = tpu.memref_slice %arg5[%add3A_83, %dma_start3A_101] : memref<2560x128xi32, #tpu.memory_space<hbm>> -> memref<1x128xi32, #tpu.memory_space<hbm>>
    %dma_start3A_103 = tpu.memref_squeeze %dma_start3A_102 : memref<1x128xi32, #tpu.memory_space<hbm>> -> memref<128xi32, #tpu.memory_space<hbm>>
    %dma_start3A_104 = tpu.memref_slice %arg11[%rem3A_79] : memref<5x!tpu.dma_semaphore, #tpu.memory_space<semaphore_mem>> -> memref<1x!tpu.dma_semaphore, #tpu.memory_space<semaphore_mem>>
    %dma_start3A_105 = tpu.memref_squeeze %dma_start3A_104 : memref<1x!tpu.dma_semaphore, #tpu.memory_space<semaphore_mem>> -> memref<!tpu.dma_semaphore, #tpu.memory_space<semaphore_mem>>
    %dma_start3A_106 = arith.constant 0 : i32
    %dma_start3A_107 = tpu.memref_slice %arg8[%rem3A_79, %dma_start3A_106] : memref<5x128xi32, #tpu.memory_space<vmem>> -> memref<1x128xi32, #tpu.memory_space<vmem>>
    %dma_start3A_108 = tpu.memref_squeeze %dma_start3A_107 : memref<1x128xi32, #tpu.memory_space<vmem>> -> memref<128xi32, #tpu.memory_space<vmem>>
    %dma_start3A_109 = arith.constant 0 : i32
    %dma_start3A_110 = tpu.memref_slice %arg5[%add3A_83, %dma_start3A_109] : memref<2560x128xi32, #tpu.memory_space<hbm>> -> memref<1x128xi32, #tpu.memory_space<hbm>>
    %dma_start3A_111 = tpu.memref_squeeze %dma_start3A_110 : memref<1x128xi32, #tpu.memory_space<hbm>> -> memref<128xi32, #tpu.memory_space<hbm>>
    tpu.enqueue_dma source(%dma_start3A_111 : memref<128xi32, #tpu.memory_space<hbm>>) target(%dma_start3A_108 : memref<128xi32, #tpu.memory_space<vmem>>) target_semaphore(%dma_start3A_105 : memref<!tpu.dma_semaphore, #tpu.memory_space<semaphore_mem>>)
    %rem3A_112 = arith.constant 0 : i32
    %rem3A_113 = arith.constant 5 : i32
    %rem3A_114 = arith.remsi %rem3A_112, %rem3A_113 : i32
    %add3A_115 = arith.constant 0 : i32
    %add3A_116 = arith.addi %select_n3A_8, %add3A_115 : i32
    %add3A_117 = arith.constant 0 : i32
    %add3A_118 = arith.addi %select_n3A_8, %add3A_117 : i32
    %dma_wait3A = arith.constant 0 : i32
    %dma_wait3A_119 = tpu.memref_slice %arg7[%rem3A_114, %dma_wait3A] : memref<5x128xi32, #tpu.memory_space<vmem>> -> memref<1x128xi32, #tpu.memory_space<vmem>>
    %dma_wait3A_120 = tpu.memref_squeeze %dma_wait3A_119 : memref<1x128xi32, #tpu.memory_space<vmem>> -> memref<128xi32, #tpu.memory_space<vmem>>
    %dma_wait3A_121 = arith.constant 0 : i32
    %dma_wait3A_122 = tpu.memref_slice %arg4[%add3A_116, %dma_wait3A_121] : memref<2560x128xi32, #tpu.memory_space<hbm>> -> memref<1x128xi32, #tpu.memory_space<hbm>>
    %dma_wait3A_123 = tpu.memref_squeeze %dma_wait3A_122 : memref<1x128xi32, #tpu.memory_space<hbm>> -> memref<128xi32, #tpu.memory_space<hbm>>
    %dma_wait3A_124 = tpu.memref_slice %arg10[%rem3A_114] : memref<5x!tpu.dma_semaphore, #tpu.memory_space<semaphore_mem>> -> memref<1x!tpu.dma_semaphore, #tpu.memory_space<semaphore_mem>>
    %dma_wait3A_125 = tpu.memref_squeeze %dma_wait3A_124 : memref<1x!tpu.dma_semaphore, #tpu.memory_space<semaphore_mem>> -> memref<!tpu.dma_semaphore, #tpu.memory_space<semaphore_mem>>
    %dma_wait3A_126 = arith.constant 0 : i32
    %dma_wait3A_127 = tpu.memref_slice %arg7[%rem3A_114, %dma_wait3A_126] : memref<5x128xi32, #tpu.memory_space<vmem>> -> memref<1x128xi32, #tpu.memory_space<vmem>>
    %dma_wait3A_128 = tpu.memref_squeeze %dma_wait3A_127 : memref<1x128xi32, #tpu.memory_space<vmem>> -> memref<128xi32, #tpu.memory_space<vmem>>
    %dma_wait3A_129 = arith.constant 0 : i32
    %dma_wait3A_130 = tpu.memref_slice %arg4[%add3A_116, %dma_wait3A_129] : memref<2560x128xi32, #tpu.memory_space<hbm>> -> memref<1x128xi32, #tpu.memory_space<hbm>>
    %dma_wait3A_131 = tpu.memref_squeeze %dma_wait3A_130 : memref<1x128xi32, #tpu.memory_space<hbm>> -> memref<128xi32, #tpu.memory_space<hbm>>
    tpu.wait_dma2 semaphore(%dma_wait3A_125 : memref<!tpu.dma_semaphore, #tpu.memory_space<semaphore_mem>>) src(%dma_wait3A_131 : memref<128xi32, #tpu.memory_space<hbm>>) dst(%dma_wait3A_128 : memref<128xi32, #tpu.memory_space<vmem>>)
    %dma_wait3A_132 = arith.constant 0 : i32
    %dma_wait3A_133 = tpu.memref_slice %arg8[%rem3A_114, %dma_wait3A_132] : memref<5x128xi32, #tpu.memory_space<vmem>> -> memref<1x128xi32, #tpu.memory_space<vmem>>
    %dma_wait3A_134 = tpu.memref_squeeze %dma_wait3A_133 : memref<1x128xi32, #tpu.memory_space<vmem>> -> memref<128xi32, #tpu.memory_space<vmem>>
    %dma_wait3A_135 = arith.constant 0 : i32
    %dma_wait3A_136 = tpu.memref_slice %arg5[%add3A_118, %dma_wait3A_135] : memref<2560x128xi32, #tpu.memory_space<hbm>> -> memref<1x128xi32, #tpu.memory_space<hbm>>
    %dma_wait3A_137 = tpu.memref_squeeze %dma_wait3A_136 : memref<1x128xi32, #tpu.memory_space<hbm>> -> memref<128xi32, #tpu.memory_space<hbm>>
    %dma_wait3A_138 = tpu.memref_slice %arg11[%rem3A_114] : memref<5x!tpu.dma_semaphore, #tpu.memory_space<semaphore_mem>> -> memref<1x!tpu.dma_semaphore, #tpu.memory_space<semaphore_mem>>
    %dma_wait3A_139 = tpu.memref_squeeze %dma_wait3A_138 : memref<1x!tpu.dma_semaphore, #tpu.memory_space<semaphore_mem>> -> memref<!tpu.dma_semaphore, #tpu.memory_space<semaphore_mem>>
    %dma_wait3A_140 = arith.constant 0 : i32
    %dma_wait3A_141 = tpu.memref_slice %arg8[%rem3A_114, %dma_wait3A_140] : memref<5x128xi32, #tpu.memory_space<vmem>> -> memref<1x128xi32, #tpu.memory_space<vmem>>
    %dma_wait3A_142 = tpu.memref_squeeze %dma_wait3A_141 : memref<1x128xi32, #tpu.memory_space<vmem>> -> memref<128xi32, #tpu.memory_space<vmem>>
    %dma_wait3A_143 = arith.constant 0 : i32
    %dma_wait3A_144 = tpu.memref_slice %arg5[%add3A_118, %dma_wait3A_143] : memref<2560x128xi32, #tpu.memory_space<hbm>> -> memref<1x128xi32, #tpu.memory_space<hbm>>
    %dma_wait3A_145 = tpu.memref_squeeze %dma_wait3A_144 : memref<1x128xi32, #tpu.memory_space<hbm>> -> memref<128xi32, #tpu.memory_space<hbm>>
    tpu.wait_dma2 semaphore(%dma_wait3A_139 : memref<!tpu.dma_semaphore, #tpu.memory_space<semaphore_mem>>) src(%dma_wait3A_145 : memref<128xi32, #tpu.memory_space<hbm>>) dst(%dma_wait3A_142 : memref<128xi32, #tpu.memory_space<vmem>>)
    %rem3A_146 = arith.constant 0 : i32
    %rem3A_147 = arith.constant 4 : i32
    %rem3A_148 = arith.remsi %rem3A_146, %rem3A_147 : i32
    %rem3A_149 = arith.constant 0 : i32
    %rem3A_150 = arith.constant 5 : i32
    %rem3A_151 = arith.remsi %rem3A_149, %rem3A_150 : i32
    %dma_start3A_152 = arith.constant 0 : i32
    %dma_start3A_153 = arith.constant 0 : i32
    %dma_start3A_154 = tpu.memref_slice %arg9[%rem3A_148, %dma_start3A_152, %dma_start3A_153] : memref<4x128x128xf32, #tpu.memory_space<vmem>> -> memref<1x128x128xf32, #tpu.memory_space<vmem>>
    %dma_start3A_155 = tpu.memref_squeeze %dma_start3A_154 : memref<1x128x128xf32, #tpu.memory_space<vmem>> -> memref<128x128xf32, #tpu.memory_space<vmem>>
    %dma_start3A_156 = arith.constant 0 : i32
    %dma_start3A_157 = tpu.memref_slice %arg7[%rem3A_151, %dma_start3A_156] : memref<5x128xi32, #tpu.memory_space<vmem>> -> memref<1x128xi32, #tpu.memory_space<vmem>>
    %dma_start3A_158 = tpu.memref_squeeze %dma_start3A_157 : memref<1x128xi32, #tpu.memory_space<vmem>> -> memref<128xi32, #tpu.memory_space<vmem>>
    %dma_start3A_159 = arith.constant 0 : i32
    %dma_start3A_160 = arith.constant 0 : i32
    %dma_start3A_161 = tpu.memref_slice %arg2[%dma_start3A_159, %dma_start3A_160] : memref<10240x128xf32, #tpu.memory_space<hbm>> -> memref<10240x128xf32, #tpu.memory_space<hbm>>
    %dma_start3A_162 = tpu.memref_slice %arg12[%rem3A_148] : memref<4x!tpu.dma_semaphore, #tpu.memory_space<semaphore_mem>> -> memref<1x!tpu.dma_semaphore, #tpu.memory_space<semaphore_mem>>
    %dma_start3A_163 = tpu.memref_squeeze %dma_start3A_162 : memref<1x!tpu.dma_semaphore, #tpu.memory_space<semaphore_mem>> -> memref<!tpu.dma_semaphore, #tpu.memory_space<semaphore_mem>>
    tpu.enqueue_indirect_dma source(%dma_start3A_161 : memref<10240x128xf32, #tpu.memory_space<hbm>>) target(%dma_start3A_155 : memref<128x128xf32, #tpu.memory_space<vmem>>) offsets(%dma_start3A_158 : memref<128xi32, #tpu.memory_space<vmem>>) semaphore(%dma_start3A_163 : memref<!tpu.dma_semaphore, #tpu.memory_space<semaphore_mem>>)
    %rem3A_164 = arith.constant 1 : i32
    %rem3A_165 = arith.constant 5 : i32
    %rem3A_166 = arith.remsi %rem3A_164, %rem3A_165 : i32
    %add3A_167 = arith.constant 1 : i32
    %add3A_168 = arith.addi %select_n3A_8, %add3A_167 : i32
    %add3A_169 = arith.constant 1 : i32
    %add3A_170 = arith.addi %select_n3A_8, %add3A_169 : i32
    %dma_wait3A_171 = arith.constant 0 : i32
    %dma_wait3A_172 = tpu.memref_slice %arg7[%rem3A_166, %dma_wait3A_171] : memref<5x128xi32, #tpu.memory_space<vmem>> -> memref<1x128xi32, #tpu.memory_space<vmem>>
    %dma_wait3A_173 = tpu.memref_squeeze %dma_wait3A_172 : memref<1x128xi32, #tpu.memory_space<vmem>> -> memref<128xi32, #tpu.memory_space<vmem>>
    %dma_wait3A_174 = arith.constant 0 : i32
    %dma_wait3A_175 = tpu.memref_slice %arg4[%add3A_168, %dma_wait3A_174] : memref<2560x128xi32, #tpu.memory_space<hbm>> -> memref<1x128xi32, #tpu.memory_space<hbm>>
    %dma_wait3A_176 = tpu.memref_squeeze %dma_wait3A_175 : memref<1x128xi32, #tpu.memory_space<hbm>> -> memref<128xi32, #tpu.memory_space<hbm>>
    %dma_wait3A_177 = tpu.memref_slice %arg10[%rem3A_166] : memref<5x!tpu.dma_semaphore, #tpu.memory_space<semaphore_mem>> -> memref<1x!tpu.dma_semaphore, #tpu.memory_space<semaphore_mem>>
    %dma_wait3A_178 = tpu.memref_squeeze %dma_wait3A_177 : memref<1x!tpu.dma_semaphore, #tpu.memory_space<semaphore_mem>> -> memref<!tpu.dma_semaphore, #tpu.memory_space<semaphore_mem>>
    %dma_wait3A_179 = arith.constant 0 : i32
    %dma_wait3A_180 = tpu.memref_slice %arg7[%rem3A_166, %dma_wait3A_179] : memref<5x128xi32, #tpu.memory_space<vmem>> -> memref<1x128xi32, #tpu.memory_space<vmem>>
    %dma_wait3A_181 = tpu.memref_squeeze %dma_wait3A_180 : memref<1x128xi32, #tpu.memory_space<vmem>> -> memref<128xi32, #tpu.memory_space<vmem>>
    %dma_wait3A_182 = arith.constant 0 : i32
    %dma_wait3A_183 = tpu.memref_slice %arg4[%add3A_168, %dma_wait3A_182] : memref<2560x128xi32, #tpu.memory_space<hbm>> -> memref<1x128xi32, #tpu.memory_space<hbm>>
    %dma_wait3A_184 = tpu.memref_squeeze %dma_wait3A_183 : memref<1x128xi32, #tpu.memory_space<hbm>> -> memref<128xi32, #tpu.memory_space<hbm>>
    tpu.wait_dma2 semaphore(%dma_wait3A_178 : memref<!tpu.dma_semaphore, #tpu.memory_space<semaphore_mem>>) src(%dma_wait3A_184 : memref<128xi32, #tpu.memory_space<hbm>>) dst(%dma_wait3A_181 : memref<128xi32, #tpu.memory_space<vmem>>)
    %dma_wait3A_185 = arith.constant 0 : i32
    %dma_wait3A_186 = tpu.memref_slice %arg8[%rem3A_166, %dma_wait3A_185] : memref<5x128xi32, #tpu.memory_space<vmem>> -> memref<1x128xi32, #tpu.memory_space<vmem>>
    %dma_wait3A_187 = tpu.memref_squeeze %dma_wait3A_186 : memref<1x128xi32, #tpu.memory_space<vmem>> -> memref<128xi32, #tpu.memory_space<vmem>>
    %dma_wait3A_188 = arith.constant 0 : i32
    %dma_wait3A_189 = tpu.memref_slice %arg5[%add3A_170, %dma_wait3A_188] : memref<2560x128xi32, #tpu.memory_space<hbm>> -> memref<1x128xi32, #tpu.memory_space<hbm>>
    %dma_wait3A_190 = tpu.memref_squeeze %dma_wait3A_189 : memref<1x128xi32, #tpu.memory_space<hbm>> -> memref<128xi32, #tpu.memory_space<hbm>>
    %dma_wait3A_191 = tpu.memref_slice %arg11[%rem3A_166] : memref<5x!tpu.dma_semaphore, #tpu.memory_space<semaphore_mem>> -> memref<1x!tpu.dma_semaphore, #tpu.memory_space<semaphore_mem>>
    %dma_wait3A_192 = tpu.memref_squeeze %dma_wait3A_191 : memref<1x!tpu.dma_semaphore, #tpu.memory_space<semaphore_mem>> -> memref<!tpu.dma_semaphore, #tpu.memory_space<semaphore_mem>>
    %dma_wait3A_193 = arith.constant 0 : i32
    %dma_wait3A_194 = tpu.memref_slice %arg8[%rem3A_166, %dma_wait3A_193] : memref<5x128xi32, #tpu.memory_space<vmem>> -> memref<1x128xi32, #tpu.memory_space<vmem>>
    %dma_wait3A_195 = tpu.memref_squeeze %dma_wait3A_194 : memref<1x128xi32, #tpu.memory_space<vmem>> -> memref<128xi32, #tpu.memory_space<vmem>>
    %dma_wait3A_196 = arith.constant 0 : i32
    %dma_wait3A_197 = tpu.memref_slice %arg5[%add3A_170, %dma_wait3A_196] : memref<2560x128xi32, #tpu.memory_space<hbm>> -> memref<1x128xi32, #tpu.memory_space<hbm>>
    %dma_wait3A_198 = tpu.memref_squeeze %dma_wait3A_197 : memref<1x128xi32, #tpu.memory_space<hbm>> -> memref<128xi32, #tpu.memory_space<hbm>>
    tpu.wait_dma2 semaphore(%dma_wait3A_192 : memref<!tpu.dma_semaphore, #tpu.memory_space<semaphore_mem>>) src(%dma_wait3A_198 : memref<128xi32, #tpu.memory_space<hbm>>) dst(%dma_wait3A_195 : memref<128xi32, #tpu.memory_space<vmem>>)
    %rem3A_199 = arith.constant 1 : i32
    %rem3A_200 = arith.constant 4 : i32
    %rem3A_201 = arith.remsi %rem3A_199, %rem3A_200 : i32
    %rem3A_202 = arith.constant 1 : i32
    %rem3A_203 = arith.constant 5 : i32
    %rem3A_204 = arith.remsi %rem3A_202, %rem3A_203 : i32
    %dma_start3A_205 = arith.constant 0 : i32
    %dma_start3A_206 = arith.constant 0 : i32
    %dma_start3A_207 = tpu.memref_slice %arg9[%rem3A_201, %dma_start3A_205, %dma_start3A_206] : memref<4x128x128xf32, #tpu.memory_space<vmem>> -> memref<1x128x128xf32, #tpu.memory_space<vmem>>
    %dma_start3A_208 = tpu.memref_squeeze %dma_start3A_207 : memref<1x128x128xf32, #tpu.memory_space<vmem>> -> memref<128x128xf32, #tpu.memory_space<vmem>>
    %dma_start3A_209 = arith.constant 0 : i32
    %dma_start3A_210 = tpu.memref_slice %arg7[%rem3A_204, %dma_start3A_209] : memref<5x128xi32, #tpu.memory_space<vmem>> -> memref<1x128xi32, #tpu.memory_space<vmem>>
    %dma_start3A_211 = tpu.memref_squeeze %dma_start3A_210 : memref<1x128xi32, #tpu.memory_space<vmem>> -> memref<128xi32, #tpu.memory_space<vmem>>
    %dma_start3A_212 = arith.constant 0 : i32
    %dma_start3A_213 = arith.constant 0 : i32
    %dma_start3A_214 = tpu.memref_slice %arg2[%dma_start3A_212, %dma_start3A_213] : memref<10240x128xf32, #tpu.memory_space<hbm>> -> memref<10240x128xf32, #tpu.memory_space<hbm>>
    %dma_start3A_215 = tpu.memref_slice %arg12[%rem3A_201] : memref<4x!tpu.dma_semaphore, #tpu.memory_space<semaphore_mem>> -> memref<1x!tpu.dma_semaphore, #tpu.memory_space<semaphore_mem>>
    %dma_start3A_216 = tpu.memref_squeeze %dma_start3A_215 : memref<1x!tpu.dma_semaphore, #tpu.memory_space<semaphore_mem>> -> memref<!tpu.dma_semaphore, #tpu.memory_space<semaphore_mem>>
    tpu.enqueue_indirect_dma source(%dma_start3A_214 : memref<10240x128xf32, #tpu.memory_space<hbm>>) target(%dma_start3A_208 : memref<128x128xf32, #tpu.memory_space<vmem>>) offsets(%dma_start3A_211 : memref<128xi32, #tpu.memory_space<vmem>>) semaphore(%dma_start3A_216 : memref<!tpu.dma_semaphore, #tpu.memory_space<semaphore_mem>>)
    %while3A = arith.constant 0 : i32
    %while3A_217 = arith.constant 0 : i32
    %while3A_218 = arith.subi %select_n3A, %while3A_217 : i32
    %while3A_219 = arith.addi %while3A_217, %while3A_218 : i32
    %while3A_220 = arith.constant 1 : i32
    %while3A_221 = arith.divsi %while3A_218, %while3A_220 : i32
    %while3A_222 = arith.muli %while3A_221, %while3A_220 : i32
    %while3A_223 = arith.addi %while3A_217, %while3A_222 : i32
    %while3A_224 = arith.constant 1 : i32
    scf.for %while3A_306 = %while3A_217 to %while3A_223 step %while3A_224  : i32 {
      %ge3A = arith.constant 2 : i32
      %ge3A_307 = arith.cmpi sge, %while3A_306, %ge3A : i32
      %convert_element_type3A = arith.extui %ge3A_307 : i1 to i32
      %cond3A = arith.constant 0 : i32
      %cond3A_308 = arith.cmpi ne, %convert_element_type3A, %cond3A : i32
      scf.if %cond3A_308 {
        %sub3A_357 = arith.constant 2 : i32
        %sub3A_358 = arith.subi %while3A_306, %sub3A_357 : i32
        %rem3A_359 = arith.constant 4 : i32
        %rem3A_360 = arith.remsi %sub3A_358, %rem3A_359 : i32
        %add3A_361 = arith.addi %select_n3A_8, %sub3A_358 : i32
        %mul3A_362 = arith.constant 128 : i32
        %mul3A_363 = arith.muli %add3A_361, %mul3A_362 : i32
        %dma_wait3A_364 = arith.constant 0 : i32
        %dma_wait3A_365 = arith.constant 0 : i32
        %dma_wait3A_366 = tpu.memref_slice %arg9[%rem3A_360, %dma_wait3A_364, %dma_wait3A_365] : memref<4x128x128xf32, #tpu.memory_space<vmem>> -> memref<1x128x128xf32, #tpu.memory_space<vmem>>
        %dma_wait3A_367 = tpu.memref_squeeze %dma_wait3A_366 : memref<1x128x128xf32, #tpu.memory_space<vmem>> -> memref<128x128xf32, #tpu.memory_space<vmem>>
        %dma_wait3A_368 = arith.constant 0 : i32
        %dma_wait3A_369 = tpu.memref_slice %arg6[%mul3A_363, %dma_wait3A_368] : memref<327680x128xf32, #tpu.memory_space<hbm>> -> memref<128x128xf32, #tpu.memory_space<hbm>>
        %dma_wait3A_370 = tpu.memref_slice %arg14[%rem3A_360] : memref<4x!tpu.dma_semaphore, #tpu.memory_space<semaphore_mem>> -> memref<1x!tpu.dma_semaphore, #tpu.memory_space<semaphore_mem>>
        %dma_wait3A_371 = tpu.memref_squeeze %dma_wait3A_370 : memref<1x!tpu.dma_semaphore, #tpu.memory_space<semaphore_mem>> -> memref<!tpu.dma_semaphore, #tpu.memory_space<semaphore_mem>>
        %dma_wait3A_372 = arith.constant 0 : i32
        %dma_wait3A_373 = tpu.memref_slice %arg6[%mul3A_363, %dma_wait3A_372] : memref<327680x128xf32, #tpu.memory_space<hbm>> -> memref<128x128xf32, #tpu.memory_space<hbm>>
        %dma_wait3A_374 = arith.constant 0 : i32
        %dma_wait3A_375 = arith.constant 0 : i32
        %dma_wait3A_376 = tpu.memref_slice %arg9[%rem3A_360, %dma_wait3A_374, %dma_wait3A_375] : memref<4x128x128xf32, #tpu.memory_space<vmem>> -> memref<1x128x128xf32, #tpu.memory_space<vmem>>
        %dma_wait3A_377 = tpu.memref_squeeze %dma_wait3A_376 : memref<1x128x128xf32, #tpu.memory_space<vmem>> -> memref<128x128xf32, #tpu.memory_space<vmem>>
        tpu.wait_dma2 semaphore(%dma_wait3A_371 : memref<!tpu.dma_semaphore, #tpu.memory_space<semaphore_mem>>) src(%dma_wait3A_377 : memref<128x128xf32, #tpu.memory_space<vmem>>) dst(%dma_wait3A_373 : memref<128x128xf32, #tpu.memory_space<hbm>>)
      } else {
      }
      %add3A_309 = arith.constant 3 : i32
      %add3A_310 = arith.addi %while3A_306, %add3A_309 : i32
      %lt3A = arith.cmpi slt, %add3A_310, %select_n3A : i32
      %convert_element_type3A_311 = arith.extui %lt3A : i1 to i32
      %cond3A_312 = arith.constant 0 : i32
      %cond3A_313 = arith.cmpi ne, %convert_element_type3A_311, %cond3A_312 : i32
      scf.if %cond3A_313 {
        %add3A_357 = arith.constant 3 : i32
        %add3A_358 = arith.addi %while3A_306, %add3A_357 : i32
        %rem3A_359 = arith.constant 5 : i32
        %rem3A_360 = arith.remsi %add3A_358, %rem3A_359 : i32
        %add3A_361 = arith.addi %select_n3A_8, %add3A_358 : i32
        %add3A_362 = arith.addi %select_n3A_8, %add3A_358 : i32
        %dma_start3A_363 = arith.constant 0 : i32
        %dma_start3A_364 = tpu.memref_slice %arg7[%rem3A_360, %dma_start3A_363] : memref<5x128xi32, #tpu.memory_space<vmem>> -> memref<1x128xi32, #tpu.memory_space<vmem>>
        %dma_start3A_365 = tpu.memref_squeeze %dma_start3A_364 : memref<1x128xi32, #tpu.memory_space<vmem>> -> memref<128xi32, #tpu.memory_space<vmem>>
        %dma_start3A_366 = arith.constant 0 : i32
        %dma_start3A_367 = tpu.memref_slice %arg4[%add3A_361, %dma_start3A_366] : memref<2560x128xi32, #tpu.memory_space<hbm>> -> memref<1x128xi32, #tpu.memory_space<hbm>>
        %dma_start3A_368 = tpu.memref_squeeze %dma_start3A_367 : memref<1x128xi32, #tpu.memory_space<hbm>> -> memref<128xi32, #tpu.memory_space<hbm>>
        %dma_start3A_369 = tpu.memref_slice %arg10[%rem3A_360] : memref<5x!tpu.dma_semaphore, #tpu.memory_space<semaphore_mem>> -> memref<1x!tpu.dma_semaphore, #tpu.memory_space<semaphore_mem>>
        %dma_start3A_370 = tpu.memref_squeeze %dma_start3A_369 : memref<1x!tpu.dma_semaphore, #tpu.memory_space<semaphore_mem>> -> memref<!tpu.dma_semaphore, #tpu.memory_space<semaphore_mem>>
        %dma_start3A_371 = arith.constant 0 : i32
        %dma_start3A_372 = tpu.memref_slice %arg7[%rem3A_360, %dma_start3A_371] : memref<5x128xi32, #tpu.memory_space<vmem>> -> memref<1x128xi32, #tpu.memory_space<vmem>>
        %dma_start3A_373 = tpu.memref_squeeze %dma_start3A_372 : memref<1x128xi32, #tpu.memory_space<vmem>> -> memref<128xi32, #tpu.memory_space<vmem>>
        %dma_start3A_374 = arith.constant 0 : i32
        %dma_start3A_375 = tpu.memref_slice %arg4[%add3A_361, %dma_start3A_374] : memref<2560x128xi32, #tpu.memory_space<hbm>> -> memref<1x128xi32, #tpu.memory_space<hbm>>
        %dma_start3A_376 = tpu.memref_squeeze %dma_start3A_375 : memref<1x128xi32, #tpu.memory_space<hbm>> -> memref<128xi32, #tpu.memory_space<hbm>>
        tpu.enqueue_dma source(%dma_start3A_376 : memref<128xi32, #tpu.memory_space<hbm>>) target(%dma_start3A_373 : memref<128xi32, #tpu.memory_space<vmem>>) target_semaphore(%dma_start3A_370 : memref<!tpu.dma_semaphore, #tpu.memory_space<semaphore_mem>>)
        %dma_start3A_377 = arith.constant 0 : i32
        %dma_start3A_378 = tpu.memref_slice %arg8[%rem3A_360, %dma_start3A_377] : memref<5x128xi32, #tpu.memory_space<vmem>> -> memref<1x128xi32, #tpu.memory_space<vmem>>
        %dma_start3A_379 = tpu.memref_squeeze %dma_start3A_378 : memref<1x128xi32, #tpu.memory_space<vmem>> -> memref<128xi32, #tpu.memory_space<vmem>>
        %dma_start3A_380 = arith.constant 0 : i32
        %dma_start3A_381 = tpu.memref_slice %arg5[%add3A_362, %dma_start3A_380] : memref<2560x128xi32, #tpu.memory_space<hbm>> -> memref<1x128xi32, #tpu.memory_space<hbm>>
        %dma_start3A_382 = tpu.memref_squeeze %dma_start3A_381 : memref<1x128xi32, #tpu.memory_space<hbm>> -> memref<128xi32, #tpu.memory_space<hbm>>
        %dma_start3A_383 = tpu.memref_slice %arg11[%rem3A_360] : memref<5x!tpu.dma_semaphore, #tpu.memory_space<semaphore_mem>> -> memref<1x!tpu.dma_semaphore, #tpu.memory_space<semaphore_mem>>
        %dma_start3A_384 = tpu.memref_squeeze %dma_start3A_383 : memref<1x!tpu.dma_semaphore, #tpu.memory_space<semaphore_mem>> -> memref<!tpu.dma_semaphore, #tpu.memory_space<semaphore_mem>>
        %dma_start3A_385 = arith.constant 0 : i32
        %dma_start3A_386 = tpu.memref_slice %arg8[%rem3A_360, %dma_start3A_385] : memref<5x128xi32, #tpu.memory_space<vmem>> -> memref<1x128xi32, #tpu.memory_space<vmem>>
        %dma_start3A_387 = tpu.memref_squeeze %dma_start3A_386 : memref<1x128xi32, #tpu.memory_space<vmem>> -> memref<128xi32, #tpu.memory_space<vmem>>
        %dma_start3A_388 = arith.constant 0 : i32
        %dma_start3A_389 = tpu.memref_slice %arg5[%add3A_362, %dma_start3A_388] : memref<2560x128xi32, #tpu.memory_space<hbm>> -> memref<1x128xi32, #tpu.memory_space<hbm>>
        %dma_start3A_390 = tpu.memref_squeeze %dma_start3A_389 : memref<1x128xi32, #tpu.memory_space<hbm>> -> memref<128xi32, #tpu.memory_space<hbm>>
        tpu.enqueue_dma source(%dma_start3A_390 : memref<128xi32, #tpu.memory_space<hbm>>) target(%dma_start3A_387 : memref<128xi32, #tpu.memory_space<vmem>>) target_semaphore(%dma_start3A_384 : memref<!tpu.dma_semaphore, #tpu.memory_space<semaphore_mem>>)
      } else {
      }
      %add3A_314 = arith.constant 2 : i32
      %add3A_315 = arith.addi %while3A_306, %add3A_314 : i32
      %lt3A_316 = arith.cmpi slt, %add3A_315, %select_n3A : i32
      %convert_element_type3A_317 = arith.extui %lt3A_316 : i1 to i32
      %cond3A_318 = arith.constant 0 : i32
      %cond3A_319 = arith.cmpi ne, %convert_element_type3A_317, %cond3A_318 : i32
      scf.if %cond3A_319 {
        %add3A_357 = arith.constant 2 : i32
        %add3A_358 = arith.addi %while3A_306, %add3A_357 : i32
        %rem3A_359 = arith.constant 5 : i32
        %rem3A_360 = arith.remsi %add3A_358, %rem3A_359 : i32
        %add3A_361 = arith.addi %select_n3A_8, %add3A_358 : i32
        %add3A_362 = arith.addi %select_n3A_8, %add3A_358 : i32
        %dma_wait3A_363 = arith.constant 0 : i32
        %dma_wait3A_364 = tpu.memref_slice %arg7[%rem3A_360, %dma_wait3A_363] : memref<5x128xi32, #tpu.memory_space<vmem>> -> memref<1x128xi32, #tpu.memory_space<vmem>>
        %dma_wait3A_365 = tpu.memref_squeeze %dma_wait3A_364 : memref<1x128xi32, #tpu.memory_space<vmem>> -> memref<128xi32, #tpu.memory_space<vmem>>
        %dma_wait3A_366 = arith.constant 0 : i32
        %dma_wait3A_367 = tpu.memref_slice %arg4[%add3A_361, %dma_wait3A_366] : memref<2560x128xi32, #tpu.memory_space<hbm>> -> memref<1x128xi32, #tpu.memory_space<hbm>>
        %dma_wait3A_368 = tpu.memref_squeeze %dma_wait3A_367 : memref<1x128xi32, #tpu.memory_space<hbm>> -> memref<128xi32, #tpu.memory_space<hbm>>
        %dma_wait3A_369 = tpu.memref_slice %arg10[%rem3A_360] : memref<5x!tpu.dma_semaphore, #tpu.memory_space<semaphore_mem>> -> memref<1x!tpu.dma_semaphore, #tpu.memory_space<semaphore_mem>>
        %dma_wait3A_370 = tpu.memref_squeeze %dma_wait3A_369 : memref<1x!tpu.dma_semaphore, #tpu.memory_space<semaphore_mem>> -> memref<!tpu.dma_semaphore, #tpu.memory_space<semaphore_mem>>
        %dma_wait3A_371 = arith.constant 0 : i32
        %dma_wait3A_372 = tpu.memref_slice %arg7[%rem3A_360, %dma_wait3A_371] : memref<5x128xi32, #tpu.memory_space<vmem>> -> memref<1x128xi32, #tpu.memory_space<vmem>>
        %dma_wait3A_373 = tpu.memref_squeeze %dma_wait3A_372 : memref<1x128xi32, #tpu.memory_space<vmem>> -> memref<128xi32, #tpu.memory_space<vmem>>
        %dma_wait3A_374 = arith.constant 0 : i32
        %dma_wait3A_375 = tpu.memref_slice %arg4[%add3A_361, %dma_wait3A_374] : memref<2560x128xi32, #tpu.memory_space<hbm>> -> memref<1x128xi32, #tpu.memory_space<hbm>>
        %dma_wait3A_376 = tpu.memref_squeeze %dma_wait3A_375 : memref<1x128xi32, #tpu.memory_space<hbm>> -> memref<128xi32, #tpu.memory_space<hbm>>
        tpu.wait_dma2 semaphore(%dma_wait3A_370 : memref<!tpu.dma_semaphore, #tpu.memory_space<semaphore_mem>>) src(%dma_wait3A_376 : memref<128xi32, #tpu.memory_space<hbm>>) dst(%dma_wait3A_373 : memref<128xi32, #tpu.memory_space<vmem>>)
        %dma_wait3A_377 = arith.constant 0 : i32
        %dma_wait3A_378 = tpu.memref_slice %arg8[%rem3A_360, %dma_wait3A_377] : memref<5x128xi32, #tpu.memory_space<vmem>> -> memref<1x128xi32, #tpu.memory_space<vmem>>
        %dma_wait3A_379 = tpu.memref_squeeze %dma_wait3A_378 : memref<1x128xi32, #tpu.memory_space<vmem>> -> memref<128xi32, #tpu.memory_space<vmem>>
        %dma_wait3A_380 = arith.constant 0 : i32
        %dma_wait3A_381 = tpu.memref_slice %arg5[%add3A_362, %dma_wait3A_380] : memref<2560x128xi32, #tpu.memory_space<hbm>> -> memref<1x128xi32, #tpu.memory_space<hbm>>
        %dma_wait3A_382 = tpu.memref_squeeze %dma_wait3A_381 : memref<1x128xi32, #tpu.memory_space<hbm>> -> memref<128xi32, #tpu.memory_space<hbm>>
        %dma_wait3A_383 = tpu.memref_slice %arg11[%rem3A_360] : memref<5x!tpu.dma_semaphore, #tpu.memory_space<semaphore_mem>> -> memref<1x!tpu.dma_semaphore, #tpu.memory_space<semaphore_mem>>
        %dma_wait3A_384 = tpu.memref_squeeze %dma_wait3A_383 : memref<1x!tpu.dma_semaphore, #tpu.memory_space<semaphore_mem>> -> memref<!tpu.dma_semaphore, #tpu.memory_space<semaphore_mem>>
        %dma_wait3A_385 = arith.constant 0 : i32
        %dma_wait3A_386 = tpu.memref_slice %arg8[%rem3A_360, %dma_wait3A_385] : memref<5x128xi32, #tpu.memory_space<vmem>> -> memref<1x128xi32, #tpu.memory_space<vmem>>
        %dma_wait3A_387 = tpu.memref_squeeze %dma_wait3A_386 : memref<1x128xi32, #tpu.memory_space<vmem>> -> memref<128xi32, #tpu.memory_space<vmem>>
        %dma_wait3A_388 = arith.constant 0 : i32
        %dma_wait3A_389 = tpu.memref_slice %arg5[%add3A_362, %dma_wait3A_388] : memref<2560x128xi32, #tpu.memory_space<hbm>> -> memref<1x128xi32, #tpu.memory_space<hbm>>
        %dma_wait3A_390 = tpu.memref_squeeze %dma_wait3A_389 : memref<1x128xi32, #tpu.memory_space<hbm>> -> memref<128xi32, #tpu.memory_space<hbm>>
        tpu.wait_dma2 semaphore(%dma_wait3A_384 : memref<!tpu.dma_semaphore, #tpu.memory_space<semaphore_mem>>) src(%dma_wait3A_390 : memref<128xi32, #tpu.memory_space<hbm>>) dst(%dma_wait3A_387 : memref<128xi32, #tpu.memory_space<vmem>>)
        %add3A_391 = arith.constant 2 : i32
        %add3A_392 = arith.addi %while3A_306, %add3A_391 : i32
        %rem3A_393 = arith.constant 4 : i32
        %rem3A_394 = arith.remsi %add3A_392, %rem3A_393 : i32
        %rem3A_395 = arith.constant 5 : i32
        %rem3A_396 = arith.remsi %add3A_392, %rem3A_395 : i32
        %dma_start3A_397 = arith.constant 0 : i32
        %dma_start3A_398 = arith.constant 0 : i32
        %dma_start3A_399 = tpu.memref_slice %arg9[%rem3A_394, %dma_start3A_397, %dma_start3A_398] : memref<4x128x128xf32, #tpu.memory_space<vmem>> -> memref<1x128x128xf32, #tpu.memory_space<vmem>>
        %dma_start3A_400 = tpu.memref_squeeze %dma_start3A_399 : memref<1x128x128xf32, #tpu.memory_space<vmem>> -> memref<128x128xf32, #tpu.memory_space<vmem>>
        %dma_start3A_401 = arith.constant 0 : i32
        %dma_start3A_402 = tpu.memref_slice %arg7[%rem3A_396, %dma_start3A_401] : memref<5x128xi32, #tpu.memory_space<vmem>> -> memref<1x128xi32, #tpu.memory_space<vmem>>
        %dma_start3A_403 = tpu.memref_squeeze %dma_start3A_402 : memref<1x128xi32, #tpu.memory_space<vmem>> -> memref<128xi32, #tpu.memory_space<vmem>>
        %dma_start3A_404 = arith.constant 0 : i32
        %dma_start3A_405 = arith.constant 0 : i32
        %dma_start3A_406 = tpu.memref_slice %arg2[%dma_start3A_404, %dma_start3A_405] : memref<10240x128xf32, #tpu.memory_space<hbm>> -> memref<10240x128xf32, #tpu.memory_space<hbm>>
        %dma_start3A_407 = tpu.memref_slice %arg12[%rem3A_394] : memref<4x!tpu.dma_semaphore, #tpu.memory_space<semaphore_mem>> -> memref<1x!tpu.dma_semaphore, #tpu.memory_space<semaphore_mem>>
        %dma_start3A_408 = tpu.memref_squeeze %dma_start3A_407 : memref<1x!tpu.dma_semaphore, #tpu.memory_space<semaphore_mem>> -> memref<!tpu.dma_semaphore, #tpu.memory_space<semaphore_mem>>
        tpu.enqueue_indirect_dma source(%dma_start3A_406 : memref<10240x128xf32, #tpu.memory_space<hbm>>) target(%dma_start3A_400 : memref<128x128xf32, #tpu.memory_space<vmem>>) offsets(%dma_start3A_403 : memref<128xi32, #tpu.memory_space<vmem>>) semaphore(%dma_start3A_408 : memref<!tpu.dma_semaphore, #tpu.memory_space<semaphore_mem>>)
      } else {
      }
      %rem3A_320 = arith.constant 4 : i32
      %rem3A_321 = arith.remsi %while3A_306, %rem3A_320 : i32
      %rem3A_322 = arith.constant 5 : i32
      %rem3A_323 = arith.remsi %while3A_306, %rem3A_322 : i32
      %dma_wait3A_324 = arith.constant 0 : i32
      %dma_wait3A_325 = arith.constant 0 : i32
      %dma_wait3A_326 = tpu.memref_slice %arg9[%rem3A_321, %dma_wait3A_324, %dma_wait3A_325] : memref<4x128x128xf32, #tpu.memory_space<vmem>> -> memref<1x128x128xf32, #tpu.memory_space<vmem>>
      %dma_wait3A_327 = tpu.memref_squeeze %dma_wait3A_326 : memref<1x128x128xf32, #tpu.memory_space<vmem>> -> memref<128x128xf32, #tpu.memory_space<vmem>>
      %dma_wait3A_328 = arith.constant 0 : i32
      %dma_wait3A_329 = tpu.memref_slice %arg7[%rem3A_323, %dma_wait3A_328] : memref<5x128xi32, #tpu.memory_space<vmem>> -> memref<1x128xi32, #tpu.memory_space<vmem>>
      %dma_wait3A_330 = tpu.memref_squeeze %dma_wait3A_329 : memref<1x128xi32, #tpu.memory_space<vmem>> -> memref<128xi32, #tpu.memory_space<vmem>>
      %dma_wait3A_331 = arith.constant 0 : i32
      %dma_wait3A_332 = arith.constant 0 : i32
      %dma_wait3A_333 = tpu.memref_slice %arg2[%dma_wait3A_331, %dma_wait3A_332] : memref<10240x128xf32, #tpu.memory_space<hbm>> -> memref<10240x128xf32, #tpu.memory_space<hbm>>
      %dma_wait3A_334 = tpu.memref_slice %arg12[%rem3A_321] : memref<4x!tpu.dma_semaphore, #tpu.memory_space<semaphore_mem>> -> memref<1x!tpu.dma_semaphore, #tpu.memory_space<semaphore_mem>>
      %dma_wait3A_335 = tpu.memref_squeeze %dma_wait3A_334 : memref<1x!tpu.dma_semaphore, #tpu.memory_space<semaphore_mem>> -> memref<!tpu.dma_semaphore, #tpu.memory_space<semaphore_mem>>
      tpu.wait_indirect_dma semaphore(%dma_wait3A_335 : memref<!tpu.dma_semaphore, #tpu.memory_space<semaphore_mem>>) src(%dma_wait3A_333 : memref<10240x128xf32, #tpu.memory_space<hbm>>) dst(%dma_wait3A_327 : memref<128x128xf32, #tpu.memory_space<vmem>>)
      %rem3A_336 = arith.constant 4 : i32
      %rem3A_337 = arith.remsi %while3A_306, %rem3A_336 : i32
      %rem3A_338 = arith.constant 5 : i32
      %rem3A_339 = arith.remsi %while3A_306, %rem3A_338 : i32
      %dma_start3A_340 = arith.constant 0 : i32
      %dma_start3A_341 = arith.constant 0 : i32
      %dma_start3A_342 = tpu.memref_slice %arg9[%rem3A_337, %dma_start3A_340, %dma_start3A_341] : memref<4x128x128xf32, #tpu.memory_space<vmem>> -> memref<1x128x128xf32, #tpu.memory_space<vmem>>
      %dma_start3A_343 = tpu.memref_squeeze %dma_start3A_342 : memref<1x128x128xf32, #tpu.memory_space<vmem>> -> memref<128x128xf32, #tpu.memory_space<vmem>>
      %dma_start3A_344 = arith.constant 0 : i32
      %dma_start3A_345 = tpu.memref_slice %arg8[%rem3A_339, %dma_start3A_344] : memref<5x128xi32, #tpu.memory_space<vmem>> -> memref<1x128xi32, #tpu.memory_space<vmem>>
      %dma_start3A_346 = tpu.memref_squeeze %dma_start3A_345 : memref<1x128xi32, #tpu.memory_space<vmem>> -> memref<128xi32, #tpu.memory_space<vmem>>
      %dma_start3A_347 = arith.constant 0 : i32
      %dma_start3A_348 = arith.constant 0 : i32
      %dma_start3A_349 = tpu.memref_slice %arg3[%dma_start3A_347, %dma_start3A_348] : memref<10240x128xf32, #tpu.memory_space<hbm>> -> memref<10240x128xf32, #tpu.memory_space<hbm>>
      %dma_start3A_350 = tpu.memref_slice %arg13[%rem3A_337] : memref<4x!tpu.dma_semaphore, #tpu.memory_space<semaphore_mem>> -> memref<1x!tpu.dma_semaphore, #tpu.memory_space<semaphore_mem>>
      %dma_start3A_351 = tpu.memref_squeeze %dma_start3A_350 : memref<1x!tpu.dma_semaphore, #tpu.memory_space<semaphore_mem>> -> memref<!tpu.dma_semaphore, #tpu.memory_space<semaphore_mem>>
      tpu.enqueue_indirect_dma source(%dma_start3A_349 : memref<10240x128xf32, #tpu.memory_space<hbm>>) target(%dma_start3A_343 : memref<128x128xf32, #tpu.memory_space<vmem>>) offsets(%dma_start3A_346 : memref<128xi32, #tpu.memory_space<vmem>>) semaphore(%dma_start3A_351 : memref<!tpu.dma_semaphore, #tpu.memory_space<semaphore_mem>>) {add = true}
      %ge3A_352 = arith.constant 1 : i32
      %ge3A_353 = arith.cmpi sge, %while3A_306, %ge3A_352 : i32
      %convert_element_type3A_354 = arith.extui %ge3A_353 : i1 to i32
      %cond3A_355 = arith.constant 0 : i32
      %cond3A_356 = arith.cmpi ne, %convert_element_type3A_354, %cond3A_355 : i32
      scf.if %cond3A_356 {
        %sub3A_357 = arith.constant 1 : i32
        %sub3A_358 = arith.subi %while3A_306, %sub3A_357 : i32
        %rem3A_359 = arith.constant 4 : i32
        %rem3A_360 = arith.remsi %sub3A_358, %rem3A_359 : i32
        %rem3A_361 = arith.constant 5 : i32
        %rem3A_362 = arith.remsi %sub3A_358, %rem3A_361 : i32
        %dma_wait3A_363 = arith.constant 0 : i32
        %dma_wait3A_364 = arith.constant 0 : i32
        %dma_wait3A_365 = tpu.memref_slice %arg9[%rem3A_360, %dma_wait3A_363, %dma_wait3A_364] : memref<4x128x128xf32, #tpu.memory_space<vmem>> -> memref<1x128x128xf32, #tpu.memory_space<vmem>>
        %dma_wait3A_366 = tpu.memref_squeeze %dma_wait3A_365 : memref<1x128x128xf32, #tpu.memory_space<vmem>> -> memref<128x128xf32, #tpu.memory_space<vmem>>
        %dma_wait3A_367 = arith.constant 0 : i32
        %dma_wait3A_368 = tpu.memref_slice %arg8[%rem3A_362, %dma_wait3A_367] : memref<5x128xi32, #tpu.memory_space<vmem>> -> memref<1x128xi32, #tpu.memory_space<vmem>>
        %dma_wait3A_369 = tpu.memref_squeeze %dma_wait3A_368 : memref<1x128xi32, #tpu.memory_space<vmem>> -> memref<128xi32, #tpu.memory_space<vmem>>
        %dma_wait3A_370 = arith.constant 0 : i32
        %dma_wait3A_371 = arith.constant 0 : i32
        %dma_wait3A_372 = tpu.memref_slice %arg3[%dma_wait3A_370, %dma_wait3A_371] : memref<10240x128xf32, #tpu.memory_space<hbm>> -> memref<10240x128xf32, #tpu.memory_space<hbm>>
        %dma_wait3A_373 = tpu.memref_slice %arg13[%rem3A_360] : memref<4x!tpu.dma_semaphore, #tpu.memory_space<semaphore_mem>> -> memref<1x!tpu.dma_semaphore, #tpu.memory_space<semaphore_mem>>
        %dma_wait3A_374 = tpu.memref_squeeze %dma_wait3A_373 : memref<1x!tpu.dma_semaphore, #tpu.memory_space<semaphore_mem>> -> memref<!tpu.dma_semaphore, #tpu.memory_space<semaphore_mem>>
        tpu.wait_indirect_dma semaphore(%dma_wait3A_374 : memref<!tpu.dma_semaphore, #tpu.memory_space<semaphore_mem>>) src(%dma_wait3A_372 : memref<10240x128xf32, #tpu.memory_space<hbm>>) dst(%dma_wait3A_366 : memref<128x128xf32, #tpu.memory_space<vmem>>)
        %sub3A_375 = arith.constant 1 : i32
        %sub3A_376 = arith.subi %while3A_306, %sub3A_375 : i32
        %rem3A_377 = arith.constant 4 : i32
        %rem3A_378 = arith.remsi %sub3A_376, %rem3A_377 : i32
        %add3A_379 = arith.addi %select_n3A_8, %sub3A_376 : i32
        %mul3A_380 = arith.constant 128 : i32
        %mul3A_381 = arith.muli %add3A_379, %mul3A_380 : i32
        %dma_start3A_382 = arith.constant 0 : i32
        %dma_start3A_383 = arith.constant 0 : i32
        %dma_start3A_384 = tpu.memref_slice %arg9[%rem3A_378, %dma_start3A_382, %dma_start3A_383] : memref<4x128x128xf32, #tpu.memory_space<vmem>> -> memref<1x128x128xf32, #tpu.memory_space<vmem>>
        %dma_start3A_385 = tpu.memref_squeeze %dma_start3A_384 : memref<1x128x128xf32, #tpu.memory_space<vmem>> -> memref<128x128xf32, #tpu.memory_space<vmem>>
        %dma_start3A_386 = arith.constant 0 : i32
        %dma_start3A_387 = tpu.memref_slice %arg6[%mul3A_381, %dma_start3A_386] : memref<327680x128xf32, #tpu.memory_space<hbm>> -> memref<128x128xf32, #tpu.memory_space<hbm>>
        %dma_start3A_388 = tpu.memref_slice %arg14[%rem3A_378] : memref<4x!tpu.dma_semaphore, #tpu.memory_space<semaphore_mem>> -> memref<1x!tpu.dma_semaphore, #tpu.memory_space<semaphore_mem>>
        %dma_start3A_389 = tpu.memref_squeeze %dma_start3A_388 : memref<1x!tpu.dma_semaphore, #tpu.memory_space<semaphore_mem>> -> memref<!tpu.dma_semaphore, #tpu.memory_space<semaphore_mem>>
        %dma_start3A_390 = arith.constant 0 : i32
        %dma_start3A_391 = tpu.memref_slice %arg6[%mul3A_381, %dma_start3A_390] : memref<327680x128xf32, #tpu.memory_space<hbm>> -> memref<128x128xf32, #tpu.memory_space<hbm>>
        %dma_start3A_392 = arith.constant 0 : i32
        %dma_start3A_393 = arith.constant 0 : i32
        %dma_start3A_394 = tpu.memref_slice %arg9[%rem3A_378, %dma_start3A_392, %dma_start3A_393] : memref<4x128x128xf32, #tpu.memory_space<vmem>> -> memref<1x128x128xf32, #tpu.memory_space<vmem>>
        %dma_start3A_395 = tpu.memref_squeeze %dma_start3A_394 : memref<1x128x128xf32, #tpu.memory_space<vmem>> -> memref<128x128xf32, #tpu.memory_space<vmem>>
        tpu.enqueue_dma source(%dma_start3A_395 : memref<128x128xf32, #tpu.memory_space<vmem>>) target(%dma_start3A_391 : memref<128x128xf32, #tpu.memory_space<hbm>>) target_semaphore(%dma_start3A_389 : memref<!tpu.dma_semaphore, #tpu.memory_space<semaphore_mem>>)
      } else {
      }
    }
    %while3A_225 = arith.constant 1 : i32
    scf.for %while3A_306 = %while3A_223 to %while3A_219 step %while3A_225  : i32 {
      %ge3A = arith.constant 2 : i32
      %ge3A_307 = arith.cmpi sge, %while3A_306, %ge3A : i32
      %convert_element_type3A = arith.extui %ge3A_307 : i1 to i32
      %cond3A = arith.constant 0 : i32
      %cond3A_308 = arith.cmpi ne, %convert_element_type3A, %cond3A : i32
      scf.if %cond3A_308 {
        %sub3A_357 = arith.constant 2 : i32
        %sub3A_358 = arith.subi %while3A_306, %sub3A_357 : i32
        %rem3A_359 = arith.constant 4 : i32
        %rem3A_360 = arith.remsi %sub3A_358, %rem3A_359 : i32
        %add3A_361 = arith.addi %select_n3A_8, %sub3A_358 : i32
        %mul3A_362 = arith.constant 128 : i32
        %mul3A_363 = arith.muli %add3A_361, %mul3A_362 : i32
        %dma_wait3A_364 = arith.constant 0 : i32
        %dma_wait3A_365 = arith.constant 0 : i32
        %dma_wait3A_366 = tpu.memref_slice %arg9[%rem3A_360, %dma_wait3A_364, %dma_wait3A_365] : memref<4x128x128xf32, #tpu.memory_space<vmem>> -> memref<1x128x128xf32, #tpu.memory_space<vmem>>
        %dma_wait3A_367 = tpu.memref_squeeze %dma_wait3A_366 : memref<1x128x128xf32, #tpu.memory_space<vmem>> -> memref<128x128xf32, #tpu.memory_space<vmem>>
        %dma_wait3A_368 = arith.constant 0 : i32
        %dma_wait3A_369 = tpu.memref_slice %arg6[%mul3A_363, %dma_wait3A_368] : memref<327680x128xf32, #tpu.memory_space<hbm>> -> memref<128x128xf32, #tpu.memory_space<hbm>>
        %dma_wait3A_370 = tpu.memref_slice %arg14[%rem3A_360] : memref<4x!tpu.dma_semaphore, #tpu.memory_space<semaphore_mem>> -> memref<1x!tpu.dma_semaphore, #tpu.memory_space<semaphore_mem>>
        %dma_wait3A_371 = tpu.memref_squeeze %dma_wait3A_370 : memref<1x!tpu.dma_semaphore, #tpu.memory_space<semaphore_mem>> -> memref<!tpu.dma_semaphore, #tpu.memory_space<semaphore_mem>>
        %dma_wait3A_372 = arith.constant 0 : i32
        %dma_wait3A_373 = tpu.memref_slice %arg6[%mul3A_363, %dma_wait3A_372] : memref<327680x128xf32, #tpu.memory_space<hbm>> -> memref<128x128xf32, #tpu.memory_space<hbm>>
        %dma_wait3A_374 = arith.constant 0 : i32
        %dma_wait3A_375 = arith.constant 0 : i32
        %dma_wait3A_376 = tpu.memref_slice %arg9[%rem3A_360, %dma_wait3A_374, %dma_wait3A_375] : memref<4x128x128xf32, #tpu.memory_space<vmem>> -> memref<1x128x128xf32, #tpu.memory_space<vmem>>
        %dma_wait3A_377 = tpu.memref_squeeze %dma_wait3A_376 : memref<1x128x128xf32, #tpu.memory_space<vmem>> -> memref<128x128xf32, #tpu.memory_space<vmem>>
        tpu.wait_dma2 semaphore(%dma_wait3A_371 : memref<!tpu.dma_semaphore, #tpu.memory_space<semaphore_mem>>) src(%dma_wait3A_377 : memref<128x128xf32, #tpu.memory_space<vmem>>) dst(%dma_wait3A_373 : memref<128x128xf32, #tpu.memory_space<hbm>>)
      } else {
      }
      %add3A_309 = arith.constant 3 : i32
      %add3A_310 = arith.addi %while3A_306, %add3A_309 : i32
      %lt3A = arith.cmpi slt, %add3A_310, %select_n3A : i32
      %convert_element_type3A_311 = arith.extui %lt3A : i1 to i32
      %cond3A_312 = arith.constant 0 : i32
      %cond3A_313 = arith.cmpi ne, %convert_element_type3A_311, %cond3A_312 : i32
      scf.if %cond3A_313 {
        %add3A_357 = arith.constant 3 : i32
        %add3A_358 = arith.addi %while3A_306, %add3A_357 : i32
        %rem3A_359 = arith.constant 5 : i32
        %rem3A_360 = arith.remsi %add3A_358, %rem3A_359 : i32
        %add3A_361 = arith.addi %select_n3A_8, %add3A_358 : i32
        %add3A_362 = arith.addi %select_n3A_8, %add3A_358 : i32
        %dma_start3A_363 = arith.constant 0 : i32
        %dma_start3A_364 = tpu.memref_slice %arg7[%rem3A_360, %dma_start3A_363] : memref<5x128xi32, #tpu.memory_space<vmem>> -> memref<1x128xi32, #tpu.memory_space<vmem>>
        %dma_start3A_365 = tpu.memref_squeeze %dma_start3A_364 : memref<1x128xi32, #tpu.memory_space<vmem>> -> memref<128xi32, #tpu.memory_space<vmem>>
        %dma_start3A_366 = arith.constant 0 : i32
        %dma_start3A_367 = tpu.memref_slice %arg4[%add3A_361, %dma_start3A_366] : memref<2560x128xi32, #tpu.memory_space<hbm>> -> memref<1x128xi32, #tpu.memory_space<hbm>>
        %dma_start3A_368 = tpu.memref_squeeze %dma_start3A_367 : memref<1x128xi32, #tpu.memory_space<hbm>> -> memref<128xi32, #tpu.memory_space<hbm>>
        %dma_start3A_369 = tpu.memref_slice %arg10[%rem3A_360] : memref<5x!tpu.dma_semaphore, #tpu.memory_space<semaphore_mem>> -> memref<1x!tpu.dma_semaphore, #tpu.memory_space<semaphore_mem>>
        %dma_start3A_370 = tpu.memref_squeeze %dma_start3A_369 : memref<1x!tpu.dma_semaphore, #tpu.memory_space<semaphore_mem>> -> memref<!tpu.dma_semaphore, #tpu.memory_space<semaphore_mem>>
        %dma_start3A_371 = arith.constant 0 : i32
        %dma_start3A_372 = tpu.memref_slice %arg7[%rem3A_360, %dma_start3A_371] : memref<5x128xi32, #tpu.memory_space<vmem>> -> memref<1x128xi32, #tpu.memory_space<vmem>>
        %dma_start3A_373 = tpu.memref_squeeze %dma_start3A_372 : memref<1x128xi32, #tpu.memory_space<vmem>> -> memref<128xi32, #tpu.memory_space<vmem>>
        %dma_start3A_374 = arith.constant 0 : i32
        %dma_start3A_375 = tpu.memref_slice %arg4[%add3A_361, %dma_start3A_374] : memref<2560x128xi32, #tpu.memory_space<hbm>> -> memref<1x128xi32, #tpu.memory_space<hbm>>
        %dma_start3A_376 = tpu.memref_squeeze %dma_start3A_375 : memref<1x128xi32, #tpu.memory_space<hbm>> -> memref<128xi32, #tpu.memory_space<hbm>>
        tpu.enqueue_dma source(%dma_start3A_376 : memref<128xi32, #tpu.memory_space<hbm>>) target(%dma_start3A_373 : memref<128xi32, #tpu.memory_space<vmem>>) target_semaphore(%dma_start3A_370 : memref<!tpu.dma_semaphore, #tpu.memory_space<semaphore_mem>>)
        %dma_start3A_377 = arith.constant 0 : i32
        %dma_start3A_378 = tpu.memref_slice %arg8[%rem3A_360, %dma_start3A_377] : memref<5x128xi32, #tpu.memory_space<vmem>> -> memref<1x128xi32, #tpu.memory_space<vmem>>
        %dma_start3A_379 = tpu.memref_squeeze %dma_start3A_378 : memref<1x128xi32, #tpu.memory_space<vmem>> -> memref<128xi32, #tpu.memory_space<vmem>>
        %dma_start3A_380 = arith.constant 0 : i32
        %dma_start3A_381 = tpu.memref_slice %arg5[%add3A_362, %dma_start3A_380] : memref<2560x128xi32, #tpu.memory_space<hbm>> -> memref<1x128xi32, #tpu.memory_space<hbm>>
        %dma_start3A_382 = tpu.memref_squeeze %dma_start3A_381 : memref<1x128xi32, #tpu.memory_space<hbm>> -> memref<128xi32, #tpu.memory_space<hbm>>
        %dma_start3A_383 = tpu.memref_slice %arg11[%rem3A_360] : memref<5x!tpu.dma_semaphore, #tpu.memory_space<semaphore_mem>> -> memref<1x!tpu.dma_semaphore, #tpu.memory_space<semaphore_mem>>
        %dma_start3A_384 = tpu.memref_squeeze %dma_start3A_383 : memref<1x!tpu.dma_semaphore, #tpu.memory_space<semaphore_mem>> -> memref<!tpu.dma_semaphore, #tpu.memory_space<semaphore_mem>>
        %dma_start3A_385 = arith.constant 0 : i32
        %dma_start3A_386 = tpu.memref_slice %arg8[%rem3A_360, %dma_start3A_385] : memref<5x128xi32, #tpu.memory_space<vmem>> -> memref<1x128xi32, #tpu.memory_space<vmem>>
        %dma_start3A_387 = tpu.memref_squeeze %dma_start3A_386 : memref<1x128xi32, #tpu.memory_space<vmem>> -> memref<128xi32, #tpu.memory_space<vmem>>
        %dma_start3A_388 = arith.constant 0 : i32
        %dma_start3A_389 = tpu.memref_slice %arg5[%add3A_362, %dma_start3A_388] : memref<2560x128xi32, #tpu.memory_space<hbm>> -> memref<1x128xi32, #tpu.memory_space<hbm>>
        %dma_start3A_390 = tpu.memref_squeeze %dma_start3A_389 : memref<1x128xi32, #tpu.memory_space<hbm>> -> memref<128xi32, #tpu.memory_space<hbm>>
        tpu.enqueue_dma source(%dma_start3A_390 : memref<128xi32, #tpu.memory_space<hbm>>) target(%dma_start3A_387 : memref<128xi32, #tpu.memory_space<vmem>>) target_semaphore(%dma_start3A_384 : memref<!tpu.dma_semaphore, #tpu.memory_space<semaphore_mem>>)
      } else {
      }
      %add3A_314 = arith.constant 2 : i32
      %add3A_315 = arith.addi %while3A_306, %add3A_314 : i32
      %lt3A_316 = arith.cmpi slt, %add3A_315, %select_n3A : i32
      %convert_element_type3A_317 = arith.extui %lt3A_316 : i1 to i32
      %cond3A_318 = arith.constant 0 : i32
      %cond3A_319 = arith.cmpi ne, %convert_element_type3A_317, %cond3A_318 : i32
      scf.if %cond3A_319 {
        %add3A_357 = arith.constant 2 : i32
        %add3A_358 = arith.addi %while3A_306, %add3A_357 : i32
        %rem3A_359 = arith.constant 5 : i32
        %rem3A_360 = arith.remsi %add3A_358, %rem3A_359 : i32
        %add3A_361 = arith.addi %select_n3A_8, %add3A_358 : i32
        %add3A_362 = arith.addi %select_n3A_8, %add3A_358 : i32
        %dma_wait3A_363 = arith.constant 0 : i32
        %dma_wait3A_364 = tpu.memref_slice %arg7[%rem3A_360, %dma_wait3A_363] : memref<5x128xi32, #tpu.memory_space<vmem>> -> memref<1x128xi32, #tpu.memory_space<vmem>>
        %dma_wait3A_365 = tpu.memref_squeeze %dma_wait3A_364 : memref<1x128xi32, #tpu.memory_space<vmem>> -> memref<128xi32, #tpu.memory_space<vmem>>
        %dma_wait3A_366 = arith.constant 0 : i32
        %dma_wait3A_367 = tpu.memref_slice %arg4[%add3A_361, %dma_wait3A_366] : memref<2560x128xi32, #tpu.memory_space<hbm>> -> memref<1x128xi32, #tpu.memory_space<hbm>>
        %dma_wait3A_368 = tpu.memref_squeeze %dma_wait3A_367 : memref<1x128xi32, #tpu.memory_space<hbm>> -> memref<128xi32, #tpu.memory_space<hbm>>
        %dma_wait3A_369 = tpu.memref_slice %arg10[%rem3A_360] : memref<5x!tpu.dma_semaphore, #tpu.memory_space<semaphore_mem>> -> memref<1x!tpu.dma_semaphore, #tpu.memory_space<semaphore_mem>>
        %dma_wait3A_370 = tpu.memref_squeeze %dma_wait3A_369 : memref<1x!tpu.dma_semaphore, #tpu.memory_space<semaphore_mem>> -> memref<!tpu.dma_semaphore, #tpu.memory_space<semaphore_mem>>
        %dma_wait3A_371 = arith.constant 0 : i32
        %dma_wait3A_372 = tpu.memref_slice %arg7[%rem3A_360, %dma_wait3A_371] : memref<5x128xi32, #tpu.memory_space<vmem>> -> memref<1x128xi32, #tpu.memory_space<vmem>>
        %dma_wait3A_373 = tpu.memref_squeeze %dma_wait3A_372 : memref<1x128xi32, #tpu.memory_space<vmem>> -> memref<128xi32, #tpu.memory_space<vmem>>
        %dma_wait3A_374 = arith.constant 0 : i32
        %dma_wait3A_375 = tpu.memref_slice %arg4[%add3A_361, %dma_wait3A_374] : memref<2560x128xi32, #tpu.memory_space<hbm>> -> memref<1x128xi32, #tpu.memory_space<hbm>>
        %dma_wait3A_376 = tpu.memref_squeeze %dma_wait3A_375 : memref<1x128xi32, #tpu.memory_space<hbm>> -> memref<128xi32, #tpu.memory_space<hbm>>
        tpu.wait_dma2 semaphore(%dma_wait3A_370 : memref<!tpu.dma_semaphore, #tpu.memory_space<semaphore_mem>>) src(%dma_wait3A_376 : memref<128xi32, #tpu.memory_space<hbm>>) dst(%dma_wait3A_373 : memref<128xi32, #tpu.memory_space<vmem>>)
        %dma_wait3A_377 = arith.constant 0 : i32
        %dma_wait3A_378 = tpu.memref_slice %arg8[%rem3A_360, %dma_wait3A_377] : memref<5x128xi32, #tpu.memory_space<vmem>> -> memref<1x128xi32, #tpu.memory_space<vmem>>
        %dma_wait3A_379 = tpu.memref_squeeze %dma_wait3A_378 : memref<1x128xi32, #tpu.memory_space<vmem>> -> memref<128xi32, #tpu.memory_space<vmem>>
        %dma_wait3A_380 = arith.constant 0 : i32
        %dma_wait3A_381 = tpu.memref_slice %arg5[%add3A_362, %dma_wait3A_380] : memref<2560x128xi32, #tpu.memory_space<hbm>> -> memref<1x128xi32, #tpu.memory_space<hbm>>
        %dma_wait3A_382 = tpu.memref_squeeze %dma_wait3A_381 : memref<1x128xi32, #tpu.memory_space<hbm>> -> memref<128xi32, #tpu.memory_space<hbm>>
        %dma_wait3A_383 = tpu.memref_slice %arg11[%rem3A_360] : memref<5x!tpu.dma_semaphore, #tpu.memory_space<semaphore_mem>> -> memref<1x!tpu.dma_semaphore, #tpu.memory_space<semaphore_mem>>
        %dma_wait3A_384 = tpu.memref_squeeze %dma_wait3A_383 : memref<1x!tpu.dma_semaphore, #tpu.memory_space<semaphore_mem>> -> memref<!tpu.dma_semaphore, #tpu.memory_space<semaphore_mem>>
        %dma_wait3A_385 = arith.constant 0 : i32
        %dma_wait3A_386 = tpu.memref_slice %arg8[%rem3A_360, %dma_wait3A_385] : memref<5x128xi32, #tpu.memory_space<vmem>> -> memref<1x128xi32, #tpu.memory_space<vmem>>
        %dma_wait3A_387 = tpu.memref_squeeze %dma_wait3A_386 : memref<1x128xi32, #tpu.memory_space<vmem>> -> memref<128xi32, #tpu.memory_space<vmem>>
        %dma_wait3A_388 = arith.constant 0 : i32
        %dma_wait3A_389 = tpu.memref_slice %arg5[%add3A_362, %dma_wait3A_388] : memref<2560x128xi32, #tpu.memory_space<hbm>> -> memref<1x128xi32, #tpu.memory_space<hbm>>
        %dma_wait3A_390 = tpu.memref_squeeze %dma_wait3A_389 : memref<1x128xi32, #tpu.memory_space<hbm>> -> memref<128xi32, #tpu.memory_space<hbm>>
        tpu.wait_dma2 semaphore(%dma_wait3A_384 : memref<!tpu.dma_semaphore, #tpu.memory_space<semaphore_mem>>) src(%dma_wait3A_390 : memref<128xi32, #tpu.memory_space<hbm>>) dst(%dma_wait3A_387 : memref<128xi32, #tpu.memory_space<vmem>>)
        %add3A_391 = arith.constant 2 : i32
        %add3A_392 = arith.addi %while3A_306, %add3A_391 : i32
        %rem3A_393 = arith.constant 4 : i32
        %rem3A_394 = arith.remsi %add3A_392, %rem3A_393 : i32
        %rem3A_395 = arith.constant 5 : i32
        %rem3A_396 = arith.remsi %add3A_392, %rem3A_395 : i32
        %dma_start3A_397 = arith.constant 0 : i32
        %dma_start3A_398 = arith.constant 0 : i32
        %dma_start3A_399 = tpu.memref_slice %arg9[%rem3A_394, %dma_start3A_397, %dma_start3A_398] : memref<4x128x128xf32, #tpu.memory_space<vmem>> -> memref<1x128x128xf32, #tpu.memory_space<vmem>>
        %dma_start3A_400 = tpu.memref_squeeze %dma_start3A_399 : memref<1x128x128xf32, #tpu.memory_space<vmem>> -> memref<128x128xf32, #tpu.memory_space<vmem>>
        %dma_start3A_401 = arith.constant 0 : i32
        %dma_start3A_402 = tpu.memref_slice %arg7[%rem3A_396, %dma_start3A_401] : memref<5x128xi32, #tpu.memory_space<vmem>> -> memref<1x128xi32, #tpu.memory_space<vmem>>
        %dma_start3A_403 = tpu.memref_squeeze %dma_start3A_402 : memref<1x128xi32, #tpu.memory_space<vmem>> -> memref<128xi32, #tpu.memory_space<vmem>>
        %dma_start3A_404 = arith.constant 0 : i32
        %dma_start3A_405 = arith.constant 0 : i32
        %dma_start3A_406 = tpu.memref_slice %arg2[%dma_start3A_404, %dma_start3A_405] : memref<10240x128xf32, #tpu.memory_space<hbm>> -> memref<10240x128xf32, #tpu.memory_space<hbm>>
        %dma_start3A_407 = tpu.memref_slice %arg12[%rem3A_394] : memref<4x!tpu.dma_semaphore, #tpu.memory_space<semaphore_mem>> -> memref<1x!tpu.dma_semaphore, #tpu.memory_space<semaphore_mem>>
        %dma_start3A_408 = tpu.memref_squeeze %dma_start3A_407 : memref<1x!tpu.dma_semaphore, #tpu.memory_space<semaphore_mem>> -> memref<!tpu.dma_semaphore, #tpu.memory_space<semaphore_mem>>
        tpu.enqueue_indirect_dma source(%dma_start3A_406 : memref<10240x128xf32, #tpu.memory_space<hbm>>) target(%dma_start3A_400 : memref<128x128xf32, #tpu.memory_space<vmem>>) offsets(%dma_start3A_403 : memref<128xi32, #tpu.memory_space<vmem>>) semaphore(%dma_start3A_408 : memref<!tpu.dma_semaphore, #tpu.memory_space<semaphore_mem>>)
      } else {
      }
      %rem3A_320 = arith.constant 4 : i32
      %rem3A_321 = arith.remsi %while3A_306, %rem3A_320 : i32
      %rem3A_322 = arith.constant 5 : i32
      %rem3A_323 = arith.remsi %while3A_306, %rem3A_322 : i32
      %dma_wait3A_324 = arith.constant 0 : i32
      %dma_wait3A_325 = arith.constant 0 : i32
      %dma_wait3A_326 = tpu.memref_slice %arg9[%rem3A_321, %dma_wait3A_324, %dma_wait3A_325] : memref<4x128x128xf32, #tpu.memory_space<vmem>> -> memref<1x128x128xf32, #tpu.memory_space<vmem>>
      %dma_wait3A_327 = tpu.memref_squeeze %dma_wait3A_326 : memref<1x128x128xf32, #tpu.memory_space<vmem>> -> memref<128x128xf32, #tpu.memory_space<vmem>>
      %dma_wait3A_328 = arith.constant 0 : i32
      %dma_wait3A_329 = tpu.memref_slice %arg7[%rem3A_323, %dma_wait3A_328] : memref<5x128xi32, #tpu.memory_space<vmem>> -> memref<1x128xi32, #tpu.memory_space<vmem>>
      %dma_wait3A_330 = tpu.memref_squeeze %dma_wait3A_329 : memref<1x128xi32, #tpu.memory_space<vmem>> -> memref<128xi32, #tpu.memory_space<vmem>>
      %dma_wait3A_331 = arith.constant 0 : i32
      %dma_wait3A_332 = arith.constant 0 : i32
      %dma_wait3A_333 = tpu.memref_slice %arg2[%dma_wait3A_331, %dma_wait3A_332] : memref<10240x128xf32, #tpu.memory_space<hbm>> -> memref<10240x128xf32, #tpu.memory_space<hbm>>
      %dma_wait3A_334 = tpu.memref_slice %arg12[%rem3A_321] : memref<4x!tpu.dma_semaphore, #tpu.memory_space<semaphore_mem>> -> memref<1x!tpu.dma_semaphore, #tpu.memory_space<semaphore_mem>>
      %dma_wait3A_335 = tpu.memref_squeeze %dma_wait3A_334 : memref<1x!tpu.dma_semaphore, #tpu.memory_space<semaphore_mem>> -> memref<!tpu.dma_semaphore, #tpu.memory_space<semaphore_mem>>
      tpu.wait_indirect_dma semaphore(%dma_wait3A_335 : memref<!tpu.dma_semaphore, #tpu.memory_space<semaphore_mem>>) src(%dma_wait3A_333 : memref<10240x128xf32, #tpu.memory_space<hbm>>) dst(%dma_wait3A_327 : memref<128x128xf32, #tpu.memory_space<vmem>>)
      %rem3A_336 = arith.constant 4 : i32
      %rem3A_337 = arith.remsi %while3A_306, %rem3A_336 : i32
      %rem3A_338 = arith.constant 5 : i32
      %rem3A_339 = arith.remsi %while3A_306, %rem3A_338 : i32
      %dma_start3A_340 = arith.constant 0 : i32
      %dma_start3A_341 = arith.constant 0 : i32
      %dma_start3A_342 = tpu.memref_slice %arg9[%rem3A_337, %dma_start3A_340, %dma_start3A_341] : memref<4x128x128xf32, #tpu.memory_space<vmem>> -> memref<1x128x128xf32, #tpu.memory_space<vmem>>
      %dma_start3A_343 = tpu.memref_squeeze %dma_start3A_342 : memref<1x128x128xf32, #tpu.memory_space<vmem>> -> memref<128x128xf32, #tpu.memory_space<vmem>>
      %dma_start3A_344 = arith.constant 0 : i32
      %dma_start3A_345 = tpu.memref_slice %arg8[%rem3A_339, %dma_start3A_344] : memref<5x128xi32, #tpu.memory_space<vmem>> -> memref<1x128xi32, #tpu.memory_space<vmem>>
      %dma_start3A_346 = tpu.memref_squeeze %dma_start3A_345 : memref<1x128xi32, #tpu.memory_space<vmem>> -> memref<128xi32, #tpu.memory_space<vmem>>
      %dma_start3A_347 = arith.constant 0 : i32
      %dma_start3A_348 = arith.constant 0 : i32
      %dma_start3A_349 = tpu.memref_slice %arg3[%dma_start3A_347, %dma_start3A_348] : memref<10240x128xf32, #tpu.memory_space<hbm>> -> memref<10240x128xf32, #tpu.memory_space<hbm>>
      %dma_start3A_350 = tpu.memref_slice %arg13[%rem3A_337] : memref<4x!tpu.dma_semaphore, #tpu.memory_space<semaphore_mem>> -> memref<1x!tpu.dma_semaphore, #tpu.memory_space<semaphore_mem>>
      %dma_start3A_351 = tpu.memref_squeeze %dma_start3A_350 : memref<1x!tpu.dma_semaphore, #tpu.memory_space<semaphore_mem>> -> memref<!tpu.dma_semaphore, #tpu.memory_space<semaphore_mem>>
      tpu.enqueue_indirect_dma source(%dma_start3A_349 : memref<10240x128xf32, #tpu.memory_space<hbm>>) target(%dma_start3A_343 : memref<128x128xf32, #tpu.memory_space<vmem>>) offsets(%dma_start3A_346 : memref<128xi32, #tpu.memory_space<vmem>>) semaphore(%dma_start3A_351 : memref<!tpu.dma_semaphore, #tpu.memory_space<semaphore_mem>>) {add = true}
      %ge3A_352 = arith.constant 1 : i32
      %ge3A_353 = arith.cmpi sge, %while3A_306, %ge3A_352 : i32
      %convert_element_type3A_354 = arith.extui %ge3A_353 : i1 to i32
      %cond3A_355 = arith.constant 0 : i32
      %cond3A_356 = arith.cmpi ne, %convert_element_type3A_354, %cond3A_355 : i32
      scf.if %cond3A_356 {
        %sub3A_357 = arith.constant 1 : i32
        %sub3A_358 = arith.subi %while3A_306, %sub3A_357 : i32
        %rem3A_359 = arith.constant 4 : i32
        %rem3A_360 = arith.remsi %sub3A_358, %rem3A_359 : i32
        %rem3A_361 = arith.constant 5 : i32
        %rem3A_362 = arith.remsi %sub3A_358, %rem3A_361 : i32
        %dma_wait3A_363 = arith.constant 0 : i32
        %dma_wait3A_364 = arith.constant 0 : i32
        %dma_wait3A_365 = tpu.memref_slice %arg9[%rem3A_360, %dma_wait3A_363, %dma_wait3A_364] : memref<4x128x128xf32, #tpu.memory_space<vmem>> -> memref<1x128x128xf32, #tpu.memory_space<vmem>>
        %dma_wait3A_366 = tpu.memref_squeeze %dma_wait3A_365 : memref<1x128x128xf32, #tpu.memory_space<vmem>> -> memref<128x128xf32, #tpu.memory_space<vmem>>
        %dma_wait3A_367 = arith.constant 0 : i32
        %dma_wait3A_368 = tpu.memref_slice %arg8[%rem3A_362, %dma_wait3A_367] : memref<5x128xi32, #tpu.memory_space<vmem>> -> memref<1x128xi32, #tpu.memory_space<vmem>>
        %dma_wait3A_369 = tpu.memref_squeeze %dma_wait3A_368 : memref<1x128xi32, #tpu.memory_space<vmem>> -> memref<128xi32, #tpu.memory_space<vmem>>
        %dma_wait3A_370 = arith.constant 0 : i32
        %dma_wait3A_371 = arith.constant 0 : i32
        %dma_wait3A_372 = tpu.memref_slice %arg3[%dma_wait3A_370, %dma_wait3A_371] : memref<10240x128xf32, #tpu.memory_space<hbm>> -> memref<10240x128xf32, #tpu.memory_space<hbm>>
        %dma_wait3A_373 = tpu.memref_slice %arg13[%rem3A_360] : memref<4x!tpu.dma_semaphore, #tpu.memory_space<semaphore_mem>> -> memref<1x!tpu.dma_semaphore, #tpu.memory_space<semaphore_mem>>
        %dma_wait3A_374 = tpu.memref_squeeze %dma_wait3A_373 : memref<1x!tpu.dma_semaphore, #tpu.memory_space<semaphore_mem>> -> memref<!tpu.dma_semaphore, #tpu.memory_space<semaphore_mem>>
        tpu.wait_indirect_dma semaphore(%dma_wait3A_374 : memref<!tpu.dma_semaphore, #tpu.memory_space<semaphore_mem>>) src(%dma_wait3A_372 : memref<10240x128xf32, #tpu.memory_space<hbm>>) dst(%dma_wait3A_366 : memref<128x128xf32, #tpu.memory_space<vmem>>)
        %sub3A_375 = arith.constant 1 : i32
        %sub3A_376 = arith.subi %while3A_306, %sub3A_375 : i32
        %rem3A_377 = arith.constant 4 : i32
        %rem3A_378 = arith.remsi %sub3A_376, %rem3A_377 : i32
        %add3A_379 = arith.addi %select_n3A_8, %sub3A_376 : i32
        %mul3A_380 = arith.constant 128 : i32
        %mul3A_381 = arith.muli %add3A_379, %mul3A_380 : i32
        %dma_start3A_382 = arith.constant 0 : i32
        %dma_start3A_383 = arith.constant 0 : i32
        %dma_start3A_384 = tpu.memref_slice %arg9[%rem3A_378, %dma_start3A_382, %dma_start3A_383] : memref<4x128x128xf32, #tpu.memory_space<vmem>> -> memref<1x128x128xf32, #tpu.memory_space<vmem>>
        %dma_start3A_385 = tpu.memref_squeeze %dma_start3A_384 : memref<1x128x128xf32, #tpu.memory_space<vmem>> -> memref<128x128xf32, #tpu.memory_space<vmem>>
        %dma_start3A_386 = arith.constant 0 : i32
        %dma_start3A_387 = tpu.memref_slice %arg6[%mul3A_381, %dma_start3A_386] : memref<327680x128xf32, #tpu.memory_space<hbm>> -> memref<128x128xf32, #tpu.memory_space<hbm>>
        %dma_start3A_388 = tpu.memref_slice %arg14[%rem3A_378] : memref<4x!tpu.dma_semaphore, #tpu.memory_space<semaphore_mem>> -> memref<1x!tpu.dma_semaphore, #tpu.memory_space<semaphore_mem>>
        %dma_start3A_389 = tpu.memref_squeeze %dma_start3A_388 : memref<1x!tpu.dma_semaphore, #tpu.memory_space<semaphore_mem>> -> memref<!tpu.dma_semaphore, #tpu.memory_space<semaphore_mem>>
        %dma_start3A_390 = arith.constant 0 : i32
        %dma_start3A_391 = tpu.memref_slice %arg6[%mul3A_381, %dma_start3A_390] : memref<327680x128xf32, #tpu.memory_space<hbm>> -> memref<128x128xf32, #tpu.memory_space<hbm>>
        %dma_start3A_392 = arith.constant 0 : i32
        %dma_start3A_393 = arith.constant 0 : i32
        %dma_start3A_394 = tpu.memref_slice %arg9[%rem3A_378, %dma_start3A_392, %dma_start3A_393] : memref<4x128x128xf32, #tpu.memory_space<vmem>> -> memref<1x128x128xf32, #tpu.memory_space<vmem>>
        %dma_start3A_395 = tpu.memref_squeeze %dma_start3A_394 : memref<1x128x128xf32, #tpu.memory_space<vmem>> -> memref<128x128xf32, #tpu.memory_space<vmem>>
        tpu.enqueue_dma source(%dma_start3A_395 : memref<128x128xf32, #tpu.memory_space<vmem>>) target(%dma_start3A_391 : memref<128x128xf32, #tpu.memory_space<hbm>>) target_semaphore(%dma_start3A_389 : memref<!tpu.dma_semaphore, #tpu.memory_space<semaphore_mem>>)
      } else {
      }
    }
    %sub3A = arith.constant 1 : i32
    %sub3A_226 = arith.subi %select_n3A, %sub3A : i32
    %rem3A_227 = arith.constant 4 : i32
    %rem3A_228 = arith.remsi %sub3A_226, %rem3A_227 : i32
    %rem3A_229 = arith.constant 5 : i32
    %rem3A_230 = arith.remsi %sub3A_226, %rem3A_229 : i32
    %dma_wait3A_231 = arith.constant 0 : i32
    %dma_wait3A_232 = arith.constant 0 : i32
    %dma_wait3A_233 = tpu.memref_slice %arg9[%rem3A_228, %dma_wait3A_231, %dma_wait3A_232] : memref<4x128x128xf32, #tpu.memory_space<vmem>> -> memref<1x128x128xf32, #tpu.memory_space<vmem>>
    %dma_wait3A_234 = tpu.memref_squeeze %dma_wait3A_233 : memref<1x128x128xf32, #tpu.memory_space<vmem>> -> memref<128x128xf32, #tpu.memory_space<vmem>>
    %dma_wait3A_235 = arith.constant 0 : i32
    %dma_wait3A_236 = tpu.memref_slice %arg8[%rem3A_230, %dma_wait3A_235] : memref<5x128xi32, #tpu.memory_space<vmem>> -> memref<1x128xi32, #tpu.memory_space<vmem>>
    %dma_wait3A_237 = tpu.memref_squeeze %dma_wait3A_236 : memref<1x128xi32, #tpu.memory_space<vmem>> -> memref<128xi32, #tpu.memory_space<vmem>>
    %dma_wait3A_238 = arith.constant 0 : i32
    %dma_wait3A_239 = arith.constant 0 : i32
    %dma_wait3A_240 = tpu.memref_slice %arg3[%dma_wait3A_238, %dma_wait3A_239] : memref<10240x128xf32, #tpu.memory_space<hbm>> -> memref<10240x128xf32, #tpu.memory_space<hbm>>
    %dma_wait3A_241 = tpu.memref_slice %arg13[%rem3A_228] : memref<4x!tpu.dma_semaphore, #tpu.memory_space<semaphore_mem>> -> memref<1x!tpu.dma_semaphore, #tpu.memory_space<semaphore_mem>>
    %dma_wait3A_242 = tpu.memref_squeeze %dma_wait3A_241 : memref<1x!tpu.dma_semaphore, #tpu.memory_space<semaphore_mem>> -> memref<!tpu.dma_semaphore, #tpu.memory_space<semaphore_mem>>
    tpu.wait_indirect_dma semaphore(%dma_wait3A_242 : memref<!tpu.dma_semaphore, #tpu.memory_space<semaphore_mem>>) src(%dma_wait3A_240 : memref<10240x128xf32, #tpu.memory_space<hbm>>) dst(%dma_wait3A_234 : memref<128x128xf32, #tpu.memory_space<vmem>>)
    %sub3A_243 = arith.constant 1 : i32
    %sub3A_244 = arith.subi %select_n3A, %sub3A_243 : i32
    %rem3A_245 = arith.constant 4 : i32
    %rem3A_246 = arith.remsi %sub3A_244, %rem3A_245 : i32
    %add3A_247 = arith.addi %select_n3A_8, %sub3A_244 : i32
    %mul3A_248 = arith.constant 128 : i32
    %mul3A_249 = arith.muli %add3A_247, %mul3A_248 : i32
    %dma_start3A_250 = arith.constant 0 : i32
    %dma_start3A_251 = arith.constant 0 : i32
    %dma_start3A_252 = tpu.memref_slice %arg9[%rem3A_246, %dma_start3A_250, %dma_start3A_251] : memref<4x128x128xf32, #tpu.memory_space<vmem>> -> memref<1x128x128xf32, #tpu.memory_space<vmem>>
    %dma_start3A_253 = tpu.memref_squeeze %dma_start3A_252 : memref<1x128x128xf32, #tpu.memory_space<vmem>> -> memref<128x128xf32, #tpu.memory_space<vmem>>
    %dma_start3A_254 = arith.constant 0 : i32
    %dma_start3A_255 = tpu.memref_slice %arg6[%mul3A_249, %dma_start3A_254] : memref<327680x128xf32, #tpu.memory_space<hbm>> -> memref<128x128xf32, #tpu.memory_space<hbm>>
    %dma_start3A_256 = tpu.memref_slice %arg14[%rem3A_246] : memref<4x!tpu.dma_semaphore, #tpu.memory_space<semaphore_mem>> -> memref<1x!tpu.dma_semaphore, #tpu.memory_space<semaphore_mem>>
    %dma_start3A_257 = tpu.memref_squeeze %dma_start3A_256 : memref<1x!tpu.dma_semaphore, #tpu.memory_space<semaphore_mem>> -> memref<!tpu.dma_semaphore, #tpu.memory_space<semaphore_mem>>
    %dma_start3A_258 = arith.constant 0 : i32
    %dma_start3A_259 = tpu.memref_slice %arg6[%mul3A_249, %dma_start3A_258] : memref<327680x128xf32, #tpu.memory_space<hbm>> -> memref<128x128xf32, #tpu.memory_space<hbm>>
    %dma_start3A_260 = arith.constant 0 : i32
    %dma_start3A_261 = arith.constant 0 : i32
    %dma_start3A_262 = tpu.memref_slice %arg9[%rem3A_246, %dma_start3A_260, %dma_start3A_261] : memref<4x128x128xf32, #tpu.memory_space<vmem>> -> memref<1x128x128xf32, #tpu.memory_space<vmem>>
    %dma_start3A_263 = tpu.memref_squeeze %dma_start3A_262 : memref<1x128x128xf32, #tpu.memory_space<vmem>> -> memref<128x128xf32, #tpu.memory_space<vmem>>
    tpu.enqueue_dma source(%dma_start3A_263 : memref<128x128xf32, #tpu.memory_space<vmem>>) target(%dma_start3A_259 : memref<128x128xf32, #tpu.memory_space<hbm>>) target_semaphore(%dma_start3A_257 : memref<!tpu.dma_semaphore, #tpu.memory_space<semaphore_mem>>)
    %sub3A_264 = arith.constant 2 : i32
    %sub3A_265 = arith.subi %select_n3A, %sub3A_264 : i32
    %rem3A_266 = arith.constant 4 : i32
    %rem3A_267 = arith.remsi %sub3A_265, %rem3A_266 : i32
    %add3A_268 = arith.addi %select_n3A_8, %sub3A_265 : i32
    %mul3A_269 = arith.constant 128 : i32
    %mul3A_270 = arith.muli %add3A_268, %mul3A_269 : i32
    %dma_wait3A_271 = arith.constant 0 : i32
    %dma_wait3A_272 = arith.constant 0 : i32
    %dma_wait3A_273 = tpu.memref_slice %arg9[%rem3A_267, %dma_wait3A_271, %dma_wait3A_272] : memref<4x128x128xf32, #tpu.memory_space<vmem>> -> memref<1x128x128xf32, #tpu.memory_space<vmem>>
    %dma_wait3A_274 = tpu.memref_squeeze %dma_wait3A_273 : memref<1x128x128xf32, #tpu.memory_space<vmem>> -> memref<128x128xf32, #tpu.memory_space<vmem>>
    %dma_wait3A_275 = arith.constant 0 : i32
    %dma_wait3A_276 = tpu.memref_slice %arg6[%mul3A_270, %dma_wait3A_275] : memref<327680x128xf32, #tpu.memory_space<hbm>> -> memref<128x128xf32, #tpu.memory_space<hbm>>
    %dma_wait3A_277 = tpu.memref_slice %arg14[%rem3A_267] : memref<4x!tpu.dma_semaphore, #tpu.memory_space<semaphore_mem>> -> memref<1x!tpu.dma_semaphore, #tpu.memory_space<semaphore_mem>>
    %dma_wait3A_278 = tpu.memref_squeeze %dma_wait3A_277 : memref<1x!tpu.dma_semaphore, #tpu.memory_space<semaphore_mem>> -> memref<!tpu.dma_semaphore, #tpu.memory_space<semaphore_mem>>
    %dma_wait3A_279 = arith.constant 0 : i32
    %dma_wait3A_280 = tpu.memref_slice %arg6[%mul3A_270, %dma_wait3A_279] : memref<327680x128xf32, #tpu.memory_space<hbm>> -> memref<128x128xf32, #tpu.memory_space<hbm>>
    %dma_wait3A_281 = arith.constant 0 : i32
    %dma_wait3A_282 = arith.constant 0 : i32
    %dma_wait3A_283 = tpu.memref_slice %arg9[%rem3A_267, %dma_wait3A_281, %dma_wait3A_282] : memref<4x128x128xf32, #tpu.memory_space<vmem>> -> memref<1x128x128xf32, #tpu.memory_space<vmem>>
    %dma_wait3A_284 = tpu.memref_squeeze %dma_wait3A_283 : memref<1x128x128xf32, #tpu.memory_space<vmem>> -> memref<128x128xf32, #tpu.memory_space<vmem>>
    tpu.wait_dma2 semaphore(%dma_wait3A_278 : memref<!tpu.dma_semaphore, #tpu.memory_space<semaphore_mem>>) src(%dma_wait3A_284 : memref<128x128xf32, #tpu.memory_space<vmem>>) dst(%dma_wait3A_280 : memref<128x128xf32, #tpu.memory_space<hbm>>)
    %sub3A_285 = arith.constant 1 : i32
    %sub3A_286 = arith.subi %select_n3A, %sub3A_285 : i32
    %rem3A_287 = arith.constant 4 : i32
    %rem3A_288 = arith.remsi %sub3A_286, %rem3A_287 : i32
    %add3A_289 = arith.addi %select_n3A_8, %sub3A_286 : i32
    %mul3A_290 = arith.constant 128 : i32
    %mul3A_291 = arith.muli %add3A_289, %mul3A_290 : i32
    %dma_wait3A_292 = arith.constant 0 : i32
    %dma_wait3A_293 = arith.constant 0 : i32
    %dma_wait3A_294 = tpu.memref_slice %arg9[%rem3A_288, %dma_wait3A_292, %dma_wait3A_293] : memref<4x128x128xf32, #tpu.memory_space<vmem>> -> memref<1x128x128xf32, #tpu.memory_space<vmem>>
    %dma_wait3A_295 = tpu.memref_squeeze %dma_wait3A_294 : memref<1x128x128xf32, #tpu.memory_space<vmem>> -> memref<128x128xf32, #tpu.memory_space<vmem>>
    %dma_wait3A_296 = arith.constant 0 : i32
    %dma_wait3A_297 = tpu.memref_slice %arg6[%mul3A_291, %dma_wait3A_296] : memref<327680x128xf32, #tpu.memory_space<hbm>> -> memref<128x128xf32, #tpu.memory_space<hbm>>
    %dma_wait3A_298 = tpu.memref_slice %arg14[%rem3A_288] : memref<4x!tpu.dma_semaphore, #tpu.memory_space<semaphore_mem>> -> memref<1x!tpu.dma_semaphore, #tpu.memory_space<semaphore_mem>>
    %dma_wait3A_299 = tpu.memref_squeeze %dma_wait3A_298 : memref<1x!tpu.dma_semaphore, #tpu.memory_space<semaphore_mem>> -> memref<!tpu.dma_semaphore, #tpu.memory_space<semaphore_mem>>
    %dma_wait3A_300 = arith.constant 0 : i32
    %dma_wait3A_301 = tpu.memref_slice %arg6[%mul3A_291, %dma_wait3A_300] : memref<327680x128xf32, #tpu.memory_space<hbm>> -> memref<128x128xf32, #tpu.memory_space<hbm>>
    %dma_wait3A_302 = arith.constant 0 : i32
    %dma_wait3A_303 = arith.constant 0 : i32
    %dma_wait3A_304 = tpu.memref_slice %arg9[%rem3A_288, %dma_wait3A_302, %dma_wait3A_303] : memref<4x128x128xf32, #tpu.memory_space<vmem>> -> memref<1x128x128xf32, #tpu.memory_space<vmem>>
    %dma_wait3A_305 = tpu.memref_squeeze %dma_wait3A_304 : memref<1x128x128xf32, #tpu.memory_space<vmem>> -> memref<128x128xf32, #tpu.memory_space<vmem>>
    tpu.wait_dma2 semaphore(%dma_wait3A_299 : memref<!tpu.dma_semaphore, #tpu.memory_space<semaphore_mem>>) src(%dma_wait3A_305 : memref<128x128xf32, #tpu.memory_space<vmem>>) dst(%dma_wait3A_301 : memref<128x128xf32, #tpu.memory_space<hbm>>)
    return
  }
}

module attributes {stable_mosaic.version = 14 : i64} {
  func.func @_a_body(%arg0: i32, %arg1: memref<1024x128xf32, #tpu.memory_space<vmem>>, %arg2: memref<2x1024x128xf32, #tpu.memory_space<vmem>>, %arg3: memref<64x128xf32, #tpu.memory_space<vmem>>, %arg4: memref<128x128xf32, #tpu.memory_space<vmem>>, %arg5: memref<1x128xf32, #tpu.memory_space<vmem>>, %arg6: memref<128x128xf32, #tpu.memory_space<vmem>>, %arg7: memref<1x128xf32, #tpu.memory_space<vmem>>, %arg8: memref<128x128xf32, #tpu.memory_space<vmem>>, %arg9: memref<1024x128xf32, #tpu.memory_space<vmem>>, %arg10: memref<1024x1xf32, #tpu.memory_space<vmem>>) attributes {dimension_semantics = [#tpu.dimension_semantics<arbitrary>], iteration_bounds = array<i64: 10>, scalar_prefetch = 0 : i64, scratch_operands = 0 : i64, tpu.core_type = #tpu.core_type<tc>, window_params = [{transform_indices = @transform_0, window_bounds = array<i64: 1024, 128>}, {transform_indices = @transform_1, window_bounds = array<i64: 2, 1024, 128>}, {pipeline_mode = #tpu.pipeline_mode<synchronous>, transform_indices = @transform_2, window_bounds = array<i64: 64, 128>}, {pipeline_mode = #tpu.pipeline_mode<synchronous>, transform_indices = @transform_3, window_bounds = array<i64: 128, 128>}, {pipeline_mode = #tpu.pipeline_mode<synchronous>, transform_indices = @transform_4, window_bounds = array<i64: 1, 128>}, {pipeline_mode = #tpu.pipeline_mode<synchronous>, transform_indices = @transform_5, window_bounds = array<i64: 128, 128>}, {pipeline_mode = #tpu.pipeline_mode<synchronous>, transform_indices = @transform_6, window_bounds = array<i64: 1, 128>}, {pipeline_mode = #tpu.pipeline_mode<synchronous>, transform_indices = @transform_7, window_bounds = array<i64: 128, 128>}, {transform_indices = @transform_8, window_bounds = array<i64: 1024, 128>}, {transform_indices = @transform_9, window_bounds = array<i64: 1024, 1>}]} {
    %get3A = arith.constant 0 : index
    %get3A_0 = arith.constant 0 : index
    %get3A_1 = vector.load %arg1[%get3A, %get3A_0] : memref<1024x128xf32, #tpu.memory_space<vmem>>, vector<1024x128xf32>
    %get3A_2 = arith.constant 0 : index
    %get3A_3 = arith.constant 0 : index
    %get3A_4 = vector.load %arg4[%get3A_2, %get3A_3] : memref<128x128xf32, #tpu.memory_space<vmem>>, vector<128x128xf32>
    %dot_general3A = arith.constant dense<0.000000e+00> : vector<1024x128xf32>
    %dot_general3A_5 = tpu.matmul %get3A_1, %get3A_4, %dot_general3A {dimension_numbers = #tpu.dot_dimension_numbers<[1], [0], [0], [1], [0, 0, 1, 1], [], []>, transpose_lhs_hint = false} : vector<1024x128xf32>, vector<128x128xf32>, vector<1024x128xf32> -> vector<1024x128xf32>
    %get3A_6 = arith.constant 0 : index
    %get3A_7 = arith.constant 0 : index
    %get3A_8 = vector.load %arg5[%get3A_6, %get3A_7] : memref<1x128xf32, #tpu.memory_space<vmem>>, vector<1x128xf32>
    %add3A = vector.broadcast %get3A_8 : vector<1x128xf32> to vector<1024x128xf32>
    %add3A_9 = arith.addf %dot_general3A_5, %add3A : vector<1024x128xf32>
    %max3A = arith.constant 0.000000e+00 : f32
    %max3A_10 = vector.broadcast %max3A : f32 to vector<1024x128xf32>
    %max3A_11 = arith.maximumf %add3A_9, %max3A_10 : vector<1024x128xf32>
    %get3A_12 = arith.constant 0 : index
    %get3A_13 = arith.constant 0 : index
    %get3A_14 = vector.load %arg6[%get3A_12, %get3A_13] : memref<128x128xf32, #tpu.memory_space<vmem>>, vector<128x128xf32>
    %dot_general3A_15 = arith.constant dense<0.000000e+00> : vector<1024x128xf32>
    %dot_general3A_16 = tpu.matmul %max3A_11, %get3A_14, %dot_general3A_15 {dimension_numbers = #tpu.dot_dimension_numbers<[1], [0], [0], [1], [0, 0, 1, 1], [], []>, transpose_lhs_hint = false} : vector<1024x128xf32>, vector<128x128xf32>, vector<1024x128xf32> -> vector<1024x128xf32>
    %get3A_17 = arith.constant 0 : index
    %get3A_18 = arith.constant 0 : index
    %get3A_19 = vector.load %arg7[%get3A_17, %get3A_18] : memref<1x128xf32, #tpu.memory_space<vmem>>, vector<1x128xf32>
    %add3A_20 = vector.broadcast %get3A_19 : vector<1x128xf32> to vector<1024x128xf32>
    %add3A_21 = arith.addf %dot_general3A_16, %add3A_20 : vector<1024x128xf32>
    %slice3A = vector.extract_strided_slice %get3A_1 {offsets = [0, 0], sizes = [1024, 1], strides = [1, 1]} : vector<1024x128xf32> to vector<1024x1xf32>
    %mul3A = arith.constant 5.000000e+01 : f32
    %mul3A_22 = vector.broadcast %mul3A : f32 to vector<1024x1xf32>
    %mul3A_23 = arith.mulf %slice3A, %mul3A_22 : vector<1024x1xf32>
    %convert_element_type3A = arith.fptosi %mul3A_23 : vector<1024x1xf32> to vector<1024x1xi32>
    %iota3A = tpu.iota {dimensions = array<i32: 1>} : vector<1x64xi32>
    %eq3A = vector.broadcast %convert_element_type3A : vector<1024x1xi32> to vector<1024x64xi32>
    %eq3A_24 = vector.broadcast %iota3A : vector<1x64xi32> to vector<1024x64xi32>
    %eq3A_25 = arith.cmpi eq, %eq3A, %eq3A_24 : vector<1024x64xi32>
    %convert_element_type3A_26 = arith.extui %eq3A_25 : vector<1024x64xi1> to vector<1024x64xi32>
    %convert_element_type3A_27 = arith.sitofp %convert_element_type3A_26 : vector<1024x64xi32> to vector<1024x64xf32>
    %get3A_28 = arith.constant 0 : index
    %get3A_29 = arith.constant 0 : index
    %get3A_30 = vector.load %arg3[%get3A_28, %get3A_29] : memref<64x128xf32, #tpu.memory_space<vmem>>, vector<64x128xf32>
    %dot_general3A_31 = arith.constant dense<0.000000e+00> : vector<1024x128xf32>
    %dot_general3A_32 = tpu.matmul %convert_element_type3A_27, %get3A_30, %dot_general3A_31 {dimension_numbers = #tpu.dot_dimension_numbers<[1], [0], [0], [1], [0, 0, 1, 1], [], []>, transpose_lhs_hint = false} : vector<1024x64xf32>, vector<64x128xf32>, vector<1024x128xf32> -> vector<1024x128xf32>
    %add3A_33 = arith.addf %add3A_21, %dot_general3A_32 : vector<1024x128xf32>
    %get3A_34 = arith.constant 0 : index
    %get3A_35 = arith.constant 0 : index
    %get3A_36 = arith.constant 0 : index
    %get3A_37 = vector.load %arg2[%get3A_34, %get3A_35, %get3A_36] : memref<2x1024x128xf32, #tpu.memory_space<vmem>>, vector<2x1024x128xf32>
    %slice3A_38 = vector.extract_strided_slice %get3A_37 {offsets = [0, 0, 0], sizes = [1, 1024, 1], strides = [1, 1, 1]} : vector<2x1024x128xf32> to vector<1x1024x1xf32>
    %squeeze3A = vector.shape_cast %slice3A_38 : vector<1x1024x1xf32> to vector<1024x1xf32>
    %slice3A_39 = vector.extract_strided_slice %get3A_37 {offsets = [1, 0, 0], sizes = [1, 1024, 1], strides = [1, 1, 1]} : vector<2x1024x128xf32> to vector<1x1024x1xf32>
    %squeeze3A_40 = vector.shape_cast %slice3A_39 : vector<1x1024x1xf32> to vector<1024x1xf32>
    %add3A_41 = arith.addf %squeeze3A, %squeeze3A_40 : vector<1024x1xf32>
    %add3A_42 = arith.constant 1.000000e+00 : f32
    %add3A_43 = vector.broadcast %add3A_42 : f32 to vector<1024x1xf32>
    %add3A_44 = arith.addf %add3A_41, %add3A_43 : vector<1024x1xf32>
    %rsqrt3A = math.rsqrt %add3A_44 : vector<1024x1xf32>
    %swap3A = arith.constant 0 : index
    %swap3A_45 = arith.constant 0 : index
    %swap3A_46 = vector.load %arg10[%swap3A, %swap3A_45] : memref<1024x1xf32, #tpu.memory_space<vmem>>, vector<1024x1xf32>
    tpu.vector_store %arg10[%swap3A, %swap3A_45], %rsqrt3A {strides = array<i32>} : memref<1024x1xf32, #tpu.memory_space<vmem>>, vector<1024x1xf32>,
    %get3A_47 = arith.constant 0 : index
    %get3A_48 = arith.constant 0 : index
    %get3A_49 = vector.load %arg8[%get3A_47, %get3A_48] : memref<128x128xf32, #tpu.memory_space<vmem>>, vector<128x128xf32>
    %dot_general3A_50 = arith.constant dense<0.000000e+00> : vector<1024x128xf32>
    %dot_general3A_51 = tpu.matmul %add3A_33, %get3A_49, %dot_general3A_50 {dimension_numbers = #tpu.dot_dimension_numbers<[1], [0], [0], [1], [0, 0, 1, 1], [], []>, transpose_lhs_hint = false} : vector<1024x128xf32>, vector<128x128xf32>, vector<1024x128xf32> -> vector<1024x128xf32>
    %mul3A_52 = vector.broadcast %rsqrt3A : vector<1024x1xf32> to vector<1024x128xf32>
    %mul3A_53 = arith.mulf %mul3A_52, %dot_general3A_51 : vector<1024x128xf32>
    %swap3A_54 = arith.constant 0 : index
    %swap3A_55 = arith.constant 0 : index
    %swap3A_56 = vector.load %arg9[%swap3A_54, %swap3A_55] : memref<1024x128xf32, #tpu.memory_space<vmem>>, vector<1024x128xf32>
    tpu.vector_store %arg9[%swap3A_54, %swap3A_55], %mul3A_53 {strides = array<i32>} : memref<1024x128xf32, #tpu.memory_space<vmem>>, vector<1024x128xf32>,
    return
  }
  func.func @transform_0(%arg0: i32) -> (i32, i32) {
    %c0_i32 = arith.constant 0 : i32
    %c0_i32_0 = arith.constant 0 : i32
    return %arg0, %c0_i32 : i32, i32
  }
  func.func @transform_1(%arg0: i32) -> (i32, i32, i32) {
    %c0_i32 = arith.constant 0 : i32
    %c0_i32_0 = arith.constant 0 : i32
    %c0_i32_1 = arith.constant 0 : i32
    return %c0_i32, %arg0, %c0_i32_0 : i32, i32, i32
  }
  func.func @transform_2(%arg0: i32) -> (i32, i32) {
    %c0_i32 = arith.constant 0 : i32
    %c0_i32_0 = arith.constant 0 : i32
    %c0_i32_1 = arith.constant 0 : i32
    return %c0_i32, %c0_i32_0 : i32, i32
  }
  func.func @transform_3(%arg0: i32) -> (i32, i32) {
    %c0_i32 = arith.constant 0 : i32
    %c0_i32_0 = arith.constant 0 : i32
    %c0_i32_1 = arith.constant 0 : i32
    return %c0_i32, %c0_i32_0 : i32, i32
  }
  func.func @transform_4(%arg0: i32) -> (i32, i32) {
    %c0_i32 = arith.constant 0 : i32
    %c0_i32_0 = arith.constant 0 : i32
    %c0_i32_1 = arith.constant 0 : i32
    return %c0_i32, %c0_i32_0 : i32, i32
  }
  func.func @transform_5(%arg0: i32) -> (i32, i32) {
    %c0_i32 = arith.constant 0 : i32
    %c0_i32_0 = arith.constant 0 : i32
    %c0_i32_1 = arith.constant 0 : i32
    return %c0_i32, %c0_i32_0 : i32, i32
  }
  func.func @transform_6(%arg0: i32) -> (i32, i32) {
    %c0_i32 = arith.constant 0 : i32
    %c0_i32_0 = arith.constant 0 : i32
    %c0_i32_1 = arith.constant 0 : i32
    return %c0_i32, %c0_i32_0 : i32, i32
  }
  func.func @transform_7(%arg0: i32) -> (i32, i32) {
    %c0_i32 = arith.constant 0 : i32
    %c0_i32_0 = arith.constant 0 : i32
    %c0_i32_1 = arith.constant 0 : i32
    return %c0_i32, %c0_i32_0 : i32, i32
  }
  func.func @transform_8(%arg0: i32) -> (i32, i32) {
    %c0_i32 = arith.constant 0 : i32
    %c0_i32_0 = arith.constant 0 : i32
    return %arg0, %c0_i32 : i32, i32
  }
  func.func @transform_9(%arg0: i32) -> (i32, i32) {
    %c0_i32 = arith.constant 0 : i32
    %c0_i32_0 = arith.constant 0 : i32
    return %arg0, %c0_i32 : i32, i32
  }
}

module attributes {stable_mosaic.version = 14 : i64} {
  func.func @_c_body(%arg0: i32, %arg1: memref<2x1024x128xf32, #tpu.memory_space<vmem>>, %arg2: memref<1024x128xf32, #tpu.memory_space<vmem>>, %arg3: memref<1024x1xf32, #tpu.memory_space<vmem>>, %arg4: memref<1x128xf32, #tpu.memory_space<vmem>>, %arg5: memref<128x128xf32, #tpu.memory_space<vmem>>, %arg6: memref<1024x128xf32, #tpu.memory_space<vmem>>) attributes {dimension_semantics = [#tpu.dimension_semantics<arbitrary>], iteration_bounds = array<i64: 10>, scalar_prefetch = 0 : i64, scratch_operands = 0 : i64, tpu.core_type = #tpu.core_type<tc>, window_params = [{transform_indices = @transform_0, window_bounds = array<i64: 2, 1024, 128>}, {transform_indices = @transform_1, window_bounds = array<i64: 1024, 128>}, {transform_indices = @transform_2, window_bounds = array<i64: 1024, 1>}, {pipeline_mode = #tpu.pipeline_mode<synchronous>, transform_indices = @transform_3, window_bounds = array<i64: 1, 128>}, {pipeline_mode = #tpu.pipeline_mode<synchronous>, transform_indices = @transform_4, window_bounds = array<i64: 128, 128>}, {transform_indices = @transform_5, window_bounds = array<i64: 1024, 128>}]} {
    %get3A = arith.constant 0 : index
    %get3A_0 = arith.constant 0 : index
    %get3A_1 = arith.constant 0 : index
    %get3A_2 = vector.load %arg1[%get3A, %get3A_0, %get3A_1] : memref<2x1024x128xf32, #tpu.memory_space<vmem>>, vector<2x1024x128xf32>
    %get3A_3 = arith.constant 0 : index
    %get3A_4 = arith.constant 0 : index
    %get3A_5 = vector.load %arg3[%get3A_3, %get3A_4] : memref<1024x1xf32, #tpu.memory_space<vmem>>, vector<1024x1xf32>
    %slice3A = vector.extract_strided_slice %get3A_2 {offsets = [0, 0, 0], sizes = [1, 1024, 128], strides = [1, 1, 1]} : vector<2x1024x128xf32> to vector<1x1024x128xf32>
    %squeeze3A = vector.shape_cast %slice3A : vector<1x1024x128xf32> to vector<1024x128xf32>
    %slice3A_6 = vector.extract_strided_slice %get3A_2 {offsets = [1, 0, 0], sizes = [1, 1024, 128], strides = [1, 1, 1]} : vector<2x1024x128xf32> to vector<1x1024x128xf32>
    %squeeze3A_7 = vector.shape_cast %slice3A_6 : vector<1x1024x128xf32> to vector<1024x128xf32>
    %add3A = arith.addf %squeeze3A, %squeeze3A_7 : vector<1024x128xf32>
    %get3A_8 = arith.constant 0 : index
    %get3A_9 = arith.constant 0 : index
    %get3A_10 = vector.load %arg2[%get3A_8, %get3A_9] : memref<1024x128xf32, #tpu.memory_space<vmem>>, vector<1024x128xf32>
    %add3A_11 = arith.addf %add3A, %get3A_10 : vector<1024x128xf32>
    %mul3A = vector.broadcast %get3A_5 : vector<1024x1xf32> to vector<1024x128xf32>
    %mul3A_12 = arith.mulf %mul3A, %add3A_11 : vector<1024x128xf32>
    %get3A_13 = arith.constant 0 : index
    %get3A_14 = arith.constant 0 : index
    %get3A_15 = vector.load %arg4[%get3A_13, %get3A_14] : memref<1x128xf32, #tpu.memory_space<vmem>>, vector<1x128xf32>
    %add3A_16 = vector.broadcast %get3A_15 : vector<1x128xf32> to vector<1024x128xf32>
    %add3A_17 = arith.addf %mul3A_12, %add3A_16 : vector<1024x128xf32>
    %max3A = arith.constant 0.000000e+00 : f32
    %max3A_18 = vector.broadcast %max3A : f32 to vector<1024x128xf32>
    %max3A_19 = arith.maximumf %add3A_17, %max3A_18 : vector<1024x128xf32>
    %get3A_20 = arith.constant 0 : index
    %get3A_21 = arith.constant 0 : index
    %get3A_22 = vector.load %arg5[%get3A_20, %get3A_21] : memref<128x128xf32, #tpu.memory_space<vmem>>, vector<128x128xf32>
    %dot_general3A = arith.constant dense<0.000000e+00> : vector<1024x128xf32>
    %dot_general3A_23 = tpu.matmul %max3A_19, %get3A_22, %dot_general3A {dimension_numbers = #tpu.dot_dimension_numbers<[1], [0], [0], [1], [0, 0, 1, 1], [], []>, transpose_lhs_hint = false} : vector<1024x128xf32>, vector<128x128xf32>, vector<1024x128xf32> -> vector<1024x128xf32>
    %mul3A_24 = vector.broadcast %get3A_5 : vector<1024x1xf32> to vector<1024x128xf32>
    %mul3A_25 = arith.mulf %mul3A_24, %dot_general3A_23 : vector<1024x128xf32>
    %swap3A = arith.constant 0 : index
    %swap3A_26 = arith.constant 0 : index
    %swap3A_27 = vector.load %arg6[%swap3A, %swap3A_26] : memref<1024x128xf32, #tpu.memory_space<vmem>>, vector<1024x128xf32>
    tpu.vector_store %arg6[%swap3A, %swap3A_26], %mul3A_25 {strides = array<i32>} : memref<1024x128xf32, #tpu.memory_space<vmem>>, vector<1024x128xf32>,
    return
  }
  func.func @transform_0(%arg0: i32) -> (i32, i32, i32) {
    %c0_i32 = arith.constant 0 : i32
    %c0_i32_0 = arith.constant 0 : i32
    %c0_i32_1 = arith.constant 0 : i32
    return %c0_i32, %arg0, %c0_i32_0 : i32, i32, i32
  }
  func.func @transform_1(%arg0: i32) -> (i32, i32) {
    %c0_i32 = arith.constant 0 : i32
    %c0_i32_0 = arith.constant 0 : i32
    return %arg0, %c0_i32 : i32, i32
  }
  func.func @transform_2(%arg0: i32) -> (i32, i32) {
    %c0_i32 = arith.constant 0 : i32
    %c0_i32_0 = arith.constant 0 : i32
    return %arg0, %c0_i32 : i32, i32
  }
  func.func @transform_3(%arg0: i32) -> (i32, i32) {
    %c0_i32 = arith.constant 0 : i32
    %c0_i32_0 = arith.constant 0 : i32
    %c0_i32_1 = arith.constant 0 : i32
    return %c0_i32, %c0_i32_0 : i32, i32
  }
  func.func @transform_4(%arg0: i32) -> (i32, i32) {
    %c0_i32 = arith.constant 0 : i32
    %c0_i32_0 = arith.constant 0 : i32
    %c0_i32_1 = arith.constant 0 : i32
    return %c0_i32, %c0_i32_0 : i32, i32
  }
  func.func @transform_5(%arg0: i32) -> (i32, i32) {
    %c0_i32 = arith.constant 0 : i32
    %c0_i32_0 = arith.constant 0 : i32
    return %arg0, %c0_i32 : i32, i32
  }
}

module attributes {stable_mosaic.version = 14 : i64} {
  func.func @_c4_body(%arg0: i32, %arg1: memref<2x1024x128xf32, #tpu.memory_space<vmem>>, %arg2: memref<1024x128xf32, #tpu.memory_space<vmem>>, %arg3: memref<1024x1xf32, #tpu.memory_space<vmem>>, %arg4: memref<1024x4xf32, #tpu.memory_space<vmem>>, %arg5: memref<1x128xf32, #tpu.memory_space<vmem>>, %arg6: memref<128x64xf32, #tpu.memory_space<vmem>>, %arg7: memref<1x64xf32, #tpu.memory_space<vmem>>, %arg8: memref<64x16xf32, #tpu.memory_space<vmem>>, %arg9: memref<1x16xf32, #tpu.memory_space<vmem>>, %arg10: memref<128x64xf32, #tpu.memory_space<vmem>>, %arg11: memref<1x64xf32, #tpu.memory_space<vmem>>, %arg12: memref<64x8xf32, #tpu.memory_space<vmem>>, %arg13: memref<8x8xf32, #tpu.memory_space<vmem>>, %arg14: memref<128x128xf32, #tpu.memory_space<vmem>>, %arg15: memref<128x128xf32, #tpu.memory_space<vmem>>, %arg16: memref<1x128xf32, #tpu.memory_space<vmem>>, %arg17: memref<1024x128xf32, #tpu.memory_space<vmem>>, %arg18: memref<1024x16xf32, #tpu.memory_space<vmem>>, %arg19: memref<1024x4xf32, #tpu.memory_space<vmem>>, %arg20: memref<1024x128xf32, #tpu.memory_space<vmem>>, %arg21: memref<1024x128xf32, #tpu.memory_space<vmem>>) attributes {dimension_semantics = [#tpu.dimension_semantics<arbitrary>], iteration_bounds = array<i64: 10>, scalar_prefetch = 0 : i64, scratch_operands = 0 : i64, tpu.core_type = #tpu.core_type<tc>, window_params = [{transform_indices = @transform_0, window_bounds = array<i64: 2, 1024, 128>}, {transform_indices = @transform_1, window_bounds = array<i64: 1024, 128>}, {transform_indices = @transform_2, window_bounds = array<i64: 1024, 1>}, {transform_indices = @transform_3, window_bounds = array<i64: 1024, 4>}, {pipeline_mode = #tpu.pipeline_mode<synchronous>, transform_indices = @transform_4, window_bounds = array<i64: 1, 128>}, {pipeline_mode = #tpu.pipeline_mode<synchronous>, transform_indices = @transform_5, window_bounds = array<i64: 128, 64>}, {pipeline_mode = #tpu.pipeline_mode<synchronous>, transform_indices = @transform_6, window_bounds = array<i64: 1, 64>}, {pipeline_mode = #tpu.pipeline_mode<synchronous>, transform_indices = @transform_7, window_bounds = array<i64: 64, 16>}, {pipeline_mode = #tpu.pipeline_mode<synchronous>, transform_indices = @transform_8, window_bounds = array<i64: 1, 16>}, {pipeline_mode = #tpu.pipeline_mode<synchronous>, transform_indices = @transform_9, window_bounds = array<i64: 128, 64>}, {pipeline_mode = #tpu.pipeline_mode<synchronous>, transform_indices = @transform_10, window_bounds = array<i64: 1, 64>}, {pipeline_mode = #tpu.pipeline_mode<synchronous>, transform_indices = @transform_11, window_bounds = array<i64: 64, 8>}, {pipeline_mode = #tpu.pipeline_mode<synchronous>, transform_indices = @transform_12, window_bounds = array<i64: 8, 8>}, {pipeline_mode = #tpu.pipeline_mode<synchronous>, transform_indices = @transform_13, window_bounds = array<i64: 128, 128>}, {pipeline_mode = #tpu.pipeline_mode<synchronous>, transform_indices = @transform_14, window_bounds = array<i64: 128, 128>}, {pipeline_mode = #tpu.pipeline_mode<synchronous>, transform_indices = @transform_15, window_bounds = array<i64: 1, 128>}, {transform_indices = @transform_16, window_bounds = array<i64: 1024, 128>}, {transform_indices = @transform_17, window_bounds = array<i64: 1024, 16>}, {transform_indices = @transform_18, window_bounds = array<i64: 1024, 4>}, {transform_indices = @transform_19, window_bounds = array<i64: 1024, 128>}, {transform_indices = @transform_20, window_bounds = array<i64: 1024, 128>}]} {
    %get3A = arith.constant 0 : index
    %get3A_0 = arith.constant 0 : index
    %get3A_1 = arith.constant 0 : index
    %get3A_2 = vector.load %arg1[%get3A, %get3A_0, %get3A_1] : memref<2x1024x128xf32, #tpu.memory_space<vmem>>, vector<2x1024x128xf32>
    %get3A_3 = arith.constant 0 : index
    %get3A_4 = arith.constant 0 : index
    %get3A_5 = vector.load %arg3[%get3A_3, %get3A_4] : memref<1024x1xf32, #tpu.memory_space<vmem>>, vector<1024x1xf32>
    %slice3A = vector.extract_strided_slice %get3A_2 {offsets = [0, 0, 0], sizes = [1, 1024, 128], strides = [1, 1, 1]} : vector<2x1024x128xf32> to vector<1x1024x128xf32>
    %squeeze3A = vector.shape_cast %slice3A : vector<1x1024x128xf32> to vector<1024x128xf32>
    %slice3A_6 = vector.extract_strided_slice %get3A_2 {offsets = [1, 0, 0], sizes = [1, 1024, 128], strides = [1, 1, 1]} : vector<2x1024x128xf32> to vector<1x1024x128xf32>
    %squeeze3A_7 = vector.shape_cast %slice3A_6 : vector<1x1024x128xf32> to vector<1024x128xf32>
    %add3A = arith.addf %squeeze3A, %squeeze3A_7 : vector<1024x128xf32>
    %get3A_8 = arith.constant 0 : index
    %get3A_9 = arith.constant 0 : index
    %get3A_10 = vector.load %arg2[%get3A_8, %get3A_9] : memref<1024x128xf32, #tpu.memory_space<vmem>>, vector<1024x128xf32>
    %add3A_11 = arith.addf %add3A, %get3A_10 : vector<1024x128xf32>
    %mul3A = vector.broadcast %get3A_5 : vector<1024x1xf32> to vector<1024x128xf32>
    %mul3A_12 = arith.mulf %mul3A, %add3A_11 : vector<1024x128xf32>
    %get3A_13 = arith.constant 0 : index
    %get3A_14 = arith.constant 0 : index
    %get3A_15 = vector.load %arg5[%get3A_13, %get3A_14] : memref<1x128xf32, #tpu.memory_space<vmem>>, vector<1x128xf32>
    %add3A_16 = vector.broadcast %get3A_15 : vector<1x128xf32> to vector<1024x128xf32>
    %add3A_17 = arith.addf %mul3A_12, %add3A_16 : vector<1024x128xf32>
    %swap3A = arith.constant 0 : index
    %swap3A_18 = arith.constant 0 : index
    %swap3A_19 = vector.load %arg17[%swap3A, %swap3A_18] : memref<1024x128xf32, #tpu.memory_space<vmem>>, vector<1024x128xf32>
    tpu.vector_store %arg17[%swap3A, %swap3A_18], %add3A_17 {strides = array<i32>} : memref<1024x128xf32, #tpu.memory_space<vmem>>, vector<1024x128xf32>,
    %get3A_20 = arith.constant 0 : index
    %get3A_21 = arith.constant 0 : index
    %get3A_22 = vector.load %arg6[%get3A_20, %get3A_21] : memref<128x64xf32, #tpu.memory_space<vmem>>, vector<128x64xf32>
    %dot_general3A = arith.constant dense<0.000000e+00> : vector<1024x64xf32>
    %dot_general3A_23 = tpu.matmul %add3A_17, %get3A_22, %dot_general3A {dimension_numbers = #tpu.dot_dimension_numbers<[1], [0], [0], [1], [0, 0, 1, 1], [], []>, transpose_lhs_hint = false} : vector<1024x128xf32>, vector<128x64xf32>, vector<1024x64xf32> -> vector<1024x64xf32>
    %get3A_24 = arith.constant 0 : index
    %get3A_25 = arith.constant 0 : index
    %get3A_26 = vector.load %arg7[%get3A_24, %get3A_25] : memref<1x64xf32, #tpu.memory_space<vmem>>, vector<1x64xf32>
    %add3A_27 = vector.broadcast %get3A_26 : vector<1x64xf32> to vector<1024x64xf32>
    %add3A_28 = arith.addf %dot_general3A_23, %add3A_27 : vector<1024x64xf32>
    %max3A = arith.constant 0.000000e+00 : f32
    %max3A_29 = vector.broadcast %max3A : f32 to vector<1024x64xf32>
    %max3A_30 = arith.maximumf %add3A_28, %max3A_29 : vector<1024x64xf32>
    %get3A_31 = arith.constant 0 : index
    %get3A_32 = arith.constant 0 : index
    %get3A_33 = vector.load %arg8[%get3A_31, %get3A_32] : memref<64x16xf32, #tpu.memory_space<vmem>>, vector<64x16xf32>
    %dot_general3A_34 = arith.constant dense<0.000000e+00> : vector<1024x16xf32>
    %dot_general3A_35 = tpu.matmul %max3A_30, %get3A_33, %dot_general3A_34 {dimension_numbers = #tpu.dot_dimension_numbers<[1], [0], [0], [1], [0, 0, 1, 1], [], []>, transpose_lhs_hint = false} : vector<1024x64xf32>, vector<64x16xf32>, vector<1024x16xf32> -> vector<1024x16xf32>
    %get3A_36 = arith.constant 0 : index
    %get3A_37 = arith.constant 0 : index
    %get3A_38 = vector.load %arg9[%get3A_36, %get3A_37] : memref<1x16xf32, #tpu.memory_space<vmem>>, vector<1x16xf32>
    %add3A_39 = vector.broadcast %get3A_38 : vector<1x16xf32> to vector<1024x16xf32>
    %add3A_40 = arith.addf %dot_general3A_35, %add3A_39 : vector<1024x16xf32>
    %swap3A_41 = arith.constant 0 : index
    %swap3A_42 = arith.constant 0 : index
    %swap3A_43 = vector.load %arg18[%swap3A_41, %swap3A_42] : memref<1024x16xf32, #tpu.memory_space<vmem>>, vector<1024x16xf32>
    tpu.vector_store %arg18[%swap3A_41, %swap3A_42], %add3A_40 {strides = array<i32>} : memref<1024x16xf32, #tpu.memory_space<vmem>>, vector<1024x16xf32>,
    %get3A_44 = arith.constant 0 : index
    %get3A_45 = arith.constant 0 : index
    %get3A_46 = vector.load %arg10[%get3A_44, %get3A_45] : memref<128x64xf32, #tpu.memory_space<vmem>>, vector<128x64xf32>
    %dot_general3A_47 = arith.constant dense<0.000000e+00> : vector<1024x64xf32>
    %dot_general3A_48 = tpu.matmul %add3A_17, %get3A_46, %dot_general3A_47 {dimension_numbers = #tpu.dot_dimension_numbers<[1], [0], [0], [1], [0, 0, 1, 1], [], []>, transpose_lhs_hint = false} : vector<1024x128xf32>, vector<128x64xf32>, vector<1024x64xf32> -> vector<1024x64xf32>
    %get3A_49 = arith.constant 0 : index
    %get3A_50 = arith.constant 0 : index
    %get3A_51 = vector.load %arg11[%get3A_49, %get3A_50] : memref<1x64xf32, #tpu.memory_space<vmem>>, vector<1x64xf32>
    %add3A_52 = vector.broadcast %get3A_51 : vector<1x64xf32> to vector<1024x64xf32>
    %add3A_53 = arith.addf %dot_general3A_48, %add3A_52 : vector<1024x64xf32>
    %max3A_54 = arith.constant 0.000000e+00 : f32
    %max3A_55 = vector.broadcast %max3A_54 : f32 to vector<1024x64xf32>
    %max3A_56 = arith.maximumf %add3A_53, %max3A_55 : vector<1024x64xf32>
    %get3A_57 = arith.constant 0 : index
    %get3A_58 = arith.constant 0 : index
    %get3A_59 = vector.load %arg12[%get3A_57, %get3A_58] : memref<64x8xf32, #tpu.memory_space<vmem>>, vector<64x8xf32>
    %dot_general3A_60 = arith.constant dense<0.000000e+00> : vector<1024x8xf32>
    %dot_general3A_61 = tpu.matmul %max3A_56, %get3A_59, %dot_general3A_60 {dimension_numbers = #tpu.dot_dimension_numbers<[1], [0], [0], [1], [0, 0, 1, 1], [], []>, transpose_lhs_hint = false} : vector<1024x64xf32>, vector<64x8xf32>, vector<1024x8xf32> -> vector<1024x8xf32>
    %get3A_62 = arith.constant 0 : index
    %get3A_63 = arith.constant 0 : index
    %get3A_64 = vector.load %arg13[%get3A_62, %get3A_63] : memref<8x8xf32, #tpu.memory_space<vmem>>, vector<8x8xf32>
    %dot_general3A_65 = arith.constant dense<0.000000e+00> : vector<1024x8xf32>
    %dot_general3A_66 = tpu.matmul %dot_general3A_61, %get3A_64, %dot_general3A_65 {dimension_numbers = #tpu.dot_dimension_numbers<[1], [0], [0], [1], [0, 0, 1, 1], [], []>, transpose_lhs_hint = false} : vector<1024x8xf32>, vector<8x8xf32>, vector<1024x8xf32> -> vector<1024x8xf32>
    %slice3A_67 = vector.extract_strided_slice %dot_general3A_66 {offsets = [0, 0], sizes = [1024, 4], strides = [1, 1]} : vector<1024x8xf32> to vector<1024x4xf32>
    %tanh3A = math.tanh %slice3A_67 : vector<1024x4xf32>
    %get3A_68 = arith.constant 0 : index
    %get3A_69 = arith.constant 0 : index
    %get3A_70 = vector.load %arg4[%get3A_68, %get3A_69] : memref<1024x4xf32, #tpu.memory_space<vmem>>, vector<1024x4xf32>
    %add3A_71 = arith.addf %tanh3A, %get3A_70 : vector<1024x4xf32>
    %swap3A_72 = arith.constant 0 : index
    %swap3A_73 = arith.constant 0 : index
    %swap3A_74 = vector.load %arg19[%swap3A_72, %swap3A_73] : memref<1024x4xf32, #tpu.memory_space<vmem>>, vector<1024x4xf32>
    tpu.vector_store %arg19[%swap3A_72, %swap3A_73], %add3A_71 {strides = array<i32>} : memref<1024x4xf32, #tpu.memory_space<vmem>>, vector<1024x4xf32>,
    %get3A_75 = arith.constant 0 : index
    %get3A_76 = arith.constant 0 : index
    %get3A_77 = vector.load %arg14[%get3A_75, %get3A_76] : memref<128x128xf32, #tpu.memory_space<vmem>>, vector<128x128xf32>
    %dot_general3A_78 = arith.constant dense<0.000000e+00> : vector<1024x128xf32>
    %dot_general3A_79 = tpu.matmul %add3A_17, %get3A_77, %dot_general3A_78 {dimension_numbers = #tpu.dot_dimension_numbers<[1], [0], [0], [1], [0, 0, 1, 1], [], []>, transpose_lhs_hint = false} : vector<1024x128xf32>, vector<128x128xf32>, vector<1024x128xf32> -> vector<1024x128xf32>
    %get3A_80 = arith.constant 0 : index
    %get3A_81 = arith.constant 0 : index
    %get3A_82 = vector.load %arg16[%get3A_80, %get3A_81] : memref<1x128xf32, #tpu.memory_space<vmem>>, vector<1x128xf32>
    %add3A_83 = vector.broadcast %get3A_82 : vector<1x128xf32> to vector<1024x128xf32>
    %add3A_84 = arith.addf %dot_general3A_79, %add3A_83 : vector<1024x128xf32>
    %swap3A_85 = arith.constant 0 : index
    %swap3A_86 = arith.constant 0 : index
    %swap3A_87 = vector.load %arg20[%swap3A_85, %swap3A_86] : memref<1024x128xf32, #tpu.memory_space<vmem>>, vector<1024x128xf32>
    tpu.vector_store %arg20[%swap3A_85, %swap3A_86], %add3A_84 {strides = array<i32>} : memref<1024x128xf32, #tpu.memory_space<vmem>>, vector<1024x128xf32>,
    %get3A_88 = arith.constant 0 : index
    %get3A_89 = arith.constant 0 : index
    %get3A_90 = vector.load %arg15[%get3A_88, %get3A_89] : memref<128x128xf32, #tpu.memory_space<vmem>>, vector<128x128xf32>
    %dot_general3A_91 = arith.constant dense<0.000000e+00> : vector<1024x128xf32>
    %dot_general3A_92 = tpu.matmul %add3A_17, %get3A_90, %dot_general3A_91 {dimension_numbers = #tpu.dot_dimension_numbers<[1], [0], [0], [1], [0, 0, 1, 1], [], []>, transpose_lhs_hint = false} : vector<1024x128xf32>, vector<128x128xf32>, vector<1024x128xf32> -> vector<1024x128xf32>
    %swap3A_93 = arith.constant 0 : index
    %swap3A_94 = arith.constant 0 : index
    %swap3A_95 = vector.load %arg21[%swap3A_93, %swap3A_94] : memref<1024x128xf32, #tpu.memory_space<vmem>>, vector<1024x128xf32>
    tpu.vector_store %arg21[%swap3A_93, %swap3A_94], %dot_general3A_92 {strides = array<i32>} : memref<1024x128xf32, #tpu.memory_space<vmem>>, vector<1024x128xf32>,
    return
  }
  func.func @transform_0(%arg0: i32) -> (i32, i32, i32) {
    %c0_i32 = arith.constant 0 : i32
    %c0_i32_0 = arith.constant 0 : i32
    %c0_i32_1 = arith.constant 0 : i32
    return %c0_i32, %arg0, %c0_i32_0 : i32, i32, i32
  }
  func.func @transform_1(%arg0: i32) -> (i32, i32) {
    %c0_i32 = arith.constant 0 : i32
    %c0_i32_0 = arith.constant 0 : i32
    return %arg0, %c0_i32 : i32, i32
  }
  func.func @transform_2(%arg0: i32) -> (i32, i32) {
    %c0_i32 = arith.constant 0 : i32
    %c0_i32_0 = arith.constant 0 : i32
    return %arg0, %c0_i32 : i32, i32
  }
  func.func @transform_3(%arg0: i32) -> (i32, i32) {
    %c0_i32 = arith.constant 0 : i32
    %c0_i32_0 = arith.constant 0 : i32
    return %arg0, %c0_i32 : i32, i32
  }
  func.func @transform_4(%arg0: i32) -> (i32, i32) {
    %c0_i32 = arith.constant 0 : i32
    %c0_i32_0 = arith.constant 0 : i32
    %c0_i32_1 = arith.constant 0 : i32
    return %c0_i32, %c0_i32_0 : i32, i32
  }
  func.func @transform_5(%arg0: i32) -> (i32, i32) {
    %c0_i32 = arith.constant 0 : i32
    %c0_i32_0 = arith.constant 0 : i32
    %c0_i32_1 = arith.constant 0 : i32
    return %c0_i32, %c0_i32_0 : i32, i32
  }
  func.func @transform_6(%arg0: i32) -> (i32, i32) {
    %c0_i32 = arith.constant 0 : i32
    %c0_i32_0 = arith.constant 0 : i32
    %c0_i32_1 = arith.constant 0 : i32
    return %c0_i32, %c0_i32_0 : i32, i32
  }
  func.func @transform_7(%arg0: i32) -> (i32, i32) {
    %c0_i32 = arith.constant 0 : i32
    %c0_i32_0 = arith.constant 0 : i32
    %c0_i32_1 = arith.constant 0 : i32
    return %c0_i32, %c0_i32_0 : i32, i32
  }
  func.func @transform_8(%arg0: i32) -> (i32, i32) {
    %c0_i32 = arith.constant 0 : i32
    %c0_i32_0 = arith.constant 0 : i32
    %c0_i32_1 = arith.constant 0 : i32
    return %c0_i32, %c0_i32_0 : i32, i32
  }
  func.func @transform_9(%arg0: i32) -> (i32, i32) {
    %c0_i32 = arith.constant 0 : i32
    %c0_i32_0 = arith.constant 0 : i32
    %c0_i32_1 = arith.constant 0 : i32
    return %c0_i32, %c0_i32_0 : i32, i32
  }
  func.func @transform_10(%arg0: i32) -> (i32, i32) {
    %c0_i32 = arith.constant 0 : i32
    %c0_i32_0 = arith.constant 0 : i32
    %c0_i32_1 = arith.constant 0 : i32
    return %c0_i32, %c0_i32_0 : i32, i32
  }
  func.func @transform_11(%arg0: i32) -> (i32, i32) {
    %c0_i32 = arith.constant 0 : i32
    %c0_i32_0 = arith.constant 0 : i32
    %c0_i32_1 = arith.constant 0 : i32
    return %c0_i32, %c0_i32_0 : i32, i32
  }
  func.func @transform_12(%arg0: i32) -> (i32, i32) {
    %c0_i32 = arith.constant 0 : i32
    %c0_i32_0 = arith.constant 0 : i32
    %c0_i32_1 = arith.constant 0 : i32
    return %c0_i32, %c0_i32_0 : i32, i32
  }
  func.func @transform_13(%arg0: i32) -> (i32, i32) {
    %c0_i32 = arith.constant 0 : i32
    %c0_i32_0 = arith.constant 0 : i32
    %c0_i32_1 = arith.constant 0 : i32
    return %c0_i32, %c0_i32_0 : i32, i32
  }
  func.func @transform_14(%arg0: i32) -> (i32, i32) {
    %c0_i32 = arith.constant 0 : i32
    %c0_i32_0 = arith.constant 0 : i32
    %c0_i32_1 = arith.constant 0 : i32
    return %c0_i32, %c0_i32_0 : i32, i32
  }
  func.func @transform_15(%arg0: i32) -> (i32, i32) {
    %c0_i32 = arith.constant 0 : i32
    %c0_i32_0 = arith.constant 0 : i32
    %c0_i32_1 = arith.constant 0 : i32
    return %c0_i32, %c0_i32_0 : i32, i32
  }
  func.func @transform_16(%arg0: i32) -> (i32, i32) {
    %c0_i32 = arith.constant 0 : i32
    %c0_i32_0 = arith.constant 0 : i32
    return %arg0, %c0_i32 : i32, i32
  }
  func.func @transform_17(%arg0: i32) -> (i32, i32) {
    %c0_i32 = arith.constant 0 : i32
    %c0_i32_0 = arith.constant 0 : i32
    return %arg0, %c0_i32 : i32, i32
  }
  func.func @transform_18(%arg0: i32) -> (i32, i32) {
    %c0_i32 = arith.constant 0 : i32
    %c0_i32_0 = arith.constant 0 : i32
    return %arg0, %c0_i32 : i32, i32
  }
  func.func @transform_19(%arg0: i32) -> (i32, i32) {
    %c0_i32 = arith.constant 0 : i32
    %c0_i32_0 = arith.constant 0 : i32
    return %arg0, %c0_i32 : i32, i32
  }
  func.func @transform_20(%arg0: i32) -> (i32, i32) {
    %c0_i32 = arith.constant 0 : i32
    %c0_i32_0 = arith.constant 0 : i32
    return %arg0, %c0_i32 : i32, i32
  }
}

module attributes {stable_mosaic.version = 14 : i64} {
  func.func @_f_body(%arg0: i32, %arg1: memref<4096x128xf32, #tpu.memory_space<vmem>>, %arg2: memref<128x64xf32, #tpu.memory_space<vmem>>, %arg3: memref<1x64xf32, #tpu.memory_space<vmem>>, %arg4: memref<8x64xf32, #tpu.memory_space<vmem>>, %arg5: memref<1x1xf32, #tpu.memory_space<vmem>>, %arg6: memref<1x1x4096xf32, #tpu.memory_space<vmem>>) attributes {dimension_semantics = [#tpu.dimension_semantics<arbitrary>], iteration_bounds = array<i64: 80>, scalar_prefetch = 0 : i64, scratch_operands = 0 : i64, tpu.core_type = #tpu.core_type<tc>, window_params = [{transform_indices = @transform_0, window_bounds = array<i64: 4096, 128>}, {pipeline_mode = #tpu.pipeline_mode<synchronous>, transform_indices = @transform_1, window_bounds = array<i64: 128, 64>}, {pipeline_mode = #tpu.pipeline_mode<synchronous>, transform_indices = @transform_2, window_bounds = array<i64: 1, 64>}, {pipeline_mode = #tpu.pipeline_mode<synchronous>, transform_indices = @transform_3, window_bounds = array<i64: 8, 64>}, {pipeline_mode = #tpu.pipeline_mode<synchronous>, transform_indices = @transform_4, window_bounds = array<i64: 1, 1>}, {transform_indices = @transform_5, window_bounds = array<i64: 1, 1, 4096>}]} {
    %get3A = arith.constant 0 : index
    %get3A_0 = arith.constant 0 : index
    %get3A_1 = vector.load %arg1[%get3A, %get3A_0] : memref<4096x128xf32, #tpu.memory_space<vmem>>, vector<4096x128xf32>
    %max3A = arith.constant 0.000000e+00 : f32
    %max3A_2 = vector.broadcast %max3A : f32 to vector<4096x128xf32>
    %max3A_3 = arith.maximumf %get3A_1, %max3A_2 : vector<4096x128xf32>
    %get3A_4 = arith.constant 0 : index
    %get3A_5 = arith.constant 0 : index
    %get3A_6 = vector.load %arg2[%get3A_4, %get3A_5] : memref<128x64xf32, #tpu.memory_space<vmem>>, vector<128x64xf32>
    %dot_general3A = arith.constant dense<0.000000e+00> : vector<4096x64xf32>
    %dot_general3A_7 = tpu.matmul %max3A_3, %get3A_6, %dot_general3A {dimension_numbers = #tpu.dot_dimension_numbers<[1], [0], [0], [1], [0, 0, 1, 1], [], []>, transpose_lhs_hint = false} : vector<4096x128xf32>, vector<128x64xf32>, vector<4096x64xf32> -> vector<4096x64xf32>
    %get3A_8 = arith.constant 0 : index
    %get3A_9 = arith.constant 0 : index
    %get3A_10 = vector.load %arg3[%get3A_8, %get3A_9] : memref<1x64xf32, #tpu.memory_space<vmem>>, vector<1x64xf32>
    %add3A = vector.broadcast %get3A_10 : vector<1x64xf32> to vector<4096x64xf32>
    %add3A_11 = arith.addf %dot_general3A_7, %add3A : vector<4096x64xf32>
    %max3A_12 = arith.constant 0.000000e+00 : f32
    %max3A_13 = vector.broadcast %max3A_12 : f32 to vector<4096x64xf32>
    %max3A_14 = arith.maximumf %add3A_11, %max3A_13 : vector<4096x64xf32>
    %get3A_15 = arith.constant 0 : index
    %get3A_16 = arith.constant 0 : index
    %get3A_17 = vector.load %arg4[%get3A_15, %get3A_16] : memref<8x64xf32, #tpu.memory_space<vmem>>, vector<8x64xf32>
    %dot_general3A_18 = arith.constant dense<0.000000e+00> : vector<8x4096xf32>
    %dot_general3A_19 = tpu.matmul %get3A_17, %max3A_14, %dot_general3A_18 {dimension_numbers = #tpu.dot_dimension_numbers<[1], [1], [0], [0], [0, 0, 1, 0], [], []>, transpose_lhs_hint = false} : vector<8x64xf32>, vector<4096x64xf32>, vector<8x4096xf32> -> vector<8x4096xf32>
    %slice3A = vector.extract_strided_slice %dot_general3A_19 {offsets = [0, 0], sizes = [1, 4096], strides = [1, 1]} : vector<8x4096xf32> to vector<1x4096xf32>
    %get3A_20 = arith.constant 0 : index
    %get3A_21 = arith.constant 0 : index
    %get3A_22 = vector.load %arg5[%get3A_20, %get3A_21] : memref<1x1xf32, #tpu.memory_space<vmem>>, vector<1x1xf32>
    %add3A_23 = vector.broadcast %get3A_22 : vector<1x1xf32> to vector<1x4096xf32>
    %add3A_24 = arith.addf %slice3A, %add3A_23 : vector<1x4096xf32>
    %logistic3A = arith.negf %add3A_24 : vector<1x4096xf32>
    %logistic3A_25 = math.exp %logistic3A : vector<1x4096xf32>
    %logistic3A_26 = arith.constant 1.000000e+00 : f32
    %logistic3A_27 = vector.broadcast %logistic3A_26 : f32 to vector<1x4096xf32>
    %logistic3A_28 = arith.addf %logistic3A_27, %logistic3A_25 : vector<1x4096xf32>
    %logistic3A_29 = arith.divf %logistic3A_27, %logistic3A_28 : vector<1x4096xf32>
    %reshape3A = vector.shape_cast %logistic3A_29 : vector<1x4096xf32> to vector<1x1x4096xf32>
    %swap3A = arith.constant 0 : index
    %swap3A_30 = arith.constant 0 : index
    %swap3A_31 = arith.constant 0 : index
    %swap3A_32 = vector.load %arg6[%swap3A, %swap3A_30, %swap3A_31] : memref<1x1x4096xf32, #tpu.memory_space<vmem>>, vector<1x1x4096xf32>
    tpu.vector_store %arg6[%swap3A, %swap3A_30, %swap3A_31], %reshape3A {strides = array<i32>} : memref<1x1x4096xf32, #tpu.memory_space<vmem>>, vector<1x1x4096xf32>,
    return
  }
  func.func @transform_0(%arg0: i32) -> (i32, i32) {
    %c0_i32 = arith.constant 0 : i32
    %c0_i32_0 = arith.constant 0 : i32
    return %arg0, %c0_i32 : i32, i32
  }
  func.func @transform_1(%arg0: i32) -> (i32, i32) {
    %c0_i32 = arith.constant 0 : i32
    %c0_i32_0 = arith.constant 0 : i32
    %c0_i32_1 = arith.constant 0 : i32
    return %c0_i32, %c0_i32_0 : i32, i32
  }
  func.func @transform_2(%arg0: i32) -> (i32, i32) {
    %c0_i32 = arith.constant 0 : i32
    %c0_i32_0 = arith.constant 0 : i32
    %c0_i32_1 = arith.constant 0 : i32
    return %c0_i32, %c0_i32_0 : i32, i32
  }
  func.func @transform_3(%arg0: i32) -> (i32, i32) {
    %c0_i32 = arith.constant 0 : i32
    %c0_i32_0 = arith.constant 0 : i32
    %c0_i32_1 = arith.constant 0 : i32
    return %c0_i32, %c0_i32_0 : i32, i32
  }
  func.func @transform_4(%arg0: i32) -> (i32, i32) {
    %c0_i32 = arith.constant 0 : i32
    %c0_i32_0 = arith.constant 0 : i32
    %c0_i32_1 = arith.constant 0 : i32
    return %c0_i32, %c0_i32_0 : i32, i32
  }
  func.func @transform_5(%arg0: i32) -> (i32, i32, i32) {
    %c0_i32 = arith.constant 0 : i32
    %c0_i32_0 = arith.constant 0 : i32
    %c0_i32_1 = arith.constant 0 : i32
    return %arg0, %c0_i32, %c0_i32_0 : i32, i32, i32
  }
}

</mosaic_0001>

<sc_bundles>
// kernel: kernel.12.cloned.1.call-start
scs
__scs_entry_jumppad:
0x0: {  	(pc) =	sbr.rel $0x88, $3  }
0x1: {  	(tag) =	ssettag $0x0;
	lr =	simm.s32 $0x1  }
0x2: {  	[smem:$0x3F87] =	sst lr;
	_ =	strace $0xD0000000  }
0x3: {  	_ = 	snop  }
0x4: {  	_ = 	snop  }
0x5: {  	_ = 	snop  }
0x6: {  	_ = 	snop  }
0x7: {  	_ = 	snop  }
__scs_overlays_trampoline_lowered:
0x8: {  	[smem:$0x3F96] =	sst s0  }
0x9: {  	[smem:$0x3F97] =	sst s1  }
0xa: {  	[smem:$0x3F98] =	sst s2  }
0xb: {  	[smem:$0x3F99] =	sst s3  }
0xc: {  	[smem:$0x3F9A] =	sst s4  }
0xd: {  	[smem:$0x3F9B] =	sst s5  }
0xe: {  	[smem:$0x3F9C] =	sst s6  }
0xf: {  	[smem:$0x3F9D] =	sst s7  }
0x10: {  	[smem:$0x3F9E] =	sst s8  }
0x11: {  	[smem:$0x3F9F] =	sst s9;
	s0 =	simm.s32 @!p0 $0x0  }
0x12: {  	s1 =	sld [smem:$0x3F85];
	s0 =	simm.s32 @p0 $0x1  }
0x13: {  	[smem:$0x3FA0] =	sst s0;
	s0 =	simm.s32 @!p1 $0x0  }
0x14: {  	s2 =	sld [smem:$0x3F84];
	s0 =	simm.s32 @p1 $0x1  }
0x15: {  	[smem:$0x3FA1] =	sst s0;
	s0 =	simm.s32 @!p2 $0x0  }
0x16: {  	s3 =	sld [smem:$0x3FDB];
	s0 =	simm.s32 @p2 $0x1  }
0x17: {  	s4 =	simm.s32 $0x1BF5;
	[smem:$0x3FA3] =	sst s0  }
0x18: {  	s0 =	sld [smem:$0x3F86];
	_ =	swait.ge [sflag:s4], $0x0  }
0x19: {  	s7 =	sld [smem:$0x3F87]  }
0x1a: {  	s8 =	sadd.s32 $0xFFFFE003, lr  }
0x1b: {  	s9 =	sadd.s32 $0xFFFFFEF7, lr;
	s5 =	simm.s32 $0xFFFFFFFF;
	p2 =	slt.u32 s8, $0xFFFFF086  }
0x1c: {  	p1 =	slt.u32 s9, $0xF7A;
	s5 =	simm.s32 @!p2 $0x0  }
0x1d: {  	s5 =	simm.s32 @p1 $0x1;
	p0 =	seq.s32 s7, s2  }
0x1e: {  	s7 =	smul.u32 @!p0 $0xF7A, s2;
	p2 =	seq.s32 @!p0 s5, $0x0  }
0x1f: {  	s9 =	smul.u32 $0xF7A, s1;
	s8 =	simm.s32 @!p0 $0x1BF5;
	p2 =	por !p2, p0  }
0x20: {  	[sflag:s8] =	ssyncset.s32 @!p0 $0xFFFFF086;
	s6 =	sadd.s32 @!p0 s3, s7;
	s7 =	simm.s32 @!p0 $0x108  }
0x21: {  	s3 =	sadd.s32 s3, s9;
	s6 =	sadd.s32 @!p0 $0x88, s6;
	s7 =	simm.s32 @p2 $0x1082  }
0x22: {  	[simem:s7], [sflag:s8] =	dma.local @!p0 [hbm:s6], $0xF7A  }
0x23: {  	s9 =	sor.u32 $0xD0000000, s2;
	s6 =	simm.s32 $0x108;
	_ =	swait.ge @!p0 [sflag:s8], $0x0  }
0x24: {  	s3 =	sadd.s32 $0x88, s3;
	s6 =	simm.s32 @!p1 $0x1082;
	[sflag:s4] =	ssyncset.s32 $0xFFFFF086  }
0x25: {  	[simem:s6], [sflag:s4] =	dma.local [hbm:s3], $0xF7A  }
0x26: {  	[smem:$0x3F87] =	sst s1;
	(tag) =	ssettag s2;
	_ =	strace s9  }
0x27: {  	s1 =	sld [smem:$0x3F97]  }
0x28: {  	s2 =	sld [smem:$0x3F98]  }
0x29: {  	s4 =	sld [smem:$0x3F9A]  }
0x2a: {  	p0 =	seq.s32 s5, $0x0;
	s5 =	sld [smem:$0x3F9B]  }
0x2b: {  	s6 =	sld [smem:$0x3F9C]  }
0x2c: {  	s7 =	sld [smem:$0x3F9D]  }
0x2d: {  	s3 =	simm.s32 $0x108;
	s8 =	sld [smem:$0x3F9E]  }
0x2e: {  	s3 =	simm.s32 @!p0 $0x1082;
	s9 =	sld [smem:$0x3F9F]  }
0x2f: {  	lr =	sadd.s32 s0, s3;
	s0 =	sld [smem:$0x3F96]  }
0x30: {  	s3 =	sld [smem:$0x3F99]  }
0x31: {  	[smem:$0x3FA2] =	sst s10  }
0x32: {  	s10 =	sld [smem:$0x3FA0];
	_ =	sdelay $0x3  }
0x33: {  	p0 =	seq.s32 s10, $0x1;
	s10 =	sld [smem:$0x3FA2];
	_ =	sdelay $0x3  }
0x34: {  	[smem:$0x3FA2] =	sst s10  }
0x35: {  	s10 =	sld [smem:$0x3FA1];
	_ =	sdelay $0x3  }
0x36: {  	p1 =	seq.s32 s10, $0x1;
	s10 =	sld [smem:$0x3FA2];
	_ =	sdelay $0x3  }
0x37: {  	[smem:$0x3FA2] =	sst s10  }
0x38: {  	s10 =	sld [smem:$0x3FA3]  }
0x39: {  	_ = 	snop;
	(pc) =	sbr.ind lr, $3  }
0x3a: {  	_ = 	snop  }
0x3b: {  	_ = 	snop  }
0x3c: {  	p2 =	seq.s32 s10, $0x1;
	s10 =	sld [smem:$0x3FA2]  }
0x3d: {  	_ =	shalt  }
0x3e: {  	_ =	shalt  }
0x3f: {  	_ =	shalt  }
0x40: {  	_ =	shalt  }
0x41: {  	_ =	shalt  }
0x42: {  	_ =	shalt  }
0x43: {  	_ =	shalt  }
0x44: {  	_ =	shalt  }
0x45: {  	_ =	shalt  }
0x46: {  	_ =	shalt  }
0x47: {  	_ =	shalt  }
0x48: {  	_ =	shalt  }
0x49: {  	_ =	shalt  }
0x4a: {  	_ =	shalt  }
0x4b: {  	_ =	shalt  }
0x4c: {  	_ =	shalt  }
0x4d: {  	_ =	shalt  }
0x4e: {  	_ =	shalt  }
0x4f: {  	_ =	shalt  }
0x50: {  	_ =	shalt  }
0x51: {  	_ =	shalt  }
0x52: {  	_ =	shalt  }
0x53: {  	_ =	shalt  }
0x54: {  	_ =	shalt  }
0x55: {  	_ =	shalt  }
0x56: {  	_ =	shalt  }
0x57: {  	_ =	shalt  }
0x58: {  	_ =	shalt  }
0x59: {  	_ =	shalt  }
0x5a: {  	_ =	shalt  }
0x5b: {  	_ =	shalt  }
0x5c: {  	_ =	shalt  }
0x5d: {  	_ =	shalt  }
0x5e: {  	_ =	shalt  }
0x5f: {  	_ =	shalt  }
0x60: {  	_ =	shalt  }
0x61: {  	_ =	shalt  }
0x62: {  	_ =	shalt  }
0x63: {  	_ =	shalt  }
0x64: {  	_ =	shalt  }
0x65: {  	_ =	shalt  }
0x66: {  	_ =	shalt  }
0x67: {  	_ =	shalt  }
0x68: {  	_ =	shalt  }
0x69: {  	_ =	shalt  }
0x6a: {  	_ =	shalt  }
0x6b: {  	_ =	shalt  }
0x6c: {  	_ =	shalt  }
0x6d: {  	_ =	shalt  }
0x6e: {  	_ =	shalt  }
0x6f: {  	_ =	shalt  }
0x70: {  	_ =	shalt  }
0x71: {  	_ =	shalt  }
0x72: {  	_ =	shalt  }
0x73: {  	_ =	shalt  }
0x74: {  	_ =	shalt  }
0x75: {  	_ =	shalt  }
0x76: {  	_ =	shalt  }
0x77: {  	_ =	shalt  }
0x78: {  	_ =	shalt  }
0x79: {  	_ =	shalt  }
0x7a: {  	_ =	shalt  }
0x7b: {  	_ =	shalt  }
0x7c: {  	_ =	shalt  }
0x7d: {  	_ =	shalt  }
0x7e: {  	_ =	shalt  }
0x7f: {  	_ =	shalt  }
0x80: {  	_ =	shalt  }
0x81: {  	_ =	shalt  }
0x82: {  	_ =	shalt  }
0x83: {  	_ =	shalt  }
0x84: {  	_ =	shalt  }
0x85: {  	_ =	shalt  }
0x86: {  	_ =	shalt  }
0x87: {  	_ =	shalt  }
.Lfunc_end0:
.L_simem_size_0:
called_computation_lowered:
.L_overlay_start_0:
0x88: {  	s2 =	sld [smem:$0x3FD9]  }
0x89: {  	s3 =	sld [smem:$0x3FFE];
	_ =	sdelay $0x1  }
0x8a: {  	s1 =	srdreg.scid  }
0x8b: {  	s0 =	sand.u32 $0x1, s1  }
0x8c: {  	s14 =	sshll.u32 s0, $0xA;
	s2 =	sadd.s32 s3, s2  }
0x8d: {  	s2 =	sadd.s32 s2, s14  }
0x8e: {  	[smem:$0x3FAE] =	sst s2  }
0x8f: {  	_ = 	snop  }
0x90: {  	s2 =	sld [smem:$0x3FD0];
	_ =	sdelay $0x2  }
0x91: {  	s15 =	simm.s32 $0xA;
	s4 =	simm.s32 $0x10  }
0x92: {  	[smem:s4], [sflag:s15] =	dma.local [hbm:s2], $0x1  }
0x93: {  	_ =	swait.eq [sflag:s15], $0x1  }
0x94: {  	[sflag:s15] =	ssyncset.done $0x0  }
0x95: {  	s16 =	sld [smem:$0x10];
	[sflag:s15] =	ssyncadd.s32 $0xFFFFFFFF  }
0x96: {  	s17 =	sld [smem:$0x11];
	(tm) =	ssettm $0x1  }
0x97: {  	s18 =	sld [smem:$0x3FFB];
	_ =	sdelay $0x3  }
0x98: {  	_ =	strace s18  }
0x99: {  	s4 =	sld [smem:$0x3FFC];
	_ =	sdelay $0x3  }
0x9a: {  	_ =	strace s4  }
0x9b: {  	s4 =	sld [smem:$0x3FFD];
	_ =	sdelay $0x3  }
0x9c: {  	_ =	strace s4  }
0x9d: {  	_ =	strace $0x8FFFFFFF  }
0x9e: {  	s19 =	sld [smem:$0x3FDB];
	_ =	sdelay $0x1  }
0x9f: {  	s5 =	simm.s32 $_scs_section_size  }
0xa0: {  	s6 =	simm.s32 $_size__tile_overlayer_lowered;
	s7 =	simm.s32 $_tile_overlayer_lowered  }
0xa1: {  	s22 =	simm.s32 $0x1BFF;
	s21 =	sshll.u32 s7, $0x1;
	s4 =	sadd.s32 s5, s19  }
0xa2: {  	s8 =	simm.s32 $0x0;
	s20 =	sshll.u32 s6, $0x1;
	s6 =	sadd.s32 s21, s4  }
0xa3: {  	[timem:s8], [sflag:s22] =	dma.local [hbm:s6], s20  }
0xa4: {  	_ =	swait.ge [sflag:s22], s20  }
0xa5: {  	s5 =	ssub.s32 $0x0, s20;
	[sflag:s22] =	ssyncset.done $0x0  }
0xa6: {  	[sflag:s22] =	ssyncadd.s32 s5;
	_ =	sdelay $0x1  }
0xa7: {  	s23 =	simm.s32 $0x1B8B  }
0xa8: {  	_ =	swait.ge [sflag:s23], $0x1  }
0xa9: {  	[sflag:s23] =	ssyncset.done $0x0  }
0xaa: {  	s25 =	simm.s32 $0x1B8E;
	s24 =	sld [smem:$0x3FFE];
	[sflag:s23] =	ssyncadd.s32 $0xFFFFFFFF  }
0xab: {  	s26 =	simm.s32 $execute0_lowered;
	[smem:$0x3FD2] =	sst s25  }
0xac: {  	s6 =	sshll.u32 s26, $0x1;
	_ =	strace $0x80000046;
	[dreg:$0x1] =	wrdreg $0xFFFFFFFF  }
0xad: {  	s28 =	simm.s32 $_size_execute0_lowered;
	s4 =	sadd.s32 s4, s6;
	[dreg:$0x0] =	wrdreg $0x0  }
0xae: {  	s6 =	sshll.u32 s28, $0x1;
	[dreg:$0x2] =	wrdreg s4  }
0xaf: {  	[dreg:$0x3] =	wrdreg s6  }
0xb0: {  	[dreg:$0x4] =	wrdreg $0xC0  }
0xb1: {  	_ =	task [dreg:s8], $0x5FFFF  }
0xb2: {  	[dreg:$0x1] =	wrdreg $0xFFFFFFFF  }
0xb3: {  	[dreg:$0x0] =	wrdreg $0x60  }
0xb4: {  	[dreg:$0x2] =	wrdreg s24  }
0xb5: {  	[dreg:$0x3] =	wrdreg s16  }
0xb6: {  	[dreg:$0x4] =	wrdreg s17  }
0xb7: {  	[dreg:$0x5] =	wrdreg $0xA8000  }
0xb8: {  	[dreg:$0x6] =	wrdreg $0x9  }
0xb9: {  	_ =	task.clear_ibuf [dreg:s8], $0x7FFFF;
	_ =	strace $0x90000046  }
0xba: {  	s29 =	simm.s32 $0x9;
	_ =	strace $0x80000048  }
0xbb: {  	_ =	swait.ge [sflag:s29], $0x1  }
0xbc: {  	[sflag:s29] =	ssyncadd.s32 $0xFFFFFFFF  }
0xbd: {  	_ =	strace $0x90000048  }
0xbe: {  	_ =	sfence  }
0xbf: {  	s30 =	sld [smem:$0x0];
	_ =	sdelay $0x2  }
0xc0: {  	s31 =	sshll.u32 s1, $0xD;
	s1 =	sshrl.u32 s1, $0x2  }
0xc1: {  	s3 =	sand.u32 $0x4000, s31;
	s1 =	sadd.s32 s1, s30  }
0xc2: {  	s0 =	sor.u32 s3, s0;
	s1 =	sshll.u32 s1, $0x11  }
0xc3: {  	s0 =	sor.u32 s1, s0  }
0xc4: {  	s0 =	sadd.s32 $0x8F2B, s0  }
0xc5: {  	[sflag:s0] =	ssyncadd.remote.s32 $0x1  }
0xc6: {  	_ =	sfence.sel $0xFFFF  }
0xc7: {  	[dreg:$0x0] =	wrdreg $0xFFFFFFFF;
	(pc) =	sbr.abs _section_cstart, $3  }
0xc8: {  	[dreg:$0x1] =	wrdreg $0xFFFFFFFF  }
0xc9: {  	_ =	task.clear_ibuf [dreg:s8], $0x2FFFF;
	_ =	strace $0x9FFFFFFF  }
0xca: {  	(tm) =	ssettm $0x7FFFFFFF  }
0xcb: {  	_ =	shalt  }
tec
execute0_lowered:
.L_overlay_start_1:
0x0: {  	(tag) =	ssettag $0x1  }
0x1: {  	s6 =	rddreg [dreg:$0x0]  }
0x2: {  	s2 =	rddreg [dreg:$0x1]  }
0x3: {  	s3 =	rddreg [dreg:$0x2]  }
0x4: {  	s4 =	rddreg [dreg:$0x3];
	s5 =	srdreg.scid  }
0x5: {  	s1 =	stileid.u32;
	s0 =	rddreg [dreg:$0x4];
	s20 =	simm.s32 $0x3  }
0x6: {  	s21 =	simm.s32 $0x2800;
	s22 =	simm.s32 $0x80;
	s23 =	simm.s32 $0x1  }
0x7: {  	s24 =	simm.s32 $0x2;
	s25 =	simm.s32 $0x6800;
	s26 =	simm.s32 $0x0  }
0x8: {  	s7 =	sand.u32 $0x1, s5;
	s8 =	smul.u32 $0x280, s1;
	s5 =	simm.s32 $0x0  }
0x9: {  	s28 =	smul.u32 $0x50000, s1;
	s31 =	sshll.u32 s1, $0x6;
	s9 =	sshll.u32 s7, $0x4  }
0xa: {  	s10 =	smul.u32 $0x2800, s7;
	[smem:$0x7FF] =	sst s5;
	s7 =	ssub.s32 $0x2, s7  }
0xb: {  	s9 =	sor.u32 s1, s9;
	_ =	strace $0x80000047;
	s29 =	sshrl.u32 s7, $0x1  }
0xc: {  	s30 =	sshrl.u32 s28, $0x2;
	s9 =	smul.u32 $0x500, s9;
	s8 =	sadd.s32 s8, s10  }
0xd: {  	s18 =	ssub.s32 s7, s29;
	s7 =	sor.u32 $0x1C03, s31;
	s8 =	sshll.u32 s8, $0x4  }
0xe: {  	s18 =	smax.u32 s18, $0x1;
	s9 =	sadd.s32 s9, s6;
	s17 =	sadd.s32 s8, s6  }
0xf: {  	s6 =	sadd.s32 s30, s4;
	s8 =	sadd.s32 $0x10A00, s9;
	s9 =	sadd.s32 $0x1AA00, s17  }
0x10: {  	s10 =	sadd.s32 $0x4000, s6;
	s11 =	sadd.s32 $0x1B200, s17;
	s12 =	sadd.s32 $0x8000, s6  }
0x11: {  	s13 =	sadd.s32 $0x1BA00, s17;
	s14 =	sadd.s32 $0xC000, s6;
	s15 =	sadd.s32 $0x1C200, s17  }
0x12: {  	s16 =	sadd.s32 $0x10000, s6;
	s17 =	sadd.s32 $0x1CA00, s17;
	s19 =	sshrl.u32 s6, $0x3  }
.LBB2_1:
0x13: {  	[spmem:s19], [sflag:s7] =	dma.local [hbm:s2], $0x2800  }
0x14: {  	_ =	swait.ge [sflag:s20], $0x2800  }
0x15: {  	[sflag:s20] =	ssyncset.done $0x0  }
0x16: {  	[sflag:s20] =	ssyncadd.s32 $0xFFFFD800  }
0x17: {  	[tilespmem:s5], [sflag:$0x3] =	stream.linear.gather [hbm4b:s8+s5], $0x2800, $0x38;
	[tilespmem:$0x1E800] =	vst v63  }
0x18: {  	_ =	swait.ge [sflag:s20], $0x2800  }
0x19: {  	[sflag:s20] =	ssyncset.done $0x0  }
0x1a: {  	[sflag:s20] =	ssyncadd.s32 $0xFFFFD800  }
0x1b: {  	[tilespmem:s21], [sflag:$0x3] =	stream.linear.gather [hbm4b:s3+s5], $0x4000, $0x38;
	[tilespmem:$0x1E800] =	vst v63  }
0x1c: {  	_ =	swait.ge [sflag:s20], $0x4000  }
0x1d: {  	[sflag:s20] =	ssyncset.done $0x0  }
0x1e: {  	[sflag:s20] =	ssyncadd.s32 $0xFFFFC000  }
0x1f: {  	s28 =	sand.u32 $0x1, s24;
	[bflag:$0x0] =	sbarrier.arrive $0xFFFF  }
0x20: {  	[spmem:s4] =	stream.indirect.scatter.add.f32 [tilespmem:s21], [sflag:$0x1], $0x80, s5, s22, $0xb8;
	[tilespmem:$0x1E800] =	vst v63  }
0x21: {  	s29 =	sadd.s32 $0x1, s28  }
0x22: {  	[spmem:s4] =	stream.indirect.scatter.add.f32 [tilespmem:s21], [sflag:$0x2], $0x80, s22, s22, $0xb8;
	[tilespmem:$0x1E800] =	vst v63  }
0x23: {  	_ =	swait.ge [sflag:s29], $0x4000  }
0x24: {  	s30 =	simm.s32 $0x3;
	[sflag:s29] =	ssyncset.done $0x0  }
0x25: {  	s28 =	simm.s32 $0x100;
	s30 =	sand.u32 $0x1, s30;
	[sflag:s29] =	ssyncadd.s32 $0xFFFFC000  }
0x26: {  	[spmem:s4] =	stream.indirect.scatter.add.f32 [tilespmem:s21], [sflag:s29], $0x80, s28, s22, $0xb8;
	[tilespmem:$0x1E800] =	vst v63  }
0x27: {  	s29 =	sadd.s32 $0x1, s30  }
0x28: {  	s30 =	simm.s32 $0x4;
	_ =	swait.ge [sflag:s29], $0x4000  }
.LBB2_2:
0x29: {  	s31 =	sand.u32 $0x1, s30  }
0x2a: {  	[sflag:s29] =	ssyncset.done $0x0;
	s28 =	sadd.s32 $0x80, s28;
	p0 =	sne.s32 s30, $0x4F  }
.Ltmp0:
0x2b: {  	s31 =	sadd.s32 $0x1, s31;
	[sflag:s29] =	ssyncadd.s32 $0xFFFFC000;
	(pc) =	sbr.rel @p0 .LBB2_2-.Ltmp0, $3  }
0x2c: {  	[spmem:s4] =	stream.indirect.scatter.add.f32 [tilespmem:s21], [sflag:s29], $0x80, s28, s22, $0xb8;
	[tilespmem:$0x1E800] =	vst v63  }
0x2d: {  	s29 =	smov.u32 s31;
	_ =	swait.ge [sflag:s31], $0x4000;
	_ =	sdelay $0x1  }
0x2e: {  	s30 =	sadd.s32 $0x1, s30  }
0x2f: {  	[sflag:s29] =	ssyncset.done $0x0  }
0x30: {  	s28 =	sadd.s32 $0x80, s28;
	[sflag:s29] =	ssyncadd.s32 $0xFFFFC000  }
0x31: {  	[spmem:s4] =	stream.indirect.scatter.add.f32 [tilespmem:s21], [sflag:s29], $0x80, s28, s22, $0xb8;
	[tilespmem:$0x1E800] =	vst v63  }
0x32: {  	_ =	swait.ge [sflag:s23], $0x4000  }
0x33: {  	[sflag:s23] =	ssyncset.done $0x0  }
0x34: {  	[sflag:s23] =	ssyncadd.s32 $0xFFFFC000  }
0x35: {  	_ =	swait.ge [sflag:s24], $0x4000  }
0x36: {  	[sflag:s24] =	ssyncset.done $0x0  }
0x37: {  	[sflag:s24] =	ssyncadd.s32 $0xFFFFC000  }
0x38: {  	[bflag:$0x0] =	sbarrier.arrive $0xFFFF  }
0x39: {  	[tilespmem:s25], [sflag:$0x3] =	stream.linear.gather [spmem:s6], $0x4000, $0x38;
	[tilespmem:$0x1E800] =	vst v63  }
0x3a: {  	_ =	swait.ge [sflag:s20], $0x4000  }
0x3b: {  	[sflag:s20] =	ssyncset.done $0x0  }
0x3c: {  	[sflag:s20] =	ssyncadd.s32 $0xFFFFC000  }
0x3d: {  	[hbm4b:s9+s5] =	stream.linear.scatter [tilespmem:s25], [sflag:$0x1], $0x4000, $0x38;
	[tilespmem:$0x1E800] =	vst v63  }
0x3e: {  	_ = 	snop  }
0x3f: {  	[tilespmem:s21], [sflag:$0x3] =	stream.linear.gather [spmem:s10], $0x4000, $0x38;
	[tilespmem:$0x1E800] =	vst v63  }
0x40: {  	_ =	swait.ge [sflag:s20], $0x4000  }
0x41: {  	[sflag:s20] =	ssyncset.done $0x0  }
0x42: {  	[sflag:s20] =	ssyncadd.s32 $0xFFFFC000  }
0x43: {  	[hbm4b:s11+s5] =	stream.linear.scatter [tilespmem:s21], [sflag:$0x2], $0x4000, $0x38;
	[tilespmem:$0x1E800] =	vst v63  }
0x44: {  	_ =	swait.ge [sflag:s23], $0x4000  }
0x45: {  	[sflag:s23] =	ssyncset.done $0x0  }
0x46: {  	[sflag:s23] =	ssyncadd.s32 $0xFFFFC000  }
0x47: {  	[tilespmem:s25], [sflag:$0x3] =	stream.linear.gather [spmem:s12], $0x4000, $0x38;
	[tilespmem:$0x1E800] =	vst v63  }
0x48: {  	_ =	swait.ge [sflag:s20], $0x4000  }
0x49: {  	[sflag:s20] =	ssyncset.done $0x0  }
0x4a: {  	[sflag:s20] =	ssyncadd.s32 $0xFFFFC000  }
0x4b: {  	[hbm4b:s13+s5] =	stream.linear.scatter [tilespmem:s25], [sflag:$0x1], $0x4000, $0x38;
	[tilespmem:$0x1E800] =	vst v63  }
0x4c: {  	_ =	swait.ge [sflag:s24], $0x4000  }
0x4d: {  	[sflag:s24] =	ssyncset.done $0x0  }
0x4e: {  	[sflag:s24] =	ssyncadd.s32 $0xFFFFC000  }
0x4f: {  	[tilespmem:s21], [sflag:$0x3] =	stream.linear.gather [spmem:s14], $0x4000, $0x38;
	[tilespmem:$0x1E800] =	vst v63  }
0x50: {  	_ =	swait.ge [sflag:s20], $0x4000  }
0x51: {  	[sflag:s20] =	ssyncset.done $0x0  }
0x52: {  	[sflag:s20] =	ssyncadd.s32 $0xFFFFC000  }
0x53: {  	[hbm4b:s15+s5] =	stream.linear.scatter [tilespmem:s21], [sflag:$0x2], $0x4000, $0x38;
	[tilespmem:$0x1E800] =	vst v63  }
0x54: {  	_ =	swait.ge [sflag:s23], $0x4000  }
0x55: {  	[sflag:s23] =	ssyncset.done $0x0  }
0x56: {  	[sflag:s23] =	ssyncadd.s32 $0xFFFFC000  }
0x57: {  	[tilespmem:s25], [sflag:$0x3] =	stream.linear.gather [spmem:s16], $0x4000, $0x38;
	[tilespmem:$0x1E800] =	vst v63  }
0x58: {  	_ =	swait.ge [sflag:s20], $0x4000  }
0x59: {  	[sflag:s20] =	ssyncset.done $0x0  }
0x5a: {  	s26 =	sadd.s32 $0x1, s26;
	[sflag:s20] =	ssyncadd.s32 $0xFFFFC000  }
0x5b: {  	[hbm4b:s17+s5] =	stream.linear.scatter [tilespmem:s25], [sflag:$0x1], $0x4000, $0x38;
	[tilespmem:$0x1E800] =	vst v63  }
0x5c: {  	p0 =	sne.s32 s26, s18;
	_ =	swait.ge [sflag:s24], $0x4000  }
.Ltmp1:
0x5d: {  	[sflag:s24] =	ssyncset.done $0x0;
	(pc) =	sbr.rel @p0 .LBB2_1-.Ltmp1, $4  }
0x5e: {  	[sflag:s24] =	ssyncadd.s32 $0xFFFFC000  }
0x5f: {  	_ =	swait.ge [sflag:s23], $0x4000  }
0x60: {  	[sflag:s23] =	ssyncset.done $0x0  }
0x61: {  	[sflag:s23] =	ssyncadd.s32 $0xFFFFC000  }
0x62: {  	_ =	sfence.sel $0x180000  }
0x63: {  	[bflag:$0x0] =	sbarrier.arrive $0xFFFF  }
0x64: {  	p0 =	sne.s32 s1, $0x0;
	_ =	strace $0x90000047  }
0x65: {  	s0 =	sadd.s32 @!p0 $0x100000, s0;
	[bflag:$0x2] =	sbarrier.arrive $0xFFFF  }
0x66: {  	[sflag:s0] =	ssyncadd.tile.s32 @!p0 $0x1;
	_ =	shalt  }
.Lfunc_end2:
_tile_overlayer_lowered:
.L_overlay_start_2:
0x67: {  	(tag) =	ssettag $0x2  }
0x68: {  	s0 =	rddreg [dreg:$0x0];
	s2 =	stileid.u32  }
0x69: {  	s1 =	rddreg [dreg:$0x1];
	p0 =	sne.s32 s2, $0x0  }
0x6a: {  	s3 =	rddreg [dreg:$0x2];
	[bflag:$0x3] =	sbarrier.arrive $0xFFFF;
	s2 =	simm.s32 @!p0 $0x1C03  }
0x6b: {  	[timem:s3], [sflag:s2] =	dma.local @!p0 [hbm:s0], s1  }
0x6c: {  	s0 =	simm.s32 @!p0 $0x3  }
0x6d: {  	_ =	swait.ge @!p0 [sflag:s0], s1  }
0x6e: {  	s1 =	ssub.s32 @!p0 $0x0, s1;
	[sflag:s0] =	ssyncset.done @!p0 $0x0  }
0x6f: {  	[sflag:s0] =	ssyncadd.s32 @!p0 s1  }
0x70: {  	[bflag:$0x3] =	sbarrier.arrive $0xFFFF  }
0x71: {  	_ =	shalt  }

// kernel: kernel.15.cloned.1.call-start
scs
__scs_entry_jumppad:
0x0: {  	(pc) =	sbr.rel $0x88, $3  }
0x1: {  	(tag) =	ssettag $0x0;
	lr =	simm.s32 $0x1  }
0x2: {  	[smem:$0x3F87] =	sst lr;
	_ =	strace $0xD0000000  }
0x3: {  	_ = 	snop  }
0x4: {  	_ = 	snop  }
0x5: {  	_ = 	snop  }
0x6: {  	_ = 	snop  }
0x7: {  	_ = 	snop  }
__scs_overlays_trampoline_lowered:
0x8: {  	[smem:$0x3F96] =	sst s0  }
0x9: {  	[smem:$0x3F97] =	sst s1  }
0xa: {  	[smem:$0x3F98] =	sst s2  }
0xb: {  	[smem:$0x3F99] =	sst s3  }
0xc: {  	[smem:$0x3F9A] =	sst s4  }
0xd: {  	[smem:$0x3F9B] =	sst s5  }
0xe: {  	[smem:$0x3F9C] =	sst s6  }
0xf: {  	[smem:$0x3F9D] =	sst s7  }
0x10: {  	[smem:$0x3F9E] =	sst s8  }
0x11: {  	[smem:$0x3F9F] =	sst s9;
	s0 =	simm.s32 @!p0 $0x0  }
0x12: {  	s1 =	sld [smem:$0x3F85];
	s0 =	simm.s32 @p0 $0x1  }
0x13: {  	[smem:$0x3FA0] =	sst s0;
	s0 =	simm.s32 @!p1 $0x0  }
0x14: {  	s2 =	sld [smem:$0x3F84];
	s0 =	simm.s32 @p1 $0x1  }
0x15: {  	[smem:$0x3FA1] =	sst s0;
	s0 =	simm.s32 @!p2 $0x0  }
0x16: {  	s3 =	sld [smem:$0x3FDB];
	s0 =	simm.s32 @p2 $0x1  }
0x17: {  	s4 =	simm.s32 $0x1BF5;
	[smem:$0x3FA3] =	sst s0  }
0x18: {  	s0 =	sld [smem:$0x3F86];
	_ =	swait.ge [sflag:s4], $0x0  }
0x19: {  	s7 =	sld [smem:$0x3F87]  }
0x1a: {  	s8 =	sadd.s32 $0xFFFFE003, lr  }
0x1b: {  	s9 =	sadd.s32 $0xFFFFFEF7, lr;
	s5 =	simm.s32 $0xFFFFFFFF;
	p2 =	slt.u32 s8, $0xFFFFF086  }
0x1c: {  	p1 =	slt.u32 s9, $0xF7A;
	s5 =	simm.s32 @!p2 $0x0  }
0x1d: {  	s5 =	simm.s32 @p1 $0x1;
	p0 =	seq.s32 s7, s2  }
0x1e: {  	s7 =	smul.u32 @!p0 $0xF7A, s2;
	p2 =	seq.s32 @!p0 s5, $0x0  }
0x1f: {  	s9 =	smul.u32 $0xF7A, s1;
	s8 =	simm.s32 @!p0 $0x1BF5;
	p2 =	por !p2, p0  }
0x20: {  	[sflag:s8] =	ssyncset.s32 @!p0 $0xFFFFF086;
	s6 =	sadd.s32 @!p0 s3, s7;
	s7 =	simm.s32 @!p0 $0x108  }
0x21: {  	s3 =	sadd.s32 s3, s9;
	s6 =	sadd.s32 @!p0 $0x88, s6;
	s7 =	simm.s32 @p2 $0x1082  }
0x22: {  	[simem:s7], [sflag:s8] =	dma.local @!p0 [hbm:s6], $0xF7A  }
0x23: {  	s9 =	sor.u32 $0xD0000000, s2;
	s6 =	simm.s32 $0x108;
	_ =	swait.ge @!p0 [sflag:s8], $0x0  }
0x24: {  	s3 =	sadd.s32 $0x88, s3;
	s6 =	simm.s32 @!p1 $0x1082;
	[sflag:s4] =	ssyncset.s32 $0xFFFFF086  }
0x25: {  	[simem:s6], [sflag:s4] =	dma.local [hbm:s3], $0xF7A  }
0x26: {  	[smem:$0x3F87] =	sst s1;
	(tag) =	ssettag s2;
	_ =	strace s9  }
0x27: {  	s1 =	sld [smem:$0x3F97]  }
0x28: {  	s2 =	sld [smem:$0x3F98]  }
0x29: {  	s4 =	sld [smem:$0x3F9A]  }
0x2a: {  	p0 =	seq.s32 s5, $0x0;
	s5 =	sld [smem:$0x3F9B]  }
0x2b: {  	s6 =	sld [smem:$0x3F9C]  }
0x2c: {  	s7 =	sld [smem:$0x3F9D]  }
0x2d: {  	s3 =	simm.s32 $0x108;
	s8 =	sld [smem:$0x3F9E]  }
0x2e: {  	s3 =	simm.s32 @!p0 $0x1082;
	s9 =	sld [smem:$0x3F9F]  }
0x2f: {  	lr =	sadd.s32 s0, s3;
	s0 =	sld [smem:$0x3F96]  }
0x30: {  	s3 =	sld [smem:$0x3F99]  }
0x31: {  	[smem:$0x3FA2] =	sst s10  }
0x32: {  	s10 =	sld [smem:$0x3FA0];
	_ =	sdelay $0x3  }
0x33: {  	p0 =	seq.s32 s10, $0x1;
	s10 =	sld [smem:$0x3FA2];
	_ =	sdelay $0x3  }
0x34: {  	[smem:$0x3FA2] =	sst s10  }
0x35: {  	s10 =	sld [smem:$0x3FA1];
	_ =	sdelay $0x3  }
0x36: {  	p1 =	seq.s32 s10, $0x1;
	s10 =	sld [smem:$0x3FA2];
	_ =	sdelay $0x3  }
0x37: {  	[smem:$0x3FA2] =	sst s10  }
0x38: {  	s10 =	sld [smem:$0x3FA3]  }
0x39: {  	_ = 	snop;
	(pc) =	sbr.ind lr, $3  }
0x3a: {  	_ = 	snop  }
0x3b: {  	_ = 	snop  }
0x3c: {  	p2 =	seq.s32 s10, $0x1;
	s10 =	sld [smem:$0x3FA2]  }
0x3d: {  	_ =	shalt  }
0x3e: {  	_ =	shalt  }
0x3f: {  	_ =	shalt  }
0x40: {  	_ =	shalt  }
0x41: {  	_ =	shalt  }
0x42: {  	_ =	shalt  }
0x43: {  	_ =	shalt  }
0x44: {  	_ =	shalt  }
0x45: {  	_ =	shalt  }
0x46: {  	_ =	shalt  }
0x47: {  	_ =	shalt  }
0x48: {  	_ =	shalt  }
0x49: {  	_ =	shalt  }
0x4a: {  	_ =	shalt  }
0x4b: {  	_ =	shalt  }
0x4c: {  	_ =	shalt  }
0x4d: {  	_ =	shalt  }
0x4e: {  	_ =	shalt  }
0x4f: {  	_ =	shalt  }
0x50: {  	_ =	shalt  }
0x51: {  	_ =	shalt  }
0x52: {  	_ =	shalt  }
0x53: {  	_ =	shalt  }
0x54: {  	_ =	shalt  }
0x55: {  	_ =	shalt  }
0x56: {  	_ =	shalt  }
0x57: {  	_ =	shalt  }
0x58: {  	_ =	shalt  }
0x59: {  	_ =	shalt  }
0x5a: {  	_ =	shalt  }
0x5b: {  	_ =	shalt  }
0x5c: {  	_ =	shalt  }
0x5d: {  	_ =	shalt  }
0x5e: {  	_ =	shalt  }
0x5f: {  	_ =	shalt  }
0x60: {  	_ =	shalt  }
0x61: {  	_ =	shalt  }
0x62: {  	_ =	shalt  }
0x63: {  	_ =	shalt  }
0x64: {  	_ =	shalt  }
0x65: {  	_ =	shalt  }
0x66: {  	_ =	shalt  }
0x67: {  	_ =	shalt  }
0x68: {  	_ =	shalt  }
0x69: {  	_ =	shalt  }
0x6a: {  	_ =	shalt  }
0x6b: {  	_ =	shalt  }
0x6c: {  	_ =	shalt  }
0x6d: {  	_ =	shalt  }
0x6e: {  	_ =	shalt  }
0x6f: {  	_ =	shalt  }
0x70: {  	_ =	shalt  }
0x71: {  	_ =	shalt  }
0x72: {  	_ =	shalt  }
0x73: {  	_ =	shalt  }
0x74: {  	_ =	shalt  }
0x75: {  	_ =	shalt  }
0x76: {  	_ =	shalt  }
0x77: {  	_ =	shalt  }
0x78: {  	_ =	shalt  }
0x79: {  	_ =	shalt  }
0x7a: {  	_ =	shalt  }
0x7b: {  	_ =	shalt  }
0x7c: {  	_ =	shalt  }
0x7d: {  	_ =	shalt  }
0x7e: {  	_ =	shalt  }
0x7f: {  	_ =	shalt  }
0x80: {  	_ =	shalt  }
0x81: {  	_ =	shalt  }
0x82: {  	_ =	shalt  }
0x83: {  	_ =	shalt  }
0x84: {  	_ =	shalt  }
0x85: {  	_ =	shalt  }
0x86: {  	_ =	shalt  }
0x87: {  	_ =	shalt  }
.Lfunc_end0:
.L_simem_size_0:
called_computation.1_lowered:
.L_overlay_start_0:
0x88: {  	s2 =	sld [smem:$0x3FD9]  }
0x89: {  	s3 =	sld [smem:$0x3FFE];
	_ =	sdelay $0x1  }
0x8a: {  	s1 =	srdreg.scid  }
0x8b: {  	s0 =	sand.u32 $0x1, s1  }
0x8c: {  	s14 =	sshll.u32 s0, $0xA;
	s2 =	sadd.s32 s3, s2  }
0x8d: {  	s2 =	sadd.s32 s2, s14  }
0x8e: {  	[smem:$0x3FAE] =	sst s2  }
0x8f: {  	_ = 	snop  }
0x90: {  	s2 =	sld [smem:$0x3FD0];
	_ =	sdelay $0x2  }
0x91: {  	s15 =	simm.s32 $0xA;
	s4 =	simm.s32 $0x10  }
0x92: {  	[smem:s4], [sflag:s15] =	dma.local [hbm:s2], $0x1  }
0x93: {  	_ =	swait.eq [sflag:s15], $0x1  }
0x94: {  	[sflag:s15] =	ssyncset.done $0x0  }
0x95: {  	[sflag:s15] =	ssyncadd.s32 $0xFFFFFFFF  }
0x96: {  	s16 =	sld [smem:$0x10];
	(tm) =	ssettm $0x1  }
0x97: {  	s17 =	sld [smem:$0x3FFB];
	_ =	sdelay $0x3  }
0x98: {  	_ =	strace s17  }
0x99: {  	s3 =	sld [smem:$0x3FFC];
	_ =	sdelay $0x3  }
0x9a: {  	_ =	strace s3  }
0x9b: {  	s3 =	sld [smem:$0x3FFD];
	_ =	sdelay $0x3  }
0x9c: {  	_ =	strace s3  }
0x9d: {  	_ =	strace $0x8FFFFFFF  }
0x9e: {  	s18 =	sld [smem:$0x3FDB];
	_ =	sdelay $0x1  }
0x9f: {  	s19 =	simm.s32 $_scs_section_size  }
0xa0: {  	s5 =	simm.s32 $_size__tile_overlayer_lowered;
	s6 =	simm.s32 $_tile_overlayer_lowered  }
0xa1: {  	s22 =	simm.s32 $0x1BFF;
	s21 =	sshll.u32 s6, $0x1;
	s3 =	sadd.s32 s19, s18  }
0xa2: {  	s7 =	simm.s32 $0x0;
	s20 =	sshll.u32 s5, $0x1;
	s5 =	sadd.s32 s21, s3  }
0xa3: {  	[timem:s7], [sflag:s22] =	dma.local [hbm:s5], s20  }
0xa4: {  	_ =	swait.ge [sflag:s22], s20  }
0xa5: {  	s4 =	ssub.s32 $0x0, s20;
	[sflag:s22] =	ssyncset.done $0x0  }
0xa6: {  	[sflag:s22] =	ssyncadd.s32 s4;
	_ =	sdelay $0x1  }
0xa7: {  	s23 =	simm.s32 $0x1B8B  }
0xa8: {  	_ =	swait.ge [sflag:s23], $0x1  }
0xa9: {  	[sflag:s23] =	ssyncset.done $0x0  }
0xaa: {  	s25 =	simm.s32 $0x1B8E;
	s24 =	sld [smem:$0x3FFE];
	[sflag:s23] =	ssyncadd.s32 $0xFFFFFFFF  }
0xab: {  	s26 =	simm.s32 $execute0_lowered;
	[smem:$0x3FD2] =	sst s25  }
0xac: {  	s5 =	sshll.u32 s26, $0x1;
	_ =	strace $0x80000049;
	[dreg:$0x1] =	wrdreg $0xFFFFFFFF  }
0xad: {  	s28 =	simm.s32 $_size_execute0_lowered;
	s3 =	sadd.s32 s3, s5;
	[dreg:$0x0] =	wrdreg $0x0  }
0xae: {  	s5 =	sshll.u32 s28, $0x1;
	[dreg:$0x2] =	wrdreg s3  }
0xaf: {  	[dreg:$0x3] =	wrdreg s5  }
0xb0: {  	[dreg:$0x4] =	wrdreg $0xC0  }
0xb1: {  	_ =	task [dreg:s7], $0x5FFFF  }
0xb2: {  	[dreg:$0x1] =	wrdreg $0xFFFFFFFF  }
0xb3: {  	[dreg:$0x0] =	wrdreg $0x60  }
0xb4: {  	[dreg:$0x2] =	wrdreg s24  }
0xb5: {  	[dreg:$0x3] =	wrdreg s16  }
0xb6: {  	[dreg:$0x4] =	wrdreg $0x84000  }
0xb7: {  	[dreg:$0x5] =	wrdreg $0x9  }
0xb8: {  	_ =	task.clear_ibuf [dreg:s7], $0x6FFFF;
	_ =	strace $0x90000049  }
0xb9: {  	s29 =	simm.s32 $0x9;
	_ =	strace $0x8000004B  }
0xba: {  	_ =	swait.ge [sflag:s29], $0x1  }
0xbb: {  	[sflag:s29] =	ssyncadd.s32 $0xFFFFFFFF  }
0xbc: {  	_ =	strace $0x9000004B  }
0xbd: {  	_ =	sfence  }
0xbe: {  	s30 =	sld [smem:$0x0];
	_ =	sdelay $0x2  }
0xbf: {  	s31 =	sshll.u32 s1, $0xD;
	s1 =	sshrl.u32 s1, $0x2  }
0xc0: {  	s3 =	sand.u32 $0x4000, s31;
	s1 =	sadd.s32 s1, s30  }
0xc1: {  	s0 =	sor.u32 s3, s0;
	s1 =	sshll.u32 s1, $0x11  }
0xc2: {  	s0 =	sor.u32 s1, s0  }
0xc3: {  	s0 =	sadd.s32 $0x8F2B, s0  }
0xc4: {  	[sflag:s0] =	ssyncadd.remote.s32 $0x1  }
0xc5: {  	_ =	sfence.sel $0xFFFF  }
0xc6: {  	[dreg:$0x0] =	wrdreg $0xFFFFFFFF;
	(pc) =	sbr.abs _section_cstart, $3  }
0xc7: {  	[dreg:$0x1] =	wrdreg $0xFFFFFFFF  }
0xc8: {  	_ =	task.clear_ibuf [dreg:s7], $0x2FFFF;
	_ =	strace $0x9FFFFFFF  }
0xc9: {  	(tm) =	ssettm $0x7FFFFFFF  }
tec
execute0_lowered:
.L_overlay_start_1:
0x0: {  	(tag) =	ssettag $0x1  }
0x1: {  	s0 =	rddreg [dreg:$0x0]  }
0x2: {  	s2 =	rddreg [dreg:$0x2]  }
0x3: {  	s4 =	simm.s32 $0x0;
	s1 =	srdreg.scid;
	s12 =	stileid.u32  }
0x4: {  	s28 =	simm.s32 $0x80;
	s30 =	simm.s32 $0x1;
	s31 =	simm.s32 $0x4  }
0x5: {  	s29 =	simm.s32 $0x0;
	[smem:$0x7FF] =	sst s4;
	s1 =	sand.u32 $0x1, s1  }
0x6: {  	s5 =	sadd.s32 $0x1AA00, s0;
	s9 =	smul.u32 $0x50, s12;
	s6 =	sadd.s32 $0x6A00, s0  }
0x7: {  	s10 =	smul.u32 $0x50000, s12;
	s7 =	sadd.s32 $0x10A00, s0;
	s0 =	sadd.s32 $0x6AA00, s0  }
0x8: {  	s11 =	smul.u32 $0x280, s12;
	s23 =	sshll.u32 s12, $0x6;
	_ =	strace $0x8000004A  }
0x9: {  	s3 =	ssub.s32 $0x2, s1;
	p0 =	seq.s32 s1, $0x0;
	s1 =	smul.u32 $0x2800, s1  }
0xa: {  	s8 =	sshrl.u32 s3, $0x1;
	s10 =	sshrl.u32 s10, $0x2;
	s16 =	sadd.s32 $0x80, s11  }
0xb: {  	s20 =	sadd.s32 $0x100, s11;
	s3 =	ssub.s32 s3, s8;
	s8 =	sadd.s32 $0x500, s9  }
0xc: {  	s14 =	sadd.s32 s1, s11;
	s18 =	sadd.s32 s1, s16;
	s19 =	sshll.u32 s16, $0x7  }
0xd: {  	s21 =	sadd.s32 s1, s20;
	s22 =	sshll.u32 s20, $0x7;
	s8 =	smov.u32 @p0 s9  }
0xe: {  	s9 =	sadd.s32 s10, s2;
	s10 =	sor.u32 $0x1C0B, s23;
	s15 =	sshll.u32 s14, $0x4  }
0xf: {  	s3 =	smax.u32 s3, $0x1;
	s23 =	sadd.s32 $0x180, s11;
	[dreg:$0x4] =	wrdreg s10  }
0x10: {  	s24 =	sshll.u32 s8, $0x4;
	[dreg:$0x9] =	wrdreg s3;
	s17 =	sadd.s32 s0, s15  }
0x11: {  	s3 =	sshll.u32 s18, $0x4;
	s25 =	sadd.s32 s6, s24;
	s26 =	sor.u32 $0x10, s24  }
0x12: {  	s12 =	sadd.s32 s7, s24;
	[dreg:$0xa] =	wrdreg s17;
	s17 =	sadd.s32 s19, s2  }
0x13: {  	s18 =	sadd.s32 s0, s3;
	s3 =	sshll.u32 s21, $0x4;
	[dreg:$0x5] =	wrdreg s25  }
0x14: {  	s19 =	sadd.s32 s22, s2;
	s24 =	sshll.u32 s23, $0x7;
	[dreg:$0x6] =	wrdreg s12  }
0x15: {  	s13 =	sadd.s32 s6, s26;
	s10 =	sadd.s32 s7, s26;
	s20 =	sadd.s32 s0, s3  }
0x16: {  	s21 =	sadd.s32 s24, s2;
	s25 =	sadd.s32 s1, s23;
	[dreg:$0x7] =	wrdreg s13  }
.Ltmp0:
0x17: {  	s26 =	sadd.s32 $0x200, s11;
	[dreg:$0x8] =	wrdreg s10;
	(pc) =	sbr.rel .LBB2_1-.Ltmp0, $4  }
0x18: {  	s3 =	sshll.u32 s25, $0x4;
	s1 =	sadd.s32 s1, s26;
	s10 =	sshll.u32 s26, $0x7  }
0x19: {  	s25 =	simm.s32 $0xB;
	s26 =	simm.s32 $0x9;
	s22 =	sadd.s32 s0, s3  }
0x1a: {  	s23 =	sadd.s32 s10, s2;
	s1 =	sshll.u32 s1, $0x4;
	s3 =	simm.s32 $0xA  }
0x1b: {  	s24 =	sadd.s32 s0, s1;
	s0 =	simm.s32 $0x400;
	s1 =	simm.s32 $0x4400  }
.LBB2_8:
0x1c: {  	_ =	swait.ge [sflag:s3], $0x4000  }
0x1d: {  	[sflag:s3] =	ssyncset.done $0x0  }
0x1e: {  	[sflag:s3] =	ssyncadd.s32 $0xFFFFC000  }
0x1f: {  	[bflag:$0x0] =	sbarrier.arrive $0xFFFF  }
0x20: {  	[tilespmem:s0], [sflag:$0xB] =	stream.linear.gather [spmem:s9], $0x4000, $0x38;
	[tilespmem:$0x1C400] =	vst v63  }
0x21: {  	_ =	swait.ge [sflag:s25], $0x4000  }
0x22: {  	[sflag:s25] =	ssyncset.done $0x0  }
0x23: {  	s10 =	rddreg [dreg:$0xa];
	[sflag:s25] =	ssyncadd.s32 $0xFFFFC000  }
0x24: {  	[hbm4b:s10+s4] =	stream.linear.scatter [tilespmem:s0], [sflag:$0x9], $0x4000, $0x38;
	[tilespmem:$0x1C400] =	vst v63  }
0x25: {  	_ = 	snop  }
0x26: {  	[tilespmem:s1], [sflag:$0xB] =	stream.linear.gather [spmem:s17], $0x4000, $0x38;
	[tilespmem:$0x1C400] =	vst v63  }
0x27: {  	_ =	swait.ge [sflag:s25], $0x4000  }
0x28: {  	[sflag:s25] =	ssyncset.done $0x0  }
0x29: {  	[sflag:s25] =	ssyncadd.s32 $0xFFFFC000  }
0x2a: {  	[hbm4b:s18+s4] =	stream.linear.scatter [tilespmem:s1], [sflag:$0xA], $0x4000, $0x38;
	[tilespmem:$0x1C400] =	vst v63  }
0x2b: {  	_ =	swait.ge [sflag:s26], $0x4000  }
0x2c: {  	[sflag:s26] =	ssyncset.done $0x0  }
0x2d: {  	[sflag:s26] =	ssyncadd.s32 $0xFFFFC000  }
0x2e: {  	[tilespmem:s0], [sflag:$0xB] =	stream.linear.gather [spmem:s19], $0x4000, $0x38;
	[tilespmem:$0x1C400] =	vst v63  }
0x2f: {  	_ =	swait.ge [sflag:s25], $0x4000  }
0x30: {  	[sflag:s25] =	ssyncset.done $0x0  }
0x31: {  	[sflag:s25] =	ssyncadd.s32 $0xFFFFC000  }
0x32: {  	[hbm4b:s20+s4] =	stream.linear.scatter [tilespmem:s0], [sflag:$0x9], $0x4000, $0x38;
	[tilespmem:$0x1C400] =	vst v63  }
0x33: {  	_ =	swait.ge [sflag:s3], $0x4000  }
0x34: {  	[sflag:s3] =	ssyncset.done $0x0  }
0x35: {  	[sflag:s3] =	ssyncadd.s32 $0xFFFFC000  }
0x36: {  	[tilespmem:s1], [sflag:$0xB] =	stream.linear.gather [spmem:s21], $0x4000, $0x38;
	[tilespmem:$0x1C400] =	vst v63  }
0x37: {  	_ =	swait.ge [sflag:s25], $0x4000  }
0x38: {  	[sflag:s25] =	ssyncset.done $0x0  }
0x39: {  	[sflag:s25] =	ssyncadd.s32 $0xFFFFC000  }
0x3a: {  	[hbm4b:s22+s4] =	stream.linear.scatter [tilespmem:s1], [sflag:$0xA], $0x4000, $0x38;
	[tilespmem:$0x1C400] =	vst v63  }
0x3b: {  	_ =	swait.ge [sflag:s26], $0x4000  }
0x3c: {  	[sflag:s26] =	ssyncset.done $0x0  }
0x3d: {  	[sflag:s26] =	ssyncadd.s32 $0xFFFFC000  }
0x3e: {  	[tilespmem:s0], [sflag:$0xB] =	stream.linear.gather [spmem:s23], $0x4000, $0x38;
	[tilespmem:$0x1C400] =	vst v63  }
0x3f: {  	_ =	swait.ge [sflag:s25], $0x4000  }
0x40: {  	[sflag:s25] =	ssyncset.done $0x0  }
0x41: {  	[sflag:s25] =	ssyncadd.s32 $0xFFFFC000  }
0x42: {  	[hbm4b:s24+s4] =	stream.linear.scatter [tilespmem:s0], [sflag:$0x9], $0x4000, $0x38;
	[tilespmem:$0x1C400] =	vst v63  }
0x43: {  	_ =	swait.ge [sflag:s3], $0x4000  }
0x44: {  	[sflag:s3] =	ssyncset.done $0x0  }
0x45: {  	[sflag:s3] =	ssyncadd.s32 $0xFFFFC000  }
0x46: {  	_ =	swait.ge [sflag:s26], $0x4000  }
0x47: {  	s29 =	sadd.s32 $0x1, s29;
	s16 =	rddreg [dreg:$0x9]  }
0x48: {  	p0 =	sne.s32 s29, s16  }
.Ltmp1:
0x49: {  	_ = 	snop;
	(pc) =	sbr.rel @!p0 .LBB2_9-.Ltmp1, $3  }
0x4a: {  	_ =	sdelay $0x1  }
0x4b: {  	[sflag:s26] =	ssyncset.done $0x0  }
0x4c: {  	[sflag:s26] =	ssyncadd.s32 $0xFFFFC000  }
.LBB2_1:
0x4d: {  	s11 =	rddreg [dreg:$0x1]  }
0x4e: {  	s10 =	sshrl.u32 s9, $0x3;
	s12 =	rddreg [dreg:$0x4]  }
0x4f: {  	[spmem:s10], [sflag:s12] =	dma.local [hbm:s11], $0x2800  }
0x50: {  	_ =	swait.ge [sflag:s25], $0x2800  }
0x51: {  	[sflag:s25] =	ssyncset.done $0x0  }
0x52: {  	[sflag:s25] =	ssyncadd.s32 $0xFFFFD800  }
0x53: {  	[bflag:$0x0] =	sbarrier.arrive $0xFFFF  }
0x54: {  	s11 =	rddreg [dreg:$0x5]  }
0x55: {  	[tilespmem:s4], [sflag:$0x1] =	stream.linear.gather [hbm4b:s11+s4], $0x80, $0x38;
	[tilespmem:$0x1C400] =	vst v63  }
0x56: {  	s13 =	simm.s32 $0x200;
	s12 =	rddreg [dreg:$0x6]  }
0x57: {  	[tilespmem:s13], [sflag:$0x4] =	stream.linear.gather [hbm4b:s12+s4], $0x80, $0x38;
	[tilespmem:$0x1C400] =	vst v63  }
0x58: {  	s14 =	rddreg [dreg:$0x7]  }
0x59: {  	[tilespmem:s28], [sflag:$0x2] =	stream.linear.gather [hbm4b:s14+s4], $0x80, $0x38;
	[tilespmem:$0x1C400] =	vst v63  }
0x5a: {  	s16 =	simm.s32 $0x280;
	s15 =	rddreg [dreg:$0x8]  }
0x5b: {  	[tilespmem:s16], [sflag:$0x5] =	stream.linear.gather [hbm4b:s15+s4], $0x80, $0x38;
	[tilespmem:$0x1C400] =	vst v63  }
0x5c: {  	_ =	swait.ge [sflag:s30], $0x80  }
0x5d: {  	[sflag:s30] =	ssyncset.done $0x0  }
.Ltmp2:
0x5e: {  	[sflag:s30] =	ssyncadd.s32 $0xFFFFFF80;
	(pc) =	sbr.rel .LBB2_2-.Ltmp2, $4  }
0x5f: {  	_ =	swait.ge [sflag:s31], $0x80  }
0x60: {  	[sflag:s31] =	ssyncset.done $0x0  }
0x61: {  	s11 =	simm.s32 $0x0;
	[sflag:s31] =	ssyncadd.s32 $0xFFFFFF80  }
0x62: {  	[tilespmem:s0], [sflag:$0x7] =	stream.indirect.gather [hbm4b:s5+s28], $0x80, s4, s28, $0xb8;
	[tilespmem:$0x1C400] =	vst v63  }
.LBB2_6:
0x63: {  	s12 =	simm.s32 $0x50;
	s10 =	simm.s32 $0x1  }
.LBB2_7:
0x64: {  	s13 =	smul.u32 $0xAB, s11;
	_ =	sdelay $0x1  }
0x65: {  	s13 =	sshrl.u32 s13, $0x9  }
0x66: {  	s13 =	sand.u32 $0x7F, s13  }
0x67: {  	s13 =	smul.u32 $0x3, s13  }
0x68: {  	s14 =	sadd.s32 $0x7, s10  }
0x69: {  	s15 =	sshll.u32 s10, $0xE;
	p0 =	slt.u32 s12, $0x50;
	s13 =	ssub.s32 s11, s13  }
.Ltmp3:
0x6a: {  	_ =	swait.ge [sflag:s14], $0x4000;
	s11 =	sand.u32 $0xFB, s13;
	(pc) =	sbr.rel @!p0 .LBB2_8-.Ltmp3, $4  }
0x6b: {  	s16 =	sadd.s32 $0x9, s10;
	[sflag:s14] =	ssyncset.done $0x0;
	s11 =	sshll.u32 s11, $0x7  }
0x6c: {  	[sflag:s14] =	ssyncadd.s32 $0xFFFFC000;
	s13 =	sor.u32 $0x400, s15;
	s11 =	sor.u32 $0x200, s11  }
0x6d: {  	[spmem:s2] =	stream.indirect.scatter.add.f32 [tilespmem:s13], [sflag:s16], $0x80, s11, s28, $0xb8;
	[tilespmem:$0x1C400] =	vst v63  }
0x6e: {  	s11 =	smov.u32 s12  }
.LBB2_2:
0x6f: {  	p0 =	seq.s32 s11, $0x0  }
0x70: {  	p1 =	sgt.u32 @!p0 s11, $0x4D  }
0x71: {  	s10 =	sand.u32 @!p0 $0x1, s11;
	p1 =	por p0, !p1  }
.Ltmp4:
0x72: {  	s12 =	sxor.u32 @!p0 $0x1, s10;
	(pc) =	sbr.rel @!p1 .LBB2_5-.Ltmp4, $4  }
0x73: {  	s12 =	sadd.s32 @!p0 $0x9, s12  }
0x74: {  	_ =	swait.ge @!p0 [sflag:s12], $0x4000  }
0x75: {  	[sflag:s12] =	ssyncset.done @!p0 $0x0  }
0x76: {  	[sflag:s12] =	ssyncadd.s32 @!p0 $0xFFFFC000  }
0x77: {  	s12 =	sadd.s32 $0x2, s11  }
0x78: {  	s13 =	smul.u32 $0xAB, s12;
	_ =	sdelay $0x1  }
0x79: {  	s13 =	sshrl.u32 s13, $0x9  }
0x7a: {  	s13 =	sand.u32 $0x7F, s13  }
0x7b: {  	s14 =	sadd.s32 s8, s12;
	s13 =	smul.u32 $0x3, s13  }
0x7c: {  	s10 =	simm.s32 @p0 $0x0;
	s15 =	sshll.u32 s12, $0x4;
	s14 =	sshll.u32 s14, $0x4  }
0x7d: {  	s15 =	sand.u32 $0x70, s15;
	s14 =	sand.u32 $0xFFFFF80, s14;
	s12 =	ssub.s32 s12, s13  }
.Ltmp5:
0x7e: {  	s13 =	sor.u32 s15, s14;
	s12 =	sand.u32 $0xFF, s12;
	(pc) =	sbr.rel .LBB2_4-.Ltmp5, $4  }
0x7f: {  	s16 =	sadd.s32 s6, s13;
	s14 =	sshll.u32 s12, $0x7;
	s15 =	sadd.s32 $0x1, s12  }
0x80: {  	[tilespmem:s14], [sflag:s15] =	stream.linear.gather [hbm4b:s16+s4], $0x80, $0x38;
	[tilespmem:$0x1C400] =	vst v63  }
0x81: {  	s13 =	sadd.s32 s7, s13;
	s12 =	sor.u32 $0x4, s12;
	s14 =	sor.u32 $0x200, s14  }
0x82: {  	[tilespmem:s14], [sflag:s12] =	stream.linear.gather [hbm4b:s13+s4], $0x80, $0x38;
	[tilespmem:$0x1C400] =	vst v63  }
.LBB2_5:
0x83: {  	p0 =	seq.s32 s11, $0x4F  }
.Ltmp6:
0x84: {  	_ = 	snop;
	(pc) =	sbr.rel @p0 .LBB2_6-.Ltmp6, $1  }
0x85: {  	_ =	sdelay $0x3  }
.LBB2_4:
0x86: {  	s12 =	sadd.s32 $0x1, s11  }
0x87: {  	s13 =	smul.u32 $0xAB, s12;
	_ =	sdelay $0x1  }
0x88: {  	s13 =	sshrl.u32 s13, $0x9  }
0x89: {  	s13 =	sand.u32 $0x7F, s13  }
0x8a: {  	s13 =	smul.u32 $0x3, s13;
	_ =	sdelay $0x1  }
0x8b: {  	s13 =	ssub.s32 s12, s13  }
0x8c: {  	s13 =	sand.u32 $0xFF, s13  }
0x8d: {  	s14 =	sadd.s32 $0x1, s13  }
0x8e: {  	_ =	swait.ge [sflag:s14], $0x80  }
0x8f: {  	[sflag:s14] =	ssyncset.done $0x0  }
0x90: {  	s16 =	sor.u32 $0x4, s13;
	[sflag:s14] =	ssyncadd.s32 $0xFFFFFF80  }
.Ltmp7:
0x91: {  	_ =	swait.ge [sflag:s16], $0x80;
	(pc) =	sbr.rel .LBB2_7-.Ltmp7, $4  }
0x92: {  	s15 =	sand.u32 $0x1, s12;
	[sflag:s16] =	ssyncset.done $0x0  }
0x93: {  	[sflag:s16] =	ssyncadd.s32 $0xFFFFFF80;
	s16 =	sshll.u32 s15, $0xE  }
0x94: {  	s13 =	sshll.u32 s13, $0x7;
	s15 =	sadd.s32 $0x7, s15;
	s14 =	sor.u32 $0x400, s16  }
0x95: {  	[tilespmem:s14], [sflag:s15] =	stream.indirect.gather [hbm4b:s5+s28], $0x80, s13, s28, $0xb8;
	[tilespmem:$0x1C400] =	vst v63  }
.LBB2_9:
0x96: {  	_ =	sfence.sel $0x180000  }
0x97: {  	[bflag:$0x0] =	sbarrier.arrive $0xFFFF  }
0x98: {  	_ =	strace $0x9000004A  }
0x99: {  	s0 =	stileid.u32;
	[bflag:$0x2] =	sbarrier.arrive $0xFFFF  }
0x9a: {  	p0 =	sne.s32 s0, $0x0;
	s0 =	rddreg [dreg:$0x3]  }
0x9b: {  	s0 =	sadd.s32 @!p0 $0x100000, s0  }
0x9c: {  	[sflag:s0] =	ssyncadd.tile.s32 @!p0 $0x1;
	_ =	shalt  }
.Lfunc_end2:
_tile_overlayer_lowered:
.L_overlay_start_2:
0x9d: {  	(tag) =	ssettag $0x2  }
0x9e: {  	s0 =	rddreg [dreg:$0x0];
	s2 =	stileid.u32  }
0x9f: {  	s1 =	rddreg [dreg:$0x1];
	p0 =	sne.s32 s2, $0x0  }
0xa0: {  	s3 =	rddreg [dreg:$0x2];
	[bflag:$0x3] =	sbarrier.arrive $0xFFFF;
	s2 =	simm.s32 @!p0 $0x1C0B  }
0xa1: {  	[timem:s3], [sflag:s2] =	dma.local @!p0 [hbm:s0], s1  }
0xa2: {  	s0 =	simm.s32 @!p0 $0xB  }
0xa3: {  	_ =	swait.ge @!p0 [sflag:s0], s1  }
0xa4: {  	s1 =	ssub.s32 @!p0 $0x0, s1;
	[sflag:s0] =	ssyncset.done @!p0 $0x0  }
0xa5: {  	[sflag:s0] =	ssyncadd.s32 @!p0 s1  }
0xa6: {  	[bflag:$0x3] =	sbarrier.arrive $0xFFFF  }
0xa7: {  	_ =	shalt  }

// kernel: kernel.18.cloned.1.call-start
scs
__scs_entry_jumppad:
0x0: {  	(pc) =	sbr.rel $0x88, $3  }
0x1: {  	(tag) =	ssettag $0x0;
	lr =	simm.s32 $0x1  }
0x2: {  	[smem:$0x3F87] =	sst lr;
	_ =	strace $0xD0000000  }
0x3: {  	_ = 	snop  }
0x4: {  	_ = 	snop  }
0x5: {  	_ = 	snop  }
0x6: {  	_ = 	snop  }
0x7: {  	_ = 	snop  }
__scs_overlays_trampoline_lowered:
0x8: {  	[smem:$0x3F96] =	sst s0  }
0x9: {  	[smem:$0x3F97] =	sst s1  }
0xa: {  	[smem:$0x3F98] =	sst s2  }
0xb: {  	[smem:$0x3F99] =	sst s3  }
0xc: {  	[smem:$0x3F9A] =	sst s4  }
0xd: {  	[smem:$0x3F9B] =	sst s5  }
0xe: {  	[smem:$0x3F9C] =	sst s6  }
0xf: {  	[smem:$0x3F9D] =	sst s7  }
0x10: {  	[smem:$0x3F9E] =	sst s8  }
0x11: {  	[smem:$0x3F9F] =	sst s9;
	s0 =	simm.s32 @!p0 $0x0  }
0x12: {  	s1 =	sld [smem:$0x3F85];
	s0 =	simm.s32 @p0 $0x1  }
0x13: {  	[smem:$0x3FA0] =	sst s0;
	s0 =	simm.s32 @!p1 $0x0  }
0x14: {  	s2 =	sld [smem:$0x3F84];
	s0 =	simm.s32 @p1 $0x1  }
0x15: {  	[smem:$0x3FA1] =	sst s0;
	s0 =	simm.s32 @!p2 $0x0  }
0x16: {  	s3 =	sld [smem:$0x3FDB];
	s0 =	simm.s32 @p2 $0x1  }
0x17: {  	s4 =	simm.s32 $0x1BF5;
	[smem:$0x3FA3] =	sst s0  }
0x18: {  	s0 =	sld [smem:$0x3F86];
	_ =	swait.ge [sflag:s4], $0x0  }
0x19: {  	s7 =	sld [smem:$0x3F87]  }
0x1a: {  	s8 =	sadd.s32 $0xFFFFE003, lr  }
0x1b: {  	s9 =	sadd.s32 $0xFFFFFEF7, lr;
	s5 =	simm.s32 $0xFFFFFFFF;
	p2 =	slt.u32 s8, $0xFFFFF086  }
0x1c: {  	p1 =	slt.u32 s9, $0xF7A;
	s5 =	simm.s32 @!p2 $0x0  }
0x1d: {  	s5 =	simm.s32 @p1 $0x1;
	p0 =	seq.s32 s7, s2  }
0x1e: {  	s7 =	smul.u32 @!p0 $0xF7A, s2;
	p2 =	seq.s32 @!p0 s5, $0x0  }
0x1f: {  	s9 =	smul.u32 $0xF7A, s1;
	s8 =	simm.s32 @!p0 $0x1BF5;
	p2 =	por !p2, p0  }
0x20: {  	[sflag:s8] =	ssyncset.s32 @!p0 $0xFFFFF086;
	s6 =	sadd.s32 @!p0 s3, s7;
	s7 =	simm.s32 @!p0 $0x108  }
0x21: {  	s3 =	sadd.s32 s3, s9;
	s6 =	sadd.s32 @!p0 $0x88, s6;
	s7 =	simm.s32 @p2 $0x1082  }
0x22: {  	[simem:s7], [sflag:s8] =	dma.local @!p0 [hbm:s6], $0xF7A  }
0x23: {  	s9 =	sor.u32 $0xD0000000, s2;
	s6 =	simm.s32 $0x108;
	_ =	swait.ge @!p0 [sflag:s8], $0x0  }
0x24: {  	s3 =	sadd.s32 $0x88, s3;
	s6 =	simm.s32 @!p1 $0x1082;
	[sflag:s4] =	ssyncset.s32 $0xFFFFF086  }
0x25: {  	[simem:s6], [sflag:s4] =	dma.local [hbm:s3], $0xF7A  }
0x26: {  	[smem:$0x3F87] =	sst s1;
	(tag) =	ssettag s2;
	_ =	strace s9  }
0x27: {  	s1 =	sld [smem:$0x3F97]  }
0x28: {  	s2 =	sld [smem:$0x3F98]  }
0x29: {  	s4 =	sld [smem:$0x3F9A]  }
0x2a: {  	p0 =	seq.s32 s5, $0x0;
	s5 =	sld [smem:$0x3F9B]  }
0x2b: {  	s6 =	sld [smem:$0x3F9C]  }
0x2c: {  	s7 =	sld [smem:$0x3F9D]  }
0x2d: {  	s3 =	simm.s32 $0x108;
	s8 =	sld [smem:$0x3F9E]  }
0x2e: {  	s3 =	simm.s32 @!p0 $0x1082;
	s9 =	sld [smem:$0x3F9F]  }
0x2f: {  	lr =	sadd.s32 s0, s3;
	s0 =	sld [smem:$0x3F96]  }
0x30: {  	s3 =	sld [smem:$0x3F99]  }
0x31: {  	[smem:$0x3FA2] =	sst s10  }
0x32: {  	s10 =	sld [smem:$0x3FA0];
	_ =	sdelay $0x3  }
0x33: {  	p0 =	seq.s32 s10, $0x1;
	s10 =	sld [smem:$0x3FA2];
	_ =	sdelay $0x3  }
0x34: {  	[smem:$0x3FA2] =	sst s10  }
0x35: {  	s10 =	sld [smem:$0x3FA1];
	_ =	sdelay $0x3  }
0x36: {  	p1 =	seq.s32 s10, $0x1;
	s10 =	sld [smem:$0x3FA2];
	_ =	sdelay $0x3  }
0x37: {  	[smem:$0x3FA2] =	sst s10  }
0x38: {  	s10 =	sld [smem:$0x3FA3]  }
0x39: {  	_ = 	snop;
	(pc) =	sbr.ind lr, $3  }
0x3a: {  	_ = 	snop  }
0x3b: {  	_ = 	snop  }
0x3c: {  	p2 =	seq.s32 s10, $0x1;
	s10 =	sld [smem:$0x3FA2]  }
0x3d: {  	_ =	shalt  }
0x3e: {  	_ =	shalt  }
0x3f: {  	_ =	shalt  }
0x40: {  	_ =	shalt  }
0x41: {  	_ =	shalt  }
0x42: {  	_ =	shalt  }
0x43: {  	_ =	shalt  }
0x44: {  	_ =	shalt  }
0x45: {  	_ =	shalt  }
0x46: {  	_ =	shalt  }
0x47: {  	_ =	shalt  }
0x48: {  	_ =	shalt  }
0x49: {  	_ =	shalt  }
0x4a: {  	_ =	shalt  }
0x4b: {  	_ =	shalt  }
0x4c: {  	_ =	shalt  }
0x4d: {  	_ =	shalt  }
0x4e: {  	_ =	shalt  }
0x4f: {  	_ =	shalt  }
0x50: {  	_ =	shalt  }
0x51: {  	_ =	shalt  }
0x52: {  	_ =	shalt  }
0x53: {  	_ =	shalt  }
0x54: {  	_ =	shalt  }
0x55: {  	_ =	shalt  }
0x56: {  	_ =	shalt  }
0x57: {  	_ =	shalt  }
0x58: {  	_ =	shalt  }
0x59: {  	_ =	shalt  }
0x5a: {  	_ =	shalt  }
0x5b: {  	_ =	shalt  }
0x5c: {  	_ =	shalt  }
0x5d: {  	_ =	shalt  }
0x5e: {  	_ =	shalt  }
0x5f: {  	_ =	shalt  }
0x60: {  	_ =	shalt  }
0x61: {  	_ =	shalt  }
0x62: {  	_ =	shalt  }
0x63: {  	_ =	shalt  }
0x64: {  	_ =	shalt  }
0x65: {  	_ =	shalt  }
0x66: {  	_ =	shalt  }
0x67: {  	_ =	shalt  }
0x68: {  	_ =	shalt  }
0x69: {  	_ =	shalt  }
0x6a: {  	_ =	shalt  }
0x6b: {  	_ =	shalt  }
0x6c: {  	_ =	shalt  }
0x6d: {  	_ =	shalt  }
0x6e: {  	_ =	shalt  }
0x6f: {  	_ =	shalt  }
0x70: {  	_ =	shalt  }
0x71: {  	_ =	shalt  }
0x72: {  	_ =	shalt  }
0x73: {  	_ =	shalt  }
0x74: {  	_ =	shalt  }
0x75: {  	_ =	shalt  }
0x76: {  	_ =	shalt  }
0x77: {  	_ =	shalt  }
0x78: {  	_ =	shalt  }
0x79: {  	_ =	shalt  }
0x7a: {  	_ =	shalt  }
0x7b: {  	_ =	shalt  }
0x7c: {  	_ =	shalt  }
0x7d: {  	_ =	shalt  }
0x7e: {  	_ =	shalt  }
0x7f: {  	_ =	shalt  }
0x80: {  	_ =	shalt  }
0x81: {  	_ =	shalt  }
0x82: {  	_ =	shalt  }
0x83: {  	_ =	shalt  }
0x84: {  	_ =	shalt  }
0x85: {  	_ =	shalt  }
0x86: {  	_ =	shalt  }
0x87: {  	_ =	shalt  }
.Lfunc_end0:
.L_simem_size_0:
called_computation.2_lowered:
.L_overlay_start_0:
0x88: {  	s2 =	sld [smem:$0x3FD9]  }
0x89: {  	s3 =	sld [smem:$0x3FFE];
	_ =	sdelay $0x1  }
0x8a: {  	s1 =	srdreg.scid  }
0x8b: {  	s0 =	sand.u32 $0x1, s1  }
0x8c: {  	s14 =	sshll.u32 s0, $0xA;
	s2 =	sadd.s32 s3, s2  }
0x8d: {  	s2 =	sadd.s32 s2, s14  }
0x8e: {  	[smem:$0x3FAE] =	sst s2  }
0x8f: {  	_ = 	snop  }
0x90: {  	s2 =	sld [smem:$0x3FD0];
	_ =	sdelay $0x2  }
0x91: {  	s15 =	simm.s32 $0xA;
	s4 =	simm.s32 $0x10  }
0x92: {  	[smem:s4], [sflag:s15] =	dma.local [hbm:s2], $0x1  }
0x93: {  	_ =	swait.eq [sflag:s15], $0x1  }
0x94: {  	[sflag:s15] =	ssyncset.done $0x0  }
0x95: {  	[sflag:s15] =	ssyncadd.s32 $0xFFFFFFFF  }
0x96: {  	s16 =	sld [smem:$0x10];
	(tm) =	ssettm $0x1  }
0x97: {  	s17 =	sld [smem:$0x3FFB];
	_ =	sdelay $0x3  }
0x98: {  	_ =	strace s17  }
0x99: {  	s3 =	sld [smem:$0x3FFC];
	_ =	sdelay $0x3  }
0x9a: {  	_ =	strace s3  }
0x9b: {  	s3 =	sld [smem:$0x3FFD];
	_ =	sdelay $0x3  }
0x9c: {  	_ =	strace s3  }
0x9d: {  	_ =	strace $0x8FFFFFFF  }
0x9e: {  	s18 =	sld [smem:$0x3FDB];
	_ =	sdelay $0x1  }
0x9f: {  	s19 =	simm.s32 $_scs_section_size  }
0xa0: {  	s5 =	simm.s32 $_size__tile_overlayer_lowered;
	s6 =	simm.s32 $_tile_overlayer_lowered  }
0xa1: {  	s22 =	simm.s32 $0x1BFF;
	s21 =	sshll.u32 s6, $0x1;
	s3 =	sadd.s32 s19, s18  }
0xa2: {  	s7 =	simm.s32 $0x0;
	s20 =	sshll.u32 s5, $0x1;
	s5 =	sadd.s32 s21, s3  }
0xa3: {  	[timem:s7], [sflag:s22] =	dma.local [hbm:s5], s20  }
0xa4: {  	_ =	swait.ge [sflag:s22], s20  }
0xa5: {  	s4 =	ssub.s32 $0x0, s20;
	[sflag:s22] =	ssyncset.done $0x0  }
0xa6: {  	[sflag:s22] =	ssyncadd.s32 s4;
	_ =	sdelay $0x1  }
0xa7: {  	s23 =	simm.s32 $0x1B8B  }
0xa8: {  	_ =	swait.ge [sflag:s23], $0x1  }
0xa9: {  	[sflag:s23] =	ssyncset.done $0x0  }
0xaa: {  	s25 =	simm.s32 $0x1B8E;
	s24 =	sld [smem:$0x3FFE];
	[sflag:s23] =	ssyncadd.s32 $0xFFFFFFFF  }
0xab: {  	s26 =	simm.s32 $execute0_lowered;
	[smem:$0x3FD2] =	sst s25  }
0xac: {  	s5 =	sshll.u32 s26, $0x1;
	_ =	strace $0x8000004C;
	[dreg:$0x1] =	wrdreg $0xFFFFFFFF  }
0xad: {  	s28 =	simm.s32 $_size_execute0_lowered;
	s3 =	sadd.s32 s3, s5;
	[dreg:$0x0] =	wrdreg $0x0  }
0xae: {  	s5 =	sshll.u32 s28, $0x1;
	[dreg:$0x2] =	wrdreg s3  }
0xaf: {  	[dreg:$0x3] =	wrdreg s5  }
0xb0: {  	[dreg:$0x4] =	wrdreg $0xC0  }
0xb1: {  	_ =	task [dreg:s7], $0x5FFFF  }
0xb2: {  	[dreg:$0x1] =	wrdreg $0xFFFFFFFF  }
0xb3: {  	[dreg:$0x0] =	wrdreg $0x60  }
0xb4: {  	[dreg:$0x2] =	wrdreg s24  }
0xb5: {  	[dreg:$0x3] =	wrdreg s16  }
0xb6: {  	[dreg:$0x4] =	wrdreg $0x84000  }
0xb7: {  	[dreg:$0x5] =	wrdreg $0x9  }
0xb8: {  	_ =	task.clear_ibuf [dreg:s7], $0x6FFFF;
	_ =	strace $0x9000004C  }
0xb9: {  	s29 =	simm.s32 $0x9;
	_ =	strace $0x8000004E  }
0xba: {  	_ =	swait.ge [sflag:s29], $0x1  }
0xbb: {  	[sflag:s29] =	ssyncadd.s32 $0xFFFFFFFF  }
0xbc: {  	_ =	strace $0x9000004E  }
0xbd: {  	_ =	sfence  }
0xbe: {  	s30 =	sld [smem:$0x0];
	_ =	sdelay $0x2  }
0xbf: {  	s31 =	sshll.u32 s1, $0xD;
	s1 =	sshrl.u32 s1, $0x2  }
0xc0: {  	s3 =	sand.u32 $0x4000, s31;
	s1 =	sadd.s32 s1, s30  }
0xc1: {  	s0 =	sor.u32 s3, s0;
	s1 =	sshll.u32 s1, $0x11  }
0xc2: {  	s0 =	sor.u32 s1, s0  }
0xc3: {  	s0 =	sadd.s32 $0x8F2B, s0  }
0xc4: {  	[sflag:s0] =	ssyncadd.remote.s32 $0x1  }
0xc5: {  	_ =	sfence.sel $0xFFFF  }
0xc6: {  	[dreg:$0x0] =	wrdreg $0xFFFFFFFF;
	(pc) =	sbr.abs _section_cstart, $3  }
0xc7: {  	[dreg:$0x1] =	wrdreg $0xFFFFFFFF  }
0xc8: {  	_ =	task.clear_ibuf [dreg:s7], $0x2FFFF;
	_ =	strace $0x9FFFFFFF  }
0xc9: {  	(tm) =	ssettm $0x7FFFFFFF  }
tec
execute0_lowered:
.L_overlay_start_1:
0x0: {  	(tag) =	ssettag $0x1  }
0x1: {  	s0 =	rddreg [dreg:$0x0]  }
0x2: {  	s2 =	rddreg [dreg:$0x2]  }
0x3: {  	s4 =	simm.s32 $0x0;
	s1 =	srdreg.scid;
	s12 =	stileid.u32  }
0x4: {  	s28 =	simm.s32 $0x80;
	s30 =	simm.s32 $0x1;
	s31 =	simm.s32 $0x4  }
0x5: {  	s29 =	simm.s32 $0x0;
	[smem:$0x7FF] =	sst s4;
	s1 =	sand.u32 $0x1, s1  }
0x6: {  	s5 =	sadd.s32 $0x1AA00, s0;
	s9 =	smul.u32 $0x50, s12;
	s6 =	sadd.s32 $0x6A00, s0  }
0x7: {  	s10 =	smul.u32 $0x50000, s12;
	s7 =	sadd.s32 $0x10A00, s0;
	s0 =	sadd.s32 $0x6AA00, s0  }
0x8: {  	s11 =	smul.u32 $0x280, s12;
	s23 =	sshll.u32 s12, $0x6;
	_ =	strace $0x8000004D  }
0x9: {  	s3 =	ssub.s32 $0x2, s1;
	p0 =	seq.s32 s1, $0x0;
	s1 =	smul.u32 $0x2800, s1  }
0xa: {  	s8 =	sshrl.u32 s3, $0x1;
	s10 =	sshrl.u32 s10, $0x2;
	s16 =	sadd.s32 $0x80, s11  }
0xb: {  	s20 =	sadd.s32 $0x100, s11;
	s3 =	ssub.s32 s3, s8;
	s8 =	sadd.s32 $0x500, s9  }
0xc: {  	s14 =	sadd.s32 s1, s11;
	s18 =	sadd.s32 s1, s16;
	s19 =	sshll.u32 s16, $0x7  }
0xd: {  	s21 =	sadd.s32 s1, s20;
	s22 =	sshll.u32 s20, $0x7;
	s8 =	smov.u32 @p0 s9  }
0xe: {  	s9 =	sadd.s32 s10, s2;
	s10 =	sor.u32 $0x1C0B, s23;
	s15 =	sshll.u32 s14, $0x4  }
0xf: {  	s3 =	smax.u32 s3, $0x1;
	s23 =	sadd.s32 $0x180, s11;
	[dreg:$0x4] =	wrdreg s10  }
0x10: {  	s24 =	sshll.u32 s8, $0x4;
	[dreg:$0x9] =	wrdreg s3;
	s17 =	sadd.s32 s0, s15  }
0x11: {  	s3 =	sshll.u32 s18, $0x4;
	s25 =	sadd.s32 s6, s24;
	s26 =	sor.u32 $0x10, s24  }
0x12: {  	s12 =	sadd.s32 s7, s24;
	[dreg:$0xa] =	wrdreg s17;
	s17 =	sadd.s32 s19, s2  }
0x13: {  	s18 =	sadd.s32 s0, s3;
	s3 =	sshll.u32 s21, $0x4;
	[dreg:$0x5] =	wrdreg s25  }
0x14: {  	s19 =	sadd.s32 s22, s2;
	s24 =	sshll.u32 s23, $0x7;
	[dreg:$0x6] =	wrdreg s12  }
0x15: {  	s13 =	sadd.s32 s6, s26;
	s10 =	sadd.s32 s7, s26;
	s20 =	sadd.s32 s0, s3  }
0x16: {  	s21 =	sadd.s32 s24, s2;
	s25 =	sadd.s32 s1, s23;
	[dreg:$0x7] =	wrdreg s13  }
.Ltmp0:
0x17: {  	s26 =	sadd.s32 $0x200, s11;
	[dreg:$0x8] =	wrdreg s10;
	(pc) =	sbr.rel .LBB2_1-.Ltmp0, $4  }
0x18: {  	s3 =	sshll.u32 s25, $0x4;
	s1 =	sadd.s32 s1, s26;
	s10 =	sshll.u32 s26, $0x7  }
0x19: {  	s25 =	simm.s32 $0xB;
	s26 =	simm.s32 $0x9;
	s22 =	sadd.s32 s0, s3  }
0x1a: {  	s23 =	sadd.s32 s10, s2;
	s1 =	sshll.u32 s1, $0x4;
	s3 =	simm.s32 $0xA  }
0x1b: {  	s24 =	sadd.s32 s0, s1;
	s0 =	simm.s32 $0x400;
	s1 =	simm.s32 $0x4400  }
.LBB2_8:
0x1c: {  	_ =	swait.ge [sflag:s3], $0x4000  }
0x1d: {  	[sflag:s3] =	ssyncset.done $0x0  }
0x1e: {  	[sflag:s3] =	ssyncadd.s32 $0xFFFFC000  }
0x1f: {  	[bflag:$0x0] =	sbarrier.arrive $0xFFFF  }
0x20: {  	[tilespmem:s0], [sflag:$0xB] =	stream.linear.gather [spmem:s9], $0x4000, $0x38;
	[tilespmem:$0x1C400] =	vst v63  }
0x21: {  	_ =	swait.ge [sflag:s25], $0x4000  }
0x22: {  	[sflag:s25] =	ssyncset.done $0x0  }
0x23: {  	s10 =	rddreg [dreg:$0xa];
	[sflag:s25] =	ssyncadd.s32 $0xFFFFC000  }
0x24: {  	[hbm4b:s10+s4] =	stream.linear.scatter [tilespmem:s0], [sflag:$0x9], $0x4000, $0x38;
	[tilespmem:$0x1C400] =	vst v63  }
0x25: {  	_ = 	snop  }
0x26: {  	[tilespmem:s1], [sflag:$0xB] =	stream.linear.gather [spmem:s17], $0x4000, $0x38;
	[tilespmem:$0x1C400] =	vst v63  }
0x27: {  	_ =	swait.ge [sflag:s25], $0x4000  }
0x28: {  	[sflag:s25] =	ssyncset.done $0x0  }
0x29: {  	[sflag:s25] =	ssyncadd.s32 $0xFFFFC000  }
0x2a: {  	[hbm4b:s18+s4] =	stream.linear.scatter [tilespmem:s1], [sflag:$0xA], $0x4000, $0x38;
	[tilespmem:$0x1C400] =	vst v63  }
0x2b: {  	_ =	swait.ge [sflag:s26], $0x4000  }
0x2c: {  	[sflag:s26] =	ssyncset.done $0x0  }
0x2d: {  	[sflag:s26] =	ssyncadd.s32 $0xFFFFC000  }
0x2e: {  	[tilespmem:s0], [sflag:$0xB] =	stream.linear.gather [spmem:s19], $0x4000, $0x38;
	[tilespmem:$0x1C400] =	vst v63  }
0x2f: {  	_ =	swait.ge [sflag:s25], $0x4000  }
0x30: {  	[sflag:s25] =	ssyncset.done $0x0  }
0x31: {  	[sflag:s25] =	ssyncadd.s32 $0xFFFFC000  }
0x32: {  	[hbm4b:s20+s4] =	stream.linear.scatter [tilespmem:s0], [sflag:$0x9], $0x4000, $0x38;
	[tilespmem:$0x1C400] =	vst v63  }
0x33: {  	_ =	swait.ge [sflag:s3], $0x4000  }
0x34: {  	[sflag:s3] =	ssyncset.done $0x0  }
0x35: {  	[sflag:s3] =	ssyncadd.s32 $0xFFFFC000  }
0x36: {  	[tilespmem:s1], [sflag:$0xB] =	stream.linear.gather [spmem:s21], $0x4000, $0x38;
	[tilespmem:$0x1C400] =	vst v63  }
0x37: {  	_ =	swait.ge [sflag:s25], $0x4000  }
0x38: {  	[sflag:s25] =	ssyncset.done $0x0  }
0x39: {  	[sflag:s25] =	ssyncadd.s32 $0xFFFFC000  }
0x3a: {  	[hbm4b:s22+s4] =	stream.linear.scatter [tilespmem:s1], [sflag:$0xA], $0x4000, $0x38;
	[tilespmem:$0x1C400] =	vst v63  }
0x3b: {  	_ =	swait.ge [sflag:s26], $0x4000  }
0x3c: {  	[sflag:s26] =	ssyncset.done $0x0  }
0x3d: {  	[sflag:s26] =	ssyncadd.s32 $0xFFFFC000  }
0x3e: {  	[tilespmem:s0], [sflag:$0xB] =	stream.linear.gather [spmem:s23], $0x4000, $0x38;
	[tilespmem:$0x1C400] =	vst v63  }
0x3f: {  	_ =	swait.ge [sflag:s25], $0x4000  }
0x40: {  	[sflag:s25] =	ssyncset.done $0x0  }
0x41: {  	[sflag:s25] =	ssyncadd.s32 $0xFFFFC000  }
0x42: {  	[hbm4b:s24+s4] =	stream.linear.scatter [tilespmem:s0], [sflag:$0x9], $0x4000, $0x38;
	[tilespmem:$0x1C400] =	vst v63  }
0x43: {  	_ =	swait.ge [sflag:s3], $0x4000  }
0x44: {  	[sflag:s3] =	ssyncset.done $0x0  }
0x45: {  	[sflag:s3] =	ssyncadd.s32 $0xFFFFC000  }
0x46: {  	_ =	swait.ge [sflag:s26], $0x4000  }
0x47: {  	s29 =	sadd.s32 $0x1, s29;
	s16 =	rddreg [dreg:$0x9]  }
0x48: {  	p0 =	sne.s32 s29, s16  }
.Ltmp1:
0x49: {  	_ = 	snop;
	(pc) =	sbr.rel @!p0 .LBB2_9-.Ltmp1, $3  }
0x4a: {  	_ =	sdelay $0x1  }
0x4b: {  	[sflag:s26] =	ssyncset.done $0x0  }
0x4c: {  	[sflag:s26] =	ssyncadd.s32 $0xFFFFC000  }
.LBB2_1:
0x4d: {  	s11 =	rddreg [dreg:$0x1]  }
0x4e: {  	s10 =	sshrl.u32 s9, $0x3;
	s12 =	rddreg [dreg:$0x4]  }
0x4f: {  	[spmem:s10], [sflag:s12] =	dma.local [hbm:s11], $0x2800  }
0x50: {  	_ =	swait.ge [sflag:s25], $0x2800  }
0x51: {  	[sflag:s25] =	ssyncset.done $0x0  }
0x52: {  	[sflag:s25] =	ssyncadd.s32 $0xFFFFD800  }
0x53: {  	[bflag:$0x0] =	sbarrier.arrive $0xFFFF  }
0x54: {  	s11 =	rddreg [dreg:$0x5]  }
0x55: {  	[tilespmem:s4], [sflag:$0x1] =	stream.linear.gather [hbm4b:s11+s4], $0x80, $0x38;
	[tilespmem:$0x1C400] =	vst v63  }
0x56: {  	s13 =	simm.s32 $0x200;
	s12 =	rddreg [dreg:$0x6]  }
0x57: {  	[tilespmem:s13], [sflag:$0x4] =	stream.linear.gather [hbm4b:s12+s4], $0x80, $0x38;
	[tilespmem:$0x1C400] =	vst v63  }
0x58: {  	s14 =	rddreg [dreg:$0x7]  }
0x59: {  	[tilespmem:s28], [sflag:$0x2] =	stream.linear.gather [hbm4b:s14+s4], $0x80, $0x38;
	[tilespmem:$0x1C400] =	vst v63  }
0x5a: {  	s16 =	simm.s32 $0x280;
	s15 =	rddreg [dreg:$0x8]  }
0x5b: {  	[tilespmem:s16], [sflag:$0x5] =	stream.linear.gather [hbm4b:s15+s4], $0x80, $0x38;
	[tilespmem:$0x1C400] =	vst v63  }
0x5c: {  	_ =	swait.ge [sflag:s30], $0x80  }
0x5d: {  	[sflag:s30] =	ssyncset.done $0x0  }
.Ltmp2:
0x5e: {  	[sflag:s30] =	ssyncadd.s32 $0xFFFFFF80;
	(pc) =	sbr.rel .LBB2_2-.Ltmp2, $4  }
0x5f: {  	_ =	swait.ge [sflag:s31], $0x80  }
0x60: {  	[sflag:s31] =	ssyncset.done $0x0  }
0x61: {  	s11 =	simm.s32 $0x0;
	[sflag:s31] =	ssyncadd.s32 $0xFFFFFF80  }
0x62: {  	[tilespmem:s0], [sflag:$0x7] =	stream.indirect.gather [hbm4b:s5+s28], $0x80, s4, s28, $0xb8;
	[tilespmem:$0x1C400] =	vst v63  }
.LBB2_6:
0x63: {  	s12 =	simm.s32 $0x50;
	s10 =	simm.s32 $0x1  }
.LBB2_7:
0x64: {  	s13 =	smul.u32 $0xAB, s11;
	_ =	sdelay $0x1  }
0x65: {  	s13 =	sshrl.u32 s13, $0x9  }
0x66: {  	s13 =	sand.u32 $0x7F, s13  }
0x67: {  	s13 =	smul.u32 $0x3, s13  }
0x68: {  	s14 =	sadd.s32 $0x7, s10  }
0x69: {  	s15 =	sshll.u32 s10, $0xE;
	p0 =	slt.u32 s12, $0x50;
	s13 =	ssub.s32 s11, s13  }
.Ltmp3:
0x6a: {  	_ =	swait.ge [sflag:s14], $0x4000;
	s11 =	sand.u32 $0xFB, s13;
	(pc) =	sbr.rel @!p0 .LBB2_8-.Ltmp3, $4  }
0x6b: {  	s16 =	sadd.s32 $0x9, s10;
	[sflag:s14] =	ssyncset.done $0x0;
	s11 =	sshll.u32 s11, $0x7  }
0x6c: {  	[sflag:s14] =	ssyncadd.s32 $0xFFFFC000;
	s13 =	sor.u32 $0x400, s15;
	s11 =	sor.u32 $0x200, s11  }
0x6d: {  	[spmem:s2] =	stream.indirect.scatter.add.f32 [tilespmem:s13], [sflag:s16], $0x80, s11, s28, $0xb8;
	[tilespmem:$0x1C400] =	vst v63  }
0x6e: {  	s11 =	smov.u32 s12  }
.LBB2_2:
0x6f: {  	p0 =	seq.s32 s11, $0x0  }
0x70: {  	p1 =	sgt.u32 @!p0 s11, $0x4D  }
0x71: {  	s10 =	sand.u32 @!p0 $0x1, s11;
	p1 =	por p0, !p1  }
.Ltmp4:
0x72: {  	s12 =	sxor.u32 @!p0 $0x1, s10;
	(pc) =	sbr.rel @!p1 .LBB2_5-.Ltmp4, $4  }
0x73: {  	s12 =	sadd.s32 @!p0 $0x9, s12  }
0x74: {  	_ =	swait.ge @!p0 [sflag:s12], $0x4000  }
0x75: {  	[sflag:s12] =	ssyncset.done @!p0 $0x0  }
0x76: {  	[sflag:s12] =	ssyncadd.s32 @!p0 $0xFFFFC000  }
0x77: {  	s12 =	sadd.s32 $0x2, s11  }
0x78: {  	s13 =	smul.u32 $0xAB, s12;
	_ =	sdelay $0x1  }
0x79: {  	s13 =	sshrl.u32 s13, $0x9  }
0x7a: {  	s13 =	sand.u32 $0x7F, s13  }
0x7b: {  	s14 =	sadd.s32 s8, s12;
	s13 =	smul.u32 $0x3, s13  }
0x7c: {  	s10 =	simm.s32 @p0 $0x0;
	s15 =	sshll.u32 s12, $0x4;
	s14 =	sshll.u32 s14, $0x4  }
0x7d: {  	s15 =	sand.u32 $0x70, s15;
	s14 =	sand.u32 $0xFFFFF80, s14;
	s12 =	ssub.s32 s12, s13  }
.Ltmp5:
0x7e: {  	s13 =	sor.u32 s15, s14;
	s12 =	sand.u32 $0xFF, s12;
	(pc) =	sbr.rel .LBB2_4-.Ltmp5, $4  }
0x7f: {  	s16 =	sadd.s32 s6, s13;
	s14 =	sshll.u32 s12, $0x7;
	s15 =	sadd.s32 $0x1, s12  }
0x80: {  	[tilespmem:s14], [sflag:s15] =	stream.linear.gather [hbm4b:s16+s4], $0x80, $0x38;
	[tilespmem:$0x1C400] =	vst v63  }
0x81: {  	s13 =	sadd.s32 s7, s13;
	s12 =	sor.u32 $0x4, s12;
	s14 =	sor.u32 $0x200, s14  }
0x82: {  	[tilespmem:s14], [sflag:s12] =	stream.linear.gather [hbm4b:s13+s4], $0x80, $0x38;
	[tilespmem:$0x1C400] =	vst v63  }
.LBB2_5:
0x83: {  	p0 =	seq.s32 s11, $0x4F  }
.Ltmp6:
0x84: {  	_ = 	snop;
	(pc) =	sbr.rel @p0 .LBB2_6-.Ltmp6, $1  }
0x85: {  	_ =	sdelay $0x3  }
.LBB2_4:
0x86: {  	s12 =	sadd.s32 $0x1, s11  }
0x87: {  	s13 =	smul.u32 $0xAB, s12;
	_ =	sdelay $0x1  }
0x88: {  	s13 =	sshrl.u32 s13, $0x9  }
0x89: {  	s13 =	sand.u32 $0x7F, s13  }
0x8a: {  	s13 =	smul.u32 $0x3, s13;
	_ =	sdelay $0x1  }
0x8b: {  	s13 =	ssub.s32 s12, s13  }
0x8c: {  	s13 =	sand.u32 $0xFF, s13  }
0x8d: {  	s14 =	sadd.s32 $0x1, s13  }
0x8e: {  	_ =	swait.ge [sflag:s14], $0x80  }
0x8f: {  	[sflag:s14] =	ssyncset.done $0x0  }
0x90: {  	s16 =	sor.u32 $0x4, s13;
	[sflag:s14] =	ssyncadd.s32 $0xFFFFFF80  }
.Ltmp7:
0x91: {  	_ =	swait.ge [sflag:s16], $0x80;
	(pc) =	sbr.rel .LBB2_7-.Ltmp7, $4  }
0x92: {  	s15 =	sand.u32 $0x1, s12;
	[sflag:s16] =	ssyncset.done $0x0  }
0x93: {  	[sflag:s16] =	ssyncadd.s32 $0xFFFFFF80;
	s16 =	sshll.u32 s15, $0xE  }
0x94: {  	s13 =	sshll.u32 s13, $0x7;
	s15 =	sadd.s32 $0x7, s15;
	s14 =	sor.u32 $0x400, s16  }
0x95: {  	[tilespmem:s14], [sflag:s15] =	stream.indirect.gather [hbm4b:s5+s28], $0x80, s13, s28, $0xb8;
	[tilespmem:$0x1C400] =	vst v63  }
.LBB2_9:
0x96: {  	_ =	sfence.sel $0x180000  }
0x97: {  	[bflag:$0x0] =	sbarrier.arrive $0xFFFF  }
0x98: {  	_ =	strace $0x9000004D  }
0x99: {  	s0 =	stileid.u32;
	[bflag:$0x2] =	sbarrier.arrive $0xFFFF  }
0x9a: {  	p0 =	sne.s32 s0, $0x0;
	s0 =	rddreg [dreg:$0x3]  }
0x9b: {  	s0 =	sadd.s32 @!p0 $0x100000, s0  }
0x9c: {  	[sflag:s0] =	ssyncadd.tile.s32 @!p0 $0x1;
	_ =	shalt  }
.Lfunc_end2:
_tile_overlayer_lowered:
.L_overlay_start_2:
0x9d: {  	(tag) =	ssettag $0x2  }
0x9e: {  	s0 =	rddreg [dreg:$0x0];
	s2 =	stileid.u32  }
0x9f: {  	s1 =	rddreg [dreg:$0x1];
	p0 =	sne.s32 s2, $0x0  }
0xa0: {  	s3 =	rddreg [dreg:$0x2];
	[bflag:$0x3] =	sbarrier.arrive $0xFFFF;
	s2 =	simm.s32 @!p0 $0x1C0B  }
0xa1: {  	[timem:s3], [sflag:s2] =	dma.local @!p0 [hbm:s0], s1  }
0xa2: {  	s0 =	simm.s32 @!p0 $0xB  }
0xa3: {  	_ =	swait.ge @!p0 [sflag:s0], s1  }
0xa4: {  	s1 =	ssub.s32 @!p0 $0x0, s1;
	[sflag:s0] =	ssyncset.done @!p0 $0x0  }
0xa5: {  	[sflag:s0] =	ssyncadd.s32 @!p0 s1  }
0xa6: {  	[bflag:$0x3] =	sbarrier.arrive $0xFFFF  }
0xa7: {  	_ =	shalt  }

// kernel: kernel.21.cloned.1.call-start
scs
__scs_entry_jumppad:
0x0: {  	(pc) =	sbr.rel $0x88, $3  }
0x1: {  	(tag) =	ssettag $0x0;
	lr =	simm.s32 $0x1  }
0x2: {  	[smem:$0x3F87] =	sst lr;
	_ =	strace $0xD0000000  }
0x3: {  	_ = 	snop  }
0x4: {  	_ = 	snop  }
0x5: {  	_ = 	snop  }
0x6: {  	_ = 	snop  }
0x7: {  	_ = 	snop  }
__scs_overlays_trampoline_lowered:
0x8: {  	[smem:$0x3F96] =	sst s0  }
0x9: {  	[smem:$0x3F97] =	sst s1  }
0xa: {  	[smem:$0x3F98] =	sst s2  }
0xb: {  	[smem:$0x3F99] =	sst s3  }
0xc: {  	[smem:$0x3F9A] =	sst s4  }
0xd: {  	[smem:$0x3F9B] =	sst s5  }
0xe: {  	[smem:$0x3F9C] =	sst s6  }
0xf: {  	[smem:$0x3F9D] =	sst s7  }
0x10: {  	[smem:$0x3F9E] =	sst s8  }
0x11: {  	[smem:$0x3F9F] =	sst s9;
	s0 =	simm.s32 @!p0 $0x0  }
0x12: {  	s1 =	sld [smem:$0x3F85];
	s0 =	simm.s32 @p0 $0x1  }
0x13: {  	[smem:$0x3FA0] =	sst s0;
	s0 =	simm.s32 @!p1 $0x0  }
0x14: {  	s2 =	sld [smem:$0x3F84];
	s0 =	simm.s32 @p1 $0x1  }
0x15: {  	[smem:$0x3FA1] =	sst s0;
	s0 =	simm.s32 @!p2 $0x0  }
0x16: {  	s3 =	sld [smem:$0x3FDB];
	s0 =	simm.s32 @p2 $0x1  }
0x17: {  	s4 =	simm.s32 $0x1BF5;
	[smem:$0x3FA3] =	sst s0  }
0x18: {  	s0 =	sld [smem:$0x3F86];
	_ =	swait.ge [sflag:s4], $0x0  }
0x19: {  	s7 =	sld [smem:$0x3F87]  }
0x1a: {  	s8 =	sadd.s32 $0xFFFFE003, lr  }
0x1b: {  	s9 =	sadd.s32 $0xFFFFFEF7, lr;
	s5 =	simm.s32 $0xFFFFFFFF;
	p2 =	slt.u32 s8, $0xFFFFF086  }
0x1c: {  	p1 =	slt.u32 s9, $0xF7A;
	s5 =	simm.s32 @!p2 $0x0  }
0x1d: {  	s5 =	simm.s32 @p1 $0x1;
	p0 =	seq.s32 s7, s2  }
0x1e: {  	s7 =	smul.u32 @!p0 $0xF7A, s2;
	p2 =	seq.s32 @!p0 s5, $0x0  }
0x1f: {  	s9 =	smul.u32 $0xF7A, s1;
	s8 =	simm.s32 @!p0 $0x1BF5;
	p2 =	por !p2, p0  }
0x20: {  	[sflag:s8] =	ssyncset.s32 @!p0 $0xFFFFF086;
	s6 =	sadd.s32 @!p0 s3, s7;
	s7 =	simm.s32 @!p0 $0x108  }
0x21: {  	s3 =	sadd.s32 s3, s9;
	s6 =	sadd.s32 @!p0 $0x88, s6;
	s7 =	simm.s32 @p2 $0x1082  }
0x22: {  	[simem:s7], [sflag:s8] =	dma.local @!p0 [hbm:s6], $0xF7A  }
0x23: {  	s9 =	sor.u32 $0xD0000000, s2;
	s6 =	simm.s32 $0x108;
	_ =	swait.ge @!p0 [sflag:s8], $0x0  }
0x24: {  	s3 =	sadd.s32 $0x88, s3;
	s6 =	simm.s32 @!p1 $0x1082;
	[sflag:s4] =	ssyncset.s32 $0xFFFFF086  }
0x25: {  	[simem:s6], [sflag:s4] =	dma.local [hbm:s3], $0xF7A  }
0x26: {  	[smem:$0x3F87] =	sst s1;
	(tag) =	ssettag s2;
	_ =	strace s9  }
0x27: {  	s1 =	sld [smem:$0x3F97]  }
0x28: {  	s2 =	sld [smem:$0x3F98]  }
0x29: {  	s4 =	sld [smem:$0x3F9A]  }
0x2a: {  	p0 =	seq.s32 s5, $0x0;
	s5 =	sld [smem:$0x3F9B]  }
0x2b: {  	s6 =	sld [smem:$0x3F9C]  }
0x2c: {  	s7 =	sld [smem:$0x3F9D]  }
0x2d: {  	s3 =	simm.s32 $0x108;
	s8 =	sld [smem:$0x3F9E]  }
0x2e: {  	s3 =	simm.s32 @!p0 $0x1082;
	s9 =	sld [smem:$0x3F9F]  }
0x2f: {  	lr =	sadd.s32 s0, s3;
	s0 =	sld [smem:$0x3F96]  }
0x30: {  	s3 =	sld [smem:$0x3F99]  }
0x31: {  	[smem:$0x3FA2] =	sst s10  }
0x32: {  	s10 =	sld [smem:$0x3FA0];
	_ =	sdelay $0x3  }
0x33: {  	p0 =	seq.s32 s10, $0x1;
	s10 =	sld [smem:$0x3FA2];
	_ =	sdelay $0x3  }
0x34: {  	[smem:$0x3FA2] =	sst s10  }
0x35: {  	s10 =	sld [smem:$0x3FA1];
	_ =	sdelay $0x3  }
0x36: {  	p1 =	seq.s32 s10, $0x1;
	s10 =	sld [smem:$0x3FA2];
	_ =	sdelay $0x3  }
0x37: {  	[smem:$0x3FA2] =	sst s10  }
0x38: {  	s10 =	sld [smem:$0x3FA3]  }
0x39: {  	_ = 	snop;
	(pc) =	sbr.ind lr, $3  }
0x3a: {  	_ = 	snop  }
0x3b: {  	_ = 	snop  }
0x3c: {  	p2 =	seq.s32 s10, $0x1;
	s10 =	sld [smem:$0x3FA2]  }
0x3d: {  	_ =	shalt  }
0x3e: {  	_ =	shalt  }
0x3f: {  	_ =	shalt  }
0x40: {  	_ =	shalt  }
0x41: {  	_ =	shalt  }
0x42: {  	_ =	shalt  }
0x43: {  	_ =	shalt  }
0x44: {  	_ =	shalt  }
0x45: {  	_ =	shalt  }
0x46: {  	_ =	shalt  }
0x47: {  	_ =	shalt  }
0x48: {  	_ =	shalt  }
0x49: {  	_ =	shalt  }
0x4a: {  	_ =	shalt  }
0x4b: {  	_ =	shalt  }
0x4c: {  	_ =	shalt  }
0x4d: {  	_ =	shalt  }
0x4e: {  	_ =	shalt  }
0x4f: {  	_ =	shalt  }
0x50: {  	_ =	shalt  }
0x51: {  	_ =	shalt  }
0x52: {  	_ =	shalt  }
0x53: {  	_ =	shalt  }
0x54: {  	_ =	shalt  }
0x55: {  	_ =	shalt  }
0x56: {  	_ =	shalt  }
0x57: {  	_ =	shalt  }
0x58: {  	_ =	shalt  }
0x59: {  	_ =	shalt  }
0x5a: {  	_ =	shalt  }
0x5b: {  	_ =	shalt  }
0x5c: {  	_ =	shalt  }
0x5d: {  	_ =	shalt  }
0x5e: {  	_ =	shalt  }
0x5f: {  	_ =	shalt  }
0x60: {  	_ =	shalt  }
0x61: {  	_ =	shalt  }
0x62: {  	_ =	shalt  }
0x63: {  	_ =	shalt  }
0x64: {  	_ =	shalt  }
0x65: {  	_ =	shalt  }
0x66: {  	_ =	shalt  }
0x67: {  	_ =	shalt  }
0x68: {  	_ =	shalt  }
0x69: {  	_ =	shalt  }
0x6a: {  	_ =	shalt  }
0x6b: {  	_ =	shalt  }
0x6c: {  	_ =	shalt  }
0x6d: {  	_ =	shalt  }
0x6e: {  	_ =	shalt  }
0x6f: {  	_ =	shalt  }
0x70: {  	_ =	shalt  }
0x71: {  	_ =	shalt  }
0x72: {  	_ =	shalt  }
0x73: {  	_ =	shalt  }
0x74: {  	_ =	shalt  }
0x75: {  	_ =	shalt  }
0x76: {  	_ =	shalt  }
0x77: {  	_ =	shalt  }
0x78: {  	_ =	shalt  }
0x79: {  	_ =	shalt  }
0x7a: {  	_ =	shalt  }
0x7b: {  	_ =	shalt  }
0x7c: {  	_ =	shalt  }
0x7d: {  	_ =	shalt  }
0x7e: {  	_ =	shalt  }
0x7f: {  	_ =	shalt  }
0x80: {  	_ =	shalt  }
0x81: {  	_ =	shalt  }
0x82: {  	_ =	shalt  }
0x83: {  	_ =	shalt  }
0x84: {  	_ =	shalt  }
0x85: {  	_ =	shalt  }
0x86: {  	_ =	shalt  }
0x87: {  	_ =	shalt  }
.Lfunc_end0:
.L_simem_size_0:
called_computation.3_lowered:
.L_overlay_start_0:
0x88: {  	s2 =	sld [smem:$0x3FD9]  }
0x89: {  	s3 =	sld [smem:$0x3FFE];
	_ =	sdelay $0x1  }
0x8a: {  	s1 =	srdreg.scid  }
0x8b: {  	s0 =	sand.u32 $0x1, s1  }
0x8c: {  	s14 =	sshll.u32 s0, $0xA;
	s2 =	sadd.s32 s3, s2  }
0x8d: {  	s2 =	sadd.s32 s2, s14  }
0x8e: {  	[smem:$0x3FAE] =	sst s2  }
0x8f: {  	_ = 	snop  }
0x90: {  	s2 =	sld [smem:$0x3FD0];
	_ =	sdelay $0x2  }
0x91: {  	s15 =	simm.s32 $0xA;
	s4 =	simm.s32 $0x10  }
0x92: {  	[smem:s4], [sflag:s15] =	dma.local [hbm:s2], $0x1  }
0x93: {  	_ =	swait.eq [sflag:s15], $0x1  }
0x94: {  	[sflag:s15] =	ssyncset.done $0x0  }
0x95: {  	[sflag:s15] =	ssyncadd.s32 $0xFFFFFFFF  }
0x96: {  	s16 =	sld [smem:$0x10];
	(tm) =	ssettm $0x1  }
0x97: {  	s17 =	sld [smem:$0x3FFB];
	_ =	sdelay $0x3  }
0x98: {  	_ =	strace s17  }
0x99: {  	s3 =	sld [smem:$0x3FFC];
	_ =	sdelay $0x3  }
0x9a: {  	_ =	strace s3  }
0x9b: {  	s3 =	sld [smem:$0x3FFD];
	_ =	sdelay $0x3  }
0x9c: {  	_ =	strace s3  }
0x9d: {  	_ =	strace $0x8FFFFFFF  }
0x9e: {  	s18 =	sld [smem:$0x3FDB];
	_ =	sdelay $0x1  }
0x9f: {  	s19 =	simm.s32 $_scs_section_size  }
0xa0: {  	s5 =	simm.s32 $_size__tile_overlayer_lowered;
	s6 =	simm.s32 $_tile_overlayer_lowered  }
0xa1: {  	s22 =	simm.s32 $0x1BFF;
	s21 =	sshll.u32 s6, $0x1;
	s3 =	sadd.s32 s19, s18  }
0xa2: {  	s7 =	simm.s32 $0x0;
	s20 =	sshll.u32 s5, $0x1;
	s5 =	sadd.s32 s21, s3  }
0xa3: {  	[timem:s7], [sflag:s22] =	dma.local [hbm:s5], s20  }
0xa4: {  	_ =	swait.ge [sflag:s22], s20  }
0xa5: {  	s4 =	ssub.s32 $0x0, s20;
	[sflag:s22] =	ssyncset.done $0x0  }
0xa6: {  	[sflag:s22] =	ssyncadd.s32 s4;
	_ =	sdelay $0x1  }
0xa7: {  	s23 =	simm.s32 $0x1B8B  }
0xa8: {  	_ =	swait.ge [sflag:s23], $0x1  }
0xa9: {  	[sflag:s23] =	ssyncset.done $0x0  }
0xaa: {  	s25 =	simm.s32 $0x1B8E;
	s24 =	sld [smem:$0x3FFE];
	[sflag:s23] =	ssyncadd.s32 $0xFFFFFFFF  }
0xab: {  	s26 =	simm.s32 $execute0_lowered;
	[smem:$0x3FD2] =	sst s25  }
0xac: {  	s5 =	sshll.u32 s26, $0x1;
	_ =	strace $0x8000004F;
	[dreg:$0x1] =	wrdreg $0xFFFFFFFF  }
0xad: {  	s28 =	simm.s32 $_size_execute0_lowered;
	s3 =	sadd.s32 s3, s5;
	[dreg:$0x0] =	wrdreg $0x0  }
0xae: {  	s5 =	sshll.u32 s28, $0x1;
	[dreg:$0x2] =	wrdreg s3  }
0xaf: {  	[dreg:$0x3] =	wrdreg s5  }
0xb0: {  	[dreg:$0x4] =	wrdreg $0xC0  }
0xb1: {  	_ =	task [dreg:s7], $0x5FFFF  }
0xb2: {  	[dreg:$0x1] =	wrdreg $0xFFFFFFFF  }
0xb3: {  	[dreg:$0x0] =	wrdreg $0x60  }
0xb4: {  	[dreg:$0x2] =	wrdreg s24  }
0xb5: {  	[dreg:$0x3] =	wrdreg s16  }
0xb6: {  	[dreg:$0x4] =	wrdreg $0x84000  }
0xb7: {  	[dreg:$0x5] =	wrdreg $0x9  }
0xb8: {  	_ =	task.clear_ibuf [dreg:s7], $0x6FFFF;
	_ =	strace $0x9000004F  }
0xb9: {  	s29 =	simm.s32 $0x9;
	_ =	strace $0x80000051  }
0xba: {  	_ =	swait.ge [sflag:s29], $0x1  }
0xbb: {  	[sflag:s29] =	ssyncadd.s32 $0xFFFFFFFF  }
0xbc: {  	_ =	strace $0x90000051  }
0xbd: {  	_ =	sfence  }
0xbe: {  	s30 =	sld [smem:$0x0];
	_ =	sdelay $0x2  }
0xbf: {  	s31 =	sshll.u32 s1, $0xD;
	s1 =	sshrl.u32 s1, $0x2  }
0xc0: {  	s3 =	sand.u32 $0x4000, s31;
	s1 =	sadd.s32 s1, s30  }
0xc1: {  	s0 =	sor.u32 s3, s0;
	s1 =	sshll.u32 s1, $0x11  }
0xc2: {  	s0 =	sor.u32 s1, s0  }
0xc3: {  	s0 =	sadd.s32 $0x8F2B, s0  }
0xc4: {  	[sflag:s0] =	ssyncadd.remote.s32 $0x1  }
0xc5: {  	_ =	sfence.sel $0xFFFF  }
0xc6: {  	[dreg:$0x0] =	wrdreg $0xFFFFFFFF;
	(pc) =	sbr.abs _section_cstart, $3  }
0xc7: {  	[dreg:$0x1] =	wrdreg $0xFFFFFFFF  }
0xc8: {  	_ =	task.clear_ibuf [dreg:s7], $0x2FFFF;
	_ =	strace $0x9FFFFFFF  }
0xc9: {  	(tm) =	ssettm $0x7FFFFFFF  }
tec
execute0_lowered:
.L_overlay_start_1:
0x0: {  	(tag) =	ssettag $0x1  }
0x1: {  	s0 =	rddreg [dreg:$0x0]  }
0x2: {  	s2 =	rddreg [dreg:$0x2]  }
0x3: {  	s4 =	simm.s32 $0x0;
	s1 =	srdreg.scid;
	s12 =	stileid.u32  }
0x4: {  	s28 =	simm.s32 $0x80;
	s30 =	simm.s32 $0x1;
	s31 =	simm.s32 $0x4  }
0x5: {  	s29 =	simm.s32 $0x0;
	[smem:$0x7FF] =	sst s4;
	s1 =	sand.u32 $0x1, s1  }
0x6: {  	s5 =	sadd.s32 $0x1AA00, s0;
	s9 =	smul.u32 $0x50, s12;
	s6 =	sadd.s32 $0x6A00, s0  }
0x7: {  	s10 =	smul.u32 $0x50000, s12;
	s7 =	sadd.s32 $0x10A00, s0;
	s0 =	sadd.s32 $0x6AA00, s0  }
0x8: {  	s11 =	smul.u32 $0x280, s12;
	s23 =	sshll.u32 s12, $0x6;
	_ =	strace $0x80000050  }
0x9: {  	s3 =	ssub.s32 $0x2, s1;
	p0 =	seq.s32 s1, $0x0;
	s1 =	smul.u32 $0x2800, s1  }
0xa: {  	s8 =	sshrl.u32 s3, $0x1;
	s10 =	sshrl.u32 s10, $0x2;
	s16 =	sadd.s32 $0x80, s11  }
0xb: {  	s20 =	sadd.s32 $0x100, s11;
	s3 =	ssub.s32 s3, s8;
	s8 =	sadd.s32 $0x500, s9  }
0xc: {  	s14 =	sadd.s32 s1, s11;
	s18 =	sadd.s32 s1, s16;
	s19 =	sshll.u32 s16, $0x7  }
0xd: {  	s21 =	sadd.s32 s1, s20;
	s22 =	sshll.u32 s20, $0x7;
	s8 =	smov.u32 @p0 s9  }
0xe: {  	s9 =	sadd.s32 s10, s2;
	s10 =	sor.u32 $0x1C0B, s23;
	s15 =	sshll.u32 s14, $0x4  }
0xf: {  	s3 =	smax.u32 s3, $0x1;
	s23 =	sadd.s32 $0x180, s11;
	[dreg:$0x4] =	wrdreg s10  }
0x10: {  	s24 =	sshll.u32 s8, $0x4;
	[dreg:$0x9] =	wrdreg s3;
	s17 =	sadd.s32 s0, s15  }
0x11: {  	s3 =	sshll.u32 s18, $0x4;
	s25 =	sadd.s32 s6, s24;
	s26 =	sor.u32 $0x10, s24  }
0x12: {  	s12 =	sadd.s32 s7, s24;
	[dreg:$0xa] =	wrdreg s17;
	s17 =	sadd.s32 s19, s2  }
0x13: {  	s18 =	sadd.s32 s0, s3;
	s3 =	sshll.u32 s21, $0x4;
	[dreg:$0x5] =	wrdreg s25  }
0x14: {  	s19 =	sadd.s32 s22, s2;
	s24 =	sshll.u32 s23, $0x7;
	[dreg:$0x6] =	wrdreg s12  }
0x15: {  	s13 =	sadd.s32 s6, s26;
	s10 =	sadd.s32 s7, s26;
	s20 =	sadd.s32 s0, s3  }
0x16: {  	s21 =	sadd.s32 s24, s2;
	s25 =	sadd.s32 s1, s23;
	[dreg:$0x7] =	wrdreg s13  }
.Ltmp0:
0x17: {  	s26 =	sadd.s32 $0x200, s11;
	[dreg:$0x8] =	wrdreg s10;
	(pc) =	sbr.rel .LBB2_1-.Ltmp0, $4  }
0x18: {  	s3 =	sshll.u32 s25, $0x4;
	s1 =	sadd.s32 s1, s26;
	s10 =	sshll.u32 s26, $0x7  }
0x19: {  	s25 =	simm.s32 $0xB;
	s26 =	simm.s32 $0x9;
	s22 =	sadd.s32 s0, s3  }
0x1a: {  	s23 =	sadd.s32 s10, s2;
	s1 =	sshll.u32 s1, $0x4;
	s3 =	simm.s32 $0xA  }
0x1b: {  	s24 =	sadd.s32 s0, s1;
	s0 =	simm.s32 $0x400;
	s1 =	simm.s32 $0x4400  }
.LBB2_8:
0x1c: {  	_ =	swait.ge [sflag:s3], $0x4000  }
0x1d: {  	[sflag:s3] =	ssyncset.done $0x0  }
0x1e: {  	[sflag:s3] =	ssyncadd.s32 $0xFFFFC000  }
0x1f: {  	[bflag:$0x0] =	sbarrier.arrive $0xFFFF  }
0x20: {  	[tilespmem:s0], [sflag:$0xB] =	stream.linear.gather [spmem:s9], $0x4000, $0x38;
	[tilespmem:$0x1C400] =	vst v63  }
0x21: {  	_ =	swait.ge [sflag:s25], $0x4000  }
0x22: {  	[sflag:s25] =	ssyncset.done $0x0  }
0x23: {  	s10 =	rddreg [dreg:$0xa];
	[sflag:s25] =	ssyncadd.s32 $0xFFFFC000  }
0x24: {  	[hbm4b:s10+s4] =	stream.linear.scatter [tilespmem:s0], [sflag:$0x9], $0x4000, $0x38;
	[tilespmem:$0x1C400] =	vst v63  }
0x25: {  	_ = 	snop  }
0x26: {  	[tilespmem:s1], [sflag:$0xB] =	stream.linear.gather [spmem:s17], $0x4000, $0x38;
	[tilespmem:$0x1C400] =	vst v63  }
0x27: {  	_ =	swait.ge [sflag:s25], $0x4000  }
0x28: {  	[sflag:s25] =	ssyncset.done $0x0  }
0x29: {  	[sflag:s25] =	ssyncadd.s32 $0xFFFFC000  }
0x2a: {  	[hbm4b:s18+s4] =	stream.linear.scatter [tilespmem:s1], [sflag:$0xA], $0x4000, $0x38;
	[tilespmem:$0x1C400] =	vst v63  }
0x2b: {  	_ =	swait.ge [sflag:s26], $0x4000  }
0x2c: {  	[sflag:s26] =	ssyncset.done $0x0  }
0x2d: {  	[sflag:s26] =	ssyncadd.s32 $0xFFFFC000  }
0x2e: {  	[tilespmem:s0], [sflag:$0xB] =	stream.linear.gather [spmem:s19], $0x4000, $0x38;
	[tilespmem:$0x1C400] =	vst v63  }
0x2f: {  	_ =	swait.ge [sflag:s25], $0x4000  }
0x30: {  	[sflag:s25] =	ssyncset.done $0x0  }
0x31: {  	[sflag:s25] =	ssyncadd.s32 $0xFFFFC000  }
0x32: {  	[hbm4b:s20+s4] =	stream.linear.scatter [tilespmem:s0], [sflag:$0x9], $0x4000, $0x38;
	[tilespmem:$0x1C400] =	vst v63  }
0x33: {  	_ =	swait.ge [sflag:s3], $0x4000  }
0x34: {  	[sflag:s3] =	ssyncset.done $0x0  }
0x35: {  	[sflag:s3] =	ssyncadd.s32 $0xFFFFC000  }
0x36: {  	[tilespmem:s1], [sflag:$0xB] =	stream.linear.gather [spmem:s21], $0x4000, $0x38;
	[tilespmem:$0x1C400] =	vst v63  }
0x37: {  	_ =	swait.ge [sflag:s25], $0x4000  }
0x38: {  	[sflag:s25] =	ssyncset.done $0x0  }
0x39: {  	[sflag:s25] =	ssyncadd.s32 $0xFFFFC000  }
0x3a: {  	[hbm4b:s22+s4] =	stream.linear.scatter [tilespmem:s1], [sflag:$0xA], $0x4000, $0x38;
	[tilespmem:$0x1C400] =	vst v63  }
0x3b: {  	_ =	swait.ge [sflag:s26], $0x4000  }
0x3c: {  	[sflag:s26] =	ssyncset.done $0x0  }
0x3d: {  	[sflag:s26] =	ssyncadd.s32 $0xFFFFC000  }
0x3e: {  	[tilespmem:s0], [sflag:$0xB] =	stream.linear.gather [spmem:s23], $0x4000, $0x38;
	[tilespmem:$0x1C400] =	vst v63  }
0x3f: {  	_ =	swait.ge [sflag:s25], $0x4000  }
0x40: {  	[sflag:s25] =	ssyncset.done $0x0  }
0x41: {  	[sflag:s25] =	ssyncadd.s32 $0xFFFFC000  }
0x42: {  	[hbm4b:s24+s4] =	stream.linear.scatter [tilespmem:s0], [sflag:$0x9], $0x4000, $0x38;
	[tilespmem:$0x1C400] =	vst v63  }
0x43: {  	_ =	swait.ge [sflag:s3], $0x4000  }
0x44: {  	[sflag:s3] =	ssyncset.done $0x0  }
0x45: {  	[sflag:s3] =	ssyncadd.s32 $0xFFFFC000  }
0x46: {  	_ =	swait.ge [sflag:s26], $0x4000  }
0x47: {  	s29 =	sadd.s32 $0x1, s29;
	s16 =	rddreg [dreg:$0x9]  }
0x48: {  	p0 =	sne.s32 s29, s16  }
.Ltmp1:
0x49: {  	_ = 	snop;
	(pc) =	sbr.rel @!p0 .LBB2_9-.Ltmp1, $3  }
0x4a: {  	_ =	sdelay $0x1  }
0x4b: {  	[sflag:s26] =	ssyncset.done $0x0  }
0x4c: {  	[sflag:s26] =	ssyncadd.s32 $0xFFFFC000  }
.LBB2_1:
0x4d: {  	s11 =	rddreg [dreg:$0x1]  }
0x4e: {  	s10 =	sshrl.u32 s9, $0x3;
	s12 =	rddreg [dreg:$0x4]  }
0x4f: {  	[spmem:s10], [sflag:s12] =	dma.local [hbm:s11], $0x2800  }
0x50: {  	_ =	swait.ge [sflag:s25], $0x2800  }
0x51: {  	[sflag:s25] =	ssyncset.done $0x0  }
0x52: {  	[sflag:s25] =	ssyncadd.s32 $0xFFFFD800  }
0x53: {  	[bflag:$0x0] =	sbarrier.arrive $0xFFFF  }
0x54: {  	s11 =	rddreg [dreg:$0x5]  }
0x55: {  	[tilespmem:s4], [sflag:$0x1] =	stream.linear.gather [hbm4b:s11+s4], $0x80, $0x38;
	[tilespmem:$0x1C400] =	vst v63  }
0x56: {  	s13 =	simm.s32 $0x200;
	s12 =	rddreg [dreg:$0x6]  }
0x57: {  	[tilespmem:s13], [sflag:$0x4] =	stream.linear.gather [hbm4b:s12+s4], $0x80, $0x38;
	[tilespmem:$0x1C400] =	vst v63  }
0x58: {  	s14 =	rddreg [dreg:$0x7]  }
0x59: {  	[tilespmem:s28], [sflag:$0x2] =	stream.linear.gather [hbm4b:s14+s4], $0x80, $0x38;
	[tilespmem:$0x1C400] =	vst v63  }
0x5a: {  	s16 =	simm.s32 $0x280;
	s15 =	rddreg [dreg:$0x8]  }
0x5b: {  	[tilespmem:s16], [sflag:$0x5] =	stream.linear.gather [hbm4b:s15+s4], $0x80, $0x38;
	[tilespmem:$0x1C400] =	vst v63  }
0x5c: {  	_ =	swait.ge [sflag:s30], $0x80  }
0x5d: {  	[sflag:s30] =	ssyncset.done $0x0  }
.Ltmp2:
0x5e: {  	[sflag:s30] =	ssyncadd.s32 $0xFFFFFF80;
	(pc) =	sbr.rel .LBB2_2-.Ltmp2, $4  }
0x5f: {  	_ =	swait.ge [sflag:s31], $0x80  }
0x60: {  	[sflag:s31] =	ssyncset.done $0x0  }
0x61: {  	s11 =	simm.s32 $0x0;
	[sflag:s31] =	ssyncadd.s32 $0xFFFFFF80  }
0x62: {  	[tilespmem:s0], [sflag:$0x7] =	stream.indirect.gather [hbm4b:s5+s28], $0x80, s4, s28, $0xb8;
	[tilespmem:$0x1C400] =	vst v63  }
.LBB2_6:
0x63: {  	s12 =	simm.s32 $0x50;
	s10 =	simm.s32 $0x1  }
.LBB2_7:
0x64: {  	s13 =	smul.u32 $0xAB, s11;
	_ =	sdelay $0x1  }
0x65: {  	s13 =	sshrl.u32 s13, $0x9  }
0x66: {  	s13 =	sand.u32 $0x7F, s13  }
0x67: {  	s13 =	smul.u32 $0x3, s13  }
0x68: {  	s14 =	sadd.s32 $0x7, s10  }
0x69: {  	s15 =	sshll.u32 s10, $0xE;
	p0 =	slt.u32 s12, $0x50;
	s13 =	ssub.s32 s11, s13  }
.Ltmp3:
0x6a: {  	_ =	swait.ge [sflag:s14], $0x4000;
	s11 =	sand.u32 $0xFB, s13;
	(pc) =	sbr.rel @!p0 .LBB2_8-.Ltmp3, $4  }
0x6b: {  	s16 =	sadd.s32 $0x9, s10;
	[sflag:s14] =	ssyncset.done $0x0;
	s11 =	sshll.u32 s11, $0x7  }
0x6c: {  	[sflag:s14] =	ssyncadd.s32 $0xFFFFC000;
	s13 =	sor.u32 $0x400, s15;
	s11 =	sor.u32 $0x200, s11  }
0x6d: {  	[spmem:s2] =	stream.indirect.scatter.add.f32 [tilespmem:s13], [sflag:s16], $0x80, s11, s28, $0xb8;
	[tilespmem:$0x1C400] =	vst v63  }
0x6e: {  	s11 =	smov.u32 s12  }
.LBB2_2:
0x6f: {  	p0 =	seq.s32 s11, $0x0  }
0x70: {  	p1 =	sgt.u32 @!p0 s11, $0x4D  }
0x71: {  	s10 =	sand.u32 @!p0 $0x1, s11;
	p1 =	por p0, !p1  }
.Ltmp4:
0x72: {  	s12 =	sxor.u32 @!p0 $0x1, s10;
	(pc) =	sbr.rel @!p1 .LBB2_5-.Ltmp4, $4  }
0x73: {  	s12 =	sadd.s32 @!p0 $0x9, s12  }
0x74: {  	_ =	swait.ge @!p0 [sflag:s12], $0x4000  }
0x75: {  	[sflag:s12] =	ssyncset.done @!p0 $0x0  }
0x76: {  	[sflag:s12] =	ssyncadd.s32 @!p0 $0xFFFFC000  }
0x77: {  	s12 =	sadd.s32 $0x2, s11  }
0x78: {  	s13 =	smul.u32 $0xAB, s12;
	_ =	sdelay $0x1  }
0x79: {  	s13 =	sshrl.u32 s13, $0x9  }
0x7a: {  	s13 =	sand.u32 $0x7F, s13  }
0x7b: {  	s14 =	sadd.s32 s8, s12;
	s13 =	smul.u32 $0x3, s13  }
0x7c: {  	s10 =	simm.s32 @p0 $0x0;
	s15 =	sshll.u32 s12, $0x4;
	s14 =	sshll.u32 s14, $0x4  }
0x7d: {  	s15 =	sand.u32 $0x70, s15;
	s14 =	sand.u32 $0xFFFFF80, s14;
	s12 =	ssub.s32 s12, s13  }
.Ltmp5:
0x7e: {  	s13 =	sor.u32 s15, s14;
	s12 =	sand.u32 $0xFF, s12;
	(pc) =	sbr.rel .LBB2_4-.Ltmp5, $4  }
0x7f: {  	s16 =	sadd.s32 s6, s13;
	s14 =	sshll.u32 s12, $0x7;
	s15 =	sadd.s32 $0x1, s12  }
0x80: {  	[tilespmem:s14], [sflag:s15] =	stream.linear.gather [hbm4b:s16+s4], $0x80, $0x38;
	[tilespmem:$0x1C400] =	vst v63  }
0x81: {  	s13 =	sadd.s32 s7, s13;
	s12 =	sor.u32 $0x4, s12;
	s14 =	sor.u32 $0x200, s14  }
0x82: {  	[tilespmem:s14], [sflag:s12] =	stream.linear.gather [hbm4b:s13+s4], $0x80, $0x38;
	[tilespmem:$0x1C400] =	vst v63  }
.LBB2_5:
0x83: {  	p0 =	seq.s32 s11, $0x4F  }
.Ltmp6:
0x84: {  	_ = 	snop;
	(pc) =	sbr.rel @p0 .LBB2_6-.Ltmp6, $1  }
0x85: {  	_ =	sdelay $0x3  }
.LBB2_4:
0x86: {  	s12 =	sadd.s32 $0x1, s11  }
0x87: {  	s13 =	smul.u32 $0xAB, s12;
	_ =	sdelay $0x1  }
0x88: {  	s13 =	sshrl.u32 s13, $0x9  }
0x89: {  	s13 =	sand.u32 $0x7F, s13  }
0x8a: {  	s13 =	smul.u32 $0x3, s13;
	_ =	sdelay $0x1  }
0x8b: {  	s13 =	ssub.s32 s12, s13  }
0x8c: {  	s13 =	sand.u32 $0xFF, s13  }
0x8d: {  	s14 =	sadd.s32 $0x1, s13  }
0x8e: {  	_ =	swait.ge [sflag:s14], $0x80  }
0x8f: {  	[sflag:s14] =	ssyncset.done $0x0  }
0x90: {  	s16 =	sor.u32 $0x4, s13;
	[sflag:s14] =	ssyncadd.s32 $0xFFFFFF80  }
.Ltmp7:
0x91: {  	_ =	swait.ge [sflag:s16], $0x80;
	(pc) =	sbr.rel .LBB2_7-.Ltmp7, $4  }
0x92: {  	s15 =	sand.u32 $0x1, s12;
	[sflag:s16] =	ssyncset.done $0x0  }
0x93: {  	[sflag:s16] =	ssyncadd.s32 $0xFFFFFF80;
	s16 =	sshll.u32 s15, $0xE  }
0x94: {  	s13 =	sshll.u32 s13, $0x7;
	s15 =	sadd.s32 $0x7, s15;
	s14 =	sor.u32 $0x400, s16  }
0x95: {  	[tilespmem:s14], [sflag:s15] =	stream.indirect.gather [hbm4b:s5+s28], $0x80, s13, s28, $0xb8;
	[tilespmem:$0x1C400] =	vst v63  }
.LBB2_9:
0x96: {  	_ =	sfence.sel $0x180000  }
0x97: {  	[bflag:$0x0] =	sbarrier.arrive $0xFFFF  }
0x98: {  	_ =	strace $0x90000050  }
0x99: {  	s0 =	stileid.u32;
	[bflag:$0x2] =	sbarrier.arrive $0xFFFF  }
0x9a: {  	p0 =	sne.s32 s0, $0x0;
	s0 =	rddreg [dreg:$0x3]  }
0x9b: {  	s0 =	sadd.s32 @!p0 $0x100000, s0  }
0x9c: {  	[sflag:s0] =	ssyncadd.tile.s32 @!p0 $0x1;
	_ =	shalt  }
.Lfunc_end2:
_tile_overlayer_lowered:
.L_overlay_start_2:
0x9d: {  	(tag) =	ssettag $0x2  }
0x9e: {  	s0 =	rddreg [dreg:$0x0];
	s2 =	stileid.u32  }
0x9f: {  	s1 =	rddreg [dreg:$0x1];
	p0 =	sne.s32 s2, $0x0  }
0xa0: {  	s3 =	rddreg [dreg:$0x2];
	[bflag:$0x3] =	sbarrier.arrive $0xFFFF;
	s2 =	simm.s32 @!p0 $0x1C0B  }
0xa1: {  	[timem:s3], [sflag:s2] =	dma.local @!p0 [hbm:s0], s1  }
0xa2: {  	s0 =	simm.s32 @!p0 $0xB  }
0xa3: {  	_ =	swait.ge @!p0 [sflag:s0], s1  }
0xa4: {  	s1 =	ssub.s32 @!p0 $0x0, s1;
	[sflag:s0] =	ssyncset.done @!p0 $0x0  }
0xa5: {  	[sflag:s0] =	ssyncadd.s32 @!p0 s1  }
0xa6: {  	[bflag:$0x3] =	sbarrier.arrive $0xFFFF  }
0xa7: {  	_ =	shalt  }

// kernel: kernel.24.cloned.1.call-start
scs
__scs_entry_jumppad:
0x0: {  	(pc) =	sbr.rel $0x88, $3  }
0x1: {  	(tag) =	ssettag $0x0;
	lr =	simm.s32 $0x1  }
0x2: {  	[smem:$0x3F87] =	sst lr;
	_ =	strace $0xD0000000  }
0x3: {  	_ = 	snop  }
0x4: {  	_ = 	snop  }
0x5: {  	_ = 	snop  }
0x6: {  	_ = 	snop  }
0x7: {  	_ = 	snop  }
__scs_overlays_trampoline_lowered:
0x8: {  	[smem:$0x3F96] =	sst s0  }
0x9: {  	[smem:$0x3F97] =	sst s1  }
0xa: {  	[smem:$0x3F98] =	sst s2  }
0xb: {  	[smem:$0x3F99] =	sst s3  }
0xc: {  	[smem:$0x3F9A] =	sst s4  }
0xd: {  	[smem:$0x3F9B] =	sst s5  }
0xe: {  	[smem:$0x3F9C] =	sst s6  }
0xf: {  	[smem:$0x3F9D] =	sst s7  }
0x10: {  	[smem:$0x3F9E] =	sst s8  }
0x11: {  	[smem:$0x3F9F] =	sst s9;
	s0 =	simm.s32 @!p0 $0x0  }
0x12: {  	s1 =	sld [smem:$0x3F85];
	s0 =	simm.s32 @p0 $0x1  }
0x13: {  	[smem:$0x3FA0] =	sst s0;
	s0 =	simm.s32 @!p1 $0x0  }
0x14: {  	s2 =	sld [smem:$0x3F84];
	s0 =	simm.s32 @p1 $0x1  }
0x15: {  	[smem:$0x3FA1] =	sst s0;
	s0 =	simm.s32 @!p2 $0x0  }
0x16: {  	s3 =	sld [smem:$0x3FDB];
	s0 =	simm.s32 @p2 $0x1  }
0x17: {  	s4 =	simm.s32 $0x1BF5;
	[smem:$0x3FA3] =	sst s0  }
0x18: {  	s0 =	sld [smem:$0x3F86];
	_ =	swait.ge [sflag:s4], $0x0  }
0x19: {  	s7 =	sld [smem:$0x3F87]  }
0x1a: {  	s8 =	sadd.s32 $0xFFFFE003, lr  }
0x1b: {  	s9 =	sadd.s32 $0xFFFFFEF7, lr;
	s5 =	simm.s32 $0xFFFFFFFF;
	p2 =	slt.u32 s8, $0xFFFFF086  }
0x1c: {  	p1 =	slt.u32 s9, $0xF7A;
	s5 =	simm.s32 @!p2 $0x0  }
0x1d: {  	s5 =	simm.s32 @p1 $0x1;
	p0 =	seq.s32 s7, s2  }
0x1e: {  	s7 =	smul.u32 @!p0 $0xF7A, s2;
	p2 =	seq.s32 @!p0 s5, $0x0  }
0x1f: {  	s9 =	smul.u32 $0xF7A, s1;
	s8 =	simm.s32 @!p0 $0x1BF5;
	p2 =	por !p2, p0  }
0x20: {  	[sflag:s8] =	ssyncset.s32 @!p0 $0xFFFFF086;
	s6 =	sadd.s32 @!p0 s3, s7;
	s7 =	simm.s32 @!p0 $0x108  }
0x21: {  	s3 =	sadd.s32 s3, s9;
	s6 =	sadd.s32 @!p0 $0x88, s6;
	s7 =	simm.s32 @p2 $0x1082  }
0x22: {  	[simem:s7], [sflag:s8] =	dma.local @!p0 [hbm:s6], $0xF7A  }
0x23: {  	s9 =	sor.u32 $0xD0000000, s2;
	s6 =	simm.s32 $0x108;
	_ =	swait.ge @!p0 [sflag:s8], $0x0  }
0x24: {  	s3 =	sadd.s32 $0x88, s3;
	s6 =	simm.s32 @!p1 $0x1082;
	[sflag:s4] =	ssyncset.s32 $0xFFFFF086  }
0x25: {  	[simem:s6], [sflag:s4] =	dma.local [hbm:s3], $0xF7A  }
0x26: {  	[smem:$0x3F87] =	sst s1;
	(tag) =	ssettag s2;
	_ =	strace s9  }
0x27: {  	s1 =	sld [smem:$0x3F97]  }
0x28: {  	s2 =	sld [smem:$0x3F98]  }
0x29: {  	s4 =	sld [smem:$0x3F9A]  }
0x2a: {  	p0 =	seq.s32 s5, $0x0;
	s5 =	sld [smem:$0x3F9B]  }
0x2b: {  	s6 =	sld [smem:$0x3F9C]  }
0x2c: {  	s7 =	sld [smem:$0x3F9D]  }
0x2d: {  	s3 =	simm.s32 $0x108;
	s8 =	sld [smem:$0x3F9E]  }
0x2e: {  	s3 =	simm.s32 @!p0 $0x1082;
	s9 =	sld [smem:$0x3F9F]  }
0x2f: {  	lr =	sadd.s32 s0, s3;
	s0 =	sld [smem:$0x3F96]  }
0x30: {  	s3 =	sld [smem:$0x3F99]  }
0x31: {  	[smem:$0x3FA2] =	sst s10  }
0x32: {  	s10 =	sld [smem:$0x3FA0];
	_ =	sdelay $0x3  }
0x33: {  	p0 =	seq.s32 s10, $0x1;
	s10 =	sld [smem:$0x3FA2];
	_ =	sdelay $0x3  }
0x34: {  	[smem:$0x3FA2] =	sst s10  }
0x35: {  	s10 =	sld [smem:$0x3FA1];
	_ =	sdelay $0x3  }
0x36: {  	p1 =	seq.s32 s10, $0x1;
	s10 =	sld [smem:$0x3FA2];
	_ =	sdelay $0x3  }
0x37: {  	[smem:$0x3FA2] =	sst s10  }
0x38: {  	s10 =	sld [smem:$0x3FA3]  }
0x39: {  	_ = 	snop;
	(pc) =	sbr.ind lr, $3  }
0x3a: {  	_ = 	snop  }
0x3b: {  	_ = 	snop  }
0x3c: {  	p2 =	seq.s32 s10, $0x1;
	s10 =	sld [smem:$0x3FA2]  }
0x3d: {  	_ =	shalt  }
0x3e: {  	_ =	shalt  }
0x3f: {  	_ =	shalt  }
0x40: {  	_ =	shalt  }
0x41: {  	_ =	shalt  }
0x42: {  	_ =	shalt  }
0x43: {  	_ =	shalt  }
0x44: {  	_ =	shalt  }
0x45: {  	_ =	shalt  }
0x46: {  	_ =	shalt  }
0x47: {  	_ =	shalt  }
0x48: {  	_ =	shalt  }
0x49: {  	_ =	shalt  }
0x4a: {  	_ =	shalt  }
0x4b: {  	_ =	shalt  }
0x4c: {  	_ =	shalt  }
0x4d: {  	_ =	shalt  }
0x4e: {  	_ =	shalt  }
0x4f: {  	_ =	shalt  }
0x50: {  	_ =	shalt  }
0x51: {  	_ =	shalt  }
0x52: {  	_ =	shalt  }
0x53: {  	_ =	shalt  }
0x54: {  	_ =	shalt  }
0x55: {  	_ =	shalt  }
0x56: {  	_ =	shalt  }
0x57: {  	_ =	shalt  }
0x58: {  	_ =	shalt  }
0x59: {  	_ =	shalt  }
0x5a: {  	_ =	shalt  }
0x5b: {  	_ =	shalt  }
0x5c: {  	_ =	shalt  }
0x5d: {  	_ =	shalt  }
0x5e: {  	_ =	shalt  }
0x5f: {  	_ =	shalt  }
0x60: {  	_ =	shalt  }
0x61: {  	_ =	shalt  }
0x62: {  	_ =	shalt  }
0x63: {  	_ =	shalt  }
0x64: {  	_ =	shalt  }
0x65: {  	_ =	shalt  }
0x66: {  	_ =	shalt  }
0x67: {  	_ =	shalt  }
0x68: {  	_ =	shalt  }
0x69: {  	_ =	shalt  }
0x6a: {  	_ =	shalt  }
0x6b: {  	_ =	shalt  }
0x6c: {  	_ =	shalt  }
0x6d: {  	_ =	shalt  }
0x6e: {  	_ =	shalt  }
0x6f: {  	_ =	shalt  }
0x70: {  	_ =	shalt  }
0x71: {  	_ =	shalt  }
0x72: {  	_ =	shalt  }
0x73: {  	_ =	shalt  }
0x74: {  	_ =	shalt  }
0x75: {  	_ =	shalt  }
0x76: {  	_ =	shalt  }
0x77: {  	_ =	shalt  }
0x78: {  	_ =	shalt  }
0x79: {  	_ =	shalt  }
0x7a: {  	_ =	shalt  }
0x7b: {  	_ =	shalt  }
0x7c: {  	_ =	shalt  }
0x7d: {  	_ =	shalt  }
0x7e: {  	_ =	shalt  }
0x7f: {  	_ =	shalt  }
0x80: {  	_ =	shalt  }
0x81: {  	_ =	shalt  }
0x82: {  	_ =	shalt  }
0x83: {  	_ =	shalt  }
0x84: {  	_ =	shalt  }
0x85: {  	_ =	shalt  }
0x86: {  	_ =	shalt  }
0x87: {  	_ =	shalt  }
.Lfunc_end0:
.L_simem_size_0:
called_computation.4_lowered:
.L_overlay_start_0:
0x88: {  	s2 =	sld [smem:$0x3FD9]  }
0x89: {  	s3 =	sld [smem:$0x3FFE];
	_ =	sdelay $0x1  }
0x8a: {  	s1 =	srdreg.scid  }
0x8b: {  	s0 =	sand.u32 $0x1, s1  }
0x8c: {  	s16 =	sshll.u32 s0, $0xA;
	s2 =	sadd.s32 s3, s2  }
0x8d: {  	s2 =	sadd.s32 s2, s16  }
0x8e: {  	[smem:$0x3FAE] =	sst s2  }
0x8f: {  	_ = 	snop  }
0x90: {  	(tm) =	ssettm $0x1  }
0x91: {  	s17 =	sld [smem:$0x3FFB];
	_ =	sdelay $0x3  }
0x92: {  	_ =	strace s17  }
0x93: {  	s2 =	sld [smem:$0x3FFC];
	_ =	sdelay $0x3  }
0x94: {  	_ =	strace s2  }
0x95: {  	s2 =	sld [smem:$0x3FFD];
	_ =	sdelay $0x3  }
0x96: {  	_ =	strace s2  }
0x97: {  	_ =	strace $0x8FFFFFFF  }
0x98: {  	s18 =	sld [smem:$0x3FDB];
	_ =	sdelay $0x1  }
0x99: {  	s19 =	simm.s32 $_scs_section_size  }
0x9a: {  	s4 =	simm.s32 $_size__tile_overlayer_lowered;
	s5 =	simm.s32 $_tile_overlayer_lowered  }
0x9b: {  	s22 =	simm.s32 $0x1BFF;
	s21 =	sshll.u32 s5, $0x1;
	s2 =	sadd.s32 s19, s18  }
0x9c: {  	s6 =	simm.s32 $0x0;
	s20 =	sshll.u32 s4, $0x1;
	s4 =	sadd.s32 s21, s2  }
0x9d: {  	[timem:s6], [sflag:s22] =	dma.local [hbm:s4], s20  }
0x9e: {  	_ =	swait.ge [sflag:s22], s20  }
0x9f: {  	s3 =	ssub.s32 $0x0, s20;
	[sflag:s22] =	ssyncset.done $0x0  }
0xa0: {  	[sflag:s22] =	ssyncadd.s32 s3;
	_ =	sdelay $0x1  }
0xa1: {  	s23 =	simm.s32 $0x1B8B  }
0xa2: {  	_ =	swait.ge [sflag:s23], $0x1  }
0xa3: {  	[sflag:s23] =	ssyncset.done $0x0  }
0xa4: {  	s25 =	simm.s32 $0x1B8E;
	s24 =	sld [smem:$0x3FFE];
	[sflag:s23] =	ssyncadd.s32 $0xFFFFFFFF  }
0xa5: {  	s26 =	simm.s32 $execute0_lowered;
	[smem:$0x3FD2] =	sst s25  }
0xa6: {  	s4 =	sshll.u32 s26, $0x1;
	_ =	strace $0x80000052;
	[dreg:$0x1] =	wrdreg $0xFFFFFFFF  }
0xa7: {  	s28 =	simm.s32 $_size_execute0_lowered;
	s2 =	sadd.s32 s2, s4;
	[dreg:$0x0] =	wrdreg $0x0  }
0xa8: {  	s4 =	sshll.u32 s28, $0x1;
	[dreg:$0x2] =	wrdreg s2  }
0xa9: {  	[dreg:$0x3] =	wrdreg s4  }
0xaa: {  	[dreg:$0x4] =	wrdreg $0xC0  }
0xab: {  	_ =	task [dreg:s6], $0x5FFFF  }
0xac: {  	[dreg:$0x1] =	wrdreg $0xFFFFFFFF  }
0xad: {  	[dreg:$0x0] =	wrdreg $0x60  }
0xae: {  	[dreg:$0x2] =	wrdreg s24  }
0xaf: {  	[dreg:$0x3] =	wrdreg $0x9  }
0xb0: {  	_ =	task.clear_ibuf [dreg:s6], $0x4FFFF;
	_ =	strace $0x90000052  }
0xb1: {  	s29 =	simm.s32 $0x9;
	_ =	strace $0x80000054  }
0xb2: {  	_ =	swait.ge [sflag:s29], $0x1  }
0xb3: {  	[sflag:s29] =	ssyncadd.s32 $0xFFFFFFFF  }
0xb4: {  	_ =	strace $0x90000054  }
0xb5: {  	_ =	sfence  }
0xb6: {  	s30 =	sld [smem:$0x0];
	_ =	sdelay $0x2  }
0xb7: {  	s31 =	sshll.u32 s1, $0xD;
	s1 =	sshrl.u32 s1, $0x2  }
0xb8: {  	s3 =	sand.u32 $0x4000, s31;
	s1 =	sadd.s32 s1, s30  }
0xb9: {  	s0 =	sor.u32 s3, s0;
	s1 =	sshll.u32 s1, $0x11  }
0xba: {  	s0 =	sor.u32 s1, s0  }
0xbb: {  	s0 =	sadd.s32 $0x8F2B, s0  }
0xbc: {  	[sflag:s0] =	ssyncadd.remote.s32 $0x1  }
0xbd: {  	_ =	sfence.sel $0xFFFF  }
0xbe: {  	[dreg:$0x0] =	wrdreg $0xFFFFFFFF;
	(pc) =	sbr.abs _section_cstart, $3  }
0xbf: {  	[dreg:$0x1] =	wrdreg $0xFFFFFFFF  }
0xc0: {  	_ =	task.clear_ibuf [dreg:s6], $0x2FFFF;
	_ =	strace $0x9FFFFFFF  }
0xc1: {  	(tm) =	ssettm $0x7FFFFFFF  }
tec
execute0_lowered:
.L_overlay_start_1:
0x0: {  	(tag) =	ssettag $0x1  }
0x1: {  	s0 =	rddreg [dreg:$0x0]  }
0x2: {  	s2 =	simm.s32 $0x0;
	s3 =	stileid.u32;
	s1 =	srdreg.scid  }
0x3: {  	s19 =	simm.s32 $0x80;
	s23 =	simm.s32 $0x1;
	s28 =	simm.s32 $0x7  }
0x4: {  	s30 =	simm.s32 $0x12;
	s18 =	simm.s32 $0x0;
	[smem:$0x7FF] =	sst s2  }
0x5: {  	s7 =	smul.u32 $0x50, s3;
	s3 =	sadd.s32 $0x1AA00, s0;
	s4 =	sadd.s32 $0xE2A00, s0  }
0x6: {  	s1 =	sand.u32 $0x1, s1;
	s5 =	sadd.s32 $0x6A00, s0;
	s6 =	sadd.s32 $0x10A00, s0  }
0x7: {  	p0 =	seq.s32 s1, $0x0;
	s1 =	ssub.s32 $0x2, s1;
	s12 =	sadd.s32 $0x500, s7  }
0x8: {  	_ =	strace $0x80000053;
	s24 =	sshrl.u32 s1, $0x1;
	s12 =	smov.u32 @p0 s7  }
0x9: {  	s7 =	sadd.s32 $0x10AA00, s0;
	s0 =	ssub.s32 s1, s24;
	s24 =	simm.s32 $0x6  }
0xa: {  	s1 =	simm.s32 $0x16;
	s8 =	sshll.u32 s12, $0x4;
	s17 =	sshll.u32 s12, $0xB  }
0xb: {  	s16 =	smax.u32 s0, $0x1;
	s0 =	simm.s32 $0x15;
	s25 =	sadd.s32 s5, s8  }
.Ltmp0:
0xc: {  	s26 =	sor.u32 $0x10, s8;
	s9 =	sadd.s32 s6, s8;
	(pc) =	sbr.rel .LBB2_1-.Ltmp0, $4  }
0xd: {  	s31 =	sor.u32 $0x20, s8;
	s15 =	sadd.s32 s17, s7;
	[dreg:$0x2] =	wrdreg s25  }
0xe: {  	s21 =	sadd.s32 $0xFFFFF800, s17;
	[dreg:$0x3] =	wrdreg s9;
	s29 =	sadd.s32 s5, s26  }
0xf: {  	s12 =	sadd.s32 s6, s26;
	s13 =	sadd.s32 s5, s31;
	s14 =	sadd.s32 s6, s31  }
0x10: {  	s15 =	sadd.s32 $0x27800, s15;
	s26 =	simm.s32 $0x2;
	[dreg:$0x4] =	wrdreg s29  }
.LBB2_7:
0x11: {  	_ =	swait.ge [sflag:s30], $0x4000  }
0x12: {  	[sflag:s30] =	ssyncset.done $0x0  }
0x13: {  	s9 =	simm.s32 $0xC800;
	s18 =	sadd.s32 $0x1, s18;
	[sflag:s30] =	ssyncadd.s32 $0xFFFFC000  }
0x14: {  	[hbm4b:s15+s2] =	stream.linear.scatter [tilespmem:s9], [sflag:$0x16], $0x4000, $0x38;
	[tilespmem:$0x10800] =	vst v63  }
0x15: {  	p0 =	sne.s32 s18, s16;
	_ =	swait.ge [sflag:s0], $0x4000  }
.Ltmp1:
0x16: {  	[sflag:s0] =	ssyncset.done $0x0;
	(pc) =	sbr.rel @!p0 .LBB2_8-.Ltmp1, $4  }
0x17: {  	[sflag:s0] =	ssyncadd.s32 $0xFFFFC000  }
0x18: {  	_ =	swait.ge [sflag:s1], $0x4000  }
0x19: {  	[sflag:s1] =	ssyncset.done $0x0  }
0x1a: {  	[sflag:s1] =	ssyncadd.s32 $0xFFFFC000  }
.LBB2_1:
0x1b: {  	s9 =	rddreg [dreg:$0x2]  }
0x1c: {  	[tilespmem:s2], [sflag:$0x1] =	stream.linear.gather [hbm4b:s9+s2], $0x80, $0x38;
	[tilespmem:$0x10800] =	vst v63  }
0x1d: {  	s11 =	rddreg [dreg:$0x3];
	s10 =	simm.s32 $0x400  }
0x1e: {  	[tilespmem:s10], [sflag:$0x6] =	stream.linear.gather [hbm4b:s11+s2], $0x80, $0x38;
	[tilespmem:$0x10800] =	vst v63  }
0x1f: {  	s17 =	rddreg [dreg:$0x4]  }
0x20: {  	[tilespmem:s19], [sflag:$0x2] =	stream.linear.gather [hbm4b:s17+s2], $0x80, $0x38;
	[tilespmem:$0x10800] =	vst v63  }
0x21: {  	s20 =	simm.s32 $0x480  }
0x22: {  	[tilespmem:s20], [sflag:$0x7] =	stream.linear.gather [hbm4b:s12+s2], $0x80, $0x38;
	[tilespmem:$0x10800] =	vst v63  }
0x23: {  	s22 =	simm.s32 $0x100  }
0x24: {  	[tilespmem:s22], [sflag:$0x3] =	stream.linear.gather [hbm4b:s13+s2], $0x80, $0x38;
	[tilespmem:$0x10800] =	vst v63  }
0x25: {  	s25 =	simm.s32 $0x500  }
0x26: {  	[tilespmem:s25], [sflag:$0x8] =	stream.linear.gather [hbm4b:s14+s2], $0x80, $0x38;
	[tilespmem:$0x10800] =	vst v63  }
0x27: {  	_ =	swait.ge [sflag:s23], $0x80  }
0x28: {  	[sflag:s23] =	ssyncset.done $0x0  }
0x29: {  	[sflag:s23] =	ssyncadd.s32 $0xFFFFFF80  }
0x2a: {  	_ =	swait.ge [sflag:s24], $0x80  }
0x2b: {  	[sflag:s24] =	ssyncset.done $0x0  }
0x2c: {  	s29 =	simm.s32 $0x800;
	[sflag:s24] =	ssyncadd.s32 $0xFFFFFF80  }
0x2d: {  	[tilespmem:s29], [sflag:$0xB] =	stream.indirect.gather [hbm4b:s3+s19], $0x80, s2, s19, $0xb8;
	[tilespmem:$0x10800] =	vst v63  }
0x2e: {  	_ =	swait.ge [sflag:s26], $0x80  }
0x2f: {  	[sflag:s26] =	ssyncset.done $0x0  }
.Ltmp2:
0x30: {  	[sflag:s26] =	ssyncadd.s32 $0xFFFFFF80;
	(pc) =	sbr.rel .LBB2_2-.Ltmp2, $4  }
0x31: {  	_ =	swait.ge [sflag:s28], $0x80  }
0x32: {  	s31 =	simm.s32 $0x4800;
	s17 =	smov.u32 s21;
	[sflag:s28] =	ssyncset.done $0x0  }
0x33: {  	s20 =	simm.s32 $0x30;
	s22 =	simm.s32 $0x0;
	[sflag:s28] =	ssyncadd.s32 $0xFFFFFF80  }
0x34: {  	[tilespmem:s31], [sflag:$0xC] =	stream.indirect.gather [hbm4b:s3+s19], $0x80, s19, s19, $0xb8;
	[tilespmem:$0x10800] =	vst v63  }
.LBB2_3:
0x35: {  	s29 =	sadd.s32 $0x3, s22  }
0x36: {  	s31 =	smul.u32 $0xCD, s29;
	_ =	sdelay $0x1  }
0x37: {  	s31 =	sshrl.u32 s31, $0xA  }
0x38: {  	s31 =	sand.u32 $0x3F, s31  }
0x39: {  	s9 =	sadd.s32 s20, s8;
	s31 =	smul.u32 $0x5, s31  }
0x3a: {  	s10 =	sand.u32 $0x70, s20;
	s9 =	sand.u32 $0xFFFFF80, s9  }
0x3b: {  	s9 =	sor.u32 s10, s9;
	s29 =	ssub.s32 s29, s31  }
0x3c: {  	s25 =	smov.u32 @p0 s22;
	s11 =	sadd.s32 s5, s9;
	s10 =	sand.u32 $0xFF, s29  }
0x3d: {  	s9 =	sadd.s32 s6, s9;
	s29 =	sshll.u32 s10, $0x7;
	s31 =	sadd.s32 $0x1, s10  }
0x3e: {  	[tilespmem:s29], [sflag:s31] =	stream.linear.gather [hbm4b:s11+s2], $0x80, $0x38;
	[tilespmem:$0x10800] =	vst v63  }
0x3f: {  	s10 =	sadd.s32 $0x6, s10;
	s31 =	sor.u32 $0x400, s29;
	s29 =	smov.u32 s25  }
0x40: {  	[tilespmem:s31], [sflag:s10] =	stream.linear.gather [hbm4b:s9+s2], $0x80, $0x38;
	[tilespmem:$0x10800] =	vst v63  }
.LBB2_5:
0x41: {  	s9 =	sadd.s32 $0x2, s22  }
0x42: {  	s10 =	smul.u32 $0xCD, s9;
	_ =	sdelay $0x1  }
0x43: {  	s10 =	sshrl.u32 s10, $0xA  }
0x44: {  	s10 =	sand.u32 $0x3F, s10  }
0x45: {  	s10 =	smul.u32 $0x5, s10;
	_ =	sdelay $0x1  }
0x46: {  	s10 =	ssub.s32 s9, s10  }
0x47: {  	s10 =	sand.u32 $0xFF, s10  }
0x48: {  	s11 =	sadd.s32 $0x1, s10  }
0x49: {  	_ =	swait.ge [sflag:s11], $0x80  }
0x4a: {  	[sflag:s11] =	ssyncset.done $0x0  }
0x4b: {  	s9 =	sand.u32 $0x3, s9;
	s31 =	sadd.s32 $0x6, s10;
	[sflag:s11] =	ssyncadd.s32 $0xFFFFFF80  }
0x4c: {  	s25 =	sshll.u32 s9, $0xE;
	_ =	swait.ge [sflag:s31], $0x80  }
0x4d: {  	s9 =	sadd.s32 $0xB, s9;
	s10 =	sshll.u32 s10, $0x7;
	[sflag:s31] =	ssyncset.done $0x0  }
0x4e: {  	[sflag:s31] =	ssyncadd.s32 $0xFFFFFF80;
	s31 =	sor.u32 $0x800, s25;
	s25 =	smov.u32 s29  }
0x4f: {  	[tilespmem:s31], [sflag:s9] =	stream.indirect.gather [hbm4b:s3+s19], $0x80, s10, s19, $0xb8;
	[tilespmem:$0x10800] =	vst v63  }
.LBB2_6:
0x50: {  	s9 =	smul.u32 $0xCD, s22;
	_ =	sdelay $0x1  }
0x51: {  	s9 =	sshrl.u32 s9, $0xA  }
0x52: {  	s9 =	sand.u32 $0x3F, s9  }
0x53: {  	s9 =	smul.u32 $0x5, s9  }
0x54: {  	s10 =	sshll.u32 s25, $0xE  }
0x55: {  	s11 =	sadd.s32 $0xB, s25;
	s31 =	sadd.s32 $0xF, s25;
	s9 =	ssub.s32 s22, s9  }
0x56: {  	p0 =	seq.s32 s22, $0x0;
	_ =	swait.ge [sflag:s11], $0x4000;
	s9 =	sand.u32 $0xF7, s9  }
0x57: {  	s10 =	sand.u32 $0x3FFFC000, s10;
	[sflag:s11] =	ssyncset.done $0x0;
	s9 =	sshll.u32 s9, $0x7  }
0x58: {  	s10 =	sor.u32 $0x800, s10;
	[sflag:s11] =	ssyncadd.s32 $0xFFFFC000;
	s9 =	sor.u32 $0x400, s9  }
0x59: {  	[tilespmem:s10], [sflag:s31] =	stream.indirect.gather.add.f32 [hbm:s4], $0x80, s9, s19, $0xb8;
	[tilespmem:$0x10800] =	vst v63  }
0x5a: {  	s9 =	sadd.s32 @!p0 $0xFFFFFFFF, s22  }
0x5b: {  	s9 =	sand.u32 @!p0 $0x3, s9  }
0x5c: {  	s10 =	sadd.s32 @!p0 $0xF, s9  }
0x5d: {  	_ =	swait.ge @!p0 [sflag:s10], $0x4000  }
0x5e: {  	s25 =	simm.s32 @!p0 $0x0;
	s11 =	sand.u32 @!p0 $0x1FFFF800, s17;
	[sflag:s10] =	ssyncset.done @!p0 $0x0  }
0x5f: {  	[sflag:s10] =	ssyncadd.s32 @!p0 $0xFFFFC000;
	s10 =	sadd.s32 @!p0 $0x13, s9;
	s9 =	sshll.u32 @!p0 s9, $0xE  }
0x60: {  	s11 =	sadd.s32 @!p0 s7, s11;
	s22 =	sadd.s32 $0x1, s22;
	s9 =	sor.u32 @!p0 $0x800, s9  }
0x61: {  	[hbm4b:s11+s25] =	stream.linear.scatter @!p0 [tilespmem:s9], [sflag:s10], $0x4000, $0x38;
	[tilespmem:$0x10800] =	vst v63  }
0x62: {  	p0 =	sne.s32 s22, $0x50  }
.Ltmp3:
0x63: {  	_ = 	snop;
	(pc) =	sbr.rel @!p0 .LBB2_7-.Ltmp3, $2  }
0x64: {  	_ =	sdelay $0x2  }
0x65: {  	s20 =	sadd.s32 $0x10, s20;
	s17 =	sadd.s32 $0x800, s17  }
.LBB2_2:
0x66: {  	p0 =	slt.u32 s22, $0x2  }
0x67: {  	p1 =	sgt.u32 @!p0 s22, $0x4C  }
0x68: {  	s25 =	sand.u32 @!p0 $0x3, s22;
	p1 =	por p0, !p1  }
.Ltmp4:
0x69: {  	s29 =	sxor.u32 @!p0 $0x2, s25;
	(pc) =	sbr.rel @p1 .LBB2_3-.Ltmp4, $4  }
0x6a: {  	s29 =	sadd.s32 @!p0 $0x13, s29  }
0x6b: {  	_ =	swait.ge @!p0 [sflag:s29], $0x4000  }
0x6c: {  	[sflag:s29] =	ssyncset.done @!p0 $0x0  }
0x6d: {  	[sflag:s29] =	ssyncadd.s32 @!p0 $0xFFFFC000  }
0x6e: {  	p0 =	sne.s32 s22, $0x4D  }
.Ltmp5:
0x6f: {  	_ = 	snop;
	(pc) =	sbr.rel @p0 .LBB2_6-.Ltmp5, $4  }
.Ltmp6:
0x70: {  	_ = 	snop;
	(pc) =	sbr.rel @!p0 .LBB2_5-.Ltmp6, $4  }
0x71: {  	_ = 	snop  }
0x72: {  	_ = 	snop  }
0x73: {  	s29 =	simm.s32 $0x1  }
0x74: {  	_ = 	snop  }
.LBB2_8:
0x75: {  	_ =	sfence.sel $0x180000  }
0x76: {  	[bflag:$0x0] =	sbarrier.arrive $0xFFFF  }
0x77: {  	_ =	strace $0x90000053  }
0x78: {  	s0 =	stileid.u32;
	[bflag:$0x2] =	sbarrier.arrive $0xFFFF  }
0x79: {  	p0 =	sne.s32 s0, $0x0;
	s0 =	rddreg [dreg:$0x1]  }
0x7a: {  	s0 =	sadd.s32 @!p0 $0x100000, s0  }
0x7b: {  	[sflag:s0] =	ssyncadd.tile.s32 @!p0 $0x1;
	_ =	shalt  }
.Lfunc_end2:
_tile_overlayer_lowered:
.L_overlay_start_2:
0x7c: {  	(tag) =	ssettag $0x2  }
0x7d: {  	s0 =	rddreg [dreg:$0x0];
	s2 =	stileid.u32  }
0x7e: {  	s1 =	rddreg [dreg:$0x1];
	p0 =	sne.s32 s2, $0x0  }
0x7f: {  	s3 =	rddreg [dreg:$0x2];
	[bflag:$0x3] =	sbarrier.arrive $0xFFFF;
	s2 =	simm.s32 @!p0 $0x1C17  }
0x80: {  	[timem:s3], [sflag:s2] =	dma.local @!p0 [hbm:s0], s1  }
0x81: {  	s0 =	simm.s32 @!p0 $0x17  }
0x82: {  	_ =	swait.ge @!p0 [sflag:s0], s1  }
0x83: {  	s1 =	ssub.s32 @!p0 $0x0, s1;
	[sflag:s0] =	ssyncset.done @!p0 $0x0  }
0x84: {  	[sflag:s0] =	ssyncadd.s32 @!p0 s1  }
0x85: {  	[bflag:$0x3] =	sbarrier.arrive $0xFFFF  }
0x86: {  	_ =	shalt  }

</sc_bundles>
